<compile_context>
chip_gen: v7x
topology: tpu7x:2x2x1
jax: 0.10.2.dev20260603
libtpu: 0.0.44.dev20260713+nightly
codegen_flags: <defaults>
</compile_context>

<pallas_src>
import dataclasses
import functools

import jax
import jax.numpy as jnp
from jax import lax
from jax.experimental import pallas as pl
from jax.experimental.pallas import tpu as pltpu
from jax.experimental.pallas import tpu_sc as plsc

N = 10000
D = 128
OUT = 32
NNZ = 320000
ROWS = NNZ // 128
NC = 2
NS = 16
NW = NC * NS
FULL_T = ROWS // NW
REM = ROWS - FULL_T * NW
ND = N * D
SL1 = ND // NS

_mesh = plsc.VectorSubcoreMesh(core_axis_name="c", subcore_axis_name="s")

_cp = pltpu.CompilerParams()
for _f, _v in (("needs_layout_passes", False), ("use_tc_tiling_on_sc", False)):
    if _f in pltpu.CompilerParams.__dataclass_fields__:
        _cp = dataclasses.replace(_cp, **{_f: _v})


W1 = 512
ROWS1 = NNZ // W1
FT1 = ROWS1 // NW
REM1 = ROWS1 - FT1 * NW


def _worker_ids():
    cid = lax.axis_index("c")
    sid = lax.axis_index("s")
    gwid = sid * NC + cid
    return cid, sid, gwid


def _bulk_load(pairs, cbase, gwid, ft, rem, sems):
    @pl.when(gwid < rem)
    def _():
        ds = [pltpu.async_copy(hbm.at[pl.ds(cbase, ft + 1)], vmem, sem)
              for (hbm, vmem), sem in zip(pairs, sems)]
        for d in ds:
            d.wait()

    @pl.when(gwid >= rem)
    def _():
        ds = [pltpu.async_copy(hbm.at[pl.ds(cbase, ft)],
                               vmem.at[pl.ds(0, ft)], sem)
              for (hbm, vmem), sem in zip(pairs, sems)]
        for d in ds:
            d.wait()


@functools.partial(
    pl.kernel,
    mesh=_mesh,
    compiler_params=_cp,
    out_type=jax.ShapeDtypeStruct((NC * ND,), jnp.float32),
    scratch_types=[
        pltpu.VMEM((FT1 + 1, W1), jnp.int32),
        pltpu.VMEM((FT1 + 1, W1), jnp.float32),
        pltpu.VMEM_SHARED((ND,), jnp.float32),
        pltpu.SemaphoreType.DMA,
        pltpu.SemaphoreType.DMA,
        pltpu.SemaphoreType.DMA,
    ],
)
def _stage1(xf_hbm, xv_hbm, z_hbm, out_hbm, idx_all, vals_all, xd_sh,
            s0, s1, s2):
    cid, sid, gwid = _worker_ids()
    cbase = gwid * FT1 + jnp.minimum(gwid, REM1)

    dz = pltpu.async_copy(z_hbm, xd_sh.at[pl.ds(sid * SL1, SL1)], s1)
    _bulk_load([(xf_hbm, idx_all), (xv_hbm, vals_all)], cbase, gwid,
               FT1, REM1, (s0, s2))
    dz.wait()
    plsc.subcore_barrier()

    @pl.loop(0, FT1)
    def _(t):
        pltpu.sync_copy(vals_all.at[t], xd_sh.at[idx_all.at[t]], add=True)

    @pl.when(gwid < REM1)
    def _():
        pltpu.sync_copy(vals_all.at[FT1], xd_sh.at[idx_all.at[FT1]],
                        add=True)

    plsc.subcore_barrier()
    pltpu.sync_copy(xd_sh.at[pl.ds(sid * SL1, SL1)],
                    out_hbm.at[pl.ds(cid * ND + sid * SL1, SL1)])


@functools.partial(
    pl.kernel,
    mesh=_mesh,
    compiler_params=_cp,
    out_type=jax.ShapeDtypeStruct((NC * N, OUT), jnp.float32),
    scratch_types=[
        pltpu.VMEM((FULL_T + 1, 128), jnp.int32),
        pltpu.VMEM((FULL_T + 1, 128), jnp.int32),
        pltpu.VMEM((FULL_T + 1, 128), jnp.float32),
        pltpu.VMEM((3, 128, OUT), jnp.float32),
        pltpu.VMEM_SHARED((N, OUT), jnp.float32),
        pltpu.SemaphoreType.DMA,
        pltpu.SemaphoreType.DMA,
        pltpu.SemaphoreType.DMA,
        pltpu.SemaphoreType.DMA,
        pltpu.SemaphoreType.DMA,
        pltpu.SemaphoreType.DMA,
    ],
)
def _stage2(ar_hbm, ac_hbm, av_hbm, h_hbm, z_hbm, out_hbm,
            rows_all, cols_all, vals_all, bufs, y_sh,
            g0, g1, g2, s0, s1, s2):
    cid, sid, gwid = _worker_ids()
    cbase = gwid * FULL_T + jnp.minimum(gwid, REM)

    @pl.when(sid < 15)
    def _():
        pltpu.async_copy(z_hbm.at[pl.ds(0, 624)],
                         y_sh.at[pl.ds(sid * 624, 624)], s0)

    @pl.when(sid == 15)
    def _():
        pltpu.async_copy(z_hbm, y_sh.at[pl.ds(15 * 624, 640)], s0)

    _bulk_load([(ar_hbm, rows_all), (ac_hbm, cols_all), (av_hbm, vals_all)],
               cbase, gwid, FULL_T, REM, (g0, g1, g2))

    @pl.when(sid < 15)
    def _():
        pltpu.make_async_copy(z_hbm.at[pl.ds(0, 624)],
                              y_sh.at[pl.ds(sid * 624, 624)], s0).wait()

    @pl.when(sid == 15)
    def _():
        pltpu.make_async_copy(z_hbm, y_sh.at[pl.ds(15 * 624, 640)], s0).wait()

    plsc.subcore_barrier()

    def scale(t, b):
        @pl.loop(0, 8)
        def _(g):
            v16 = vals_all[t, pl.ds(g * 16, 16)]
            for j in range(16):
                k = g * 16 + j
                bc = jnp.full((16,), v16[j], jnp.float32)
                bufs[b, k, pl.ds(0, 16)] = bufs[b, k, pl.ds(0, 16)] * bc
                bufs[b, k, pl.ds(16, 16)] = bufs[b, k, pl.ds(16, 16)] * bc

    nchunks = jnp.where(gwid < REM, FULL_T + 1, FULL_T)
    gsem = (g0, g1, g2)
    ssem = (s0, s1, s2)

    pltpu.async_copy(h_hbm.at[cols_all.at[0]], bufs.at[0], g0)
    pltpu.async_copy(h_hbm.at[cols_all.at[1]], bufs.at[1], g1)

    def chunk_body(c, b):
        bn = (b + 2) % 3
        pltpu.make_async_copy(h_hbm.at[cols_all.at[c]], bufs.at[b],
                              gsem[b]).wait()
        scale(c, b)

        @pl.when(c > 0)
        def _():
            pltpu.make_async_copy(bufs.at[bn], y_sh.at[rows_all.at[c - 1]],
                                  ssem[bn]).wait()

        @pl.when(c + 2 < nchunks)
        def _():
            pltpu.async_copy(h_hbm.at[cols_all.at[c + 2]], bufs.at[bn],
                             gsem[bn])

        pltpu.async_copy(bufs.at[b], y_sh.at[rows_all.at[c]], ssem[b],
                         add=True)

    @pl.loop(0, FULL_T, step=3)
    def _(t):
        chunk_body(t, 0)
        chunk_body(t + 1, 1)
        chunk_body(t + 2, 2)

    pltpu.make_async_copy(bufs.at[2], y_sh.at[rows_all.at[FULL_T - 1]],
                          ssem[2]).wait()

    @pl.when(gwid < REM)
    def _():
        pltpu.make_async_copy(h_hbm.at[cols_all.at[FULL_T]], bufs.at[0],
                              gsem[0]).wait()
        scale(FULL_T, 0)
        pltpu.sync_copy(bufs.at[0], y_sh.at[rows_all.at[FULL_T]], add=True)

    plsc.subcore_barrier()

    @pl.when(sid < 15)
    def _():
        pltpu.sync_copy(y_sh.at[pl.ds(sid * 624, 624)],
                        out_hbm.at[pl.ds(cid * N + sid * 624, 624)])

    @pl.when(sid == 15)
    def _():
        pltpu.sync_copy(y_sh.at[pl.ds(15 * 624, 640)],
                        out_hbm.at[pl.ds(cid * N + 15 * 624, 640)])


def _mm_body(x0_ref, x1_ref, w_ref, h_ref):
    bn = h_ref.shape[0]
    x = (x0_ref[...] + x1_ref[...]).reshape(bn, D)
    h_ref[...] = jnp.dot(x, w_ref[...], preferred_element_type=jnp.float32)


def _matmul(xp, w):
    bn = 2000
    nb = N // bn
    return pl.pallas_call(
        _mm_body,
        grid=(nb,),
        in_specs=[
            pl.BlockSpec((bn * D,), lambda i: (i,)),
            pl.BlockSpec((bn * D,), lambda i: (i + nb,)),
            pl.BlockSpec((D, OUT), lambda i: (0, 0)),
        ],
        out_specs=pl.BlockSpec((bn, OUT), lambda i: (i, 0)),
        out_shape=jax.ShapeDtypeStruct((N, OUT), jnp.float32),
    )(xp, xp, w)


def _fin_body(y0_ref, y1_ref, o_ref):
    o_ref[...] = jnp.maximum(y0_ref[...] + y1_ref[...], 0.0)


def _finish(yp):
    bn = 2000
    nb = N // bn
    return pl.pallas_call(
        _fin_body,
        grid=(nb,),
        in_specs=[
            pl.BlockSpec((bn, OUT), lambda i: (i, 0)),
            pl.BlockSpec((bn, OUT), lambda i: (i + nb, 0)),
        ],
        out_specs=pl.BlockSpec((bn, OUT), lambda i: (i, 0)),
        out_shape=jax.ShapeDtypeStruct((N, OUT), jnp.float32),
    )(yp, yp)


def kernel(x_rows, x_cols, x_vals, adj_rows, adj_cols, adj_vals, kernel):
    xf = (x_rows.astype(jnp.int32) * D
          + x_cols.astype(jnp.int32)).reshape(ROWS1, W1)
    xv = x_vals.reshape(ROWS1, W1)
    ar = adj_rows.astype(jnp.int32).reshape(ROWS, 128)
    ac = adj_cols.astype(jnp.int32).reshape(ROWS, 128)
    av = adj_vals.reshape(ROWS, 128)
    z1 = jnp.zeros((SL1,), jnp.float32)
    z2 = jnp.zeros((640, OUT), jnp.float32)

    xd = _stage1(xf, xv, z1)
    h = _matmul(xd, kernel)
    yp = _stage2(ar, ac, av, h, z2)
    return _finish(yp)

# --- scband reference (transcript-rebuilt; emitter-appended) ---
"""Pipeline reference for scband-graph-sparse-convolution-37941741093301 (READ-ONLY COPY).

The authoritative reference and input builder live on the scoring server;
editing this copy changes nothing except your own understanding.
"""

import jax, jax.numpy as jnp
import numpy as np

N = 10000      # n_nodes
D = 128        # d_feat (sparse input feature dim)
OUT = 32       # output_size
NNZ_X = 320000 # nonzeros in sparse feature matrix x
E = 320000     # nonzeros in adj_norm (n_edges)


def setup_inputs(seed: int = 0) -> dict:
    key = jax.random.key(seed)
    k1, k2, k3, k4, k5, k6, k7 = jax.random.split(key, 7)
    x_rows = jax.random.randint(k1, (NNZ_X,), 0, N)
    x_cols = jax.random.randint(k2, (NNZ_X,), 0, D)
    x_vals = jax.random.normal(k3, (NNZ_X,), dtype=jnp.float32)
    adj_rows = jax.random.randint(k4, (E,), 0, N)
    adj_cols = jax.random.randint(k5, (E,), 0, N)
    adj_vals = jax.random.uniform(k6, (E,), dtype=jnp.float32)
    # GlorotNormal kernel [D, OUT]
    kernel = jax.random.normal(k7, (D, OUT), dtype=jnp.float32) * np.sqrt(2.0 / (D + OUT))
    return {
        "x_rows": x_rows, "x_cols": x_cols, "x_vals": x_vals,
        "adj_rows": adj_rows, "adj_cols": adj_cols, "adj_vals": adj_vals,
        "kernel": kernel,
    }


def reference(x_rows, x_cols, x_vals, adj_rows, adj_cols, adj_vals, kernel):
    # dropout_sparse with keep_prob = 1 - 0.0 = 1.0 is an exact identity:
    # floor(1 + uniform[0,1)) == 1 -> all values retained, scale 1/1.
    # x (sparse [N, D]) @ kernel ([D, OUT]) -> dense [N, OUT]
    h = jax.ops.segment_sum(x_vals[:, None] * jnp.take(kernel, x_cols, axis=0),
                            x_rows, num_segments=N)
    # adj_norm (sparse [N, N]) @ h ([N, OUT]) -> dense [N, OUT]
    y = jax.ops.segment_sum(adj_vals[:, None] * jnp.take(h, adj_cols, axis=0),
                            adj_rows, num_segments=N)
    # act = relu
    return jax.nn.relu(y)

if __name__ == "__main__":
    import jax
    _d = setup_inputs()
    print(jax.jit(kernel)(*tuple(_d.values())))

</pallas_src>

<mosaic_0001>
#map = affine_map<(d0, d1) -> (0, 0)>
#map1 = affine_map<(d0, d1) -> (0)>
module attributes {stable_mosaic.version = 14 : i64} {
  func.func @_stage1(%arg0: i32, %arg1: i32, %arg2: memref<625x512xi32, #tpu.memory_space<hbm>>, %arg3: memref<625x512xf32, #tpu.memory_space<hbm>>, %arg4: memref<80000xf32, #tpu.memory_space<hbm>>, %arg5: memref<2560000xf32, #tpu.memory_space<hbm>>, %arg6: memref<20x512xi32, #tpu.memory_space<vmem>>, %arg7: memref<20x512xf32, #tpu.memory_space<vmem>>, %arg8: memref<1280000xf32, #tpu.memory_space<vmem_shared>>, %arg9: memref<!tpu.dma_semaphore, #tpu.memory_space<semaphore_mem>>, %arg10: memref<!tpu.dma_semaphore, #tpu.memory_space<semaphore_mem>>, %arg11: memref<!tpu.dma_semaphore, #tpu.memory_space<semaphore_mem>>) attributes {dimension_semantics = [#tpu.dimension_semantics<core_parallel>, #tpu.dimension_semantics<subcore_parallel>], iteration_bounds = array<i64: 2, 16>, scalar_prefetch = 0 : i64, scratch_operands = 6 : i64, tpu.core_type = #tpu.core_type<sc_vector_subcore>, window_params = [{transform_indices = #map}, {transform_indices = #map}, {transform_indices = #map1}, {transform_indices = #map1}]} {
    %mul3A = arith.constant 2 : i32
    %mul3A_0 = arith.muli %arg1, %mul3A : i32
    %add3A = arith.addi %mul3A_0, %arg0 : i32
    %mul3A_1 = arith.constant 19 : i32
    %mul3A_2 = arith.muli %add3A, %mul3A_1 : i32
    %min3A = arith.constant 17 : i32
    %min3A_3 = arith.minsi %add3A, %min3A : i32
    %add3A_4 = arith.addi %mul3A_2, %min3A_3 : i32
    %mul3A_5 = arith.constant 80000 : i32
    %mul3A_6 = arith.muli %arg1, %mul3A_5 : i32
    %dma_start3A = tpu.memref_slice %arg8[%mul3A_6] : memref<1280000xf32, #tpu.memory_space<vmem_shared>> -> memref<80000xf32, #tpu.memory_space<vmem_shared>>
    tpu.enqueue_dma source(%arg4 : memref<80000xf32, #tpu.memory_space<hbm>>) target(%dma_start3A : memref<80000xf32, #tpu.memory_space<vmem_shared>>) target_semaphore(%arg10 : memref<!tpu.dma_semaphore, #tpu.memory_space<semaphore_mem>>)
    %lt3A = arith.constant 17 : i32
    %lt3A_7 = arith.cmpi slt, %add3A, %lt3A : i32
    %convert_element_type3A = arith.extui %lt3A_7 : i1 to i32
    %cond3A = arith.constant 0 : i32
    %cond3A_8 = arith.cmpi ne, %convert_element_type3A, %cond3A : i32
    scf.if %cond3A_8 {
      %dma_start3A_30 = arith.constant 0 : i32
      %dma_start3A_31 = tpu.memref_slice %arg2[%add3A_4, %dma_start3A_30] : memref<625x512xi32, #tpu.memory_space<hbm>> -> memref<20x512xi32, #tpu.memory_space<hbm>>
      %dma_start3A_32 = arith.constant 0 : i32
      %dma_start3A_33 = tpu.memref_slice %arg2[%add3A_4, %dma_start3A_32] : memref<625x512xi32, #tpu.memory_space<hbm>> -> memref<20x512xi32, #tpu.memory_space<hbm>>
      tpu.enqueue_dma source(%dma_start3A_33 : memref<20x512xi32, #tpu.memory_space<hbm>>) target(%arg6 : memref<20x512xi32, #tpu.memory_space<vmem>>) target_semaphore(%arg9 : memref<!tpu.dma_semaphore, #tpu.memory_space<semaphore_mem>>)
      %dma_start3A_34 = arith.constant 0 : i32
      %dma_start3A_35 = tpu.memref_slice %arg3[%add3A_4, %dma_start3A_34] : memref<625x512xf32, #tpu.memory_space<hbm>> -> memref<20x512xf32, #tpu.memory_space<hbm>>
      %dma_start3A_36 = arith.constant 0 : i32
      %dma_start3A_37 = tpu.memref_slice %arg3[%add3A_4, %dma_start3A_36] : memref<625x512xf32, #tpu.memory_space<hbm>> -> memref<20x512xf32, #tpu.memory_space<hbm>>
      tpu.enqueue_dma source(%dma_start3A_37 : memref<20x512xf32, #tpu.memory_space<hbm>>) target(%arg7 : memref<20x512xf32, #tpu.memory_space<vmem>>) target_semaphore(%arg11 : memref<!tpu.dma_semaphore, #tpu.memory_space<semaphore_mem>>)
      %dma_wait3A_38 = arith.constant 0 : i32
      %dma_wait3A_39 = tpu.memref_slice %arg2[%add3A_4, %dma_wait3A_38] : memref<625x512xi32, #tpu.memory_space<hbm>> -> memref<20x512xi32, #tpu.memory_space<hbm>>
      %dma_wait3A_40 = arith.constant 0 : i32
      %dma_wait3A_41 = tpu.memref_slice %arg2[%add3A_4, %dma_wait3A_40] : memref<625x512xi32, #tpu.memory_space<hbm>> -> memref<20x512xi32, #tpu.memory_space<hbm>>
      tpu.wait_dma2 semaphore(%arg9 : memref<!tpu.dma_semaphore, #tpu.memory_space<semaphore_mem>>) src(%dma_wait3A_41 : memref<20x512xi32, #tpu.memory_space<hbm>>) dst(%arg6 : memref<20x512xi32, #tpu.memory_space<vmem>>)
      %dma_wait3A_42 = arith.constant 0 : i32
      %dma_wait3A_43 = tpu.memref_slice %arg3[%add3A_4, %dma_wait3A_42] : memref<625x512xf32, #tpu.memory_space<hbm>> -> memref<20x512xf32, #tpu.memory_space<hbm>>
      %dma_wait3A_44 = arith.constant 0 : i32
      %dma_wait3A_45 = tpu.memref_slice %arg3[%add3A_4, %dma_wait3A_44] : memref<625x512xf32, #tpu.memory_space<hbm>> -> memref<20x512xf32, #tpu.memory_space<hbm>>
      tpu.wait_dma2 semaphore(%arg11 : memref<!tpu.dma_semaphore, #tpu.memory_space<semaphore_mem>>) src(%dma_wait3A_45 : memref<20x512xf32, #tpu.memory_space<hbm>>) dst(%arg7 : memref<20x512xf32, #tpu.memory_space<vmem>>)
    } else {
    }
    %ge3A = arith.constant 17 : i32
    %ge3A_9 = arith.cmpi sge, %add3A, %ge3A : i32
    %convert_element_type3A_10 = arith.extui %ge3A_9 : i1 to i32
    %cond3A_11 = arith.constant 0 : i32
    %cond3A_12 = arith.cmpi ne, %convert_element_type3A_10, %cond3A_11 : i32
    scf.if %cond3A_12 {
      %dma_start3A_30 = arith.constant 0 : i32
      %dma_start3A_31 = arith.constant 0 : i32
      %dma_start3A_32 = tpu.memref_slice %arg6[%dma_start3A_30, %dma_start3A_31] : memref<20x512xi32, #tpu.memory_space<vmem>> -> memref<19x512xi32, #tpu.memory_space<vmem>>
      %dma_start3A_33 = arith.constant 0 : i32
      %dma_start3A_34 = tpu.memref_slice %arg2[%add3A_4, %dma_start3A_33] : memref<625x512xi32, #tpu.memory_space<hbm>> -> memref<19x512xi32, #tpu.memory_space<hbm>>
      %dma_start3A_35 = arith.constant 0 : i32
      %dma_start3A_36 = arith.constant 0 : i32
      %dma_start3A_37 = tpu.memref_slice %arg6[%dma_start3A_35, %dma_start3A_36] : memref<20x512xi32, #tpu.memory_space<vmem>> -> memref<19x512xi32, #tpu.memory_space<vmem>>
      %dma_start3A_38 = arith.constant 0 : i32
      %dma_start3A_39 = tpu.memref_slice %arg2[%add3A_4, %dma_start3A_38] : memref<625x512xi32, #tpu.memory_space<hbm>> -> memref<19x512xi32, #tpu.memory_space<hbm>>
      tpu.enqueue_dma source(%dma_start3A_39 : memref<19x512xi32, #tpu.memory_space<hbm>>) target(%dma_start3A_37 : memref<19x512xi32, #tpu.memory_space<vmem>>) target_semaphore(%arg9 : memref<!tpu.dma_semaphore, #tpu.memory_space<semaphore_mem>>)
      %dma_start3A_40 = arith.constant 0 : i32
      %dma_start3A_41 = arith.constant 0 : i32
      %dma_start3A_42 = tpu.memref_slice %arg7[%dma_start3A_40, %dma_start3A_41] : memref<20x512xf32, #tpu.memory_space<vmem>> -> memref<19x512xf32, #tpu.memory_space<vmem>>
      %dma_start3A_43 = arith.constant 0 : i32
      %dma_start3A_44 = tpu.memref_slice %arg3[%add3A_4, %dma_start3A_43] : memref<625x512xf32, #tpu.memory_space<hbm>> -> memref<19x512xf32, #tpu.memory_space<hbm>>
      %dma_start3A_45 = arith.constant 0 : i32
      %dma_start3A_46 = arith.constant 0 : i32
      %dma_start3A_47 = tpu.memref_slice %arg7[%dma_start3A_45, %dma_start3A_46] : memref<20x512xf32, #tpu.memory_space<vmem>> -> memref<19x512xf32, #tpu.memory_space<vmem>>
      %dma_start3A_48 = arith.constant 0 : i32
      %dma_start3A_49 = tpu.memref_slice %arg3[%add3A_4, %dma_start3A_48] : memref<625x512xf32, #tpu.memory_space<hbm>> -> memref<19x512xf32, #tpu.memory_space<hbm>>
      tpu.enqueue_dma source(%dma_start3A_49 : memref<19x512xf32, #tpu.memory_space<hbm>>) target(%dma_start3A_47 : memref<19x512xf32, #tpu.memory_space<vmem>>) target_semaphore(%arg11 : memref<!tpu.dma_semaphore, #tpu.memory_space<semaphore_mem>>)
      %dma_wait3A_50 = arith.constant 0 : i32
      %dma_wait3A_51 = arith.constant 0 : i32
      %dma_wait3A_52 = tpu.memref_slice %arg6[%dma_wait3A_50, %dma_wait3A_51] : memref<20x512xi32, #tpu.memory_space<vmem>> -> memref<19x512xi32, #tpu.memory_space<vmem>>
      %dma_wait3A_53 = arith.constant 0 : i32
      %dma_wait3A_54 = tpu.memref_slice %arg2[%add3A_4, %dma_wait3A_53] : memref<625x512xi32, #tpu.memory_space<hbm>> -> memref<19x512xi32, #tpu.memory_space<hbm>>
      %dma_wait3A_55 = arith.constant 0 : i32
      %dma_wait3A_56 = arith.constant 0 : i32
      %dma_wait3A_57 = tpu.memref_slice %arg6[%dma_wait3A_55, %dma_wait3A_56] : memref<20x512xi32, #tpu.memory_space<vmem>> -> memref<19x512xi32, #tpu.memory_space<vmem>>
      %dma_wait3A_58 = arith.constant 0 : i32
      %dma_wait3A_59 = tpu.memref_slice %arg2[%add3A_4, %dma_wait3A_58] : memref<625x512xi32, #tpu.memory_space<hbm>> -> memref<19x512xi32, #tpu.memory_space<hbm>>
      tpu.wait_dma2 semaphore(%arg9 : memref<!tpu.dma_semaphore, #tpu.memory_space<semaphore_mem>>) src(%dma_wait3A_59 : memref<19x512xi32, #tpu.memory_space<hbm>>) dst(%dma_wait3A_57 : memref<19x512xi32, #tpu.memory_space<vmem>>)
      %dma_wait3A_60 = arith.constant 0 : i32
      %dma_wait3A_61 = arith.constant 0 : i32
      %dma_wait3A_62 = tpu.memref_slice %arg7[%dma_wait3A_60, %dma_wait3A_61] : memref<20x512xf32, #tpu.memory_space<vmem>> -> memref<19x512xf32, #tpu.memory_space<vmem>>
      %dma_wait3A_63 = arith.constant 0 : i32
      %dma_wait3A_64 = tpu.memref_slice %arg3[%add3A_4, %dma_wait3A_63] : memref<625x512xf32, #tpu.memory_space<hbm>> -> memref<19x512xf32, #tpu.memory_space<hbm>>
      %dma_wait3A_65 = arith.constant 0 : i32
      %dma_wait3A_66 = arith.constant 0 : i32
      %dma_wait3A_67 = tpu.memref_slice %arg7[%dma_wait3A_65, %dma_wait3A_66] : memref<20x512xf32, #tpu.memory_space<vmem>> -> memref<19x512xf32, #tpu.memory_space<vmem>>
      %dma_wait3A_68 = arith.constant 0 : i32
      %dma_wait3A_69 = tpu.memref_slice %arg3[%add3A_4, %dma_wait3A_68] : memref<625x512xf32, #tpu.memory_space<hbm>> -> memref<19x512xf32, #tpu.memory_space<hbm>>
      tpu.wait_dma2 semaphore(%arg11 : memref<!tpu.dma_semaphore, #tpu.memory_space<semaphore_mem>>) src(%dma_wait3A_69 : memref<19x512xf32, #tpu.memory_space<hbm>>) dst(%dma_wait3A_67 : memref<19x512xf32, #tpu.memory_space<vmem>>)
    } else {
    }
    %dma_wait3A = tpu.memref_slice %arg8[%mul3A_6] : memref<1280000xf32, #tpu.memory_space<vmem_shared>> -> memref<80000xf32, #tpu.memory_space<vmem_shared>>
    tpu.wait_dma2 semaphore(%arg10 : memref<!tpu.dma_semaphore, #tpu.memory_space<semaphore_mem>>) src(%arg4 : memref<80000xf32, #tpu.memory_space<hbm>>) dst(%dma_wait3A : memref<80000xf32, #tpu.memory_space<vmem_shared>>)
    %barrier3A = arith.constant 0 : index
    tpu.barrier barrier_id(%barrier3A)
    %scan3A = arith.constant 0 : i32
    %scan3A_13 = arith.constant 19 : i32
    %scan3A_14 = arith.addi %scan3A, %scan3A_13 : i32
    %scan3A_15 = arith.constant 1 : i32
    scf.for %scan3A_30 = %scan3A to %scan3A_14 step %scan3A_15  : i32 {
      %mul3A_31 = arith.constant 1 : i32
      %mul3A_32 = arith.muli %scan3A_30, %mul3A_31 : i32
      %add3A_33 = arith.constant 0 : i32
      %add3A_34 = arith.addi %add3A_33, %mul3A_32 : i32
      "tpu.region"() ({
        %run_scoped3A = tpu.sem_alloc : memref<!tpu.dma_semaphore, #tpu.memory_space<semaphore_mem>>
        %dma_start3A_35 = arith.constant 0 : i32
        %dma_start3A_36 = tpu.memref_slice %arg7[%add3A_34, %dma_start3A_35] : memref<20x512xf32, #tpu.memory_space<vmem>> -> memref<1x512xf32, #tpu.memory_space<vmem>>
        %dma_start3A_37 = tpu.memref_squeeze %dma_start3A_36 : memref<1x512xf32, #tpu.memory_space<vmem>> -> memref<512xf32, #tpu.memory_space<vmem>>
        %dma_start3A_38 = arith.constant 0 : i32
        %dma_start3A_39 = tpu.memref_slice %arg6[%add3A_34, %dma_start3A_38] : memref<20x512xi32, #tpu.memory_space<vmem>> -> memref<1x512xi32, #tpu.memory_space<vmem>>
        %dma_start3A_40 = tpu.memref_squeeze %dma_start3A_39 : memref<1x512xi32, #tpu.memory_space<vmem>> -> memref<512xi32, #tpu.memory_space<vmem>>
        %dma_start3A_41 = arith.constant 0 : i32
        %dma_start3A_42 = tpu.memref_slice %arg8[%dma_start3A_41] : memref<1280000xf32, #tpu.memory_space<vmem_shared>> -> memref<1280000xf32, #tpu.memory_space<vmem_shared>>
        tpu.enqueue_indirect_dma source(%dma_start3A_37 : memref<512xf32, #tpu.memory_space<vmem>>) target(%dma_start3A_42 : memref<1280000xf32, #tpu.memory_space<vmem_shared>>) offsets(%dma_start3A_40 : memref<512xi32, #tpu.memory_space<vmem>>) semaphore(%run_scoped3A : memref<!tpu.dma_semaphore, #tpu.memory_space<semaphore_mem>>) {add = true}
        %dma_wait3A_43 = arith.constant 0 : i32
        %dma_wait3A_44 = tpu.memref_slice %arg7[%add3A_34, %dma_wait3A_43] : memref<20x512xf32, #tpu.memory_space<vmem>> -> memref<1x512xf32, #tpu.memory_space<vmem>>
        %dma_wait3A_45 = tpu.memref_squeeze %dma_wait3A_44 : memref<1x512xf32, #tpu.memory_space<vmem>> -> memref<512xf32, #tpu.memory_space<vmem>>
        %dma_wait3A_46 = arith.constant 0 : i32
        %dma_wait3A_47 = tpu.memref_slice %arg6[%add3A_34, %dma_wait3A_46] : memref<20x512xi32, #tpu.memory_space<vmem>> -> memref<1x512xi32, #tpu.memory_space<vmem>>
        %dma_wait3A_48 = tpu.memref_squeeze %dma_wait3A_47 : memref<1x512xi32, #tpu.memory_space<vmem>> -> memref<512xi32, #tpu.memory_space<vmem>>
        %dma_wait3A_49 = arith.constant 0 : i32
        %dma_wait3A_50 = tpu.memref_slice %arg8[%dma_wait3A_49] : memref<1280000xf32, #tpu.memory_space<vmem_shared>> -> memref<1280000xf32, #tpu.memory_space<vmem_shared>>
        tpu.wait_indirect_dma semaphore(%run_scoped3A : memref<!tpu.dma_semaphore, #tpu.memory_space<semaphore_mem>>) src(%dma_wait3A_45 : memref<512xf32, #tpu.memory_space<vmem>>) dst(%dma_wait3A_50 : memref<1280000xf32, #tpu.memory_space<vmem_shared>>)
        tpu.yield
      }) : () -> ()
    }
    %scan3A_16 = arith.constant 19 : i32
    %lt3A_17 = arith.constant 17 : i32
    %lt3A_18 = arith.cmpi slt, %add3A, %lt3A_17 : i32
    %convert_element_type3A_19 = arith.extui %lt3A_18 : i1 to i32
    %cond3A_20 = arith.constant 0 : i32
    %cond3A_21 = arith.cmpi ne, %convert_element_type3A_19, %cond3A_20 : i32
    scf.if %cond3A_21 {
      %run_scoped3A = arith.constant 19 : i32
      %run_scoped3A_30 = arith.constant 19 : i32
      "tpu.region"() ({
        %run_scoped3A_31 = tpu.sem_alloc : memref<!tpu.dma_semaphore, #tpu.memory_space<semaphore_mem>>
        %dma_start3A_32 = arith.constant 0 : i32
        %dma_start3A_33 = tpu.memref_slice %arg7[%run_scoped3A, %dma_start3A_32] : memref<20x512xf32, #tpu.memory_space<vmem>> -> memref<1x512xf32, #tpu.memory_space<vmem>>
        %dma_start3A_34 = tpu.memref_squeeze %dma_start3A_33 : memref<1x512xf32, #tpu.memory_space<vmem>> -> memref<512xf32, #tpu.memory_space<vmem>>
        %dma_start3A_35 = arith.constant 0 : i32
        %dma_start3A_36 = tpu.memref_slice %arg6[%run_scoped3A_30, %dma_start3A_35] : memref<20x512xi32, #tpu.memory_space<vmem>> -> memref<1x512xi32, #tpu.memory_space<vmem>>
        %dma_start3A_37 = tpu.memref_squeeze %dma_start3A_36 : memref<1x512xi32, #tpu.memory_space<vmem>> -> memref<512xi32, #tpu.memory_space<vmem>>
        %dma_start3A_38 = arith.constant 0 : i32
        %dma_start3A_39 = tpu.memref_slice %arg8[%dma_start3A_38] : memref<1280000xf32, #tpu.memory_space<vmem_shared>> -> memref<1280000xf32, #tpu.memory_space<vmem_shared>>
        tpu.enqueue_indirect_dma source(%dma_start3A_34 : memref<512xf32, #tpu.memory_space<vmem>>) target(%dma_start3A_39 : memref<1280000xf32, #tpu.memory_space<vmem_shared>>) offsets(%dma_start3A_37 : memref<512xi32, #tpu.memory_space<vmem>>) semaphore(%run_scoped3A_31 : memref<!tpu.dma_semaphore, #tpu.memory_space<semaphore_mem>>) {add = true}
        %dma_wait3A_40 = arith.constant 0 : i32
        %dma_wait3A_41 = tpu.memref_slice %arg7[%run_scoped3A, %dma_wait3A_40] : memref<20x512xf32, #tpu.memory_space<vmem>> -> memref<1x512xf32, #tpu.memory_space<vmem>>
        %dma_wait3A_42 = tpu.memref_squeeze %dma_wait3A_41 : memref<1x512xf32, #tpu.memory_space<vmem>> -> memref<512xf32, #tpu.memory_space<vmem>>
        %dma_wait3A_43 = arith.constant 0 : i32
        %dma_wait3A_44 = tpu.memref_slice %arg6[%run_scoped3A_30, %dma_wait3A_43] : memref<20x512xi32, #tpu.memory_space<vmem>> -> memref<1x512xi32, #tpu.memory_space<vmem>>
        %dma_wait3A_45 = tpu.memref_squeeze %dma_wait3A_44 : memref<1x512xi32, #tpu.memory_space<vmem>> -> memref<512xi32, #tpu.memory_space<vmem>>
        %dma_wait3A_46 = arith.constant 0 : i32
        %dma_wait3A_47 = tpu.memref_slice %arg8[%dma_wait3A_46] : memref<1280000xf32, #tpu.memory_space<vmem_shared>> -> memref<1280000xf32, #tpu.memory_space<vmem_shared>>
        tpu.wait_indirect_dma semaphore(%run_scoped3A_31 : memref<!tpu.dma_semaphore, #tpu.memory_space<semaphore_mem>>) src(%dma_wait3A_42 : memref<512xf32, #tpu.memory_space<vmem>>) dst(%dma_wait3A_47 : memref<1280000xf32, #tpu.memory_space<vmem_shared>>)
        tpu.yield
      }) : () -> ()
    } else {
    }
    %barrier3A_22 = arith.constant 0 : index
    tpu.barrier barrier_id(%barrier3A_22)
    %mul3A_23 = arith.constant 80000 : i32
    %mul3A_24 = arith.muli %arg1, %mul3A_23 : i32
    %mul3A_25 = arith.constant 1280000 : i32
    %mul3A_26 = arith.muli %arg0, %mul3A_25 : i32
    %mul3A_27 = arith.constant 80000 : i32
    %mul3A_28 = arith.muli %arg1, %mul3A_27 : i32
    %add3A_29 = arith.addi %mul3A_26, %mul3A_28 : i32
    "tpu.region"() ({
      %run_scoped3A = tpu.sem_alloc : memref<!tpu.dma_semaphore, #tpu.memory_space<semaphore_mem>>
      %dma_start3A_30 = tpu.memref_slice %arg5[%add3A_29] : memref<2560000xf32, #tpu.memory_space<hbm>> -> memref<80000xf32, #tpu.memory_space<hbm>>
      %dma_start3A_31 = tpu.memref_slice %arg8[%mul3A_24] : memref<1280000xf32, #tpu.memory_space<vmem_shared>> -> memref<80000xf32, #tpu.memory_space<vmem_shared>>
      tpu.enqueue_dma source(%dma_start3A_31 : memref<80000xf32, #tpu.memory_space<vmem_shared>>) target(%dma_start3A_30 : memref<80000xf32, #tpu.memory_space<hbm>>) target_semaphore(%run_scoped3A : memref<!tpu.dma_semaphore, #tpu.memory_space<semaphore_mem>>)
      %dma_wait3A_32 = tpu.memref_slice %arg5[%add3A_29] : memref<2560000xf32, #tpu.memory_space<hbm>> -> memref<80000xf32, #tpu.memory_space<hbm>>
      %dma_wait3A_33 = tpu.memref_slice %arg8[%mul3A_24] : memref<1280000xf32, #tpu.memory_space<vmem_shared>> -> memref<80000xf32, #tpu.memory_space<vmem_shared>>
      tpu.wait_dma2 semaphore(%run_scoped3A : memref<!tpu.dma_semaphore, #tpu.memory_space<semaphore_mem>>) src(%dma_wait3A_33 : memref<80000xf32, #tpu.memory_space<vmem_shared>>) dst(%dma_wait3A_32 : memref<80000xf32, #tpu.memory_space<hbm>>)
      tpu.yield
    }) : () -> ()
    return
  }
}

#map = affine_map<(d0, d1) -> (0, 0)>
module attributes {stable_mosaic.version = 14 : i64} {
  func.func @_stage2(%arg0: i32, %arg1: i32, %arg2: memref<2500x128xi32, #tpu.memory_space<hbm>>, %arg3: memref<2500x128xi32, #tpu.memory_space<hbm>>, %arg4: memref<2500x128xf32, #tpu.memory_space<hbm>>, %arg5: memref<10000x32xf32, #tpu.memory_space<hbm>>, %arg6: memref<640x32xf32, #tpu.memory_space<hbm>>, %arg7: memref<20000x32xf32, #tpu.memory_space<hbm>>, %arg8: memref<79x128xi32, #tpu.memory_space<vmem>>, %arg9: memref<79x128xi32, #tpu.memory_space<vmem>>, %arg10: memref<79x128xf32, #tpu.memory_space<vmem>>, %arg11: memref<3x128x32xf32, #tpu.memory_space<vmem>>, %arg12: memref<10000x32xf32, #tpu.memory_space<vmem_shared>>, %arg13: memref<!tpu.dma_semaphore, #tpu.memory_space<semaphore_mem>>, %arg14: memref<!tpu.dma_semaphore, #tpu.memory_space<semaphore_mem>>, %arg15: memref<!tpu.dma_semaphore, #tpu.memory_space<semaphore_mem>>, %arg16: memref<!tpu.dma_semaphore, #tpu.memory_space<semaphore_mem>>, %arg17: memref<!tpu.dma_semaphore, #tpu.memory_space<semaphore_mem>>, %arg18: memref<!tpu.dma_semaphore, #tpu.memory_space<semaphore_mem>>) attributes {dimension_semantics = [#tpu.dimension_semantics<core_parallel>, #tpu.dimension_semantics<subcore_parallel>], iteration_bounds = array<i64: 2, 16>, scalar_prefetch = 0 : i64, scratch_operands = 11 : i64, tpu.core_type = #tpu.core_type<sc_vector_subcore>, window_params = [{transform_indices = #map}, {transform_indices = #map}, {transform_indices = #map}, {transform_indices = #map}, {transform_indices = #map}, {transform_indices = #map}]} {
    %mul3A = arith.constant 2 : i32
    %mul3A_0 = arith.muli %arg1, %mul3A : i32
    %add3A = arith.addi %mul3A_0, %arg0 : i32
    %mul3A_1 = arith.constant 78 : i32
    %mul3A_2 = arith.muli %add3A, %mul3A_1 : i32
    %min3A = arith.constant 4 : i32
    %min3A_3 = arith.minsi %add3A, %min3A : i32
    %add3A_4 = arith.addi %mul3A_2, %min3A_3 : i32
    %lt3A = arith.constant 15 : i32
    %lt3A_5 = arith.cmpi slt, %arg1, %lt3A : i32
    %convert_element_type3A = arith.extui %lt3A_5 : i1 to i32
    %cond3A = arith.constant 0 : i32
    %cond3A_6 = arith.cmpi ne, %convert_element_type3A, %cond3A : i32
    scf.if %cond3A_6 {
      %mul3A_87 = arith.constant 624 : i32
      %mul3A_88 = arith.muli %arg1, %mul3A_87 : i32
      %dma_start3A_89 = arith.constant 0 : i32
      %dma_start3A_90 = tpu.memref_slice %arg12[%mul3A_88, %dma_start3A_89] : memref<10000x32xf32, #tpu.memory_space<vmem_shared>> -> memref<624x32xf32, #tpu.memory_space<vmem_shared>>
      %dma_start3A_91 = arith.constant 0 : i32
      %dma_start3A_92 = arith.constant 0 : i32
      %dma_start3A_93 = tpu.memref_slice %arg6[%dma_start3A_91, %dma_start3A_92] : memref<640x32xf32, #tpu.memory_space<hbm>> -> memref<624x32xf32, #tpu.memory_space<hbm>>
      tpu.enqueue_dma source(%dma_start3A_93 : memref<624x32xf32, #tpu.memory_space<hbm>>) target(%dma_start3A_90 : memref<624x32xf32, #tpu.memory_space<vmem_shared>>) target_semaphore(%arg16 : memref<!tpu.dma_semaphore, #tpu.memory_space<semaphore_mem>>)
    } else {
    }
    %eq3A = arith.constant 15 : i32
    %eq3A_7 = arith.cmpi eq, %arg1, %eq3A : i32
    %convert_element_type3A_8 = arith.extui %eq3A_7 : i1 to i32
    %cond3A_9 = arith.constant 0 : i32
    %cond3A_10 = arith.cmpi ne, %convert_element_type3A_8, %cond3A_9 : i32
    scf.if %cond3A_10 {
      %dma_start3A_87 = arith.constant 9360 : i32
      %dma_start3A_88 = arith.constant 0 : i32
      %dma_start3A_89 = tpu.memref_slice %arg12[%dma_start3A_87, %dma_start3A_88] : memref<10000x32xf32, #tpu.memory_space<vmem_shared>> -> memref<640x32xf32, #tpu.memory_space<vmem_shared>>
      tpu.enqueue_dma source(%arg6 : memref<640x32xf32, #tpu.memory_space<hbm>>) target(%dma_start3A_89 : memref<640x32xf32, #tpu.memory_space<vmem_shared>>) target_semaphore(%arg16 : memref<!tpu.dma_semaphore, #tpu.memory_space<semaphore_mem>>)
    } else {
    }
    %lt3A_11 = arith.constant 4 : i32
    %lt3A_12 = arith.cmpi slt, %add3A, %lt3A_11 : i32
    %convert_element_type3A_13 = arith.extui %lt3A_12 : i1 to i32
    %cond3A_14 = arith.constant 0 : i32
    %cond3A_15 = arith.cmpi ne, %convert_element_type3A_13, %cond3A_14 : i32
    scf.if %cond3A_15 {
      %dma_start3A_87 = arith.constant 0 : i32
      %dma_start3A_88 = tpu.memref_slice %arg2[%add3A_4, %dma_start3A_87] : memref<2500x128xi32, #tpu.memory_space<hbm>> -> memref<79x128xi32, #tpu.memory_space<hbm>>
      %dma_start3A_89 = arith.constant 0 : i32
      %dma_start3A_90 = tpu.memref_slice %arg2[%add3A_4, %dma_start3A_89] : memref<2500x128xi32, #tpu.memory_space<hbm>> -> memref<79x128xi32, #tpu.memory_space<hbm>>
      tpu.enqueue_dma source(%dma_start3A_90 : memref<79x128xi32, #tpu.memory_space<hbm>>) target(%arg8 : memref<79x128xi32, #tpu.memory_space<vmem>>) target_semaphore(%arg13 : memref<!tpu.dma_semaphore, #tpu.memory_space<semaphore_mem>>)
      %dma_start3A_91 = arith.constant 0 : i32
      %dma_start3A_92 = tpu.memref_slice %arg3[%add3A_4, %dma_start3A_91] : memref<2500x128xi32, #tpu.memory_space<hbm>> -> memref<79x128xi32, #tpu.memory_space<hbm>>
      %dma_start3A_93 = arith.constant 0 : i32
      %dma_start3A_94 = tpu.memref_slice %arg3[%add3A_4, %dma_start3A_93] : memref<2500x128xi32, #tpu.memory_space<hbm>> -> memref<79x128xi32, #tpu.memory_space<hbm>>
      tpu.enqueue_dma source(%dma_start3A_94 : memref<79x128xi32, #tpu.memory_space<hbm>>) target(%arg9 : memref<79x128xi32, #tpu.memory_space<vmem>>) target_semaphore(%arg14 : memref<!tpu.dma_semaphore, #tpu.memory_space<semaphore_mem>>)
      %dma_start3A_95 = arith.constant 0 : i32
      %dma_start3A_96 = tpu.memref_slice %arg4[%add3A_4, %dma_start3A_95] : memref<2500x128xf32, #tpu.memory_space<hbm>> -> memref<79x128xf32, #tpu.memory_space<hbm>>
      %dma_start3A_97 = arith.constant 0 : i32
      %dma_start3A_98 = tpu.memref_slice %arg4[%add3A_4, %dma_start3A_97] : memref<2500x128xf32, #tpu.memory_space<hbm>> -> memref<79x128xf32, #tpu.memory_space<hbm>>
      tpu.enqueue_dma source(%dma_start3A_98 : memref<79x128xf32, #tpu.memory_space<hbm>>) target(%arg10 : memref<79x128xf32, #tpu.memory_space<vmem>>) target_semaphore(%arg15 : memref<!tpu.dma_semaphore, #tpu.memory_space<semaphore_mem>>)
      %dma_wait3A_99 = arith.constant 0 : i32
      %dma_wait3A_100 = tpu.memref_slice %arg2[%add3A_4, %dma_wait3A_99] : memref<2500x128xi32, #tpu.memory_space<hbm>> -> memref<79x128xi32, #tpu.memory_space<hbm>>
      %dma_wait3A_101 = arith.constant 0 : i32
      %dma_wait3A_102 = tpu.memref_slice %arg2[%add3A_4, %dma_wait3A_101] : memref<2500x128xi32, #tpu.memory_space<hbm>> -> memref<79x128xi32, #tpu.memory_space<hbm>>
      tpu.wait_dma2 semaphore(%arg13 : memref<!tpu.dma_semaphore, #tpu.memory_space<semaphore_mem>>) src(%dma_wait3A_102 : memref<79x128xi32, #tpu.memory_space<hbm>>) dst(%arg8 : memref<79x128xi32, #tpu.memory_space<vmem>>)
      %dma_wait3A_103 = arith.constant 0 : i32
      %dma_wait3A_104 = tpu.memref_slice %arg3[%add3A_4, %dma_wait3A_103] : memref<2500x128xi32, #tpu.memory_space<hbm>> -> memref<79x128xi32, #tpu.memory_space<hbm>>
      %dma_wait3A_105 = arith.constant 0 : i32
      %dma_wait3A_106 = tpu.memref_slice %arg3[%add3A_4, %dma_wait3A_105] : memref<2500x128xi32, #tpu.memory_space<hbm>> -> memref<79x128xi32, #tpu.memory_space<hbm>>
      tpu.wait_dma2 semaphore(%arg14 : memref<!tpu.dma_semaphore, #tpu.memory_space<semaphore_mem>>) src(%dma_wait3A_106 : memref<79x128xi32, #tpu.memory_space<hbm>>) dst(%arg9 : memref<79x128xi32, #tpu.memory_space<vmem>>)
      %dma_wait3A_107 = arith.constant 0 : i32
      %dma_wait3A_108 = tpu.memref_slice %arg4[%add3A_4, %dma_wait3A_107] : memref<2500x128xf32, #tpu.memory_space<hbm>> -> memref<79x128xf32, #tpu.memory_space<hbm>>
      %dma_wait3A_109 = arith.constant 0 : i32
      %dma_wait3A_110 = tpu.memref_slice %arg4[%add3A_4, %dma_wait3A_109] : memref<2500x128xf32, #tpu.memory_space<hbm>> -> memref<79x128xf32, #tpu.memory_space<hbm>>
      tpu.wait_dma2 semaphore(%arg15 : memref<!tpu.dma_semaphore, #tpu.memory_space<semaphore_mem>>) src(%dma_wait3A_110 : memref<79x128xf32, #tpu.memory_space<hbm>>) dst(%arg10 : memref<79x128xf32, #tpu.memory_space<vmem>>)
    } else {
    }
    %ge3A = arith.constant 4 : i32
    %ge3A_16 = arith.cmpi sge, %add3A, %ge3A : i32
    %convert_element_type3A_17 = arith.extui %ge3A_16 : i1 to i32
    %cond3A_18 = arith.constant 0 : i32
    %cond3A_19 = arith.cmpi ne, %convert_element_type3A_17, %cond3A_18 : i32
    scf.if %cond3A_19 {
      %dma_start3A_87 = arith.constant 0 : i32
      %dma_start3A_88 = arith.constant 0 : i32
      %dma_start3A_89 = tpu.memref_slice %arg8[%dma_start3A_87, %dma_start3A_88] : memref<79x128xi32, #tpu.memory_space<vmem>> -> memref<78x128xi32, #tpu.memory_space<vmem>>
      %dma_start3A_90 = arith.constant 0 : i32
      %dma_start3A_91 = tpu.memref_slice %arg2[%add3A_4, %dma_start3A_90] : memref<2500x128xi32, #tpu.memory_space<hbm>> -> memref<78x128xi32, #tpu.memory_space<hbm>>
      %dma_start3A_92 = arith.constant 0 : i32
      %dma_start3A_93 = arith.constant 0 : i32
      %dma_start3A_94 = tpu.memref_slice %arg8[%dma_start3A_92, %dma_start3A_93] : memref<79x128xi32, #tpu.memory_space<vmem>> -> memref<78x128xi32, #tpu.memory_space<vmem>>
      %dma_start3A_95 = arith.constant 0 : i32
      %dma_start3A_96 = tpu.memref_slice %arg2[%add3A_4, %dma_start3A_95] : memref<2500x128xi32, #tpu.memory_space<hbm>> -> memref<78x128xi32, #tpu.memory_space<hbm>>
      tpu.enqueue_dma source(%dma_start3A_96 : memref<78x128xi32, #tpu.memory_space<hbm>>) target(%dma_start3A_94 : memref<78x128xi32, #tpu.memory_space<vmem>>) target_semaphore(%arg13 : memref<!tpu.dma_semaphore, #tpu.memory_space<semaphore_mem>>)
      %dma_start3A_97 = arith.constant 0 : i32
      %dma_start3A_98 = arith.constant 0 : i32
      %dma_start3A_99 = tpu.memref_slice %arg9[%dma_start3A_97, %dma_start3A_98] : memref<79x128xi32, #tpu.memory_space<vmem>> -> memref<78x128xi32, #tpu.memory_space<vmem>>
      %dma_start3A_100 = arith.constant 0 : i32
      %dma_start3A_101 = tpu.memref_slice %arg3[%add3A_4, %dma_start3A_100] : memref<2500x128xi32, #tpu.memory_space<hbm>> -> memref<78x128xi32, #tpu.memory_space<hbm>>
      %dma_start3A_102 = arith.constant 0 : i32
      %dma_start3A_103 = arith.constant 0 : i32
      %dma_start3A_104 = tpu.memref_slice %arg9[%dma_start3A_102, %dma_start3A_103] : memref<79x128xi32, #tpu.memory_space<vmem>> -> memref<78x128xi32, #tpu.memory_space<vmem>>
      %dma_start3A_105 = arith.constant 0 : i32
      %dma_start3A_106 = tpu.memref_slice %arg3[%add3A_4, %dma_start3A_105] : memref<2500x128xi32, #tpu.memory_space<hbm>> -> memref<78x128xi32, #tpu.memory_space<hbm>>
      tpu.enqueue_dma source(%dma_start3A_106 : memref<78x128xi32, #tpu.memory_space<hbm>>) target(%dma_start3A_104 : memref<78x128xi32, #tpu.memory_space<vmem>>) target_semaphore(%arg14 : memref<!tpu.dma_semaphore, #tpu.memory_space<semaphore_mem>>)
      %dma_start3A_107 = arith.constant 0 : i32
      %dma_start3A_108 = arith.constant 0 : i32
      %dma_start3A_109 = tpu.memref_slice %arg10[%dma_start3A_107, %dma_start3A_108] : memref<79x128xf32, #tpu.memory_space<vmem>> -> memref<78x128xf32, #tpu.memory_space<vmem>>
      %dma_start3A_110 = arith.constant 0 : i32
      %dma_start3A_111 = tpu.memref_slice %arg4[%add3A_4, %dma_start3A_110] : memref<2500x128xf32, #tpu.memory_space<hbm>> -> memref<78x128xf32, #tpu.memory_space<hbm>>
      %dma_start3A_112 = arith.constant 0 : i32
      %dma_start3A_113 = arith.constant 0 : i32
      %dma_start3A_114 = tpu.memref_slice %arg10[%dma_start3A_112, %dma_start3A_113] : memref<79x128xf32, #tpu.memory_space<vmem>> -> memref<78x128xf32, #tpu.memory_space<vmem>>
      %dma_start3A_115 = arith.constant 0 : i32
      %dma_start3A_116 = tpu.memref_slice %arg4[%add3A_4, %dma_start3A_115] : memref<2500x128xf32, #tpu.memory_space<hbm>> -> memref<78x128xf32, #tpu.memory_space<hbm>>
      tpu.enqueue_dma source(%dma_start3A_116 : memref<78x128xf32, #tpu.memory_space<hbm>>) target(%dma_start3A_114 : memref<78x128xf32, #tpu.memory_space<vmem>>) target_semaphore(%arg15 : memref<!tpu.dma_semaphore, #tpu.memory_space<semaphore_mem>>)
      %dma_wait3A_117 = arith.constant 0 : i32
      %dma_wait3A_118 = arith.constant 0 : i32
      %dma_wait3A_119 = tpu.memref_slice %arg8[%dma_wait3A_117, %dma_wait3A_118] : memref<79x128xi32, #tpu.memory_space<vmem>> -> memref<78x128xi32, #tpu.memory_space<vmem>>
      %dma_wait3A_120 = arith.constant 0 : i32
      %dma_wait3A_121 = tpu.memref_slice %arg2[%add3A_4, %dma_wait3A_120] : memref<2500x128xi32, #tpu.memory_space<hbm>> -> memref<78x128xi32, #tpu.memory_space<hbm>>
      %dma_wait3A_122 = arith.constant 0 : i32
      %dma_wait3A_123 = arith.constant 0 : i32
      %dma_wait3A_124 = tpu.memref_slice %arg8[%dma_wait3A_122, %dma_wait3A_123] : memref<79x128xi32, #tpu.memory_space<vmem>> -> memref<78x128xi32, #tpu.memory_space<vmem>>
      %dma_wait3A_125 = arith.constant 0 : i32
      %dma_wait3A_126 = tpu.memref_slice %arg2[%add3A_4, %dma_wait3A_125] : memref<2500x128xi32, #tpu.memory_space<hbm>> -> memref<78x128xi32, #tpu.memory_space<hbm>>
      tpu.wait_dma2 semaphore(%arg13 : memref<!tpu.dma_semaphore, #tpu.memory_space<semaphore_mem>>) src(%dma_wait3A_126 : memref<78x128xi32, #tpu.memory_space<hbm>>) dst(%dma_wait3A_124 : memref<78x128xi32, #tpu.memory_space<vmem>>)
      %dma_wait3A_127 = arith.constant 0 : i32
      %dma_wait3A_128 = arith.constant 0 : i32
      %dma_wait3A_129 = tpu.memref_slice %arg9[%dma_wait3A_127, %dma_wait3A_128] : memref<79x128xi32, #tpu.memory_space<vmem>> -> memref<78x128xi32, #tpu.memory_space<vmem>>
      %dma_wait3A_130 = arith.constant 0 : i32
      %dma_wait3A_131 = tpu.memref_slice %arg3[%add3A_4, %dma_wait3A_130] : memref<2500x128xi32, #tpu.memory_space<hbm>> -> memref<78x128xi32, #tpu.memory_space<hbm>>
      %dma_wait3A_132 = arith.constant 0 : i32
      %dma_wait3A_133 = arith.constant 0 : i32
      %dma_wait3A_134 = tpu.memref_slice %arg9[%dma_wait3A_132, %dma_wait3A_133] : memref<79x128xi32, #tpu.memory_space<vmem>> -> memref<78x128xi32, #tpu.memory_space<vmem>>
      %dma_wait3A_135 = arith.constant 0 : i32
      %dma_wait3A_136 = tpu.memref_slice %arg3[%add3A_4, %dma_wait3A_135] : memref<2500x128xi32, #tpu.memory_space<hbm>> -> memref<78x128xi32, #tpu.memory_space<hbm>>
      tpu.wait_dma2 semaphore(%arg14 : memref<!tpu.dma_semaphore, #tpu.memory_space<semaphore_mem>>) src(%dma_wait3A_136 : memref<78x128xi32, #tpu.memory_space<hbm>>) dst(%dma_wait3A_134 : memref<78x128xi32, #tpu.memory_space<vmem>>)
      %dma_wait3A_137 = arith.constant 0 : i32
      %dma_wait3A_138 = arith.constant 0 : i32
      %dma_wait3A_139 = tpu.memref_slice %arg10[%dma_wait3A_137, %dma_wait3A_138] : memref<79x128xf32, #tpu.memory_space<vmem>> -> memref<78x128xf32, #tpu.memory_space<vmem>>
      %dma_wait3A_140 = arith.constant 0 : i32
      %dma_wait3A_141 = tpu.memref_slice %arg4[%add3A_4, %dma_wait3A_140] : memref<2500x128xf32, #tpu.memory_space<hbm>> -> memref<78x128xf32, #tpu.memory_space<hbm>>
      %dma_wait3A_142 = arith.constant 0 : i32
      %dma_wait3A_143 = arith.constant 0 : i32
      %dma_wait3A_144 = tpu.memref_slice %arg10[%dma_wait3A_142, %dma_wait3A_143] : memref<79x128xf32, #tpu.memory_space<vmem>> -> memref<78x128xf32, #tpu.memory_space<vmem>>
      %dma_wait3A_145 = arith.constant 0 : i32
      %dma_wait3A_146 = tpu.memref_slice %arg4[%add3A_4, %dma_wait3A_145] : memref<2500x128xf32, #tpu.memory_space<hbm>> -> memref<78x128xf32, #tpu.memory_space<hbm>>
      tpu.wait_dma2 semaphore(%arg15 : memref<!tpu.dma_semaphore, #tpu.memory_space<semaphore_mem>>) src(%dma_wait3A_146 : memref<78x128xf32, #tpu.memory_space<hbm>>) dst(%dma_wait3A_144 : memref<78x128xf32, #tpu.memory_space<vmem>>)
    } else {
    }
    %lt3A_20 = arith.constant 15 : i32
    %lt3A_21 = arith.cmpi slt, %arg1, %lt3A_20 : i32
    %convert_element_type3A_22 = arith.extui %lt3A_21 : i1 to i32
    %cond3A_23 = arith.constant 0 : i32
    %cond3A_24 = arith.cmpi ne, %convert_element_type3A_22, %cond3A_23 : i32
    scf.if %cond3A_24 {
      %mul3A_87 = arith.constant 624 : i32
      %mul3A_88 = arith.muli %arg1, %mul3A_87 : i32
      %dma_wait3A_89 = arith.constant 0 : i32
      %dma_wait3A_90 = tpu.memref_slice %arg12[%mul3A_88, %dma_wait3A_89] : memref<10000x32xf32, #tpu.memory_space<vmem_shared>> -> memref<624x32xf32, #tpu.memory_space<vmem_shared>>
      %dma_wait3A_91 = arith.constant 0 : i32
      %dma_wait3A_92 = arith.constant 0 : i32
      %dma_wait3A_93 = tpu.memref_slice %arg6[%dma_wait3A_91, %dma_wait3A_92] : memref<640x32xf32, #tpu.memory_space<hbm>> -> memref<624x32xf32, #tpu.memory_space<hbm>>
      tpu.wait_dma2 semaphore(%arg16 : memref<!tpu.dma_semaphore, #tpu.memory_space<semaphore_mem>>) src(%dma_wait3A_93 : memref<624x32xf32, #tpu.memory_space<hbm>>) dst(%dma_wait3A_90 : memref<624x32xf32, #tpu.memory_space<vmem_shared>>)
    } else {
    }
    %eq3A_25 = arith.constant 15 : i32
    %eq3A_26 = arith.cmpi eq, %arg1, %eq3A_25 : i32
    %convert_element_type3A_27 = arith.extui %eq3A_26 : i1 to i32
    %cond3A_28 = arith.constant 0 : i32
    %cond3A_29 = arith.cmpi ne, %convert_element_type3A_27, %cond3A_28 : i32
    scf.if %cond3A_29 {
      %dma_wait3A_87 = arith.constant 9360 : i32
      %dma_wait3A_88 = arith.constant 0 : i32
      %dma_wait3A_89 = tpu.memref_slice %arg12[%dma_wait3A_87, %dma_wait3A_88] : memref<10000x32xf32, #tpu.memory_space<vmem_shared>> -> memref<640x32xf32, #tpu.memory_space<vmem_shared>>
      tpu.wait_dma2 semaphore(%arg16 : memref<!tpu.dma_semaphore, #tpu.memory_space<semaphore_mem>>) src(%arg6 : memref<640x32xf32, #tpu.memory_space<hbm>>) dst(%dma_wait3A_89 : memref<640x32xf32, #tpu.memory_space<vmem_shared>>)
    } else {
    }
    %barrier3A = arith.constant 0 : index
    tpu.barrier barrier_id(%barrier3A)
    %lt3A_30 = arith.constant 4 : i32
    %lt3A_31 = arith.cmpi slt, %add3A, %lt3A_30 : i32
    %jit3A = arith.constant 79 : i32
    %jit3A_32 = arith.constant 78 : i32
    %select_n3A = arith.select %lt3A_31, %jit3A, %jit3A_32 : i32
    %dma_start3A = arith.constant 0 : i32
    %dma_start3A_33 = arith.constant 0 : i32
    %dma_start3A_34 = arith.constant 0 : i32
    %dma_start3A_35 = arith.constant 0 : i32
    %dma_start3A_36 = tpu.memref_slice %arg11[%dma_start3A_33, %dma_start3A_34, %dma_start3A_35] : memref<3x128x32xf32, #tpu.memory_space<vmem>> -> memref<1x128x32xf32, #tpu.memory_space<vmem>>
    %dma_start3A_37 = tpu.memref_squeeze %dma_start3A_36 : memref<1x128x32xf32, #tpu.memory_space<vmem>> -> memref<128x32xf32, #tpu.memory_space<vmem>>
    %dma_start3A_38 = arith.constant 0 : i32
    %dma_start3A_39 = tpu.memref_slice %arg9[%dma_start3A, %dma_start3A_38] : memref<79x128xi32, #tpu.memory_space<vmem>> -> memref<1x128xi32, #tpu.memory_space<vmem>>
    %dma_start3A_40 = tpu.memref_squeeze %dma_start3A_39 : memref<1x128xi32, #tpu.memory_space<vmem>> -> memref<128xi32, #tpu.memory_space<vmem>>
    %dma_start3A_41 = arith.constant 0 : i32
    %dma_start3A_42 = arith.constant 0 : i32
    %dma_start3A_43 = tpu.memref_slice %arg5[%dma_start3A_41, %dma_start3A_42] : memref<10000x32xf32, #tpu.memory_space<hbm>> -> memref<10000x32xf32, #tpu.memory_space<hbm>>
    tpu.enqueue_indirect_dma source(%dma_start3A_43 : memref<10000x32xf32, #tpu.memory_space<hbm>>) target(%dma_start3A_37 : memref<128x32xf32, #tpu.memory_space<vmem>>) offsets(%dma_start3A_40 : memref<128xi32, #tpu.memory_space<vmem>>) semaphore(%arg13 : memref<!tpu.dma_semaphore, #tpu.memory_space<semaphore_mem>>)
    %dma_start3A_44 = arith.constant 1 : i32
    %dma_start3A_45 = arith.constant 1 : i32
    %dma_start3A_46 = arith.constant 0 : i32
    %dma_start3A_47 = arith.constant 0 : i32
    %dma_start3A_48 = tpu.memref_slice %arg11[%dma_start3A_45, %dma_start3A_46, %dma_start3A_47] : memref<3x128x32xf32, #tpu.memory_space<vmem>> -> memref<1x128x32xf32, #tpu.memory_space<vmem>>
    %dma_start3A_49 = tpu.memref_squeeze %dma_start3A_48 : memref<1x128x32xf32, #tpu.memory_space<vmem>> -> memref<128x32xf32, #tpu.memory_space<vmem>>
    %dma_start3A_50 = arith.constant 0 : i32
    %dma_start3A_51 = tpu.memref_slice %arg9[%dma_start3A_44, %dma_start3A_50] : memref<79x128xi32, #tpu.memory_space<vmem>> -> memref<1x128xi32, #tpu.memory_space<vmem>>
    %dma_start3A_52 = tpu.memref_squeeze %dma_start3A_51 : memref<1x128xi32, #tpu.memory_space<vmem>> -> memref<128xi32, #tpu.memory_space<vmem>>
    %dma_start3A_53 = arith.constant 0 : i32
    %dma_start3A_54 = arith.constant 0 : i32
    %dma_start3A_55 = tpu.memref_slice %arg5[%dma_start3A_53, %dma_start3A_54] : memref<10000x32xf32, #tpu.memory_space<hbm>> -> memref<10000x32xf32, #tpu.memory_space<hbm>>
    tpu.enqueue_indirect_dma source(%dma_start3A_55 : memref<10000x32xf32, #tpu.memory_space<hbm>>) target(%dma_start3A_49 : memref<128x32xf32, #tpu.memory_space<vmem>>) offsets(%dma_start3A_52 : memref<128xi32, #tpu.memory_space<vmem>>) semaphore(%arg14 : memref<!tpu.dma_semaphore, #tpu.memory_space<semaphore_mem>>)
    %scan3A = arith.constant 0 : i32
    %scan3A_56 = arith.constant 26 : i32
    %scan3A_57 = arith.addi %scan3A, %scan3A_56 : i32
    %scan3A_58 = arith.constant 1 : i32
    scf.for %scan3A_87 = %scan3A to %scan3A_57 step %scan3A_58  : i32 {
      %mul3A_88 = arith.constant 3 : i32
      %mul3A_89 = arith.muli %scan3A_87, %mul3A_88 : i32
      %add3A_90 = arith.constant 0 : i32
      %add3A_91 = arith.addi %add3A_90, %mul3A_89 : i32
      %dma_wait3A_92 = arith.constant 0 : i32
      %dma_wait3A_93 = arith.constant 0 : i32
      %dma_wait3A_94 = arith.constant 0 : i32
      %dma_wait3A_95 = tpu.memref_slice %arg11[%dma_wait3A_92, %dma_wait3A_93, %dma_wait3A_94] : memref<3x128x32xf32, #tpu.memory_space<vmem>> -> memref<1x128x32xf32, #tpu.memory_space<vmem>>
      %dma_wait3A_96 = tpu.memref_squeeze %dma_wait3A_95 : memref<1x128x32xf32, #tpu.memory_space<vmem>> -> memref<128x32xf32, #tpu.memory_space<vmem>>
      %dma_wait3A_97 = arith.constant 0 : i32
      %dma_wait3A_98 = tpu.memref_slice %arg9[%add3A_91, %dma_wait3A_97] : memref<79x128xi32, #tpu.memory_space<vmem>> -> memref<1x128xi32, #tpu.memory_space<vmem>>
      %dma_wait3A_99 = tpu.memref_squeeze %dma_wait3A_98 : memref<1x128xi32, #tpu.memory_space<vmem>> -> memref<128xi32, #tpu.memory_space<vmem>>
      %dma_wait3A_100 = arith.constant 0 : i32
      %dma_wait3A_101 = arith.constant 0 : i32
      %dma_wait3A_102 = tpu.memref_slice %arg5[%dma_wait3A_100, %dma_wait3A_101] : memref<10000x32xf32, #tpu.memory_space<hbm>> -> memref<10000x32xf32, #tpu.memory_space<hbm>>
      tpu.wait_indirect_dma semaphore(%arg13 : memref<!tpu.dma_semaphore, #tpu.memory_space<semaphore_mem>>) src(%dma_wait3A_102 : memref<10000x32xf32, #tpu.memory_space<hbm>>) dst(%dma_wait3A_96 : memref<128x32xf32, #tpu.memory_space<vmem>>)
      %scan3A_103 = arith.constant 0 : i32
      %scan3A_104 = arith.constant 8 : i32
      %scan3A_105 = arith.addi %scan3A_103, %scan3A_104 : i32
      %scan3A_106 = arith.constant 1 : i32
      scf.for %scan3A_209 = %scan3A_103 to %scan3A_105 step %scan3A_106  : i32 {
        %mul3A_210 = arith.constant 1 : i32
        %mul3A_211 = arith.muli %scan3A_209, %mul3A_210 : i32
        %add3A_212 = arith.constant 0 : i32
        %add3A_213 = arith.addi %add3A_212, %mul3A_211 : i32
        %mul3A_214 = arith.constant 16 : i32
        %mul3A_215 = arith.muli %add3A_213, %mul3A_214 : i32
        %get3A = arith.index_cast %add3A_91 : i32 to index
        %get3A_216 = arith.index_cast %mul3A_215 : i32 to index
        %get3A_217 = tpu.vector_load %arg10[%get3A, %get3A_216] {strides = array<i32>} : memref<79x128xf32, #tpu.memory_space<vmem>>, vector<16xf32>,
        %mul3A_218 = arith.constant 16 : i32
        %mul3A_219 = arith.muli %add3A_213, %mul3A_218 : i32
        %add3A_220 = arith.constant 0 : i32
        %add3A_221 = arith.addi %mul3A_219, %add3A_220 : i32
        %slice3A = vector.extract_strided_slice %get3A_217 {offsets = [0], sizes = [1], strides = [1]} : vector<16xf32> to vector<1xf32>
        %squeeze3A = vector.extract %slice3A[0] : f32 from vector<1xf32>
        %broadcast_in_dim3A = vector.broadcast %squeeze3A : f32 to vector<16xf32>
        %get3A_222 = arith.constant 0 : i32
        %get3A_223 = arith.index_cast %get3A_222 : i32 to index
        %get3A_224 = arith.index_cast %add3A_221 : i32 to index
        %get3A_225 = arith.constant 0 : index
        %get3A_226 = tpu.vector_load %arg11[%get3A_223, %get3A_224, %get3A_225] {strides = array<i32>} : memref<3x128x32xf32, #tpu.memory_space<vmem>>, vector<16xf32>,
        %mul3A_227 = arith.mulf %get3A_226, %broadcast_in_dim3A : vector<16xf32>
        %swap3A = arith.constant 0 : i32
        %swap3A_228 = arith.index_cast %swap3A : i32 to index
        %swap3A_229 = arith.index_cast %add3A_221 : i32 to index
        %swap3A_230 = arith.constant 0 : index
        %swap3A_231 = tpu.vector_load %arg11[%swap3A_228, %swap3A_229, %swap3A_230] {strides = array<i32>} : memref<3x128x32xf32, #tpu.memory_space<vmem>>, vector<16xf32>,
        tpu.vector_store %arg11[%swap3A_228, %swap3A_229, %swap3A_230], %mul3A_227 {strides = array<i32>} : memref<3x128x32xf32, #tpu.memory_space<vmem>>, vector<16xf32>,
        %get3A_232 = arith.constant 0 : i32
        %get3A_233 = arith.index_cast %get3A_232 : i32 to index
        %get3A_234 = arith.index_cast %add3A_221 : i32 to index
        %get3A_235 = arith.constant 16 : index
        %get3A_236 = tpu.vector_load %arg11[%get3A_233, %get3A_234, %get3A_235] {strides = array<i32>} : memref<3x128x32xf32, #tpu.memory_space<vmem>>, vector<16xf32>,
        %mul3A_237 = arith.mulf %get3A_236, %broadcast_in_dim3A : vector<16xf32>
        %swap3A_238 = arith.constant 0 : i32
        %swap3A_239 = arith.index_cast %swap3A_238 : i32 to index
        %swap3A_240 = arith.index_cast %add3A_221 : i32 to index
        %swap3A_241 = arith.constant 16 : index
        %swap3A_242 = tpu.vector_load %arg11[%swap3A_239, %swap3A_240, %swap3A_241] {strides = array<i32>} : memref<3x128x32xf32, #tpu.memory_space<vmem>>, vector<16xf32>,
        tpu.vector_store %arg11[%swap3A_239, %swap3A_240, %swap3A_241], %mul3A_237 {strides = array<i32>} : memref<3x128x32xf32, #tpu.memory_space<vmem>>, vector<16xf32>,
        %mul3A_243 = arith.constant 16 : i32
        %mul3A_244 = arith.muli %add3A_213, %mul3A_243 : i32
        %add3A_245 = arith.constant 1 : i32
        %add3A_246 = arith.addi %mul3A_244, %add3A_245 : i32
        %slice3A_247 = vector.extract_strided_slice %get3A_217 {offsets = [1], sizes = [1], strides = [1]} : vector<16xf32> to vector<1xf32>
        %squeeze3A_248 = vector.extract %slice3A_247[0] : f32 from vector<1xf32>
        %broadcast_in_dim3A_249 = vector.broadcast %squeeze3A_248 : f32 to vector<16xf32>
        %get3A_250 = arith.constant 0 : i32
        %get3A_251 = arith.index_cast %get3A_250 : i32 to index
        %get3A_252 = arith.index_cast %add3A_246 : i32 to index
        %get3A_253 = arith.constant 0 : index
        %get3A_254 = tpu.vector_load %arg11[%get3A_251, %get3A_252, %get3A_253] {strides = array<i32>} : memref<3x128x32xf32, #tpu.memory_space<vmem>>, vector<16xf32>,
        %mul3A_255 = arith.mulf %get3A_254, %broadcast_in_dim3A_249 : vector<16xf32>
        %swap3A_256 = arith.constant 0 : i32
        %swap3A_257 = arith.index_cast %swap3A_256 : i32 to index
        %swap3A_258 = arith.index_cast %add3A_246 : i32 to index
        %swap3A_259 = arith.constant 0 : index
        %swap3A_260 = tpu.vector_load %arg11[%swap3A_257, %swap3A_258, %swap3A_259] {strides = array<i32>} : memref<3x128x32xf32, #tpu.memory_space<vmem>>, vector<16xf32>,
        tpu.vector_store %arg11[%swap3A_257, %swap3A_258, %swap3A_259], %mul3A_255 {strides = array<i32>} : memref<3x128x32xf32, #tpu.memory_space<vmem>>, vector<16xf32>,
        %get3A_261 = arith.constant 0 : i32
        %get3A_262 = arith.index_cast %get3A_261 : i32 to index
        %get3A_263 = arith.index_cast %add3A_246 : i32 to index
        %get3A_264 = arith.constant 16 : index
        %get3A_265 = tpu.vector_load %arg11[%get3A_262, %get3A_263, %get3A_264] {strides = array<i32>} : memref<3x128x32xf32, #tpu.memory_space<vmem>>, vector<16xf32>,
        %mul3A_266 = arith.mulf %get3A_265, %broadcast_in_dim3A_249 : vector<16xf32>
        %swap3A_267 = arith.constant 0 : i32
        %swap3A_268 = arith.index_cast %swap3A_267 : i32 to index
        %swap3A_269 = arith.index_cast %add3A_246 : i32 to index
        %swap3A_270 = arith.constant 16 : index
        %swap3A_271 = tpu.vector_load %arg11[%swap3A_268, %swap3A_269, %swap3A_270] {strides = array<i32>} : memref<3x128x32xf32, #tpu.memory_space<vmem>>, vector<16xf32>,
        tpu.vector_store %arg11[%swap3A_268, %swap3A_269, %swap3A_270], %mul3A_266 {strides = array<i32>} : memref<3x128x32xf32, #tpu.memory_space<vmem>>, vector<16xf32>,
        %mul3A_272 = arith.constant 16 : i32
        %mul3A_273 = arith.muli %add3A_213, %mul3A_272 : i32
        %add3A_274 = arith.constant 2 : i32
        %add3A_275 = arith.addi %mul3A_273, %add3A_274 : i32
        %slice3A_276 = vector.extract_strided_slice %get3A_217 {offsets = [2], sizes = [1], strides = [1]} : vector<16xf32> to vector<1xf32>
        %squeeze3A_277 = vector.extract %slice3A_276[0] : f32 from vector<1xf32>
        %broadcast_in_dim3A_278 = vector.broadcast %squeeze3A_277 : f32 to vector<16xf32>
        %get3A_279 = arith.constant 0 : i32
        %get3A_280 = arith.index_cast %get3A_279 : i32 to index
        %get3A_281 = arith.index_cast %add3A_275 : i32 to index
        %get3A_282 = arith.constant 0 : index
        %get3A_283 = tpu.vector_load %arg11[%get3A_280, %get3A_281, %get3A_282] {strides = array<i32>} : memref<3x128x32xf32, #tpu.memory_space<vmem>>, vector<16xf32>,
        %mul3A_284 = arith.mulf %get3A_283, %broadcast_in_dim3A_278 : vector<16xf32>
        %swap3A_285 = arith.constant 0 : i32
        %swap3A_286 = arith.index_cast %swap3A_285 : i32 to index
        %swap3A_287 = arith.index_cast %add3A_275 : i32 to index
        %swap3A_288 = arith.constant 0 : index
        %swap3A_289 = tpu.vector_load %arg11[%swap3A_286, %swap3A_287, %swap3A_288] {strides = array<i32>} : memref<3x128x32xf32, #tpu.memory_space<vmem>>, vector<16xf32>,
        tpu.vector_store %arg11[%swap3A_286, %swap3A_287, %swap3A_288], %mul3A_284 {strides = array<i32>} : memref<3x128x32xf32, #tpu.memory_space<vmem>>, vector<16xf32>,
        %get3A_290 = arith.constant 0 : i32
        %get3A_291 = arith.index_cast %get3A_290 : i32 to index
        %get3A_292 = arith.index_cast %add3A_275 : i32 to index
        %get3A_293 = arith.constant 16 : index
        %get3A_294 = tpu.vector_load %arg11[%get3A_291, %get3A_292, %get3A_293] {strides = array<i32>} : memref<3x128x32xf32, #tpu.memory_space<vmem>>, vector<16xf32>,
        %mul3A_295 = arith.mulf %get3A_294, %broadcast_in_dim3A_278 : vector<16xf32>
        %swap3A_296 = arith.constant 0 : i32
        %swap3A_297 = arith.index_cast %swap3A_296 : i32 to index
        %swap3A_298 = arith.index_cast %add3A_275 : i32 to index
        %swap3A_299 = arith.constant 16 : index
        %swap3A_300 = tpu.vector_load %arg11[%swap3A_297, %swap3A_298, %swap3A_299] {strides = array<i32>} : memref<3x128x32xf32, #tpu.memory_space<vmem>>, vector<16xf32>,
        tpu.vector_store %arg11[%swap3A_297, %swap3A_298, %swap3A_299], %mul3A_295 {strides = array<i32>} : memref<3x128x32xf32, #tpu.memory_space<vmem>>, vector<16xf32>,
        %mul3A_301 = arith.constant 16 : i32
        %mul3A_302 = arith.muli %add3A_213, %mul3A_301 : i32
        %add3A_303 = arith.constant 3 : i32
        %add3A_304 = arith.addi %mul3A_302, %add3A_303 : i32
        %slice3A_305 = vector.extract_strided_slice %get3A_217 {offsets = [3], sizes = [1], strides = [1]} : vector<16xf32> to vector<1xf32>
        %squeeze3A_306 = vector.extract %slice3A_305[0] : f32 from vector<1xf32>
        %broadcast_in_dim3A_307 = vector.broadcast %squeeze3A_306 : f32 to vector<16xf32>
        %get3A_308 = arith.constant 0 : i32
        %get3A_309 = arith.index_cast %get3A_308 : i32 to index
        %get3A_310 = arith.index_cast %add3A_304 : i32 to index
        %get3A_311 = arith.constant 0 : index
        %get3A_312 = tpu.vector_load %arg11[%get3A_309, %get3A_310, %get3A_311] {strides = array<i32>} : memref<3x128x32xf32, #tpu.memory_space<vmem>>, vector<16xf32>,
        %mul3A_313 = arith.mulf %get3A_312, %broadcast_in_dim3A_307 : vector<16xf32>
        %swap3A_314 = arith.constant 0 : i32
        %swap3A_315 = arith.index_cast %swap3A_314 : i32 to index
        %swap3A_316 = arith.index_cast %add3A_304 : i32 to index
        %swap3A_317 = arith.constant 0 : index
        %swap3A_318 = tpu.vector_load %arg11[%swap3A_315, %swap3A_316, %swap3A_317] {strides = array<i32>} : memref<3x128x32xf32, #tpu.memory_space<vmem>>, vector<16xf32>,
        tpu.vector_store %arg11[%swap3A_315, %swap3A_316, %swap3A_317], %mul3A_313 {strides = array<i32>} : memref<3x128x32xf32, #tpu.memory_space<vmem>>, vector<16xf32>,
        %get3A_319 = arith.constant 0 : i32
        %get3A_320 = arith.index_cast %get3A_319 : i32 to index
        %get3A_321 = arith.index_cast %add3A_304 : i32 to index
        %get3A_322 = arith.constant 16 : index
        %get3A_323 = tpu.vector_load %arg11[%get3A_320, %get3A_321, %get3A_322] {strides = array<i32>} : memref<3x128x32xf32, #tpu.memory_space<vmem>>, vector<16xf32>,
        %mul3A_324 = arith.mulf %get3A_323, %broadcast_in_dim3A_307 : vector<16xf32>
        %swap3A_325 = arith.constant 0 : i32
        %swap3A_326 = arith.index_cast %swap3A_325 : i32 to index
        %swap3A_327 = arith.index_cast %add3A_304 : i32 to index
        %swap3A_328 = arith.constant 16 : index
        %swap3A_329 = tpu.vector_load %arg11[%swap3A_326, %swap3A_327, %swap3A_328] {strides = array<i32>} : memref<3x128x32xf32, #tpu.memory_space<vmem>>, vector<16xf32>,
        tpu.vector_store %arg11[%swap3A_326, %swap3A_327, %swap3A_328], %mul3A_324 {strides = array<i32>} : memref<3x128x32xf32, #tpu.memory_space<vmem>>, vector<16xf32>,
        %mul3A_330 = arith.constant 16 : i32
        %mul3A_331 = arith.muli %add3A_213, %mul3A_330 : i32
        %add3A_332 = arith.constant 4 : i32
        %add3A_333 = arith.addi %mul3A_331, %add3A_332 : i32
        %slice3A_334 = vector.extract_strided_slice %get3A_217 {offsets = [4], sizes = [1], strides = [1]} : vector<16xf32> to vector<1xf32>
        %squeeze3A_335 = vector.extract %slice3A_334[0] : f32 from vector<1xf32>
        %broadcast_in_dim3A_336 = vector.broadcast %squeeze3A_335 : f32 to vector<16xf32>
        %get3A_337 = arith.constant 0 : i32
        %get3A_338 = arith.index_cast %get3A_337 : i32 to index
        %get3A_339 = arith.index_cast %add3A_333 : i32 to index
        %get3A_340 = arith.constant 0 : index
        %get3A_341 = tpu.vector_load %arg11[%get3A_338, %get3A_339, %get3A_340] {strides = array<i32>} : memref<3x128x32xf32, #tpu.memory_space<vmem>>, vector<16xf32>,
        %mul3A_342 = arith.mulf %get3A_341, %broadcast_in_dim3A_336 : vector<16xf32>
        %swap3A_343 = arith.constant 0 : i32
        %swap3A_344 = arith.index_cast %swap3A_343 : i32 to index
        %swap3A_345 = arith.index_cast %add3A_333 : i32 to index
        %swap3A_346 = arith.constant 0 : index
        %swap3A_347 = tpu.vector_load %arg11[%swap3A_344, %swap3A_345, %swap3A_346] {strides = array<i32>} : memref<3x128x32xf32, #tpu.memory_space<vmem>>, vector<16xf32>,
        tpu.vector_store %arg11[%swap3A_344, %swap3A_345, %swap3A_346], %mul3A_342 {strides = array<i32>} : memref<3x128x32xf32, #tpu.memory_space<vmem>>, vector<16xf32>,
        %get3A_348 = arith.constant 0 : i32
        %get3A_349 = arith.index_cast %get3A_348 : i32 to index
        %get3A_350 = arith.index_cast %add3A_333 : i32 to index
        %get3A_351 = arith.constant 16 : index
        %get3A_352 = tpu.vector_load %arg11[%get3A_349, %get3A_350, %get3A_351] {strides = array<i32>} : memref<3x128x32xf32, #tpu.memory_space<vmem>>, vector<16xf32>,
        %mul3A_353 = arith.mulf %get3A_352, %broadcast_in_dim3A_336 : vector<16xf32>
        %swap3A_354 = arith.constant 0 : i32
        %swap3A_355 = arith.index_cast %swap3A_354 : i32 to index
        %swap3A_356 = arith.index_cast %add3A_333 : i32 to index
        %swap3A_357 = arith.constant 16 : index
        %swap3A_358 = tpu.vector_load %arg11[%swap3A_355, %swap3A_356, %swap3A_357] {strides = array<i32>} : memref<3x128x32xf32, #tpu.memory_space<vmem>>, vector<16xf32>,
        tpu.vector_store %arg11[%swap3A_355, %swap3A_356, %swap3A_357], %mul3A_353 {strides = array<i32>} : memref<3x128x32xf32, #tpu.memory_space<vmem>>, vector<16xf32>,
        %mul3A_359 = arith.constant 16 : i32
        %mul3A_360 = arith.muli %add3A_213, %mul3A_359 : i32
        %add3A_361 = arith.constant 5 : i32
        %add3A_362 = arith.addi %mul3A_360, %add3A_361 : i32
        %slice3A_363 = vector.extract_strided_slice %get3A_217 {offsets = [5], sizes = [1], strides = [1]} : vector<16xf32> to vector<1xf32>
        %squeeze3A_364 = vector.extract %slice3A_363[0] : f32 from vector<1xf32>
        %broadcast_in_dim3A_365 = vector.broadcast %squeeze3A_364 : f32 to vector<16xf32>
        %get3A_366 = arith.constant 0 : i32
        %get3A_367 = arith.index_cast %get3A_366 : i32 to index
        %get3A_368 = arith.index_cast %add3A_362 : i32 to index
        %get3A_369 = arith.constant 0 : index
        %get3A_370 = tpu.vector_load %arg11[%get3A_367, %get3A_368, %get3A_369] {strides = array<i32>} : memref<3x128x32xf32, #tpu.memory_space<vmem>>, vector<16xf32>,
        %mul3A_371 = arith.mulf %get3A_370, %broadcast_in_dim3A_365 : vector<16xf32>
        %swap3A_372 = arith.constant 0 : i32
        %swap3A_373 = arith.index_cast %swap3A_372 : i32 to index
        %swap3A_374 = arith.index_cast %add3A_362 : i32 to index
        %swap3A_375 = arith.constant 0 : index
        %swap3A_376 = tpu.vector_load %arg11[%swap3A_373, %swap3A_374, %swap3A_375] {strides = array<i32>} : memref<3x128x32xf32, #tpu.memory_space<vmem>>, vector<16xf32>,
        tpu.vector_store %arg11[%swap3A_373, %swap3A_374, %swap3A_375], %mul3A_371 {strides = array<i32>} : memref<3x128x32xf32, #tpu.memory_space<vmem>>, vector<16xf32>,
        %get3A_377 = arith.constant 0 : i32
        %get3A_378 = arith.index_cast %get3A_377 : i32 to index
        %get3A_379 = arith.index_cast %add3A_362 : i32 to index
        %get3A_380 = arith.constant 16 : index
        %get3A_381 = tpu.vector_load %arg11[%get3A_378, %get3A_379, %get3A_380] {strides = array<i32>} : memref<3x128x32xf32, #tpu.memory_space<vmem>>, vector<16xf32>,
        %mul3A_382 = arith.mulf %get3A_381, %broadcast_in_dim3A_365 : vector<16xf32>
        %swap3A_383 = arith.constant 0 : i32
        %swap3A_384 = arith.index_cast %swap3A_383 : i32 to index
        %swap3A_385 = arith.index_cast %add3A_362 : i32 to index
        %swap3A_386 = arith.constant 16 : index
        %swap3A_387 = tpu.vector_load %arg11[%swap3A_384, %swap3A_385, %swap3A_386] {strides = array<i32>} : memref<3x128x32xf32, #tpu.memory_space<vmem>>, vector<16xf32>,
        tpu.vector_store %arg11[%swap3A_384, %swap3A_385, %swap3A_386], %mul3A_382 {strides = array<i32>} : memref<3x128x32xf32, #tpu.memory_space<vmem>>, vector<16xf32>,
        %mul3A_388 = arith.constant 16 : i32
        %mul3A_389 = arith.muli %add3A_213, %mul3A_388 : i32
        %add3A_390 = arith.constant 6 : i32
        %add3A_391 = arith.addi %mul3A_389, %add3A_390 : i32
        %slice3A_392 = vector.extract_strided_slice %get3A_217 {offsets = [6], sizes = [1], strides = [1]} : vector<16xf32> to vector<1xf32>
        %squeeze3A_393 = vector.extract %slice3A_392[0] : f32 from vector<1xf32>
        %broadcast_in_dim3A_394 = vector.broadcast %squeeze3A_393 : f32 to vector<16xf32>
        %get3A_395 = arith.constant 0 : i32
        %get3A_396 = arith.index_cast %get3A_395 : i32 to index
        %get3A_397 = arith.index_cast %add3A_391 : i32 to index
        %get3A_398 = arith.constant 0 : index
        %get3A_399 = tpu.vector_load %arg11[%get3A_396, %get3A_397, %get3A_398] {strides = array<i32>} : memref<3x128x32xf32, #tpu.memory_space<vmem>>, vector<16xf32>,
        %mul3A_400 = arith.mulf %get3A_399, %broadcast_in_dim3A_394 : vector<16xf32>
        %swap3A_401 = arith.constant 0 : i32
        %swap3A_402 = arith.index_cast %swap3A_401 : i32 to index
        %swap3A_403 = arith.index_cast %add3A_391 : i32 to index
        %swap3A_404 = arith.constant 0 : index
        %swap3A_405 = tpu.vector_load %arg11[%swap3A_402, %swap3A_403, %swap3A_404] {strides = array<i32>} : memref<3x128x32xf32, #tpu.memory_space<vmem>>, vector<16xf32>,
        tpu.vector_store %arg11[%swap3A_402, %swap3A_403, %swap3A_404], %mul3A_400 {strides = array<i32>} : memref<3x128x32xf32, #tpu.memory_space<vmem>>, vector<16xf32>,
        %get3A_406 = arith.constant 0 : i32
        %get3A_407 = arith.index_cast %get3A_406 : i32 to index
        %get3A_408 = arith.index_cast %add3A_391 : i32 to index
        %get3A_409 = arith.constant 16 : index
        %get3A_410 = tpu.vector_load %arg11[%get3A_407, %get3A_408, %get3A_409] {strides = array<i32>} : memref<3x128x32xf32, #tpu.memory_space<vmem>>, vector<16xf32>,
        %mul3A_411 = arith.mulf %get3A_410, %broadcast_in_dim3A_394 : vector<16xf32>
        %swap3A_412 = arith.constant 0 : i32
        %swap3A_413 = arith.index_cast %swap3A_412 : i32 to index
        %swap3A_414 = arith.index_cast %add3A_391 : i32 to index
        %swap3A_415 = arith.constant 16 : index
        %swap3A_416 = tpu.vector_load %arg11[%swap3A_413, %swap3A_414, %swap3A_415] {strides = array<i32>} : memref<3x128x32xf32, #tpu.memory_space<vmem>>, vector<16xf32>,
        tpu.vector_store %arg11[%swap3A_413, %swap3A_414, %swap3A_415], %mul3A_411 {strides = array<i32>} : memref<3x128x32xf32, #tpu.memory_space<vmem>>, vector<16xf32>,
        %mul3A_417 = arith.constant 16 : i32
        %mul3A_418 = arith.muli %add3A_213, %mul3A_417 : i32
        %add3A_419 = arith.constant 7 : i32
        %add3A_420 = arith.addi %mul3A_418, %add3A_419 : i32
        %slice3A_421 = vector.extract_strided_slice %get3A_217 {offsets = [7], sizes = [1], strides = [1]} : vector<16xf32> to vector<1xf32>
        %squeeze3A_422 = vector.extract %slice3A_421[0] : f32 from vector<1xf32>
        %broadcast_in_dim3A_423 = vector.broadcast %squeeze3A_422 : f32 to vector<16xf32>
        %get3A_424 = arith.constant 0 : i32
        %get3A_425 = arith.index_cast %get3A_424 : i32 to index
        %get3A_426 = arith.index_cast %add3A_420 : i32 to index
        %get3A_427 = arith.constant 0 : index
        %get3A_428 = tpu.vector_load %arg11[%get3A_425, %get3A_426, %get3A_427] {strides = array<i32>} : memref<3x128x32xf32, #tpu.memory_space<vmem>>, vector<16xf32>,
        %mul3A_429 = arith.mulf %get3A_428, %broadcast_in_dim3A_423 : vector<16xf32>
        %swap3A_430 = arith.constant 0 : i32
        %swap3A_431 = arith.index_cast %swap3A_430 : i32 to index
        %swap3A_432 = arith.index_cast %add3A_420 : i32 to index
        %swap3A_433 = arith.constant 0 : index
        %swap3A_434 = tpu.vector_load %arg11[%swap3A_431, %swap3A_432, %swap3A_433] {strides = array<i32>} : memref<3x128x32xf32, #tpu.memory_space<vmem>>, vector<16xf32>,
        tpu.vector_store %arg11[%swap3A_431, %swap3A_432, %swap3A_433], %mul3A_429 {strides = array<i32>} : memref<3x128x32xf32, #tpu.memory_space<vmem>>, vector<16xf32>,
        %get3A_435 = arith.constant 0 : i32
        %get3A_436 = arith.index_cast %get3A_435 : i32 to index
        %get3A_437 = arith.index_cast %add3A_420 : i32 to index
        %get3A_438 = arith.constant 16 : index
        %get3A_439 = tpu.vector_load %arg11[%get3A_436, %get3A_437, %get3A_438] {strides = array<i32>} : memref<3x128x32xf32, #tpu.memory_space<vmem>>, vector<16xf32>,
        %mul3A_440 = arith.mulf %get3A_439, %broadcast_in_dim3A_423 : vector<16xf32>
        %swap3A_441 = arith.constant 0 : i32
        %swap3A_442 = arith.index_cast %swap3A_441 : i32 to index
        %swap3A_443 = arith.index_cast %add3A_420 : i32 to index
        %swap3A_444 = arith.constant 16 : index
        %swap3A_445 = tpu.vector_load %arg11[%swap3A_442, %swap3A_443, %swap3A_444] {strides = array<i32>} : memref<3x128x32xf32, #tpu.memory_space<vmem>>, vector<16xf32>,
        tpu.vector_store %arg11[%swap3A_442, %swap3A_443, %swap3A_444], %mul3A_440 {strides = array<i32>} : memref<3x128x32xf32, #tpu.memory_space<vmem>>, vector<16xf32>,
        %mul3A_446 = arith.constant 16 : i32
        %mul3A_447 = arith.muli %add3A_213, %mul3A_446 : i32
        %add3A_448 = arith.constant 8 : i32
        %add3A_449 = arith.addi %mul3A_447, %add3A_448 : i32
        %slice3A_450 = vector.extract_strided_slice %get3A_217 {offsets = [8], sizes = [1], strides = [1]} : vector<16xf32> to vector<1xf32>
        %squeeze3A_451 = vector.extract %slice3A_450[0] : f32 from vector<1xf32>
        %broadcast_in_dim3A_452 = vector.broadcast %squeeze3A_451 : f32 to vector<16xf32>
        %get3A_453 = arith.constant 0 : i32
        %get3A_454 = arith.index_cast %get3A_453 : i32 to index
        %get3A_455 = arith.index_cast %add3A_449 : i32 to index
        %get3A_456 = arith.constant 0 : index
        %get3A_457 = tpu.vector_load %arg11[%get3A_454, %get3A_455, %get3A_456] {strides = array<i32>} : memref<3x128x32xf32, #tpu.memory_space<vmem>>, vector<16xf32>,
        %mul3A_458 = arith.mulf %get3A_457, %broadcast_in_dim3A_452 : vector<16xf32>
        %swap3A_459 = arith.constant 0 : i32
        %swap3A_460 = arith.index_cast %swap3A_459 : i32 to index
        %swap3A_461 = arith.index_cast %add3A_449 : i32 to index
        %swap3A_462 = arith.constant 0 : index
        %swap3A_463 = tpu.vector_load %arg11[%swap3A_460, %swap3A_461, %swap3A_462] {strides = array<i32>} : memref<3x128x32xf32, #tpu.memory_space<vmem>>, vector<16xf32>,
        tpu.vector_store %arg11[%swap3A_460, %swap3A_461, %swap3A_462], %mul3A_458 {strides = array<i32>} : memref<3x128x32xf32, #tpu.memory_space<vmem>>, vector<16xf32>,
        %get3A_464 = arith.constant 0 : i32
        %get3A_465 = arith.index_cast %get3A_464 : i32 to index
        %get3A_466 = arith.index_cast %add3A_449 : i32 to index
        %get3A_467 = arith.constant 16 : index
        %get3A_468 = tpu.vector_load %arg11[%get3A_465, %get3A_466, %get3A_467] {strides = array<i32>} : memref<3x128x32xf32, #tpu.memory_space<vmem>>, vector<16xf32>,
        %mul3A_469 = arith.mulf %get3A_468, %broadcast_in_dim3A_452 : vector<16xf32>
        %swap3A_470 = arith.constant 0 : i32
        %swap3A_471 = arith.index_cast %swap3A_470 : i32 to index
        %swap3A_472 = arith.index_cast %add3A_449 : i32 to index
        %swap3A_473 = arith.constant 16 : index
        %swap3A_474 = tpu.vector_load %arg11[%swap3A_471, %swap3A_472, %swap3A_473] {strides = array<i32>} : memref<3x128x32xf32, #tpu.memory_space<vmem>>, vector<16xf32>,
        tpu.vector_store %arg11[%swap3A_471, %swap3A_472, %swap3A_473], %mul3A_469 {strides = array<i32>} : memref<3x128x32xf32, #tpu.memory_space<vmem>>, vector<16xf32>,
        %mul3A_475 = arith.constant 16 : i32
        %mul3A_476 = arith.muli %add3A_213, %mul3A_475 : i32
        %add3A_477 = arith.constant 9 : i32
        %add3A_478 = arith.addi %mul3A_476, %add3A_477 : i32
        %slice3A_479 = vector.extract_strided_slice %get3A_217 {offsets = [9], sizes = [1], strides = [1]} : vector<16xf32> to vector<1xf32>
        %squeeze3A_480 = vector.extract %slice3A_479[0] : f32 from vector<1xf32>
        %broadcast_in_dim3A_481 = vector.broadcast %squeeze3A_480 : f32 to vector<16xf32>
        %get3A_482 = arith.constant 0 : i32
        %get3A_483 = arith.index_cast %get3A_482 : i32 to index
        %get3A_484 = arith.index_cast %add3A_478 : i32 to index
        %get3A_485 = arith.constant 0 : index
        %get3A_486 = tpu.vector_load %arg11[%get3A_483, %get3A_484, %get3A_485] {strides = array<i32>} : memref<3x128x32xf32, #tpu.memory_space<vmem>>, vector<16xf32>,
        %mul3A_487 = arith.mulf %get3A_486, %broadcast_in_dim3A_481 : vector<16xf32>
        %swap3A_488 = arith.constant 0 : i32
        %swap3A_489 = arith.index_cast %swap3A_488 : i32 to index
        %swap3A_490 = arith.index_cast %add3A_478 : i32 to index
        %swap3A_491 = arith.constant 0 : index
        %swap3A_492 = tpu.vector_load %arg11[%swap3A_489, %swap3A_490, %swap3A_491] {strides = array<i32>} : memref<3x128x32xf32, #tpu.memory_space<vmem>>, vector<16xf32>,
        tpu.vector_store %arg11[%swap3A_489, %swap3A_490, %swap3A_491], %mul3A_487 {strides = array<i32>} : memref<3x128x32xf32, #tpu.memory_space<vmem>>, vector<16xf32>,
        %get3A_493 = arith.constant 0 : i32
        %get3A_494 = arith.index_cast %get3A_493 : i32 to index
        %get3A_495 = arith.index_cast %add3A_478 : i32 to index
        %get3A_496 = arith.constant 16 : index
        %get3A_497 = tpu.vector_load %arg11[%get3A_494, %get3A_495, %get3A_496] {strides = array<i32>} : memref<3x128x32xf32, #tpu.memory_space<vmem>>, vector<16xf32>,
        %mul3A_498 = arith.mulf %get3A_497, %broadcast_in_dim3A_481 : vector<16xf32>
        %swap3A_499 = arith.constant 0 : i32
        %swap3A_500 = arith.index_cast %swap3A_499 : i32 to index
        %swap3A_501 = arith.index_cast %add3A_478 : i32 to index
        %swap3A_502 = arith.constant 16 : index
        %swap3A_503 = tpu.vector_load %arg11[%swap3A_500, %swap3A_501, %swap3A_502] {strides = array<i32>} : memref<3x128x32xf32, #tpu.memory_space<vmem>>, vector<16xf32>,
        tpu.vector_store %arg11[%swap3A_500, %swap3A_501, %swap3A_502], %mul3A_498 {strides = array<i32>} : memref<3x128x32xf32, #tpu.memory_space<vmem>>, vector<16xf32>,
        %mul3A_504 = arith.constant 16 : i32
        %mul3A_505 = arith.muli %add3A_213, %mul3A_504 : i32
        %add3A_506 = arith.constant 10 : i32
        %add3A_507 = arith.addi %mul3A_505, %add3A_506 : i32
        %slice3A_508 = vector.extract_strided_slice %get3A_217 {offsets = [10], sizes = [1], strides = [1]} : vector<16xf32> to vector<1xf32>
        %squeeze3A_509 = vector.extract %slice3A_508[0] : f32 from vector<1xf32>
        %broadcast_in_dim3A_510 = vector.broadcast %squeeze3A_509 : f32 to vector<16xf32>
        %get3A_511 = arith.constant 0 : i32
        %get3A_512 = arith.index_cast %get3A_511 : i32 to index
        %get3A_513 = arith.index_cast %add3A_507 : i32 to index
        %get3A_514 = arith.constant 0 : index
        %get3A_515 = tpu.vector_load %arg11[%get3A_512, %get3A_513, %get3A_514] {strides = array<i32>} : memref<3x128x32xf32, #tpu.memory_space<vmem>>, vector<16xf32>,
        %mul3A_516 = arith.mulf %get3A_515, %broadcast_in_dim3A_510 : vector<16xf32>
        %swap3A_517 = arith.constant 0 : i32
        %swap3A_518 = arith.index_cast %swap3A_517 : i32 to index
        %swap3A_519 = arith.index_cast %add3A_507 : i32 to index
        %swap3A_520 = arith.constant 0 : index
        %swap3A_521 = tpu.vector_load %arg11[%swap3A_518, %swap3A_519, %swap3A_520] {strides = array<i32>} : memref<3x128x32xf32, #tpu.memory_space<vmem>>, vector<16xf32>,
        tpu.vector_store %arg11[%swap3A_518, %swap3A_519, %swap3A_520], %mul3A_516 {strides = array<i32>} : memref<3x128x32xf32, #tpu.memory_space<vmem>>, vector<16xf32>,
        %get3A_522 = arith.constant 0 : i32
        %get3A_523 = arith.index_cast %get3A_522 : i32 to index
        %get3A_524 = arith.index_cast %add3A_507 : i32 to index
        %get3A_525 = arith.constant 16 : index
        %get3A_526 = tpu.vector_load %arg11[%get3A_523, %get3A_524, %get3A_525] {strides = array<i32>} : memref<3x128x32xf32, #tpu.memory_space<vmem>>, vector<16xf32>,
        %mul3A_527 = arith.mulf %get3A_526, %broadcast_in_dim3A_510 : vector<16xf32>
        %swap3A_528 = arith.constant 0 : i32
        %swap3A_529 = arith.index_cast %swap3A_528 : i32 to index
        %swap3A_530 = arith.index_cast %add3A_507 : i32 to index
        %swap3A_531 = arith.constant 16 : index
        %swap3A_532 = tpu.vector_load %arg11[%swap3A_529, %swap3A_530, %swap3A_531] {strides = array<i32>} : memref<3x128x32xf32, #tpu.memory_space<vmem>>, vector<16xf32>,
        tpu.vector_store %arg11[%swap3A_529, %swap3A_530, %swap3A_531], %mul3A_527 {strides = array<i32>} : memref<3x128x32xf32, #tpu.memory_space<vmem>>, vector<16xf32>,
        %mul3A_533 = arith.constant 16 : i32
        %mul3A_534 = arith.muli %add3A_213, %mul3A_533 : i32
        %add3A_535 = arith.constant 11 : i32
        %add3A_536 = arith.addi %mul3A_534, %add3A_535 : i32
        %slice3A_537 = vector.extract_strided_slice %get3A_217 {offsets = [11], sizes = [1], strides = [1]} : vector<16xf32> to vector<1xf32>
        %squeeze3A_538 = vector.extract %slice3A_537[0] : f32 from vector<1xf32>
        %broadcast_in_dim3A_539 = vector.broadcast %squeeze3A_538 : f32 to vector<16xf32>
        %get3A_540 = arith.constant 0 : i32
        %get3A_541 = arith.index_cast %get3A_540 : i32 to index
        %get3A_542 = arith.index_cast %add3A_536 : i32 to index
        %get3A_543 = arith.constant 0 : index
        %get3A_544 = tpu.vector_load %arg11[%get3A_541, %get3A_542, %get3A_543] {strides = array<i32>} : memref<3x128x32xf32, #tpu.memory_space<vmem>>, vector<16xf32>,
        %mul3A_545 = arith.mulf %get3A_544, %broadcast_in_dim3A_539 : vector<16xf32>
        %swap3A_546 = arith.constant 0 : i32
        %swap3A_547 = arith.index_cast %swap3A_546 : i32 to index
        %swap3A_548 = arith.index_cast %add3A_536 : i32 to index
        %swap3A_549 = arith.constant 0 : index
        %swap3A_550 = tpu.vector_load %arg11[%swap3A_547, %swap3A_548, %swap3A_549] {strides = array<i32>} : memref<3x128x32xf32, #tpu.memory_space<vmem>>, vector<16xf32>,
        tpu.vector_store %arg11[%swap3A_547, %swap3A_548, %swap3A_549], %mul3A_545 {strides = array<i32>} : memref<3x128x32xf32, #tpu.memory_space<vmem>>, vector<16xf32>,
        %get3A_551 = arith.constant 0 : i32
        %get3A_552 = arith.index_cast %get3A_551 : i32 to index
        %get3A_553 = arith.index_cast %add3A_536 : i32 to index
        %get3A_554 = arith.constant 16 : index
        %get3A_555 = tpu.vector_load %arg11[%get3A_552, %get3A_553, %get3A_554] {strides = array<i32>} : memref<3x128x32xf32, #tpu.memory_space<vmem>>, vector<16xf32>,
        %mul3A_556 = arith.mulf %get3A_555, %broadcast_in_dim3A_539 : vector<16xf32>
        %swap3A_557 = arith.constant 0 : i32
        %swap3A_558 = arith.index_cast %swap3A_557 : i32 to index
        %swap3A_559 = arith.index_cast %add3A_536 : i32 to index
        %swap3A_560 = arith.constant 16 : index
        %swap3A_561 = tpu.vector_load %arg11[%swap3A_558, %swap3A_559, %swap3A_560] {strides = array<i32>} : memref<3x128x32xf32, #tpu.memory_space<vmem>>, vector<16xf32>,
        tpu.vector_store %arg11[%swap3A_558, %swap3A_559, %swap3A_560], %mul3A_556 {strides = array<i32>} : memref<3x128x32xf32, #tpu.memory_space<vmem>>, vector<16xf32>,
        %mul3A_562 = arith.constant 16 : i32
        %mul3A_563 = arith.muli %add3A_213, %mul3A_562 : i32
        %add3A_564 = arith.constant 12 : i32
        %add3A_565 = arith.addi %mul3A_563, %add3A_564 : i32
        %slice3A_566 = vector.extract_strided_slice %get3A_217 {offsets = [12], sizes = [1], strides = [1]} : vector<16xf32> to vector<1xf32>
        %squeeze3A_567 = vector.extract %slice3A_566[0] : f32 from vector<1xf32>
        %broadcast_in_dim3A_568 = vector.broadcast %squeeze3A_567 : f32 to vector<16xf32>
        %get3A_569 = arith.constant 0 : i32
        %get3A_570 = arith.index_cast %get3A_569 : i32 to index
        %get3A_571 = arith.index_cast %add3A_565 : i32 to index
        %get3A_572 = arith.constant 0 : index
        %get3A_573 = tpu.vector_load %arg11[%get3A_570, %get3A_571, %get3A_572] {strides = array<i32>} : memref<3x128x32xf32, #tpu.memory_space<vmem>>, vector<16xf32>,
        %mul3A_574 = arith.mulf %get3A_573, %broadcast_in_dim3A_568 : vector<16xf32>
        %swap3A_575 = arith.constant 0 : i32
        %swap3A_576 = arith.index_cast %swap3A_575 : i32 to index
        %swap3A_577 = arith.index_cast %add3A_565 : i32 to index
        %swap3A_578 = arith.constant 0 : index
        %swap3A_579 = tpu.vector_load %arg11[%swap3A_576, %swap3A_577, %swap3A_578] {strides = array<i32>} : memref<3x128x32xf32, #tpu.memory_space<vmem>>, vector<16xf32>,
        tpu.vector_store %arg11[%swap3A_576, %swap3A_577, %swap3A_578], %mul3A_574 {strides = array<i32>} : memref<3x128x32xf32, #tpu.memory_space<vmem>>, vector<16xf32>,
        %get3A_580 = arith.constant 0 : i32
        %get3A_581 = arith.index_cast %get3A_580 : i32 to index
        %get3A_582 = arith.index_cast %add3A_565 : i32 to index
        %get3A_583 = arith.constant 16 : index
        %get3A_584 = tpu.vector_load %arg11[%get3A_581, %get3A_582, %get3A_583] {strides = array<i32>} : memref<3x128x32xf32, #tpu.memory_space<vmem>>, vector<16xf32>,
        %mul3A_585 = arith.mulf %get3A_584, %broadcast_in_dim3A_568 : vector<16xf32>
        %swap3A_586 = arith.constant 0 : i32
        %swap3A_587 = arith.index_cast %swap3A_586 : i32 to index
        %swap3A_588 = arith.index_cast %add3A_565 : i32 to index
        %swap3A_589 = arith.constant 16 : index
        %swap3A_590 = tpu.vector_load %arg11[%swap3A_587, %swap3A_588, %swap3A_589] {strides = array<i32>} : memref<3x128x32xf32, #tpu.memory_space<vmem>>, vector<16xf32>,
        tpu.vector_store %arg11[%swap3A_587, %swap3A_588, %swap3A_589], %mul3A_585 {strides = array<i32>} : memref<3x128x32xf32, #tpu.memory_space<vmem>>, vector<16xf32>,
        %mul3A_591 = arith.constant 16 : i32
        %mul3A_592 = arith.muli %add3A_213, %mul3A_591 : i32
        %add3A_593 = arith.constant 13 : i32
        %add3A_594 = arith.addi %mul3A_592, %add3A_593 : i32
        %slice3A_595 = vector.extract_strided_slice %get3A_217 {offsets = [13], sizes = [1], strides = [1]} : vector<16xf32> to vector<1xf32>
        %squeeze3A_596 = vector.extract %slice3A_595[0] : f32 from vector<1xf32>
        %broadcast_in_dim3A_597 = vector.broadcast %squeeze3A_596 : f32 to vector<16xf32>
        %get3A_598 = arith.constant 0 : i32
        %get3A_599 = arith.index_cast %get3A_598 : i32 to index
        %get3A_600 = arith.index_cast %add3A_594 : i32 to index
        %get3A_601 = arith.constant 0 : index
        %get3A_602 = tpu.vector_load %arg11[%get3A_599, %get3A_600, %get3A_601] {strides = array<i32>} : memref<3x128x32xf32, #tpu.memory_space<vmem>>, vector<16xf32>,
        %mul3A_603 = arith.mulf %get3A_602, %broadcast_in_dim3A_597 : vector<16xf32>
        %swap3A_604 = arith.constant 0 : i32
        %swap3A_605 = arith.index_cast %swap3A_604 : i32 to index
        %swap3A_606 = arith.index_cast %add3A_594 : i32 to index
        %swap3A_607 = arith.constant 0 : index
        %swap3A_608 = tpu.vector_load %arg11[%swap3A_605, %swap3A_606, %swap3A_607] {strides = array<i32>} : memref<3x128x32xf32, #tpu.memory_space<vmem>>, vector<16xf32>,
        tpu.vector_store %arg11[%swap3A_605, %swap3A_606, %swap3A_607], %mul3A_603 {strides = array<i32>} : memref<3x128x32xf32, #tpu.memory_space<vmem>>, vector<16xf32>,
        %get3A_609 = arith.constant 0 : i32
        %get3A_610 = arith.index_cast %get3A_609 : i32 to index
        %get3A_611 = arith.index_cast %add3A_594 : i32 to index
        %get3A_612 = arith.constant 16 : index
        %get3A_613 = tpu.vector_load %arg11[%get3A_610, %get3A_611, %get3A_612] {strides = array<i32>} : memref<3x128x32xf32, #tpu.memory_space<vmem>>, vector<16xf32>,
        %mul3A_614 = arith.mulf %get3A_613, %broadcast_in_dim3A_597 : vector<16xf32>
        %swap3A_615 = arith.constant 0 : i32
        %swap3A_616 = arith.index_cast %swap3A_615 : i32 to index
        %swap3A_617 = arith.index_cast %add3A_594 : i32 to index
        %swap3A_618 = arith.constant 16 : index
        %swap3A_619 = tpu.vector_load %arg11[%swap3A_616, %swap3A_617, %swap3A_618] {strides = array<i32>} : memref<3x128x32xf32, #tpu.memory_space<vmem>>, vector<16xf32>,
        tpu.vector_store %arg11[%swap3A_616, %swap3A_617, %swap3A_618], %mul3A_614 {strides = array<i32>} : memref<3x128x32xf32, #tpu.memory_space<vmem>>, vector<16xf32>,
        %mul3A_620 = arith.constant 16 : i32
        %mul3A_621 = arith.muli %add3A_213, %mul3A_620 : i32
        %add3A_622 = arith.constant 14 : i32
        %add3A_623 = arith.addi %mul3A_621, %add3A_622 : i32
        %slice3A_624 = vector.extract_strided_slice %get3A_217 {offsets = [14], sizes = [1], strides = [1]} : vector<16xf32> to vector<1xf32>
        %squeeze3A_625 = vector.extract %slice3A_624[0] : f32 from vector<1xf32>
        %broadcast_in_dim3A_626 = vector.broadcast %squeeze3A_625 : f32 to vector<16xf32>
        %get3A_627 = arith.constant 0 : i32
        %get3A_628 = arith.index_cast %get3A_627 : i32 to index
        %get3A_629 = arith.index_cast %add3A_623 : i32 to index
        %get3A_630 = arith.constant 0 : index
        %get3A_631 = tpu.vector_load %arg11[%get3A_628, %get3A_629, %get3A_630] {strides = array<i32>} : memref<3x128x32xf32, #tpu.memory_space<vmem>>, vector<16xf32>,
        %mul3A_632 = arith.mulf %get3A_631, %broadcast_in_dim3A_626 : vector<16xf32>
        %swap3A_633 = arith.constant 0 : i32
        %swap3A_634 = arith.index_cast %swap3A_633 : i32 to index
        %swap3A_635 = arith.index_cast %add3A_623 : i32 to index
        %swap3A_636 = arith.constant 0 : index
        %swap3A_637 = tpu.vector_load %arg11[%swap3A_634, %swap3A_635, %swap3A_636] {strides = array<i32>} : memref<3x128x32xf32, #tpu.memory_space<vmem>>, vector<16xf32>,
        tpu.vector_store %arg11[%swap3A_634, %swap3A_635, %swap3A_636], %mul3A_632 {strides = array<i32>} : memref<3x128x32xf32, #tpu.memory_space<vmem>>, vector<16xf32>,
        %get3A_638 = arith.constant 0 : i32
        %get3A_639 = arith.index_cast %get3A_638 : i32 to index
        %get3A_640 = arith.index_cast %add3A_623 : i32 to index
        %get3A_641 = arith.constant 16 : index
        %get3A_642 = tpu.vector_load %arg11[%get3A_639, %get3A_640, %get3A_641] {strides = array<i32>} : memref<3x128x32xf32, #tpu.memory_space<vmem>>, vector<16xf32>,
        %mul3A_643 = arith.mulf %get3A_642, %broadcast_in_dim3A_626 : vector<16xf32>
        %swap3A_644 = arith.constant 0 : i32
        %swap3A_645 = arith.index_cast %swap3A_644 : i32 to index
        %swap3A_646 = arith.index_cast %add3A_623 : i32 to index
        %swap3A_647 = arith.constant 16 : index
        %swap3A_648 = tpu.vector_load %arg11[%swap3A_645, %swap3A_646, %swap3A_647] {strides = array<i32>} : memref<3x128x32xf32, #tpu.memory_space<vmem>>, vector<16xf32>,
        tpu.vector_store %arg11[%swap3A_645, %swap3A_646, %swap3A_647], %mul3A_643 {strides = array<i32>} : memref<3x128x32xf32, #tpu.memory_space<vmem>>, vector<16xf32>,
        %mul3A_649 = arith.constant 16 : i32
        %mul3A_650 = arith.muli %add3A_213, %mul3A_649 : i32
        %add3A_651 = arith.constant 15 : i32
        %add3A_652 = arith.addi %mul3A_650, %add3A_651 : i32
        %slice3A_653 = vector.extract_strided_slice %get3A_217 {offsets = [15], sizes = [1], strides = [1]} : vector<16xf32> to vector<1xf32>
        %squeeze3A_654 = vector.extract %slice3A_653[0] : f32 from vector<1xf32>
        %broadcast_in_dim3A_655 = vector.broadcast %squeeze3A_654 : f32 to vector<16xf32>
        %get3A_656 = arith.constant 0 : i32
        %get3A_657 = arith.index_cast %get3A_656 : i32 to index
        %get3A_658 = arith.index_cast %add3A_652 : i32 to index
        %get3A_659 = arith.constant 0 : index
        %get3A_660 = tpu.vector_load %arg11[%get3A_657, %get3A_658, %get3A_659] {strides = array<i32>} : memref<3x128x32xf32, #tpu.memory_space<vmem>>, vector<16xf32>,
        %mul3A_661 = arith.mulf %get3A_660, %broadcast_in_dim3A_655 : vector<16xf32>
        %swap3A_662 = arith.constant 0 : i32
        %swap3A_663 = arith.index_cast %swap3A_662 : i32 to index
        %swap3A_664 = arith.index_cast %add3A_652 : i32 to index
        %swap3A_665 = arith.constant 0 : index
        %swap3A_666 = tpu.vector_load %arg11[%swap3A_663, %swap3A_664, %swap3A_665] {strides = array<i32>} : memref<3x128x32xf32, #tpu.memory_space<vmem>>, vector<16xf32>,
        tpu.vector_store %arg11[%swap3A_663, %swap3A_664, %swap3A_665], %mul3A_661 {strides = array<i32>} : memref<3x128x32xf32, #tpu.memory_space<vmem>>, vector<16xf32>,
        %get3A_667 = arith.constant 0 : i32
        %get3A_668 = arith.index_cast %get3A_667 : i32 to index
        %get3A_669 = arith.index_cast %add3A_652 : i32 to index
        %get3A_670 = arith.constant 16 : index
        %get3A_671 = tpu.vector_load %arg11[%get3A_668, %get3A_669, %get3A_670] {strides = array<i32>} : memref<3x128x32xf32, #tpu.memory_space<vmem>>, vector<16xf32>,
        %mul3A_672 = arith.mulf %get3A_671, %broadcast_in_dim3A_655 : vector<16xf32>
        %swap3A_673 = arith.constant 0 : i32
        %swap3A_674 = arith.index_cast %swap3A_673 : i32 to index
        %swap3A_675 = arith.index_cast %add3A_652 : i32 to index
        %swap3A_676 = arith.constant 16 : index
        %swap3A_677 = tpu.vector_load %arg11[%swap3A_674, %swap3A_675, %swap3A_676] {strides = array<i32>} : memref<3x128x32xf32, #tpu.memory_space<vmem>>, vector<16xf32>,
        tpu.vector_store %arg11[%swap3A_674, %swap3A_675, %swap3A_676], %mul3A_672 {strides = array<i32>} : memref<3x128x32xf32, #tpu.memory_space<vmem>>, vector<16xf32>,
      }
      %scan3A_107 = arith.constant 8 : i32
      %gt3A = arith.constant 0 : i32
      %gt3A_108 = arith.cmpi sgt, %add3A_91, %gt3A : i32
      %convert_element_type3A_109 = arith.extui %gt3A_108 : i1 to i32
      %cond3A_110 = arith.constant 0 : i32
      %cond3A_111 = arith.cmpi ne, %convert_element_type3A_109, %cond3A_110 : i32
      scf.if %cond3A_111 {
        %sub3A = arith.constant 1 : i32
        %sub3A_209 = arith.subi %add3A_91, %sub3A : i32
        %dma_wait3A_210 = arith.constant 2 : i32
        %dma_wait3A_211 = arith.constant 0 : i32
        %dma_wait3A_212 = arith.constant 0 : i32
        %dma_wait3A_213 = tpu.memref_slice %arg11[%dma_wait3A_210, %dma_wait3A_211, %dma_wait3A_212] : memref<3x128x32xf32, #tpu.memory_space<vmem>> -> memref<1x128x32xf32, #tpu.memory_space<vmem>>
        %dma_wait3A_214 = tpu.memref_squeeze %dma_wait3A_213 : memref<1x128x32xf32, #tpu.memory_space<vmem>> -> memref<128x32xf32, #tpu.memory_space<vmem>>
        %dma_wait3A_215 = arith.constant 0 : i32
        %dma_wait3A_216 = tpu.memref_slice %arg8[%sub3A_209, %dma_wait3A_215] : memref<79x128xi32, #tpu.memory_space<vmem>> -> memref<1x128xi32, #tpu.memory_space<vmem>>
        %dma_wait3A_217 = tpu.memref_squeeze %dma_wait3A_216 : memref<1x128xi32, #tpu.memory_space<vmem>> -> memref<128xi32, #tpu.memory_space<vmem>>
        %dma_wait3A_218 = arith.constant 0 : i32
        %dma_wait3A_219 = arith.constant 0 : i32
        %dma_wait3A_220 = tpu.memref_slice %arg12[%dma_wait3A_218, %dma_wait3A_219] : memref<10000x32xf32, #tpu.memory_space<vmem_shared>> -> memref<10000x32xf32, #tpu.memory_space<vmem_shared>>
        tpu.wait_indirect_dma semaphore(%arg18 : memref<!tpu.dma_semaphore, #tpu.memory_space<semaphore_mem>>) src(%dma_wait3A_214 : memref<128x32xf32, #tpu.memory_space<vmem>>) dst(%dma_wait3A_220 : memref<10000x32xf32, #tpu.memory_space<vmem_shared>>)
      } else {
      }
      %add3A_112 = arith.constant 2 : i32
      %add3A_113 = arith.addi %add3A_91, %add3A_112 : i32
      %lt3A_114 = arith.cmpi slt, %add3A_113, %select_n3A : i32
      %convert_element_type3A_115 = arith.extui %lt3A_114 : i1 to i32
      %cond3A_116 = arith.constant 0 : i32
      %cond3A_117 = arith.cmpi ne, %convert_element_type3A_115, %cond3A_116 : i32
      scf.if %cond3A_117 {
        %add3A_209 = arith.constant 2 : i32
        %add3A_210 = arith.addi %add3A_91, %add3A_209 : i32
        %dma_start3A_211 = arith.constant 2 : i32
        %dma_start3A_212 = arith.constant 0 : i32
        %dma_start3A_213 = arith.constant 0 : i32
        %dma_start3A_214 = tpu.memref_slice %arg11[%dma_start3A_211, %dma_start3A_212, %dma_start3A_213] : memref<3x128x32xf32, #tpu.memory_space<vmem>> -> memref<1x128x32xf32, #tpu.memory_space<vmem>>
        %dma_start3A_215 = tpu.memref_squeeze %dma_start3A_214 : memref<1x128x32xf32, #tpu.memory_space<vmem>> -> memref<128x32xf32, #tpu.memory_space<vmem>>
        %dma_start3A_216 = arith.constant 0 : i32
        %dma_start3A_217 = tpu.memref_slice %arg9[%add3A_210, %dma_start3A_216] : memref<79x128xi32, #tpu.memory_space<vmem>> -> memref<1x128xi32, #tpu.memory_space<vmem>>
        %dma_start3A_218 = tpu.memref_squeeze %dma_start3A_217 : memref<1x128xi32, #tpu.memory_space<vmem>> -> memref<128xi32, #tpu.memory_space<vmem>>
        %dma_start3A_219 = arith.constant 0 : i32
        %dma_start3A_220 = arith.constant 0 : i32
        %dma_start3A_221 = tpu.memref_slice %arg5[%dma_start3A_219, %dma_start3A_220] : memref<10000x32xf32, #tpu.memory_space<hbm>> -> memref<10000x32xf32, #tpu.memory_space<hbm>>
        tpu.enqueue_indirect_dma source(%dma_start3A_221 : memref<10000x32xf32, #tpu.memory_space<hbm>>) target(%dma_start3A_215 : memref<128x32xf32, #tpu.memory_space<vmem>>) offsets(%dma_start3A_218 : memref<128xi32, #tpu.memory_space<vmem>>) semaphore(%arg15 : memref<!tpu.dma_semaphore, #tpu.memory_space<semaphore_mem>>)
      } else {
      }
      %dma_start3A_118 = arith.constant 0 : i32
      %dma_start3A_119 = arith.constant 0 : i32
      %dma_start3A_120 = arith.constant 0 : i32
      %dma_start3A_121 = tpu.memref_slice %arg11[%dma_start3A_118, %dma_start3A_119, %dma_start3A_120] : memref<3x128x32xf32, #tpu.memory_space<vmem>> -> memref<1x128x32xf32, #tpu.memory_space<vmem>>
      %dma_start3A_122 = tpu.memref_squeeze %dma_start3A_121 : memref<1x128x32xf32, #tpu.memory_space<vmem>> -> memref<128x32xf32, #tpu.memory_space<vmem>>
      %dma_start3A_123 = arith.constant 0 : i32
      %dma_start3A_124 = tpu.memref_slice %arg8[%add3A_91, %dma_start3A_123] : memref<79x128xi32, #tpu.memory_space<vmem>> -> memref<1x128xi32, #tpu.memory_space<vmem>>
      %dma_start3A_125 = tpu.memref_squeeze %dma_start3A_124 : memref<1x128xi32, #tpu.memory_space<vmem>> -> memref<128xi32, #tpu.memory_space<vmem>>
      %dma_start3A_126 = arith.constant 0 : i32
      %dma_start3A_127 = arith.constant 0 : i32
      %dma_start3A_128 = tpu.memref_slice %arg12[%dma_start3A_126, %dma_start3A_127] : memref<10000x32xf32, #tpu.memory_space<vmem_shared>> -> memref<10000x32xf32, #tpu.memory_space<vmem_shared>>
      tpu.enqueue_indirect_dma source(%dma_start3A_122 : memref<128x32xf32, #tpu.memory_space<vmem>>) target(%dma_start3A_128 : memref<10000x32xf32, #tpu.memory_space<vmem_shared>>) offsets(%dma_start3A_125 : memref<128xi32, #tpu.memory_space<vmem>>) semaphore(%arg16 : memref<!tpu.dma_semaphore, #tpu.memory_space<semaphore_mem>>) {add = true}
      %add3A_129 = arith.constant 1 : i32
      %add3A_130 = arith.addi %add3A_91, %add3A_129 : i32
      %dma_wait3A_131 = arith.constant 1 : i32
      %dma_wait3A_132 = arith.constant 0 : i32
      %dma_wait3A_133 = arith.constant 0 : i32
      %dma_wait3A_134 = tpu.memref_slice %arg11[%dma_wait3A_131, %dma_wait3A_132, %dma_wait3A_133] : memref<3x128x32xf32, #tpu.memory_space<vmem>> -> memref<1x128x32xf32, #tpu.memory_space<vmem>>
      %dma_wait3A_135 = tpu.memref_squeeze %dma_wait3A_134 : memref<1x128x32xf32, #tpu.memory_space<vmem>> -> memref<128x32xf32, #tpu.memory_space<vmem>>
      %dma_wait3A_136 = arith.constant 0 : i32
      %dma_wait3A_137 = tpu.memref_slice %arg9[%add3A_130, %dma_wait3A_136] : memref<79x128xi32, #tpu.memory_space<vmem>> -> memref<1x128xi32, #tpu.memory_space<vmem>>
      %dma_wait3A_138 = tpu.memref_squeeze %dma_wait3A_137 : memref<1x128xi32, #tpu.memory_space<vmem>> -> memref<128xi32, #tpu.memory_space<vmem>>
      %dma_wait3A_139 = arith.constant 0 : i32
      %dma_wait3A_140 = arith.constant 0 : i32
      %dma_wait3A_141 = tpu.memref_slice %arg5[%dma_wait3A_139, %dma_wait3A_140] : memref<10000x32xf32, #tpu.memory_space<hbm>> -> memref<10000x32xf32, #tpu.memory_space<hbm>>
      tpu.wait_indirect_dma semaphore(%arg14 : memref<!tpu.dma_semaphore, #tpu.memory_space<semaphore_mem>>) src(%dma_wait3A_141 : memref<10000x32xf32, #tpu.memory_space<hbm>>) dst(%dma_wait3A_135 : memref<128x32xf32, #tpu.memory_space<vmem>>)
      %scan3A_142 = arith.constant 0 : i32
      %scan3A_143 = arith.constant 8 : i32
      %scan3A_144 = arith.addi %scan3A_142, %scan3A_143 : i32
      %scan3A_145 = arith.constant 1 : i32
      scf.for %scan3A_209 = %scan3A_142 to %scan3A_144 step %scan3A_145  : i32 {
        %mul3A_210 = arith.constant 1 : i32
        %mul3A_211 = arith.muli %scan3A_209, %mul3A_210 : i32
        %add3A_212 = arith.constant 0 : i32
        %add3A_213 = arith.addi %add3A_212, %mul3A_211 : i32
        %mul3A_214 = arith.constant 16 : i32
        %mul3A_215 = arith.muli %add3A_213, %mul3A_214 : i32
        %get3A = arith.index_cast %add3A_130 : i32 to index
        %get3A_216 = arith.index_cast %mul3A_215 : i32 to index
        %get3A_217 = tpu.vector_load %arg10[%get3A, %get3A_216] {strides = array<i32>} : memref<79x128xf32, #tpu.memory_space<vmem>>, vector<16xf32>,
        %mul3A_218 = arith.constant 16 : i32
        %mul3A_219 = arith.muli %add3A_213, %mul3A_218 : i32
        %add3A_220 = arith.constant 0 : i32
        %add3A_221 = arith.addi %mul3A_219, %add3A_220 : i32
        %slice3A = vector.extract_strided_slice %get3A_217 {offsets = [0], sizes = [1], strides = [1]} : vector<16xf32> to vector<1xf32>
        %squeeze3A = vector.extract %slice3A[0] : f32 from vector<1xf32>
        %broadcast_in_dim3A = vector.broadcast %squeeze3A : f32 to vector<16xf32>
        %get3A_222 = arith.constant 1 : i32
        %get3A_223 = arith.index_cast %get3A_222 : i32 to index
        %get3A_224 = arith.index_cast %add3A_221 : i32 to index
        %get3A_225 = arith.constant 0 : index
        %get3A_226 = tpu.vector_load %arg11[%get3A_223, %get3A_224, %get3A_225] {strides = array<i32>} : memref<3x128x32xf32, #tpu.memory_space<vmem>>, vector<16xf32>,
        %mul3A_227 = arith.mulf %get3A_226, %broadcast_in_dim3A : vector<16xf32>
        %swap3A = arith.constant 1 : i32
        %swap3A_228 = arith.index_cast %swap3A : i32 to index
        %swap3A_229 = arith.index_cast %add3A_221 : i32 to index
        %swap3A_230 = arith.constant 0 : index
        %swap3A_231 = tpu.vector_load %arg11[%swap3A_228, %swap3A_229, %swap3A_230] {strides = array<i32>} : memref<3x128x32xf32, #tpu.memory_space<vmem>>, vector<16xf32>,
        tpu.vector_store %arg11[%swap3A_228, %swap3A_229, %swap3A_230], %mul3A_227 {strides = array<i32>} : memref<3x128x32xf32, #tpu.memory_space<vmem>>, vector<16xf32>,
        %get3A_232 = arith.constant 1 : i32
        %get3A_233 = arith.index_cast %get3A_232 : i32 to index
        %get3A_234 = arith.index_cast %add3A_221 : i32 to index
        %get3A_235 = arith.constant 16 : index
        %get3A_236 = tpu.vector_load %arg11[%get3A_233, %get3A_234, %get3A_235] {strides = array<i32>} : memref<3x128x32xf32, #tpu.memory_space<vmem>>, vector<16xf32>,
        %mul3A_237 = arith.mulf %get3A_236, %broadcast_in_dim3A : vector<16xf32>
        %swap3A_238 = arith.constant 1 : i32
        %swap3A_239 = arith.index_cast %swap3A_238 : i32 to index
        %swap3A_240 = arith.index_cast %add3A_221 : i32 to index
        %swap3A_241 = arith.constant 16 : index
        %swap3A_242 = tpu.vector_load %arg11[%swap3A_239, %swap3A_240, %swap3A_241] {strides = array<i32>} : memref<3x128x32xf32, #tpu.memory_space<vmem>>, vector<16xf32>,
        tpu.vector_store %arg11[%swap3A_239, %swap3A_240, %swap3A_241], %mul3A_237 {strides = array<i32>} : memref<3x128x32xf32, #tpu.memory_space<vmem>>, vector<16xf32>,
        %mul3A_243 = arith.constant 16 : i32
        %mul3A_244 = arith.muli %add3A_213, %mul3A_243 : i32
        %add3A_245 = arith.constant 1 : i32
        %add3A_246 = arith.addi %mul3A_244, %add3A_245 : i32
        %slice3A_247 = vector.extract_strided_slice %get3A_217 {offsets = [1], sizes = [1], strides = [1]} : vector<16xf32> to vector<1xf32>
        %squeeze3A_248 = vector.extract %slice3A_247[0] : f32 from vector<1xf32>
        %broadcast_in_dim3A_249 = vector.broadcast %squeeze3A_248 : f32 to vector<16xf32>
        %get3A_250 = arith.constant 1 : i32
        %get3A_251 = arith.index_cast %get3A_250 : i32 to index
        %get3A_252 = arith.index_cast %add3A_246 : i32 to index
        %get3A_253 = arith.constant 0 : index
        %get3A_254 = tpu.vector_load %arg11[%get3A_251, %get3A_252, %get3A_253] {strides = array<i32>} : memref<3x128x32xf32, #tpu.memory_space<vmem>>, vector<16xf32>,
        %mul3A_255 = arith.mulf %get3A_254, %broadcast_in_dim3A_249 : vector<16xf32>
        %swap3A_256 = arith.constant 1 : i32
        %swap3A_257 = arith.index_cast %swap3A_256 : i32 to index
        %swap3A_258 = arith.index_cast %add3A_246 : i32 to index
        %swap3A_259 = arith.constant 0 : index
        %swap3A_260 = tpu.vector_load %arg11[%swap3A_257, %swap3A_258, %swap3A_259] {strides = array<i32>} : memref<3x128x32xf32, #tpu.memory_space<vmem>>, vector<16xf32>,
        tpu.vector_store %arg11[%swap3A_257, %swap3A_258, %swap3A_259], %mul3A_255 {strides = array<i32>} : memref<3x128x32xf32, #tpu.memory_space<vmem>>, vector<16xf32>,
        %get3A_261 = arith.constant 1 : i32
        %get3A_262 = arith.index_cast %get3A_261 : i32 to index
        %get3A_263 = arith.index_cast %add3A_246 : i32 to index
        %get3A_264 = arith.constant 16 : index
        %get3A_265 = tpu.vector_load %arg11[%get3A_262, %get3A_263, %get3A_264] {strides = array<i32>} : memref<3x128x32xf32, #tpu.memory_space<vmem>>, vector<16xf32>,
        %mul3A_266 = arith.mulf %get3A_265, %broadcast_in_dim3A_249 : vector<16xf32>
        %swap3A_267 = arith.constant 1 : i32
        %swap3A_268 = arith.index_cast %swap3A_267 : i32 to index
        %swap3A_269 = arith.index_cast %add3A_246 : i32 to index
        %swap3A_270 = arith.constant 16 : index
        %swap3A_271 = tpu.vector_load %arg11[%swap3A_268, %swap3A_269, %swap3A_270] {strides = array<i32>} : memref<3x128x32xf32, #tpu.memory_space<vmem>>, vector<16xf32>,
        tpu.vector_store %arg11[%swap3A_268, %swap3A_269, %swap3A_270], %mul3A_266 {strides = array<i32>} : memref<3x128x32xf32, #tpu.memory_space<vmem>>, vector<16xf32>,
        %mul3A_272 = arith.constant 16 : i32
        %mul3A_273 = arith.muli %add3A_213, %mul3A_272 : i32
        %add3A_274 = arith.constant 2 : i32
        %add3A_275 = arith.addi %mul3A_273, %add3A_274 : i32
        %slice3A_276 = vector.extract_strided_slice %get3A_217 {offsets = [2], sizes = [1], strides = [1]} : vector<16xf32> to vector<1xf32>
        %squeeze3A_277 = vector.extract %slice3A_276[0] : f32 from vector<1xf32>
        %broadcast_in_dim3A_278 = vector.broadcast %squeeze3A_277 : f32 to vector<16xf32>
        %get3A_279 = arith.constant 1 : i32
        %get3A_280 = arith.index_cast %get3A_279 : i32 to index
        %get3A_281 = arith.index_cast %add3A_275 : i32 to index
        %get3A_282 = arith.constant 0 : index
        %get3A_283 = tpu.vector_load %arg11[%get3A_280, %get3A_281, %get3A_282] {strides = array<i32>} : memref<3x128x32xf32, #tpu.memory_space<vmem>>, vector<16xf32>,
        %mul3A_284 = arith.mulf %get3A_283, %broadcast_in_dim3A_278 : vector<16xf32>
        %swap3A_285 = arith.constant 1 : i32
        %swap3A_286 = arith.index_cast %swap3A_285 : i32 to index
        %swap3A_287 = arith.index_cast %add3A_275 : i32 to index
        %swap3A_288 = arith.constant 0 : index
        %swap3A_289 = tpu.vector_load %arg11[%swap3A_286, %swap3A_287, %swap3A_288] {strides = array<i32>} : memref<3x128x32xf32, #tpu.memory_space<vmem>>, vector<16xf32>,
        tpu.vector_store %arg11[%swap3A_286, %swap3A_287, %swap3A_288], %mul3A_284 {strides = array<i32>} : memref<3x128x32xf32, #tpu.memory_space<vmem>>, vector<16xf32>,
        %get3A_290 = arith.constant 1 : i32
        %get3A_291 = arith.index_cast %get3A_290 : i32 to index
        %get3A_292 = arith.index_cast %add3A_275 : i32 to index
        %get3A_293 = arith.constant 16 : index
        %get3A_294 = tpu.vector_load %arg11[%get3A_291, %get3A_292, %get3A_293] {strides = array<i32>} : memref<3x128x32xf32, #tpu.memory_space<vmem>>, vector<16xf32>,
        %mul3A_295 = arith.mulf %get3A_294, %broadcast_in_dim3A_278 : vector<16xf32>
        %swap3A_296 = arith.constant 1 : i32
        %swap3A_297 = arith.index_cast %swap3A_296 : i32 to index
        %swap3A_298 = arith.index_cast %add3A_275 : i32 to index
        %swap3A_299 = arith.constant 16 : index
        %swap3A_300 = tpu.vector_load %arg11[%swap3A_297, %swap3A_298, %swap3A_299] {strides = array<i32>} : memref<3x128x32xf32, #tpu.memory_space<vmem>>, vector<16xf32>,
        tpu.vector_store %arg11[%swap3A_297, %swap3A_298, %swap3A_299], %mul3A_295 {strides = array<i32>} : memref<3x128x32xf32, #tpu.memory_space<vmem>>, vector<16xf32>,
        %mul3A_301 = arith.constant 16 : i32
        %mul3A_302 = arith.muli %add3A_213, %mul3A_301 : i32
        %add3A_303 = arith.constant 3 : i32
        %add3A_304 = arith.addi %mul3A_302, %add3A_303 : i32
        %slice3A_305 = vector.extract_strided_slice %get3A_217 {offsets = [3], sizes = [1], strides = [1]} : vector<16xf32> to vector<1xf32>
        %squeeze3A_306 = vector.extract %slice3A_305[0] : f32 from vector<1xf32>
        %broadcast_in_dim3A_307 = vector.broadcast %squeeze3A_306 : f32 to vector<16xf32>
        %get3A_308 = arith.constant 1 : i32
        %get3A_309 = arith.index_cast %get3A_308 : i32 to index
        %get3A_310 = arith.index_cast %add3A_304 : i32 to index
        %get3A_311 = arith.constant 0 : index
        %get3A_312 = tpu.vector_load %arg11[%get3A_309, %get3A_310, %get3A_311] {strides = array<i32>} : memref<3x128x32xf32, #tpu.memory_space<vmem>>, vector<16xf32>,
        %mul3A_313 = arith.mulf %get3A_312, %broadcast_in_dim3A_307 : vector<16xf32>
        %swap3A_314 = arith.constant 1 : i32
        %swap3A_315 = arith.index_cast %swap3A_314 : i32 to index
        %swap3A_316 = arith.index_cast %add3A_304 : i32 to index
        %swap3A_317 = arith.constant 0 : index
        %swap3A_318 = tpu.vector_load %arg11[%swap3A_315, %swap3A_316, %swap3A_317] {strides = array<i32>} : memref<3x128x32xf32, #tpu.memory_space<vmem>>, vector<16xf32>,
        tpu.vector_store %arg11[%swap3A_315, %swap3A_316, %swap3A_317], %mul3A_313 {strides = array<i32>} : memref<3x128x32xf32, #tpu.memory_space<vmem>>, vector<16xf32>,
        %get3A_319 = arith.constant 1 : i32
        %get3A_320 = arith.index_cast %get3A_319 : i32 to index
        %get3A_321 = arith.index_cast %add3A_304 : i32 to index
        %get3A_322 = arith.constant 16 : index
        %get3A_323 = tpu.vector_load %arg11[%get3A_320, %get3A_321, %get3A_322] {strides = array<i32>} : memref<3x128x32xf32, #tpu.memory_space<vmem>>, vector<16xf32>,
        %mul3A_324 = arith.mulf %get3A_323, %broadcast_in_dim3A_307 : vector<16xf32>
        %swap3A_325 = arith.constant 1 : i32
        %swap3A_326 = arith.index_cast %swap3A_325 : i32 to index
        %swap3A_327 = arith.index_cast %add3A_304 : i32 to index
        %swap3A_328 = arith.constant 16 : index
        %swap3A_329 = tpu.vector_load %arg11[%swap3A_326, %swap3A_327, %swap3A_328] {strides = array<i32>} : memref<3x128x32xf32, #tpu.memory_space<vmem>>, vector<16xf32>,
        tpu.vector_store %arg11[%swap3A_326, %swap3A_327, %swap3A_328], %mul3A_324 {strides = array<i32>} : memref<3x128x32xf32, #tpu.memory_space<vmem>>, vector<16xf32>,
        %mul3A_330 = arith.constant 16 : i32
        %mul3A_331 = arith.muli %add3A_213, %mul3A_330 : i32
        %add3A_332 = arith.constant 4 : i32
        %add3A_333 = arith.addi %mul3A_331, %add3A_332 : i32
        %slice3A_334 = vector.extract_strided_slice %get3A_217 {offsets = [4], sizes = [1], strides = [1]} : vector<16xf32> to vector<1xf32>
        %squeeze3A_335 = vector.extract %slice3A_334[0] : f32 from vector<1xf32>
        %broadcast_in_dim3A_336 = vector.broadcast %squeeze3A_335 : f32 to vector<16xf32>
        %get3A_337 = arith.constant 1 : i32
        %get3A_338 = arith.index_cast %get3A_337 : i32 to index
        %get3A_339 = arith.index_cast %add3A_333 : i32 to index
        %get3A_340 = arith.constant 0 : index
        %get3A_341 = tpu.vector_load %arg11[%get3A_338, %get3A_339, %get3A_340] {strides = array<i32>} : memref<3x128x32xf32, #tpu.memory_space<vmem>>, vector<16xf32>,
        %mul3A_342 = arith.mulf %get3A_341, %broadcast_in_dim3A_336 : vector<16xf32>
        %swap3A_343 = arith.constant 1 : i32
        %swap3A_344 = arith.index_cast %swap3A_343 : i32 to index
        %swap3A_345 = arith.index_cast %add3A_333 : i32 to index
        %swap3A_346 = arith.constant 0 : index
        %swap3A_347 = tpu.vector_load %arg11[%swap3A_344, %swap3A_345, %swap3A_346] {strides = array<i32>} : memref<3x128x32xf32, #tpu.memory_space<vmem>>, vector<16xf32>,
        tpu.vector_store %arg11[%swap3A_344, %swap3A_345, %swap3A_346], %mul3A_342 {strides = array<i32>} : memref<3x128x32xf32, #tpu.memory_space<vmem>>, vector<16xf32>,
        %get3A_348 = arith.constant 1 : i32
        %get3A_349 = arith.index_cast %get3A_348 : i32 to index
        %get3A_350 = arith.index_cast %add3A_333 : i32 to index
        %get3A_351 = arith.constant 16 : index
        %get3A_352 = tpu.vector_load %arg11[%get3A_349, %get3A_350, %get3A_351] {strides = array<i32>} : memref<3x128x32xf32, #tpu.memory_space<vmem>>, vector<16xf32>,
        %mul3A_353 = arith.mulf %get3A_352, %broadcast_in_dim3A_336 : vector<16xf32>
        %swap3A_354 = arith.constant 1 : i32
        %swap3A_355 = arith.index_cast %swap3A_354 : i32 to index
        %swap3A_356 = arith.index_cast %add3A_333 : i32 to index
        %swap3A_357 = arith.constant 16 : index
        %swap3A_358 = tpu.vector_load %arg11[%swap3A_355, %swap3A_356, %swap3A_357] {strides = array<i32>} : memref<3x128x32xf32, #tpu.memory_space<vmem>>, vector<16xf32>,
        tpu.vector_store %arg11[%swap3A_355, %swap3A_356, %swap3A_357], %mul3A_353 {strides = array<i32>} : memref<3x128x32xf32, #tpu.memory_space<vmem>>, vector<16xf32>,
        %mul3A_359 = arith.constant 16 : i32
        %mul3A_360 = arith.muli %add3A_213, %mul3A_359 : i32
        %add3A_361 = arith.constant 5 : i32
        %add3A_362 = arith.addi %mul3A_360, %add3A_361 : i32
        %slice3A_363 = vector.extract_strided_slice %get3A_217 {offsets = [5], sizes = [1], strides = [1]} : vector<16xf32> to vector<1xf32>
        %squeeze3A_364 = vector.extract %slice3A_363[0] : f32 from vector<1xf32>
        %broadcast_in_dim3A_365 = vector.broadcast %squeeze3A_364 : f32 to vector<16xf32>
        %get3A_366 = arith.constant 1 : i32
        %get3A_367 = arith.index_cast %get3A_366 : i32 to index
        %get3A_368 = arith.index_cast %add3A_362 : i32 to index
        %get3A_369 = arith.constant 0 : index
        %get3A_370 = tpu.vector_load %arg11[%get3A_367, %get3A_368, %get3A_369] {strides = array<i32>} : memref<3x128x32xf32, #tpu.memory_space<vmem>>, vector<16xf32>,
        %mul3A_371 = arith.mulf %get3A_370, %broadcast_in_dim3A_365 : vector<16xf32>
        %swap3A_372 = arith.constant 1 : i32
        %swap3A_373 = arith.index_cast %swap3A_372 : i32 to index
        %swap3A_374 = arith.index_cast %add3A_362 : i32 to index
        %swap3A_375 = arith.constant 0 : index
        %swap3A_376 = tpu.vector_load %arg11[%swap3A_373, %swap3A_374, %swap3A_375] {strides = array<i32>} : memref<3x128x32xf32, #tpu.memory_space<vmem>>, vector<16xf32>,
        tpu.vector_store %arg11[%swap3A_373, %swap3A_374, %swap3A_375], %mul3A_371 {strides = array<i32>} : memref<3x128x32xf32, #tpu.memory_space<vmem>>, vector<16xf32>,
        %get3A_377 = arith.constant 1 : i32
        %get3A_378 = arith.index_cast %get3A_377 : i32 to index
        %get3A_379 = arith.index_cast %add3A_362 : i32 to index
        %get3A_380 = arith.constant 16 : index
        %get3A_381 = tpu.vector_load %arg11[%get3A_378, %get3A_379, %get3A_380] {strides = array<i32>} : memref<3x128x32xf32, #tpu.memory_space<vmem>>, vector<16xf32>,
        %mul3A_382 = arith.mulf %get3A_381, %broadcast_in_dim3A_365 : vector<16xf32>
        %swap3A_383 = arith.constant 1 : i32
        %swap3A_384 = arith.index_cast %swap3A_383 : i32 to index
        %swap3A_385 = arith.index_cast %add3A_362 : i32 to index
        %swap3A_386 = arith.constant 16 : index
        %swap3A_387 = tpu.vector_load %arg11[%swap3A_384, %swap3A_385, %swap3A_386] {strides = array<i32>} : memref<3x128x32xf32, #tpu.memory_space<vmem>>, vector<16xf32>,
        tpu.vector_store %arg11[%swap3A_384, %swap3A_385, %swap3A_386], %mul3A_382 {strides = array<i32>} : memref<3x128x32xf32, #tpu.memory_space<vmem>>, vector<16xf32>,
        %mul3A_388 = arith.constant 16 : i32
        %mul3A_389 = arith.muli %add3A_213, %mul3A_388 : i32
        %add3A_390 = arith.constant 6 : i32
        %add3A_391 = arith.addi %mul3A_389, %add3A_390 : i32
        %slice3A_392 = vector.extract_strided_slice %get3A_217 {offsets = [6], sizes = [1], strides = [1]} : vector<16xf32> to vector<1xf32>
        %squeeze3A_393 = vector.extract %slice3A_392[0] : f32 from vector<1xf32>
        %broadcast_in_dim3A_394 = vector.broadcast %squeeze3A_393 : f32 to vector<16xf32>
        %get3A_395 = arith.constant 1 : i32
        %get3A_396 = arith.index_cast %get3A_395 : i32 to index
        %get3A_397 = arith.index_cast %add3A_391 : i32 to index
        %get3A_398 = arith.constant 0 : index
        %get3A_399 = tpu.vector_load %arg11[%get3A_396, %get3A_397, %get3A_398] {strides = array<i32>} : memref<3x128x32xf32, #tpu.memory_space<vmem>>, vector<16xf32>,
        %mul3A_400 = arith.mulf %get3A_399, %broadcast_in_dim3A_394 : vector<16xf32>
        %swap3A_401 = arith.constant 1 : i32
        %swap3A_402 = arith.index_cast %swap3A_401 : i32 to index
        %swap3A_403 = arith.index_cast %add3A_391 : i32 to index
        %swap3A_404 = arith.constant 0 : index
        %swap3A_405 = tpu.vector_load %arg11[%swap3A_402, %swap3A_403, %swap3A_404] {strides = array<i32>} : memref<3x128x32xf32, #tpu.memory_space<vmem>>, vector<16xf32>,
        tpu.vector_store %arg11[%swap3A_402, %swap3A_403, %swap3A_404], %mul3A_400 {strides = array<i32>} : memref<3x128x32xf32, #tpu.memory_space<vmem>>, vector<16xf32>,
        %get3A_406 = arith.constant 1 : i32
        %get3A_407 = arith.index_cast %get3A_406 : i32 to index
        %get3A_408 = arith.index_cast %add3A_391 : i32 to index
        %get3A_409 = arith.constant 16 : index
        %get3A_410 = tpu.vector_load %arg11[%get3A_407, %get3A_408, %get3A_409] {strides = array<i32>} : memref<3x128x32xf32, #tpu.memory_space<vmem>>, vector<16xf32>,
        %mul3A_411 = arith.mulf %get3A_410, %broadcast_in_dim3A_394 : vector<16xf32>
        %swap3A_412 = arith.constant 1 : i32
        %swap3A_413 = arith.index_cast %swap3A_412 : i32 to index
        %swap3A_414 = arith.index_cast %add3A_391 : i32 to index
        %swap3A_415 = arith.constant 16 : index
        %swap3A_416 = tpu.vector_load %arg11[%swap3A_413, %swap3A_414, %swap3A_415] {strides = array<i32>} : memref<3x128x32xf32, #tpu.memory_space<vmem>>, vector<16xf32>,
        tpu.vector_store %arg11[%swap3A_413, %swap3A_414, %swap3A_415], %mul3A_411 {strides = array<i32>} : memref<3x128x32xf32, #tpu.memory_space<vmem>>, vector<16xf32>,
        %mul3A_417 = arith.constant 16 : i32
        %mul3A_418 = arith.muli %add3A_213, %mul3A_417 : i32
        %add3A_419 = arith.constant 7 : i32
        %add3A_420 = arith.addi %mul3A_418, %add3A_419 : i32
        %slice3A_421 = vector.extract_strided_slice %get3A_217 {offsets = [7], sizes = [1], strides = [1]} : vector<16xf32> to vector<1xf32>
        %squeeze3A_422 = vector.extract %slice3A_421[0] : f32 from vector<1xf32>
        %broadcast_in_dim3A_423 = vector.broadcast %squeeze3A_422 : f32 to vector<16xf32>
        %get3A_424 = arith.constant 1 : i32
        %get3A_425 = arith.index_cast %get3A_424 : i32 to index
        %get3A_426 = arith.index_cast %add3A_420 : i32 to index
        %get3A_427 = arith.constant 0 : index
        %get3A_428 = tpu.vector_load %arg11[%get3A_425, %get3A_426, %get3A_427] {strides = array<i32>} : memref<3x128x32xf32, #tpu.memory_space<vmem>>, vector<16xf32>,
        %mul3A_429 = arith.mulf %get3A_428, %broadcast_in_dim3A_423 : vector<16xf32>
        %swap3A_430 = arith.constant 1 : i32
        %swap3A_431 = arith.index_cast %swap3A_430 : i32 to index
        %swap3A_432 = arith.index_cast %add3A_420 : i32 to index
        %swap3A_433 = arith.constant 0 : index
        %swap3A_434 = tpu.vector_load %arg11[%swap3A_431, %swap3A_432, %swap3A_433] {strides = array<i32>} : memref<3x128x32xf32, #tpu.memory_space<vmem>>, vector<16xf32>,
        tpu.vector_store %arg11[%swap3A_431, %swap3A_432, %swap3A_433], %mul3A_429 {strides = array<i32>} : memref<3x128x32xf32, #tpu.memory_space<vmem>>, vector<16xf32>,
        %get3A_435 = arith.constant 1 : i32
        %get3A_436 = arith.index_cast %get3A_435 : i32 to index
        %get3A_437 = arith.index_cast %add3A_420 : i32 to index
        %get3A_438 = arith.constant 16 : index
        %get3A_439 = tpu.vector_load %arg11[%get3A_436, %get3A_437, %get3A_438] {strides = array<i32>} : memref<3x128x32xf32, #tpu.memory_space<vmem>>, vector<16xf32>,
        %mul3A_440 = arith.mulf %get3A_439, %broadcast_in_dim3A_423 : vector<16xf32>
        %swap3A_441 = arith.constant 1 : i32
        %swap3A_442 = arith.index_cast %swap3A_441 : i32 to index
        %swap3A_443 = arith.index_cast %add3A_420 : i32 to index
        %swap3A_444 = arith.constant 16 : index
        %swap3A_445 = tpu.vector_load %arg11[%swap3A_442, %swap3A_443, %swap3A_444] {strides = array<i32>} : memref<3x128x32xf32, #tpu.memory_space<vmem>>, vector<16xf32>,
        tpu.vector_store %arg11[%swap3A_442, %swap3A_443, %swap3A_444], %mul3A_440 {strides = array<i32>} : memref<3x128x32xf32, #tpu.memory_space<vmem>>, vector<16xf32>,
        %mul3A_446 = arith.constant 16 : i32
        %mul3A_447 = arith.muli %add3A_213, %mul3A_446 : i32
        %add3A_448 = arith.constant 8 : i32
        %add3A_449 = arith.addi %mul3A_447, %add3A_448 : i32
        %slice3A_450 = vector.extract_strided_slice %get3A_217 {offsets = [8], sizes = [1], strides = [1]} : vector<16xf32> to vector<1xf32>
        %squeeze3A_451 = vector.extract %slice3A_450[0] : f32 from vector<1xf32>
        %broadcast_in_dim3A_452 = vector.broadcast %squeeze3A_451 : f32 to vector<16xf32>
        %get3A_453 = arith.constant 1 : i32
        %get3A_454 = arith.index_cast %get3A_453 : i32 to index
        %get3A_455 = arith.index_cast %add3A_449 : i32 to index
        %get3A_456 = arith.constant 0 : index
        %get3A_457 = tpu.vector_load %arg11[%get3A_454, %get3A_455, %get3A_456] {strides = array<i32>} : memref<3x128x32xf32, #tpu.memory_space<vmem>>, vector<16xf32>,
        %mul3A_458 = arith.mulf %get3A_457, %broadcast_in_dim3A_452 : vector<16xf32>
        %swap3A_459 = arith.constant 1 : i32
        %swap3A_460 = arith.index_cast %swap3A_459 : i32 to index
        %swap3A_461 = arith.index_cast %add3A_449 : i32 to index
        %swap3A_462 = arith.constant 0 : index
        %swap3A_463 = tpu.vector_load %arg11[%swap3A_460, %swap3A_461, %swap3A_462] {strides = array<i32>} : memref<3x128x32xf32, #tpu.memory_space<vmem>>, vector<16xf32>,
        tpu.vector_store %arg11[%swap3A_460, %swap3A_461, %swap3A_462], %mul3A_458 {strides = array<i32>} : memref<3x128x32xf32, #tpu.memory_space<vmem>>, vector<16xf32>,
        %get3A_464 = arith.constant 1 : i32
        %get3A_465 = arith.index_cast %get3A_464 : i32 to index
        %get3A_466 = arith.index_cast %add3A_449 : i32 to index
        %get3A_467 = arith.constant 16 : index
        %get3A_468 = tpu.vector_load %arg11[%get3A_465, %get3A_466, %get3A_467] {strides = array<i32>} : memref<3x128x32xf32, #tpu.memory_space<vmem>>, vector<16xf32>,
        %mul3A_469 = arith.mulf %get3A_468, %broadcast_in_dim3A_452 : vector<16xf32>
        %swap3A_470 = arith.constant 1 : i32
        %swap3A_471 = arith.index_cast %swap3A_470 : i32 to index
        %swap3A_472 = arith.index_cast %add3A_449 : i32 to index
        %swap3A_473 = arith.constant 16 : index
        %swap3A_474 = tpu.vector_load %arg11[%swap3A_471, %swap3A_472, %swap3A_473] {strides = array<i32>} : memref<3x128x32xf32, #tpu.memory_space<vmem>>, vector<16xf32>,
        tpu.vector_store %arg11[%swap3A_471, %swap3A_472, %swap3A_473], %mul3A_469 {strides = array<i32>} : memref<3x128x32xf32, #tpu.memory_space<vmem>>, vector<16xf32>,
        %mul3A_475 = arith.constant 16 : i32
        %mul3A_476 = arith.muli %add3A_213, %mul3A_475 : i32
        %add3A_477 = arith.constant 9 : i32
        %add3A_478 = arith.addi %mul3A_476, %add3A_477 : i32
        %slice3A_479 = vector.extract_strided_slice %get3A_217 {offsets = [9], sizes = [1], strides = [1]} : vector<16xf32> to vector<1xf32>
        %squeeze3A_480 = vector.extract %slice3A_479[0] : f32 from vector<1xf32>
        %broadcast_in_dim3A_481 = vector.broadcast %squeeze3A_480 : f32 to vector<16xf32>
        %get3A_482 = arith.constant 1 : i32
        %get3A_483 = arith.index_cast %get3A_482 : i32 to index
        %get3A_484 = arith.index_cast %add3A_478 : i32 to index
        %get3A_485 = arith.constant 0 : index
        %get3A_486 = tpu.vector_load %arg11[%get3A_483, %get3A_484, %get3A_485] {strides = array<i32>} : memref<3x128x32xf32, #tpu.memory_space<vmem>>, vector<16xf32>,
        %mul3A_487 = arith.mulf %get3A_486, %broadcast_in_dim3A_481 : vector<16xf32>
        %swap3A_488 = arith.constant 1 : i32
        %swap3A_489 = arith.index_cast %swap3A_488 : i32 to index
        %swap3A_490 = arith.index_cast %add3A_478 : i32 to index
        %swap3A_491 = arith.constant 0 : index
        %swap3A_492 = tpu.vector_load %arg11[%swap3A_489, %swap3A_490, %swap3A_491] {strides = array<i32>} : memref<3x128x32xf32, #tpu.memory_space<vmem>>, vector<16xf32>,
        tpu.vector_store %arg11[%swap3A_489, %swap3A_490, %swap3A_491], %mul3A_487 {strides = array<i32>} : memref<3x128x32xf32, #tpu.memory_space<vmem>>, vector<16xf32>,
        %get3A_493 = arith.constant 1 : i32
        %get3A_494 = arith.index_cast %get3A_493 : i32 to index
        %get3A_495 = arith.index_cast %add3A_478 : i32 to index
        %get3A_496 = arith.constant 16 : index
        %get3A_497 = tpu.vector_load %arg11[%get3A_494, %get3A_495, %get3A_496] {strides = array<i32>} : memref<3x128x32xf32, #tpu.memory_space<vmem>>, vector<16xf32>,
        %mul3A_498 = arith.mulf %get3A_497, %broadcast_in_dim3A_481 : vector<16xf32>
        %swap3A_499 = arith.constant 1 : i32
        %swap3A_500 = arith.index_cast %swap3A_499 : i32 to index
        %swap3A_501 = arith.index_cast %add3A_478 : i32 to index
        %swap3A_502 = arith.constant 16 : index
        %swap3A_503 = tpu.vector_load %arg11[%swap3A_500, %swap3A_501, %swap3A_502] {strides = array<i32>} : memref<3x128x32xf32, #tpu.memory_space<vmem>>, vector<16xf32>,
        tpu.vector_store %arg11[%swap3A_500, %swap3A_501, %swap3A_502], %mul3A_498 {strides = array<i32>} : memref<3x128x32xf32, #tpu.memory_space<vmem>>, vector<16xf32>,
        %mul3A_504 = arith.constant 16 : i32
        %mul3A_505 = arith.muli %add3A_213, %mul3A_504 : i32
        %add3A_506 = arith.constant 10 : i32
        %add3A_507 = arith.addi %mul3A_505, %add3A_506 : i32
        %slice3A_508 = vector.extract_strided_slice %get3A_217 {offsets = [10], sizes = [1], strides = [1]} : vector<16xf32> to vector<1xf32>
        %squeeze3A_509 = vector.extract %slice3A_508[0] : f32 from vector<1xf32>
        %broadcast_in_dim3A_510 = vector.broadcast %squeeze3A_509 : f32 to vector<16xf32>
        %get3A_511 = arith.constant 1 : i32
        %get3A_512 = arith.index_cast %get3A_511 : i32 to index
        %get3A_513 = arith.index_cast %add3A_507 : i32 to index
        %get3A_514 = arith.constant 0 : index
        %get3A_515 = tpu.vector_load %arg11[%get3A_512, %get3A_513, %get3A_514] {strides = array<i32>} : memref<3x128x32xf32, #tpu.memory_space<vmem>>, vector<16xf32>,
        %mul3A_516 = arith.mulf %get3A_515, %broadcast_in_dim3A_510 : vector<16xf32>
        %swap3A_517 = arith.constant 1 : i32
        %swap3A_518 = arith.index_cast %swap3A_517 : i32 to index
        %swap3A_519 = arith.index_cast %add3A_507 : i32 to index
        %swap3A_520 = arith.constant 0 : index
        %swap3A_521 = tpu.vector_load %arg11[%swap3A_518, %swap3A_519, %swap3A_520] {strides = array<i32>} : memref<3x128x32xf32, #tpu.memory_space<vmem>>, vector<16xf32>,
        tpu.vector_store %arg11[%swap3A_518, %swap3A_519, %swap3A_520], %mul3A_516 {strides = array<i32>} : memref<3x128x32xf32, #tpu.memory_space<vmem>>, vector<16xf32>,
        %get3A_522 = arith.constant 1 : i32
        %get3A_523 = arith.index_cast %get3A_522 : i32 to index
        %get3A_524 = arith.index_cast %add3A_507 : i32 to index
        %get3A_525 = arith.constant 16 : index
        %get3A_526 = tpu.vector_load %arg11[%get3A_523, %get3A_524, %get3A_525] {strides = array<i32>} : memref<3x128x32xf32, #tpu.memory_space<vmem>>, vector<16xf32>,
        %mul3A_527 = arith.mulf %get3A_526, %broadcast_in_dim3A_510 : vector<16xf32>
        %swap3A_528 = arith.constant 1 : i32
        %swap3A_529 = arith.index_cast %swap3A_528 : i32 to index
        %swap3A_530 = arith.index_cast %add3A_507 : i32 to index
        %swap3A_531 = arith.constant 16 : index
        %swap3A_532 = tpu.vector_load %arg11[%swap3A_529, %swap3A_530, %swap3A_531] {strides = array<i32>} : memref<3x128x32xf32, #tpu.memory_space<vmem>>, vector<16xf32>,
        tpu.vector_store %arg11[%swap3A_529, %swap3A_530, %swap3A_531], %mul3A_527 {strides = array<i32>} : memref<3x128x32xf32, #tpu.memory_space<vmem>>, vector<16xf32>,
        %mul3A_533 = arith.constant 16 : i32
        %mul3A_534 = arith.muli %add3A_213, %mul3A_533 : i32
        %add3A_535 = arith.constant 11 : i32
        %add3A_536 = arith.addi %mul3A_534, %add3A_535 : i32
        %slice3A_537 = vector.extract_strided_slice %get3A_217 {offsets = [11], sizes = [1], strides = [1]} : vector<16xf32> to vector<1xf32>
        %squeeze3A_538 = vector.extract %slice3A_537[0] : f32 from vector<1xf32>
        %broadcast_in_dim3A_539 = vector.broadcast %squeeze3A_538 : f32 to vector<16xf32>
        %get3A_540 = arith.constant 1 : i32
        %get3A_541 = arith.index_cast %get3A_540 : i32 to index
        %get3A_542 = arith.index_cast %add3A_536 : i32 to index
        %get3A_543 = arith.constant 0 : index
        %get3A_544 = tpu.vector_load %arg11[%get3A_541, %get3A_542, %get3A_543] {strides = array<i32>} : memref<3x128x32xf32, #tpu.memory_space<vmem>>, vector<16xf32>,
        %mul3A_545 = arith.mulf %get3A_544, %broadcast_in_dim3A_539 : vector<16xf32>
        %swap3A_546 = arith.constant 1 : i32
        %swap3A_547 = arith.index_cast %swap3A_546 : i32 to index
        %swap3A_548 = arith.index_cast %add3A_536 : i32 to index
        %swap3A_549 = arith.constant 0 : index
        %swap3A_550 = tpu.vector_load %arg11[%swap3A_547, %swap3A_548, %swap3A_549] {strides = array<i32>} : memref<3x128x32xf32, #tpu.memory_space<vmem>>, vector<16xf32>,
        tpu.vector_store %arg11[%swap3A_547, %swap3A_548, %swap3A_549], %mul3A_545 {strides = array<i32>} : memref<3x128x32xf32, #tpu.memory_space<vmem>>, vector<16xf32>,
        %get3A_551 = arith.constant 1 : i32
        %get3A_552 = arith.index_cast %get3A_551 : i32 to index
        %get3A_553 = arith.index_cast %add3A_536 : i32 to index
        %get3A_554 = arith.constant 16 : index
        %get3A_555 = tpu.vector_load %arg11[%get3A_552, %get3A_553, %get3A_554] {strides = array<i32>} : memref<3x128x32xf32, #tpu.memory_space<vmem>>, vector<16xf32>,
        %mul3A_556 = arith.mulf %get3A_555, %broadcast_in_dim3A_539 : vector<16xf32>
        %swap3A_557 = arith.constant 1 : i32
        %swap3A_558 = arith.index_cast %swap3A_557 : i32 to index
        %swap3A_559 = arith.index_cast %add3A_536 : i32 to index
        %swap3A_560 = arith.constant 16 : index
        %swap3A_561 = tpu.vector_load %arg11[%swap3A_558, %swap3A_559, %swap3A_560] {strides = array<i32>} : memref<3x128x32xf32, #tpu.memory_space<vmem>>, vector<16xf32>,
        tpu.vector_store %arg11[%swap3A_558, %swap3A_559, %swap3A_560], %mul3A_556 {strides = array<i32>} : memref<3x128x32xf32, #tpu.memory_space<vmem>>, vector<16xf32>,
        %mul3A_562 = arith.constant 16 : i32
        %mul3A_563 = arith.muli %add3A_213, %mul3A_562 : i32
        %add3A_564 = arith.constant 12 : i32
        %add3A_565 = arith.addi %mul3A_563, %add3A_564 : i32
        %slice3A_566 = vector.extract_strided_slice %get3A_217 {offsets = [12], sizes = [1], strides = [1]} : vector<16xf32> to vector<1xf32>
        %squeeze3A_567 = vector.extract %slice3A_566[0] : f32 from vector<1xf32>
        %broadcast_in_dim3A_568 = vector.broadcast %squeeze3A_567 : f32 to vector<16xf32>
        %get3A_569 = arith.constant 1 : i32
        %get3A_570 = arith.index_cast %get3A_569 : i32 to index
        %get3A_571 = arith.index_cast %add3A_565 : i32 to index
        %get3A_572 = arith.constant 0 : index
        %get3A_573 = tpu.vector_load %arg11[%get3A_570, %get3A_571, %get3A_572] {strides = array<i32>} : memref<3x128x32xf32, #tpu.memory_space<vmem>>, vector<16xf32>,
        %mul3A_574 = arith.mulf %get3A_573, %broadcast_in_dim3A_568 : vector<16xf32>
        %swap3A_575 = arith.constant 1 : i32
        %swap3A_576 = arith.index_cast %swap3A_575 : i32 to index
        %swap3A_577 = arith.index_cast %add3A_565 : i32 to index
        %swap3A_578 = arith.constant 0 : index
        %swap3A_579 = tpu.vector_load %arg11[%swap3A_576, %swap3A_577, %swap3A_578] {strides = array<i32>} : memref<3x128x32xf32, #tpu.memory_space<vmem>>, vector<16xf32>,
        tpu.vector_store %arg11[%swap3A_576, %swap3A_577, %swap3A_578], %mul3A_574 {strides = array<i32>} : memref<3x128x32xf32, #tpu.memory_space<vmem>>, vector<16xf32>,
        %get3A_580 = arith.constant 1 : i32
        %get3A_581 = arith.index_cast %get3A_580 : i32 to index
        %get3A_582 = arith.index_cast %add3A_565 : i32 to index
        %get3A_583 = arith.constant 16 : index
        %get3A_584 = tpu.vector_load %arg11[%get3A_581, %get3A_582, %get3A_583] {strides = array<i32>} : memref<3x128x32xf32, #tpu.memory_space<vmem>>, vector<16xf32>,
        %mul3A_585 = arith.mulf %get3A_584, %broadcast_in_dim3A_568 : vector<16xf32>
        %swap3A_586 = arith.constant 1 : i32
        %swap3A_587 = arith.index_cast %swap3A_586 : i32 to index
        %swap3A_588 = arith.index_cast %add3A_565 : i32 to index
        %swap3A_589 = arith.constant 16 : index
        %swap3A_590 = tpu.vector_load %arg11[%swap3A_587, %swap3A_588, %swap3A_589] {strides = array<i32>} : memref<3x128x32xf32, #tpu.memory_space<vmem>>, vector<16xf32>,
        tpu.vector_store %arg11[%swap3A_587, %swap3A_588, %swap3A_589], %mul3A_585 {strides = array<i32>} : memref<3x128x32xf32, #tpu.memory_space<vmem>>, vector<16xf32>,
        %mul3A_591 = arith.constant 16 : i32
        %mul3A_592 = arith.muli %add3A_213, %mul3A_591 : i32
        %add3A_593 = arith.constant 13 : i32
        %add3A_594 = arith.addi %mul3A_592, %add3A_593 : i32
        %slice3A_595 = vector.extract_strided_slice %get3A_217 {offsets = [13], sizes = [1], strides = [1]} : vector<16xf32> to vector<1xf32>
        %squeeze3A_596 = vector.extract %slice3A_595[0] : f32 from vector<1xf32>
        %broadcast_in_dim3A_597 = vector.broadcast %squeeze3A_596 : f32 to vector<16xf32>
        %get3A_598 = arith.constant 1 : i32
        %get3A_599 = arith.index_cast %get3A_598 : i32 to index
        %get3A_600 = arith.index_cast %add3A_594 : i32 to index
        %get3A_601 = arith.constant 0 : index
        %get3A_602 = tpu.vector_load %arg11[%get3A_599, %get3A_600, %get3A_601] {strides = array<i32>} : memref<3x128x32xf32, #tpu.memory_space<vmem>>, vector<16xf32>,
        %mul3A_603 = arith.mulf %get3A_602, %broadcast_in_dim3A_597 : vector<16xf32>
        %swap3A_604 = arith.constant 1 : i32
        %swap3A_605 = arith.index_cast %swap3A_604 : i32 to index
        %swap3A_606 = arith.index_cast %add3A_594 : i32 to index
        %swap3A_607 = arith.constant 0 : index
        %swap3A_608 = tpu.vector_load %arg11[%swap3A_605, %swap3A_606, %swap3A_607] {strides = array<i32>} : memref<3x128x32xf32, #tpu.memory_space<vmem>>, vector<16xf32>,
        tpu.vector_store %arg11[%swap3A_605, %swap3A_606, %swap3A_607], %mul3A_603 {strides = array<i32>} : memref<3x128x32xf32, #tpu.memory_space<vmem>>, vector<16xf32>,
        %get3A_609 = arith.constant 1 : i32
        %get3A_610 = arith.index_cast %get3A_609 : i32 to index
        %get3A_611 = arith.index_cast %add3A_594 : i32 to index
        %get3A_612 = arith.constant 16 : index
        %get3A_613 = tpu.vector_load %arg11[%get3A_610, %get3A_611, %get3A_612] {strides = array<i32>} : memref<3x128x32xf32, #tpu.memory_space<vmem>>, vector<16xf32>,
        %mul3A_614 = arith.mulf %get3A_613, %broadcast_in_dim3A_597 : vector<16xf32>
        %swap3A_615 = arith.constant 1 : i32
        %swap3A_616 = arith.index_cast %swap3A_615 : i32 to index
        %swap3A_617 = arith.index_cast %add3A_594 : i32 to index
        %swap3A_618 = arith.constant 16 : index
        %swap3A_619 = tpu.vector_load %arg11[%swap3A_616, %swap3A_617, %swap3A_618] {strides = array<i32>} : memref<3x128x32xf32, #tpu.memory_space<vmem>>, vector<16xf32>,
        tpu.vector_store %arg11[%swap3A_616, %swap3A_617, %swap3A_618], %mul3A_614 {strides = array<i32>} : memref<3x128x32xf32, #tpu.memory_space<vmem>>, vector<16xf32>,
        %mul3A_620 = arith.constant 16 : i32
        %mul3A_621 = arith.muli %add3A_213, %mul3A_620 : i32
        %add3A_622 = arith.constant 14 : i32
        %add3A_623 = arith.addi %mul3A_621, %add3A_622 : i32
        %slice3A_624 = vector.extract_strided_slice %get3A_217 {offsets = [14], sizes = [1], strides = [1]} : vector<16xf32> to vector<1xf32>
        %squeeze3A_625 = vector.extract %slice3A_624[0] : f32 from vector<1xf32>
        %broadcast_in_dim3A_626 = vector.broadcast %squeeze3A_625 : f32 to vector<16xf32>
        %get3A_627 = arith.constant 1 : i32
        %get3A_628 = arith.index_cast %get3A_627 : i32 to index
        %get3A_629 = arith.index_cast %add3A_623 : i32 to index
        %get3A_630 = arith.constant 0 : index
        %get3A_631 = tpu.vector_load %arg11[%get3A_628, %get3A_629, %get3A_630] {strides = array<i32>} : memref<3x128x32xf32, #tpu.memory_space<vmem>>, vector<16xf32>,
        %mul3A_632 = arith.mulf %get3A_631, %broadcast_in_dim3A_626 : vector<16xf32>
        %swap3A_633 = arith.constant 1 : i32
        %swap3A_634 = arith.index_cast %swap3A_633 : i32 to index
        %swap3A_635 = arith.index_cast %add3A_623 : i32 to index
        %swap3A_636 = arith.constant 0 : index
        %swap3A_637 = tpu.vector_load %arg11[%swap3A_634, %swap3A_635, %swap3A_636] {strides = array<i32>} : memref<3x128x32xf32, #tpu.memory_space<vmem>>, vector<16xf32>,
        tpu.vector_store %arg11[%swap3A_634, %swap3A_635, %swap3A_636], %mul3A_632 {strides = array<i32>} : memref<3x128x32xf32, #tpu.memory_space<vmem>>, vector<16xf32>,
        %get3A_638 = arith.constant 1 : i32
        %get3A_639 = arith.index_cast %get3A_638 : i32 to index
        %get3A_640 = arith.index_cast %add3A_623 : i32 to index
        %get3A_641 = arith.constant 16 : index
        %get3A_642 = tpu.vector_load %arg11[%get3A_639, %get3A_640, %get3A_641] {strides = array<i32>} : memref<3x128x32xf32, #tpu.memory_space<vmem>>, vector<16xf32>,
        %mul3A_643 = arith.mulf %get3A_642, %broadcast_in_dim3A_626 : vector<16xf32>
        %swap3A_644 = arith.constant 1 : i32
        %swap3A_645 = arith.index_cast %swap3A_644 : i32 to index
        %swap3A_646 = arith.index_cast %add3A_623 : i32 to index
        %swap3A_647 = arith.constant 16 : index
        %swap3A_648 = tpu.vector_load %arg11[%swap3A_645, %swap3A_646, %swap3A_647] {strides = array<i32>} : memref<3x128x32xf32, #tpu.memory_space<vmem>>, vector<16xf32>,
        tpu.vector_store %arg11[%swap3A_645, %swap3A_646, %swap3A_647], %mul3A_643 {strides = array<i32>} : memref<3x128x32xf32, #tpu.memory_space<vmem>>, vector<16xf32>,
        %mul3A_649 = arith.constant 16 : i32
        %mul3A_650 = arith.muli %add3A_213, %mul3A_649 : i32
        %add3A_651 = arith.constant 15 : i32
        %add3A_652 = arith.addi %mul3A_650, %add3A_651 : i32
        %slice3A_653 = vector.extract_strided_slice %get3A_217 {offsets = [15], sizes = [1], strides = [1]} : vector<16xf32> to vector<1xf32>
        %squeeze3A_654 = vector.extract %slice3A_653[0] : f32 from vector<1xf32>
        %broadcast_in_dim3A_655 = vector.broadcast %squeeze3A_654 : f32 to vector<16xf32>
        %get3A_656 = arith.constant 1 : i32
        %get3A_657 = arith.index_cast %get3A_656 : i32 to index
        %get3A_658 = arith.index_cast %add3A_652 : i32 to index
        %get3A_659 = arith.constant 0 : index
        %get3A_660 = tpu.vector_load %arg11[%get3A_657, %get3A_658, %get3A_659] {strides = array<i32>} : memref<3x128x32xf32, #tpu.memory_space<vmem>>, vector<16xf32>,
        %mul3A_661 = arith.mulf %get3A_660, %broadcast_in_dim3A_655 : vector<16xf32>
        %swap3A_662 = arith.constant 1 : i32
        %swap3A_663 = arith.index_cast %swap3A_662 : i32 to index
        %swap3A_664 = arith.index_cast %add3A_652 : i32 to index
        %swap3A_665 = arith.constant 0 : index
        %swap3A_666 = tpu.vector_load %arg11[%swap3A_663, %swap3A_664, %swap3A_665] {strides = array<i32>} : memref<3x128x32xf32, #tpu.memory_space<vmem>>, vector<16xf32>,
        tpu.vector_store %arg11[%swap3A_663, %swap3A_664, %swap3A_665], %mul3A_661 {strides = array<i32>} : memref<3x128x32xf32, #tpu.memory_space<vmem>>, vector<16xf32>,
        %get3A_667 = arith.constant 1 : i32
        %get3A_668 = arith.index_cast %get3A_667 : i32 to index
        %get3A_669 = arith.index_cast %add3A_652 : i32 to index
        %get3A_670 = arith.constant 16 : index
        %get3A_671 = tpu.vector_load %arg11[%get3A_668, %get3A_669, %get3A_670] {strides = array<i32>} : memref<3x128x32xf32, #tpu.memory_space<vmem>>, vector<16xf32>,
        %mul3A_672 = arith.mulf %get3A_671, %broadcast_in_dim3A_655 : vector<16xf32>
        %swap3A_673 = arith.constant 1 : i32
        %swap3A_674 = arith.index_cast %swap3A_673 : i32 to index
        %swap3A_675 = arith.index_cast %add3A_652 : i32 to index
        %swap3A_676 = arith.constant 16 : index
        %swap3A_677 = tpu.vector_load %arg11[%swap3A_674, %swap3A_675, %swap3A_676] {strides = array<i32>} : memref<3x128x32xf32, #tpu.memory_space<vmem>>, vector<16xf32>,
        tpu.vector_store %arg11[%swap3A_674, %swap3A_675, %swap3A_676], %mul3A_672 {strides = array<i32>} : memref<3x128x32xf32, #tpu.memory_space<vmem>>, vector<16xf32>,
      }
      %scan3A_146 = arith.constant 8 : i32
      %gt3A_147 = arith.constant 0 : i32
      %gt3A_148 = arith.cmpi sgt, %add3A_130, %gt3A_147 : i32
      %convert_element_type3A_149 = arith.extui %gt3A_148 : i1 to i32
      %cond3A_150 = arith.constant 0 : i32
      %cond3A_151 = arith.cmpi ne, %convert_element_type3A_149, %cond3A_150 : i32
      scf.if %cond3A_151 {
        %sub3A = arith.constant 1 : i32
        %sub3A_209 = arith.subi %add3A_130, %sub3A : i32
        %dma_wait3A_210 = arith.constant 0 : i32
        %dma_wait3A_211 = arith.constant 0 : i32
        %dma_wait3A_212 = arith.constant 0 : i32
        %dma_wait3A_213 = tpu.memref_slice %arg11[%dma_wait3A_210, %dma_wait3A_211, %dma_wait3A_212] : memref<3x128x32xf32, #tpu.memory_space<vmem>> -> memref<1x128x32xf32, #tpu.memory_space<vmem>>
        %dma_wait3A_214 = tpu.memref_squeeze %dma_wait3A_213 : memref<1x128x32xf32, #tpu.memory_space<vmem>> -> memref<128x32xf32, #tpu.memory_space<vmem>>
        %dma_wait3A_215 = arith.constant 0 : i32
        %dma_wait3A_216 = tpu.memref_slice %arg8[%sub3A_209, %dma_wait3A_215] : memref<79x128xi32, #tpu.memory_space<vmem>> -> memref<1x128xi32, #tpu.memory_space<vmem>>
        %dma_wait3A_217 = tpu.memref_squeeze %dma_wait3A_216 : memref<1x128xi32, #tpu.memory_space<vmem>> -> memref<128xi32, #tpu.memory_space<vmem>>
        %dma_wait3A_218 = arith.constant 0 : i32
        %dma_wait3A_219 = arith.constant 0 : i32
        %dma_wait3A_220 = tpu.memref_slice %arg12[%dma_wait3A_218, %dma_wait3A_219] : memref<10000x32xf32, #tpu.memory_space<vmem_shared>> -> memref<10000x32xf32, #tpu.memory_space<vmem_shared>>
        tpu.wait_indirect_dma semaphore(%arg16 : memref<!tpu.dma_semaphore, #tpu.memory_space<semaphore_mem>>) src(%dma_wait3A_214 : memref<128x32xf32, #tpu.memory_space<vmem>>) dst(%dma_wait3A_220 : memref<10000x32xf32, #tpu.memory_space<vmem_shared>>)
      } else {
      }
      %add3A_152 = arith.constant 2 : i32
      %add3A_153 = arith.addi %add3A_130, %add3A_152 : i32
      %lt3A_154 = arith.cmpi slt, %add3A_153, %select_n3A : i32
      %convert_element_type3A_155 = arith.extui %lt3A_154 : i1 to i32
      %cond3A_156 = arith.constant 0 : i32
      %cond3A_157 = arith.cmpi ne, %convert_element_type3A_155, %cond3A_156 : i32
      scf.if %cond3A_157 {
        %add3A_209 = arith.constant 2 : i32
        %add3A_210 = arith.addi %add3A_130, %add3A_209 : i32
        %dma_start3A_211 = arith.constant 0 : i32
        %dma_start3A_212 = arith.constant 0 : i32
        %dma_start3A_213 = arith.constant 0 : i32
        %dma_start3A_214 = tpu.memref_slice %arg11[%dma_start3A_211, %dma_start3A_212, %dma_start3A_213] : memref<3x128x32xf32, #tpu.memory_space<vmem>> -> memref<1x128x32xf32, #tpu.memory_space<vmem>>
        %dma_start3A_215 = tpu.memref_squeeze %dma_start3A_214 : memref<1x128x32xf32, #tpu.memory_space<vmem>> -> memref<128x32xf32, #tpu.memory_space<vmem>>
        %dma_start3A_216 = arith.constant 0 : i32
        %dma_start3A_217 = tpu.memref_slice %arg9[%add3A_210, %dma_start3A_216] : memref<79x128xi32, #tpu.memory_space<vmem>> -> memref<1x128xi32, #tpu.memory_space<vmem>>
        %dma_start3A_218 = tpu.memref_squeeze %dma_start3A_217 : memref<1x128xi32, #tpu.memory_space<vmem>> -> memref<128xi32, #tpu.memory_space<vmem>>
        %dma_start3A_219 = arith.constant 0 : i32
        %dma_start3A_220 = arith.constant 0 : i32
        %dma_start3A_221 = tpu.memref_slice %arg5[%dma_start3A_219, %dma_start3A_220] : memref<10000x32xf32, #tpu.memory_space<hbm>> -> memref<10000x32xf32, #tpu.memory_space<hbm>>
        tpu.enqueue_indirect_dma source(%dma_start3A_221 : memref<10000x32xf32, #tpu.memory_space<hbm>>) target(%dma_start3A_215 : memref<128x32xf32, #tpu.memory_space<vmem>>) offsets(%dma_start3A_218 : memref<128xi32, #tpu.memory_space<vmem>>) semaphore(%arg13 : memref<!tpu.dma_semaphore, #tpu.memory_space<semaphore_mem>>)
      } else {
      }
      %dma_start3A_158 = arith.constant 1 : i32
      %dma_start3A_159 = arith.constant 0 : i32
      %dma_start3A_160 = arith.constant 0 : i32
      %dma_start3A_161 = tpu.memref_slice %arg11[%dma_start3A_158, %dma_start3A_159, %dma_start3A_160] : memref<3x128x32xf32, #tpu.memory_space<vmem>> -> memref<1x128x32xf32, #tpu.memory_space<vmem>>
      %dma_start3A_162 = tpu.memref_squeeze %dma_start3A_161 : memref<1x128x32xf32, #tpu.memory_space<vmem>> -> memref<128x32xf32, #tpu.memory_space<vmem>>
      %dma_start3A_163 = arith.constant 0 : i32
      %dma_start3A_164 = tpu.memref_slice %arg8[%add3A_130, %dma_start3A_163] : memref<79x128xi32, #tpu.memory_space<vmem>> -> memref<1x128xi32, #tpu.memory_space<vmem>>
      %dma_start3A_165 = tpu.memref_squeeze %dma_start3A_164 : memref<1x128xi32, #tpu.memory_space<vmem>> -> memref<128xi32, #tpu.memory_space<vmem>>
      %dma_start3A_166 = arith.constant 0 : i32
      %dma_start3A_167 = arith.constant 0 : i32
      %dma_start3A_168 = tpu.memref_slice %arg12[%dma_start3A_166, %dma_start3A_167] : memref<10000x32xf32, #tpu.memory_space<vmem_shared>> -> memref<10000x32xf32, #tpu.memory_space<vmem_shared>>
      tpu.enqueue_indirect_dma source(%dma_start3A_162 : memref<128x32xf32, #tpu.memory_space<vmem>>) target(%dma_start3A_168 : memref<10000x32xf32, #tpu.memory_space<vmem_shared>>) offsets(%dma_start3A_165 : memref<128xi32, #tpu.memory_space<vmem>>) semaphore(%arg17 : memref<!tpu.dma_semaphore, #tpu.memory_space<semaphore_mem>>) {add = true}
      %add3A_169 = arith.constant 2 : i32
      %add3A_170 = arith.addi %add3A_91, %add3A_169 : i32
      %dma_wait3A_171 = arith.constant 2 : i32
      %dma_wait3A_172 = arith.constant 0 : i32
      %dma_wait3A_173 = arith.constant 0 : i32
      %dma_wait3A_174 = tpu.memref_slice %arg11[%dma_wait3A_171, %dma_wait3A_172, %dma_wait3A_173] : memref<3x128x32xf32, #tpu.memory_space<vmem>> -> memref<1x128x32xf32, #tpu.memory_space<vmem>>
      %dma_wait3A_175 = tpu.memref_squeeze %dma_wait3A_174 : memref<1x128x32xf32, #tpu.memory_space<vmem>> -> memref<128x32xf32, #tpu.memory_space<vmem>>
      %dma_wait3A_176 = arith.constant 0 : i32
      %dma_wait3A_177 = tpu.memref_slice %arg9[%add3A_170, %dma_wait3A_176] : memref<79x128xi32, #tpu.memory_space<vmem>> -> memref<1x128xi32, #tpu.memory_space<vmem>>
      %dma_wait3A_178 = tpu.memref_squeeze %dma_wait3A_177 : memref<1x128xi32, #tpu.memory_space<vmem>> -> memref<128xi32, #tpu.memory_space<vmem>>
      %dma_wait3A_179 = arith.constant 0 : i32
      %dma_wait3A_180 = arith.constant 0 : i32
      %dma_wait3A_181 = tpu.memref_slice %arg5[%dma_wait3A_179, %dma_wait3A_180] : memref<10000x32xf32, #tpu.memory_space<hbm>> -> memref<10000x32xf32, #tpu.memory_space<hbm>>
      tpu.wait_indirect_dma semaphore(%arg15 : memref<!tpu.dma_semaphore, #tpu.memory_space<semaphore_mem>>) src(%dma_wait3A_181 : memref<10000x32xf32, #tpu.memory_space<hbm>>) dst(%dma_wait3A_175 : memref<128x32xf32, #tpu.memory_space<vmem>>)
      %scan3A_182 = arith.constant 0 : i32
      %scan3A_183 = arith.constant 8 : i32
      %scan3A_184 = arith.addi %scan3A_182, %scan3A_183 : i32
      %scan3A_185 = arith.constant 1 : i32
      scf.for %scan3A_209 = %scan3A_182 to %scan3A_184 step %scan3A_185  : i32 {
        %mul3A_210 = arith.constant 1 : i32
        %mul3A_211 = arith.muli %scan3A_209, %mul3A_210 : i32
        %add3A_212 = arith.constant 0 : i32
        %add3A_213 = arith.addi %add3A_212, %mul3A_211 : i32
        %mul3A_214 = arith.constant 16 : i32
        %mul3A_215 = arith.muli %add3A_213, %mul3A_214 : i32
        %get3A = arith.index_cast %add3A_170 : i32 to index
        %get3A_216 = arith.index_cast %mul3A_215 : i32 to index
        %get3A_217 = tpu.vector_load %arg10[%get3A, %get3A_216] {strides = array<i32>} : memref<79x128xf32, #tpu.memory_space<vmem>>, vector<16xf32>,
        %mul3A_218 = arith.constant 16 : i32
        %mul3A_219 = arith.muli %add3A_213, %mul3A_218 : i32
        %add3A_220 = arith.constant 0 : i32
        %add3A_221 = arith.addi %mul3A_219, %add3A_220 : i32
        %slice3A = vector.extract_strided_slice %get3A_217 {offsets = [0], sizes = [1], strides = [1]} : vector<16xf32> to vector<1xf32>
        %squeeze3A = vector.extract %slice3A[0] : f32 from vector<1xf32>
        %broadcast_in_dim3A = vector.broadcast %squeeze3A : f32 to vector<16xf32>
        %get3A_222 = arith.constant 2 : i32
        %get3A_223 = arith.index_cast %get3A_222 : i32 to index
        %get3A_224 = arith.index_cast %add3A_221 : i32 to index
        %get3A_225 = arith.constant 0 : index
        %get3A_226 = tpu.vector_load %arg11[%get3A_223, %get3A_224, %get3A_225] {strides = array<i32>} : memref<3x128x32xf32, #tpu.memory_space<vmem>>, vector<16xf32>,
        %mul3A_227 = arith.mulf %get3A_226, %broadcast_in_dim3A : vector<16xf32>
        %swap3A = arith.constant 2 : i32
        %swap3A_228 = arith.index_cast %swap3A : i32 to index
        %swap3A_229 = arith.index_cast %add3A_221 : i32 to index
        %swap3A_230 = arith.constant 0 : index
        %swap3A_231 = tpu.vector_load %arg11[%swap3A_228, %swap3A_229, %swap3A_230] {strides = array<i32>} : memref<3x128x32xf32, #tpu.memory_space<vmem>>, vector<16xf32>,
        tpu.vector_store %arg11[%swap3A_228, %swap3A_229, %swap3A_230], %mul3A_227 {strides = array<i32>} : memref<3x128x32xf32, #tpu.memory_space<vmem>>, vector<16xf32>,
        %get3A_232 = arith.constant 2 : i32
        %get3A_233 = arith.index_cast %get3A_232 : i32 to index
        %get3A_234 = arith.index_cast %add3A_221 : i32 to index
        %get3A_235 = arith.constant 16 : index
        %get3A_236 = tpu.vector_load %arg11[%get3A_233, %get3A_234, %get3A_235] {strides = array<i32>} : memref<3x128x32xf32, #tpu.memory_space<vmem>>, vector<16xf32>,
        %mul3A_237 = arith.mulf %get3A_236, %broadcast_in_dim3A : vector<16xf32>
        %swap3A_238 = arith.constant 2 : i32
        %swap3A_239 = arith.index_cast %swap3A_238 : i32 to index
        %swap3A_240 = arith.index_cast %add3A_221 : i32 to index
        %swap3A_241 = arith.constant 16 : index
        %swap3A_242 = tpu.vector_load %arg11[%swap3A_239, %swap3A_240, %swap3A_241] {strides = array<i32>} : memref<3x128x32xf32, #tpu.memory_space<vmem>>, vector<16xf32>,
        tpu.vector_store %arg11[%swap3A_239, %swap3A_240, %swap3A_241], %mul3A_237 {strides = array<i32>} : memref<3x128x32xf32, #tpu.memory_space<vmem>>, vector<16xf32>,
        %mul3A_243 = arith.constant 16 : i32
        %mul3A_244 = arith.muli %add3A_213, %mul3A_243 : i32
        %add3A_245 = arith.constant 1 : i32
        %add3A_246 = arith.addi %mul3A_244, %add3A_245 : i32
        %slice3A_247 = vector.extract_strided_slice %get3A_217 {offsets = [1], sizes = [1], strides = [1]} : vector<16xf32> to vector<1xf32>
        %squeeze3A_248 = vector.extract %slice3A_247[0] : f32 from vector<1xf32>
        %broadcast_in_dim3A_249 = vector.broadcast %squeeze3A_248 : f32 to vector<16xf32>
        %get3A_250 = arith.constant 2 : i32
        %get3A_251 = arith.index_cast %get3A_250 : i32 to index
        %get3A_252 = arith.index_cast %add3A_246 : i32 to index
        %get3A_253 = arith.constant 0 : index
        %get3A_254 = tpu.vector_load %arg11[%get3A_251, %get3A_252, %get3A_253] {strides = array<i32>} : memref<3x128x32xf32, #tpu.memory_space<vmem>>, vector<16xf32>,
        %mul3A_255 = arith.mulf %get3A_254, %broadcast_in_dim3A_249 : vector<16xf32>
        %swap3A_256 = arith.constant 2 : i32
        %swap3A_257 = arith.index_cast %swap3A_256 : i32 to index
        %swap3A_258 = arith.index_cast %add3A_246 : i32 to index
        %swap3A_259 = arith.constant 0 : index
        %swap3A_260 = tpu.vector_load %arg11[%swap3A_257, %swap3A_258, %swap3A_259] {strides = array<i32>} : memref<3x128x32xf32, #tpu.memory_space<vmem>>, vector<16xf32>,
        tpu.vector_store %arg11[%swap3A_257, %swap3A_258, %swap3A_259], %mul3A_255 {strides = array<i32>} : memref<3x128x32xf32, #tpu.memory_space<vmem>>, vector<16xf32>,
        %get3A_261 = arith.constant 2 : i32
        %get3A_262 = arith.index_cast %get3A_261 : i32 to index
        %get3A_263 = arith.index_cast %add3A_246 : i32 to index
        %get3A_264 = arith.constant 16 : index
        %get3A_265 = tpu.vector_load %arg11[%get3A_262, %get3A_263, %get3A_264] {strides = array<i32>} : memref<3x128x32xf32, #tpu.memory_space<vmem>>, vector<16xf32>,
        %mul3A_266 = arith.mulf %get3A_265, %broadcast_in_dim3A_249 : vector<16xf32>
        %swap3A_267 = arith.constant 2 : i32
        %swap3A_268 = arith.index_cast %swap3A_267 : i32 to index
        %swap3A_269 = arith.index_cast %add3A_246 : i32 to index
        %swap3A_270 = arith.constant 16 : index
        %swap3A_271 = tpu.vector_load %arg11[%swap3A_268, %swap3A_269, %swap3A_270] {strides = array<i32>} : memref<3x128x32xf32, #tpu.memory_space<vmem>>, vector<16xf32>,
        tpu.vector_store %arg11[%swap3A_268, %swap3A_269, %swap3A_270], %mul3A_266 {strides = array<i32>} : memref<3x128x32xf32, #tpu.memory_space<vmem>>, vector<16xf32>,
        %mul3A_272 = arith.constant 16 : i32
        %mul3A_273 = arith.muli %add3A_213, %mul3A_272 : i32
        %add3A_274 = arith.constant 2 : i32
        %add3A_275 = arith.addi %mul3A_273, %add3A_274 : i32
        %slice3A_276 = vector.extract_strided_slice %get3A_217 {offsets = [2], sizes = [1], strides = [1]} : vector<16xf32> to vector<1xf32>
        %squeeze3A_277 = vector.extract %slice3A_276[0] : f32 from vector<1xf32>
        %broadcast_in_dim3A_278 = vector.broadcast %squeeze3A_277 : f32 to vector<16xf32>
        %get3A_279 = arith.constant 2 : i32
        %get3A_280 = arith.index_cast %get3A_279 : i32 to index
        %get3A_281 = arith.index_cast %add3A_275 : i32 to index
        %get3A_282 = arith.constant 0 : index
        %get3A_283 = tpu.vector_load %arg11[%get3A_280, %get3A_281, %get3A_282] {strides = array<i32>} : memref<3x128x32xf32, #tpu.memory_space<vmem>>, vector<16xf32>,
        %mul3A_284 = arith.mulf %get3A_283, %broadcast_in_dim3A_278 : vector<16xf32>
        %swap3A_285 = arith.constant 2 : i32
        %swap3A_286 = arith.index_cast %swap3A_285 : i32 to index
        %swap3A_287 = arith.index_cast %add3A_275 : i32 to index
        %swap3A_288 = arith.constant 0 : index
        %swap3A_289 = tpu.vector_load %arg11[%swap3A_286, %swap3A_287, %swap3A_288] {strides = array<i32>} : memref<3x128x32xf32, #tpu.memory_space<vmem>>, vector<16xf32>,
        tpu.vector_store %arg11[%swap3A_286, %swap3A_287, %swap3A_288], %mul3A_284 {strides = array<i32>} : memref<3x128x32xf32, #tpu.memory_space<vmem>>, vector<16xf32>,
        %get3A_290 = arith.constant 2 : i32
        %get3A_291 = arith.index_cast %get3A_290 : i32 to index
        %get3A_292 = arith.index_cast %add3A_275 : i32 to index
        %get3A_293 = arith.constant 16 : index
        %get3A_294 = tpu.vector_load %arg11[%get3A_291, %get3A_292, %get3A_293] {strides = array<i32>} : memref<3x128x32xf32, #tpu.memory_space<vmem>>, vector<16xf32>,
        %mul3A_295 = arith.mulf %get3A_294, %broadcast_in_dim3A_278 : vector<16xf32>
        %swap3A_296 = arith.constant 2 : i32
        %swap3A_297 = arith.index_cast %swap3A_296 : i32 to index
        %swap3A_298 = arith.index_cast %add3A_275 : i32 to index
        %swap3A_299 = arith.constant 16 : index
        %swap3A_300 = tpu.vector_load %arg11[%swap3A_297, %swap3A_298, %swap3A_299] {strides = array<i32>} : memref<3x128x32xf32, #tpu.memory_space<vmem>>, vector<16xf32>,
        tpu.vector_store %arg11[%swap3A_297, %swap3A_298, %swap3A_299], %mul3A_295 {strides = array<i32>} : memref<3x128x32xf32, #tpu.memory_space<vmem>>, vector<16xf32>,
        %mul3A_301 = arith.constant 16 : i32
        %mul3A_302 = arith.muli %add3A_213, %mul3A_301 : i32
        %add3A_303 = arith.constant 3 : i32
        %add3A_304 = arith.addi %mul3A_302, %add3A_303 : i32
        %slice3A_305 = vector.extract_strided_slice %get3A_217 {offsets = [3], sizes = [1], strides = [1]} : vector<16xf32> to vector<1xf32>
        %squeeze3A_306 = vector.extract %slice3A_305[0] : f32 from vector<1xf32>
        %broadcast_in_dim3A_307 = vector.broadcast %squeeze3A_306 : f32 to vector<16xf32>
        %get3A_308 = arith.constant 2 : i32
        %get3A_309 = arith.index_cast %get3A_308 : i32 to index
        %get3A_310 = arith.index_cast %add3A_304 : i32 to index
        %get3A_311 = arith.constant 0 : index
        %get3A_312 = tpu.vector_load %arg11[%get3A_309, %get3A_310, %get3A_311] {strides = array<i32>} : memref<3x128x32xf32, #tpu.memory_space<vmem>>, vector<16xf32>,
        %mul3A_313 = arith.mulf %get3A_312, %broadcast_in_dim3A_307 : vector<16xf32>
        %swap3A_314 = arith.constant 2 : i32
        %swap3A_315 = arith.index_cast %swap3A_314 : i32 to index
        %swap3A_316 = arith.index_cast %add3A_304 : i32 to index
        %swap3A_317 = arith.constant 0 : index
        %swap3A_318 = tpu.vector_load %arg11[%swap3A_315, %swap3A_316, %swap3A_317] {strides = array<i32>} : memref<3x128x32xf32, #tpu.memory_space<vmem>>, vector<16xf32>,
        tpu.vector_store %arg11[%swap3A_315, %swap3A_316, %swap3A_317], %mul3A_313 {strides = array<i32>} : memref<3x128x32xf32, #tpu.memory_space<vmem>>, vector<16xf32>,
        %get3A_319 = arith.constant 2 : i32
        %get3A_320 = arith.index_cast %get3A_319 : i32 to index
        %get3A_321 = arith.index_cast %add3A_304 : i32 to index
        %get3A_322 = arith.constant 16 : index
        %get3A_323 = tpu.vector_load %arg11[%get3A_320, %get3A_321, %get3A_322] {strides = array<i32>} : memref<3x128x32xf32, #tpu.memory_space<vmem>>, vector<16xf32>,
        %mul3A_324 = arith.mulf %get3A_323, %broadcast_in_dim3A_307 : vector<16xf32>
        %swap3A_325 = arith.constant 2 : i32
        %swap3A_326 = arith.index_cast %swap3A_325 : i32 to index
        %swap3A_327 = arith.index_cast %add3A_304 : i32 to index
        %swap3A_328 = arith.constant 16 : index
        %swap3A_329 = tpu.vector_load %arg11[%swap3A_326, %swap3A_327, %swap3A_328] {strides = array<i32>} : memref<3x128x32xf32, #tpu.memory_space<vmem>>, vector<16xf32>,
        tpu.vector_store %arg11[%swap3A_326, %swap3A_327, %swap3A_328], %mul3A_324 {strides = array<i32>} : memref<3x128x32xf32, #tpu.memory_space<vmem>>, vector<16xf32>,
        %mul3A_330 = arith.constant 16 : i32
        %mul3A_331 = arith.muli %add3A_213, %mul3A_330 : i32
        %add3A_332 = arith.constant 4 : i32
        %add3A_333 = arith.addi %mul3A_331, %add3A_332 : i32
        %slice3A_334 = vector.extract_strided_slice %get3A_217 {offsets = [4], sizes = [1], strides = [1]} : vector<16xf32> to vector<1xf32>
        %squeeze3A_335 = vector.extract %slice3A_334[0] : f32 from vector<1xf32>
        %broadcast_in_dim3A_336 = vector.broadcast %squeeze3A_335 : f32 to vector<16xf32>
        %get3A_337 = arith.constant 2 : i32
        %get3A_338 = arith.index_cast %get3A_337 : i32 to index
        %get3A_339 = arith.index_cast %add3A_333 : i32 to index
        %get3A_340 = arith.constant 0 : index
        %get3A_341 = tpu.vector_load %arg11[%get3A_338, %get3A_339, %get3A_340] {strides = array<i32>} : memref<3x128x32xf32, #tpu.memory_space<vmem>>, vector<16xf32>,
        %mul3A_342 = arith.mulf %get3A_341, %broadcast_in_dim3A_336 : vector<16xf32>
        %swap3A_343 = arith.constant 2 : i32
        %swap3A_344 = arith.index_cast %swap3A_343 : i32 to index
        %swap3A_345 = arith.index_cast %add3A_333 : i32 to index
        %swap3A_346 = arith.constant 0 : index
        %swap3A_347 = tpu.vector_load %arg11[%swap3A_344, %swap3A_345, %swap3A_346] {strides = array<i32>} : memref<3x128x32xf32, #tpu.memory_space<vmem>>, vector<16xf32>,
        tpu.vector_store %arg11[%swap3A_344, %swap3A_345, %swap3A_346], %mul3A_342 {strides = array<i32>} : memref<3x128x32xf32, #tpu.memory_space<vmem>>, vector<16xf32>,
        %get3A_348 = arith.constant 2 : i32
        %get3A_349 = arith.index_cast %get3A_348 : i32 to index
        %get3A_350 = arith.index_cast %add3A_333 : i32 to index
        %get3A_351 = arith.constant 16 : index
        %get3A_352 = tpu.vector_load %arg11[%get3A_349, %get3A_350, %get3A_351] {strides = array<i32>} : memref<3x128x32xf32, #tpu.memory_space<vmem>>, vector<16xf32>,
        %mul3A_353 = arith.mulf %get3A_352, %broadcast_in_dim3A_336 : vector<16xf32>
        %swap3A_354 = arith.constant 2 : i32
        %swap3A_355 = arith.index_cast %swap3A_354 : i32 to index
        %swap3A_356 = arith.index_cast %add3A_333 : i32 to index
        %swap3A_357 = arith.constant 16 : index
        %swap3A_358 = tpu.vector_load %arg11[%swap3A_355, %swap3A_356, %swap3A_357] {strides = array<i32>} : memref<3x128x32xf32, #tpu.memory_space<vmem>>, vector<16xf32>,
        tpu.vector_store %arg11[%swap3A_355, %swap3A_356, %swap3A_357], %mul3A_353 {strides = array<i32>} : memref<3x128x32xf32, #tpu.memory_space<vmem>>, vector<16xf32>,
        %mul3A_359 = arith.constant 16 : i32
        %mul3A_360 = arith.muli %add3A_213, %mul3A_359 : i32
        %add3A_361 = arith.constant 5 : i32
        %add3A_362 = arith.addi %mul3A_360, %add3A_361 : i32
        %slice3A_363 = vector.extract_strided_slice %get3A_217 {offsets = [5], sizes = [1], strides = [1]} : vector<16xf32> to vector<1xf32>
        %squeeze3A_364 = vector.extract %slice3A_363[0] : f32 from vector<1xf32>
        %broadcast_in_dim3A_365 = vector.broadcast %squeeze3A_364 : f32 to vector<16xf32>
        %get3A_366 = arith.constant 2 : i32
        %get3A_367 = arith.index_cast %get3A_366 : i32 to index
        %get3A_368 = arith.index_cast %add3A_362 : i32 to index
        %get3A_369 = arith.constant 0 : index
        %get3A_370 = tpu.vector_load %arg11[%get3A_367, %get3A_368, %get3A_369] {strides = array<i32>} : memref<3x128x32xf32, #tpu.memory_space<vmem>>, vector<16xf32>,
        %mul3A_371 = arith.mulf %get3A_370, %broadcast_in_dim3A_365 : vector<16xf32>
        %swap3A_372 = arith.constant 2 : i32
        %swap3A_373 = arith.index_cast %swap3A_372 : i32 to index
        %swap3A_374 = arith.index_cast %add3A_362 : i32 to index
        %swap3A_375 = arith.constant 0 : index
        %swap3A_376 = tpu.vector_load %arg11[%swap3A_373, %swap3A_374, %swap3A_375] {strides = array<i32>} : memref<3x128x32xf32, #tpu.memory_space<vmem>>, vector<16xf32>,
        tpu.vector_store %arg11[%swap3A_373, %swap3A_374, %swap3A_375], %mul3A_371 {strides = array<i32>} : memref<3x128x32xf32, #tpu.memory_space<vmem>>, vector<16xf32>,
        %get3A_377 = arith.constant 2 : i32
        %get3A_378 = arith.index_cast %get3A_377 : i32 to index
        %get3A_379 = arith.index_cast %add3A_362 : i32 to index
        %get3A_380 = arith.constant 16 : index
        %get3A_381 = tpu.vector_load %arg11[%get3A_378, %get3A_379, %get3A_380] {strides = array<i32>} : memref<3x128x32xf32, #tpu.memory_space<vmem>>, vector<16xf32>,
        %mul3A_382 = arith.mulf %get3A_381, %broadcast_in_dim3A_365 : vector<16xf32>
        %swap3A_383 = arith.constant 2 : i32
        %swap3A_384 = arith.index_cast %swap3A_383 : i32 to index
        %swap3A_385 = arith.index_cast %add3A_362 : i32 to index
        %swap3A_386 = arith.constant 16 : index
        %swap3A_387 = tpu.vector_load %arg11[%swap3A_384, %swap3A_385, %swap3A_386] {strides = array<i32>} : memref<3x128x32xf32, #tpu.memory_space<vmem>>, vector<16xf32>,
        tpu.vector_store %arg11[%swap3A_384, %swap3A_385, %swap3A_386], %mul3A_382 {strides = array<i32>} : memref<3x128x32xf32, #tpu.memory_space<vmem>>, vector<16xf32>,
        %mul3A_388 = arith.constant 16 : i32
        %mul3A_389 = arith.muli %add3A_213, %mul3A_388 : i32
        %add3A_390 = arith.constant 6 : i32
        %add3A_391 = arith.addi %mul3A_389, %add3A_390 : i32
        %slice3A_392 = vector.extract_strided_slice %get3A_217 {offsets = [6], sizes = [1], strides = [1]} : vector<16xf32> to vector<1xf32>
        %squeeze3A_393 = vector.extract %slice3A_392[0] : f32 from vector<1xf32>
        %broadcast_in_dim3A_394 = vector.broadcast %squeeze3A_393 : f32 to vector<16xf32>
        %get3A_395 = arith.constant 2 : i32
        %get3A_396 = arith.index_cast %get3A_395 : i32 to index
        %get3A_397 = arith.index_cast %add3A_391 : i32 to index
        %get3A_398 = arith.constant 0 : index
        %get3A_399 = tpu.vector_load %arg11[%get3A_396, %get3A_397, %get3A_398] {strides = array<i32>} : memref<3x128x32xf32, #tpu.memory_space<vmem>>, vector<16xf32>,
        %mul3A_400 = arith.mulf %get3A_399, %broadcast_in_dim3A_394 : vector<16xf32>
        %swap3A_401 = arith.constant 2 : i32
        %swap3A_402 = arith.index_cast %swap3A_401 : i32 to index
        %swap3A_403 = arith.index_cast %add3A_391 : i32 to index
        %swap3A_404 = arith.constant 0 : index
        %swap3A_405 = tpu.vector_load %arg11[%swap3A_402, %swap3A_403, %swap3A_404] {strides = array<i32>} : memref<3x128x32xf32, #tpu.memory_space<vmem>>, vector<16xf32>,
        tpu.vector_store %arg11[%swap3A_402, %swap3A_403, %swap3A_404], %mul3A_400 {strides = array<i32>} : memref<3x128x32xf32, #tpu.memory_space<vmem>>, vector<16xf32>,
        %get3A_406 = arith.constant 2 : i32
        %get3A_407 = arith.index_cast %get3A_406 : i32 to index
        %get3A_408 = arith.index_cast %add3A_391 : i32 to index
        %get3A_409 = arith.constant 16 : index
        %get3A_410 = tpu.vector_load %arg11[%get3A_407, %get3A_408, %get3A_409] {strides = array<i32>} : memref<3x128x32xf32, #tpu.memory_space<vmem>>, vector<16xf32>,
        %mul3A_411 = arith.mulf %get3A_410, %broadcast_in_dim3A_394 : vector<16xf32>
        %swap3A_412 = arith.constant 2 : i32
        %swap3A_413 = arith.index_cast %swap3A_412 : i32 to index
        %swap3A_414 = arith.index_cast %add3A_391 : i32 to index
        %swap3A_415 = arith.constant 16 : index
        %swap3A_416 = tpu.vector_load %arg11[%swap3A_413, %swap3A_414, %swap3A_415] {strides = array<i32>} : memref<3x128x32xf32, #tpu.memory_space<vmem>>, vector<16xf32>,
        tpu.vector_store %arg11[%swap3A_413, %swap3A_414, %swap3A_415], %mul3A_411 {strides = array<i32>} : memref<3x128x32xf32, #tpu.memory_space<vmem>>, vector<16xf32>,
        %mul3A_417 = arith.constant 16 : i32
        %mul3A_418 = arith.muli %add3A_213, %mul3A_417 : i32
        %add3A_419 = arith.constant 7 : i32
        %add3A_420 = arith.addi %mul3A_418, %add3A_419 : i32
        %slice3A_421 = vector.extract_strided_slice %get3A_217 {offsets = [7], sizes = [1], strides = [1]} : vector<16xf32> to vector<1xf32>
        %squeeze3A_422 = vector.extract %slice3A_421[0] : f32 from vector<1xf32>
        %broadcast_in_dim3A_423 = vector.broadcast %squeeze3A_422 : f32 to vector<16xf32>
        %get3A_424 = arith.constant 2 : i32
        %get3A_425 = arith.index_cast %get3A_424 : i32 to index
        %get3A_426 = arith.index_cast %add3A_420 : i32 to index
        %get3A_427 = arith.constant 0 : index
        %get3A_428 = tpu.vector_load %arg11[%get3A_425, %get3A_426, %get3A_427] {strides = array<i32>} : memref<3x128x32xf32, #tpu.memory_space<vmem>>, vector<16xf32>,
        %mul3A_429 = arith.mulf %get3A_428, %broadcast_in_dim3A_423 : vector<16xf32>
        %swap3A_430 = arith.constant 2 : i32
        %swap3A_431 = arith.index_cast %swap3A_430 : i32 to index
        %swap3A_432 = arith.index_cast %add3A_420 : i32 to index
        %swap3A_433 = arith.constant 0 : index
        %swap3A_434 = tpu.vector_load %arg11[%swap3A_431, %swap3A_432, %swap3A_433] {strides = array<i32>} : memref<3x128x32xf32, #tpu.memory_space<vmem>>, vector<16xf32>,
        tpu.vector_store %arg11[%swap3A_431, %swap3A_432, %swap3A_433], %mul3A_429 {strides = array<i32>} : memref<3x128x32xf32, #tpu.memory_space<vmem>>, vector<16xf32>,
        %get3A_435 = arith.constant 2 : i32
        %get3A_436 = arith.index_cast %get3A_435 : i32 to index
        %get3A_437 = arith.index_cast %add3A_420 : i32 to index
        %get3A_438 = arith.constant 16 : index
        %get3A_439 = tpu.vector_load %arg11[%get3A_436, %get3A_437, %get3A_438] {strides = array<i32>} : memref<3x128x32xf32, #tpu.memory_space<vmem>>, vector<16xf32>,
        %mul3A_440 = arith.mulf %get3A_439, %broadcast_in_dim3A_423 : vector<16xf32>
        %swap3A_441 = arith.constant 2 : i32
        %swap3A_442 = arith.index_cast %swap3A_441 : i32 to index
        %swap3A_443 = arith.index_cast %add3A_420 : i32 to index
        %swap3A_444 = arith.constant 16 : index
        %swap3A_445 = tpu.vector_load %arg11[%swap3A_442, %swap3A_443, %swap3A_444] {strides = array<i32>} : memref<3x128x32xf32, #tpu.memory_space<vmem>>, vector<16xf32>,
        tpu.vector_store %arg11[%swap3A_442, %swap3A_443, %swap3A_444], %mul3A_440 {strides = array<i32>} : memref<3x128x32xf32, #tpu.memory_space<vmem>>, vector<16xf32>,
        %mul3A_446 = arith.constant 16 : i32
        %mul3A_447 = arith.muli %add3A_213, %mul3A_446 : i32
        %add3A_448 = arith.constant 8 : i32
        %add3A_449 = arith.addi %mul3A_447, %add3A_448 : i32
        %slice3A_450 = vector.extract_strided_slice %get3A_217 {offsets = [8], sizes = [1], strides = [1]} : vector<16xf32> to vector<1xf32>
        %squeeze3A_451 = vector.extract %slice3A_450[0] : f32 from vector<1xf32>
        %broadcast_in_dim3A_452 = vector.broadcast %squeeze3A_451 : f32 to vector<16xf32>
        %get3A_453 = arith.constant 2 : i32
        %get3A_454 = arith.index_cast %get3A_453 : i32 to index
        %get3A_455 = arith.index_cast %add3A_449 : i32 to index
        %get3A_456 = arith.constant 0 : index
        %get3A_457 = tpu.vector_load %arg11[%get3A_454, %get3A_455, %get3A_456] {strides = array<i32>} : memref<3x128x32xf32, #tpu.memory_space<vmem>>, vector<16xf32>,
        %mul3A_458 = arith.mulf %get3A_457, %broadcast_in_dim3A_452 : vector<16xf32>
        %swap3A_459 = arith.constant 2 : i32
        %swap3A_460 = arith.index_cast %swap3A_459 : i32 to index
        %swap3A_461 = arith.index_cast %add3A_449 : i32 to index
        %swap3A_462 = arith.constant 0 : index
        %swap3A_463 = tpu.vector_load %arg11[%swap3A_460, %swap3A_461, %swap3A_462] {strides = array<i32>} : memref<3x128x32xf32, #tpu.memory_space<vmem>>, vector<16xf32>,
        tpu.vector_store %arg11[%swap3A_460, %swap3A_461, %swap3A_462], %mul3A_458 {strides = array<i32>} : memref<3x128x32xf32, #tpu.memory_space<vmem>>, vector<16xf32>,
        %get3A_464 = arith.constant 2 : i32
        %get3A_465 = arith.index_cast %get3A_464 : i32 to index
        %get3A_466 = arith.index_cast %add3A_449 : i32 to index
        %get3A_467 = arith.constant 16 : index
        %get3A_468 = tpu.vector_load %arg11[%get3A_465, %get3A_466, %get3A_467] {strides = array<i32>} : memref<3x128x32xf32, #tpu.memory_space<vmem>>, vector<16xf32>,
        %mul3A_469 = arith.mulf %get3A_468, %broadcast_in_dim3A_452 : vector<16xf32>
        %swap3A_470 = arith.constant 2 : i32
        %swap3A_471 = arith.index_cast %swap3A_470 : i32 to index
        %swap3A_472 = arith.index_cast %add3A_449 : i32 to index
        %swap3A_473 = arith.constant 16 : index
        %swap3A_474 = tpu.vector_load %arg11[%swap3A_471, %swap3A_472, %swap3A_473] {strides = array<i32>} : memref<3x128x32xf32, #tpu.memory_space<vmem>>, vector<16xf32>,
        tpu.vector_store %arg11[%swap3A_471, %swap3A_472, %swap3A_473], %mul3A_469 {strides = array<i32>} : memref<3x128x32xf32, #tpu.memory_space<vmem>>, vector<16xf32>,
        %mul3A_475 = arith.constant 16 : i32
        %mul3A_476 = arith.muli %add3A_213, %mul3A_475 : i32
        %add3A_477 = arith.constant 9 : i32
        %add3A_478 = arith.addi %mul3A_476, %add3A_477 : i32
        %slice3A_479 = vector.extract_strided_slice %get3A_217 {offsets = [9], sizes = [1], strides = [1]} : vector<16xf32> to vector<1xf32>
        %squeeze3A_480 = vector.extract %slice3A_479[0] : f32 from vector<1xf32>
        %broadcast_in_dim3A_481 = vector.broadcast %squeeze3A_480 : f32 to vector<16xf32>
        %get3A_482 = arith.constant 2 : i32
        %get3A_483 = arith.index_cast %get3A_482 : i32 to index
        %get3A_484 = arith.index_cast %add3A_478 : i32 to index
        %get3A_485 = arith.constant 0 : index
        %get3A_486 = tpu.vector_load %arg11[%get3A_483, %get3A_484, %get3A_485] {strides = array<i32>} : memref<3x128x32xf32, #tpu.memory_space<vmem>>, vector<16xf32>,
        %mul3A_487 = arith.mulf %get3A_486, %broadcast_in_dim3A_481 : vector<16xf32>
        %swap3A_488 = arith.constant 2 : i32
        %swap3A_489 = arith.index_cast %swap3A_488 : i32 to index
        %swap3A_490 = arith.index_cast %add3A_478 : i32 to index
        %swap3A_491 = arith.constant 0 : index
        %swap3A_492 = tpu.vector_load %arg11[%swap3A_489, %swap3A_490, %swap3A_491] {strides = array<i32>} : memref<3x128x32xf32, #tpu.memory_space<vmem>>, vector<16xf32>,
        tpu.vector_store %arg11[%swap3A_489, %swap3A_490, %swap3A_491], %mul3A_487 {strides = array<i32>} : memref<3x128x32xf32, #tpu.memory_space<vmem>>, vector<16xf32>,
        %get3A_493 = arith.constant 2 : i32
        %get3A_494 = arith.index_cast %get3A_493 : i32 to index
        %get3A_495 = arith.index_cast %add3A_478 : i32 to index
        %get3A_496 = arith.constant 16 : index
        %get3A_497 = tpu.vector_load %arg11[%get3A_494, %get3A_495, %get3A_496] {strides = array<i32>} : memref<3x128x32xf32, #tpu.memory_space<vmem>>, vector<16xf32>,
        %mul3A_498 = arith.mulf %get3A_497, %broadcast_in_dim3A_481 : vector<16xf32>
        %swap3A_499 = arith.constant 2 : i32
        %swap3A_500 = arith.index_cast %swap3A_499 : i32 to index
        %swap3A_501 = arith.index_cast %add3A_478 : i32 to index
        %swap3A_502 = arith.constant 16 : index
        %swap3A_503 = tpu.vector_load %arg11[%swap3A_500, %swap3A_501, %swap3A_502] {strides = array<i32>} : memref<3x128x32xf32, #tpu.memory_space<vmem>>, vector<16xf32>,
        tpu.vector_store %arg11[%swap3A_500, %swap3A_501, %swap3A_502], %mul3A_498 {strides = array<i32>} : memref<3x128x32xf32, #tpu.memory_space<vmem>>, vector<16xf32>,
        %mul3A_504 = arith.constant 16 : i32
        %mul3A_505 = arith.muli %add3A_213, %mul3A_504 : i32
        %add3A_506 = arith.constant 10 : i32
        %add3A_507 = arith.addi %mul3A_505, %add3A_506 : i32
        %slice3A_508 = vector.extract_strided_slice %get3A_217 {offsets = [10], sizes = [1], strides = [1]} : vector<16xf32> to vector<1xf32>
        %squeeze3A_509 = vector.extract %slice3A_508[0] : f32 from vector<1xf32>
        %broadcast_in_dim3A_510 = vector.broadcast %squeeze3A_509 : f32 to vector<16xf32>
        %get3A_511 = arith.constant 2 : i32
        %get3A_512 = arith.index_cast %get3A_511 : i32 to index
        %get3A_513 = arith.index_cast %add3A_507 : i32 to index
        %get3A_514 = arith.constant 0 : index
        %get3A_515 = tpu.vector_load %arg11[%get3A_512, %get3A_513, %get3A_514] {strides = array<i32>} : memref<3x128x32xf32, #tpu.memory_space<vmem>>, vector<16xf32>,
        %mul3A_516 = arith.mulf %get3A_515, %broadcast_in_dim3A_510 : vector<16xf32>
        %swap3A_517 = arith.constant 2 : i32
        %swap3A_518 = arith.index_cast %swap3A_517 : i32 to index
        %swap3A_519 = arith.index_cast %add3A_507 : i32 to index
        %swap3A_520 = arith.constant 0 : index
        %swap3A_521 = tpu.vector_load %arg11[%swap3A_518, %swap3A_519, %swap3A_520] {strides = array<i32>} : memref<3x128x32xf32, #tpu.memory_space<vmem>>, vector<16xf32>,
        tpu.vector_store %arg11[%swap3A_518, %swap3A_519, %swap3A_520], %mul3A_516 {strides = array<i32>} : memref<3x128x32xf32, #tpu.memory_space<vmem>>, vector<16xf32>,
        %get3A_522 = arith.constant 2 : i32
        %get3A_523 = arith.index_cast %get3A_522 : i32 to index
        %get3A_524 = arith.index_cast %add3A_507 : i32 to index
        %get3A_525 = arith.constant 16 : index
        %get3A_526 = tpu.vector_load %arg11[%get3A_523, %get3A_524, %get3A_525] {strides = array<i32>} : memref<3x128x32xf32, #tpu.memory_space<vmem>>, vector<16xf32>,
        %mul3A_527 = arith.mulf %get3A_526, %broadcast_in_dim3A_510 : vector<16xf32>
        %swap3A_528 = arith.constant 2 : i32
        %swap3A_529 = arith.index_cast %swap3A_528 : i32 to index
        %swap3A_530 = arith.index_cast %add3A_507 : i32 to index
        %swap3A_531 = arith.constant 16 : index
        %swap3A_532 = tpu.vector_load %arg11[%swap3A_529, %swap3A_530, %swap3A_531] {strides = array<i32>} : memref<3x128x32xf32, #tpu.memory_space<vmem>>, vector<16xf32>,
        tpu.vector_store %arg11[%swap3A_529, %swap3A_530, %swap3A_531], %mul3A_527 {strides = array<i32>} : memref<3x128x32xf32, #tpu.memory_space<vmem>>, vector<16xf32>,
        %mul3A_533 = arith.constant 16 : i32
        %mul3A_534 = arith.muli %add3A_213, %mul3A_533 : i32
        %add3A_535 = arith.constant 11 : i32
        %add3A_536 = arith.addi %mul3A_534, %add3A_535 : i32
        %slice3A_537 = vector.extract_strided_slice %get3A_217 {offsets = [11], sizes = [1], strides = [1]} : vector<16xf32> to vector<1xf32>
        %squeeze3A_538 = vector.extract %slice3A_537[0] : f32 from vector<1xf32>
        %broadcast_in_dim3A_539 = vector.broadcast %squeeze3A_538 : f32 to vector<16xf32>
        %get3A_540 = arith.constant 2 : i32
        %get3A_541 = arith.index_cast %get3A_540 : i32 to index
        %get3A_542 = arith.index_cast %add3A_536 : i32 to index
        %get3A_543 = arith.constant 0 : index
        %get3A_544 = tpu.vector_load %arg11[%get3A_541, %get3A_542, %get3A_543] {strides = array<i32>} : memref<3x128x32xf32, #tpu.memory_space<vmem>>, vector<16xf32>,
        %mul3A_545 = arith.mulf %get3A_544, %broadcast_in_dim3A_539 : vector<16xf32>
        %swap3A_546 = arith.constant 2 : i32
        %swap3A_547 = arith.index_cast %swap3A_546 : i32 to index
        %swap3A_548 = arith.index_cast %add3A_536 : i32 to index
        %swap3A_549 = arith.constant 0 : index
        %swap3A_550 = tpu.vector_load %arg11[%swap3A_547, %swap3A_548, %swap3A_549] {strides = array<i32>} : memref<3x128x32xf32, #tpu.memory_space<vmem>>, vector<16xf32>,
        tpu.vector_store %arg11[%swap3A_547, %swap3A_548, %swap3A_549], %mul3A_545 {strides = array<i32>} : memref<3x128x32xf32, #tpu.memory_space<vmem>>, vector<16xf32>,
        %get3A_551 = arith.constant 2 : i32
        %get3A_552 = arith.index_cast %get3A_551 : i32 to index
        %get3A_553 = arith.index_cast %add3A_536 : i32 to index
        %get3A_554 = arith.constant 16 : index
        %get3A_555 = tpu.vector_load %arg11[%get3A_552, %get3A_553, %get3A_554] {strides = array<i32>} : memref<3x128x32xf32, #tpu.memory_space<vmem>>, vector<16xf32>,
        %mul3A_556 = arith.mulf %get3A_555, %broadcast_in_dim3A_539 : vector<16xf32>
        %swap3A_557 = arith.constant 2 : i32
        %swap3A_558 = arith.index_cast %swap3A_557 : i32 to index
        %swap3A_559 = arith.index_cast %add3A_536 : i32 to index
        %swap3A_560 = arith.constant 16 : index
        %swap3A_561 = tpu.vector_load %arg11[%swap3A_558, %swap3A_559, %swap3A_560] {strides = array<i32>} : memref<3x128x32xf32, #tpu.memory_space<vmem>>, vector<16xf32>,
        tpu.vector_store %arg11[%swap3A_558, %swap3A_559, %swap3A_560], %mul3A_556 {strides = array<i32>} : memref<3x128x32xf32, #tpu.memory_space<vmem>>, vector<16xf32>,
        %mul3A_562 = arith.constant 16 : i32
        %mul3A_563 = arith.muli %add3A_213, %mul3A_562 : i32
        %add3A_564 = arith.constant 12 : i32
        %add3A_565 = arith.addi %mul3A_563, %add3A_564 : i32
        %slice3A_566 = vector.extract_strided_slice %get3A_217 {offsets = [12], sizes = [1], strides = [1]} : vector<16xf32> to vector<1xf32>
        %squeeze3A_567 = vector.extract %slice3A_566[0] : f32 from vector<1xf32>
        %broadcast_in_dim3A_568 = vector.broadcast %squeeze3A_567 : f32 to vector<16xf32>
        %get3A_569 = arith.constant 2 : i32
        %get3A_570 = arith.index_cast %get3A_569 : i32 to index
        %get3A_571 = arith.index_cast %add3A_565 : i32 to index
        %get3A_572 = arith.constant 0 : index
        %get3A_573 = tpu.vector_load %arg11[%get3A_570, %get3A_571, %get3A_572] {strides = array<i32>} : memref<3x128x32xf32, #tpu.memory_space<vmem>>, vector<16xf32>,
        %mul3A_574 = arith.mulf %get3A_573, %broadcast_in_dim3A_568 : vector<16xf32>
        %swap3A_575 = arith.constant 2 : i32
        %swap3A_576 = arith.index_cast %swap3A_575 : i32 to index
        %swap3A_577 = arith.index_cast %add3A_565 : i32 to index
        %swap3A_578 = arith.constant 0 : index
        %swap3A_579 = tpu.vector_load %arg11[%swap3A_576, %swap3A_577, %swap3A_578] {strides = array<i32>} : memref<3x128x32xf32, #tpu.memory_space<vmem>>, vector<16xf32>,
        tpu.vector_store %arg11[%swap3A_576, %swap3A_577, %swap3A_578], %mul3A_574 {strides = array<i32>} : memref<3x128x32xf32, #tpu.memory_space<vmem>>, vector<16xf32>,
        %get3A_580 = arith.constant 2 : i32
        %get3A_581 = arith.index_cast %get3A_580 : i32 to index
        %get3A_582 = arith.index_cast %add3A_565 : i32 to index
        %get3A_583 = arith.constant 16 : index
        %get3A_584 = tpu.vector_load %arg11[%get3A_581, %get3A_582, %get3A_583] {strides = array<i32>} : memref<3x128x32xf32, #tpu.memory_space<vmem>>, vector<16xf32>,
        %mul3A_585 = arith.mulf %get3A_584, %broadcast_in_dim3A_568 : vector<16xf32>
        %swap3A_586 = arith.constant 2 : i32
        %swap3A_587 = arith.index_cast %swap3A_586 : i32 to index
        %swap3A_588 = arith.index_cast %add3A_565 : i32 to index
        %swap3A_589 = arith.constant 16 : index
        %swap3A_590 = tpu.vector_load %arg11[%swap3A_587, %swap3A_588, %swap3A_589] {strides = array<i32>} : memref<3x128x32xf32, #tpu.memory_space<vmem>>, vector<16xf32>,
        tpu.vector_store %arg11[%swap3A_587, %swap3A_588, %swap3A_589], %mul3A_585 {strides = array<i32>} : memref<3x128x32xf32, #tpu.memory_space<vmem>>, vector<16xf32>,
        %mul3A_591 = arith.constant 16 : i32
        %mul3A_592 = arith.muli %add3A_213, %mul3A_591 : i32
        %add3A_593 = arith.constant 13 : i32
        %add3A_594 = arith.addi %mul3A_592, %add3A_593 : i32
        %slice3A_595 = vector.extract_strided_slice %get3A_217 {offsets = [13], sizes = [1], strides = [1]} : vector<16xf32> to vector<1xf32>
        %squeeze3A_596 = vector.extract %slice3A_595[0] : f32 from vector<1xf32>
        %broadcast_in_dim3A_597 = vector.broadcast %squeeze3A_596 : f32 to vector<16xf32>
        %get3A_598 = arith.constant 2 : i32
        %get3A_599 = arith.index_cast %get3A_598 : i32 to index
        %get3A_600 = arith.index_cast %add3A_594 : i32 to index
        %get3A_601 = arith.constant 0 : index
        %get3A_602 = tpu.vector_load %arg11[%get3A_599, %get3A_600, %get3A_601] {strides = array<i32>} : memref<3x128x32xf32, #tpu.memory_space<vmem>>, vector<16xf32>,
        %mul3A_603 = arith.mulf %get3A_602, %broadcast_in_dim3A_597 : vector<16xf32>
        %swap3A_604 = arith.constant 2 : i32
        %swap3A_605 = arith.index_cast %swap3A_604 : i32 to index
        %swap3A_606 = arith.index_cast %add3A_594 : i32 to index
        %swap3A_607 = arith.constant 0 : index
        %swap3A_608 = tpu.vector_load %arg11[%swap3A_605, %swap3A_606, %swap3A_607] {strides = array<i32>} : memref<3x128x32xf32, #tpu.memory_space<vmem>>, vector<16xf32>,
        tpu.vector_store %arg11[%swap3A_605, %swap3A_606, %swap3A_607], %mul3A_603 {strides = array<i32>} : memref<3x128x32xf32, #tpu.memory_space<vmem>>, vector<16xf32>,
        %get3A_609 = arith.constant 2 : i32
        %get3A_610 = arith.index_cast %get3A_609 : i32 to index
        %get3A_611 = arith.index_cast %add3A_594 : i32 to index
        %get3A_612 = arith.constant 16 : index
        %get3A_613 = tpu.vector_load %arg11[%get3A_610, %get3A_611, %get3A_612] {strides = array<i32>} : memref<3x128x32xf32, #tpu.memory_space<vmem>>, vector<16xf32>,
        %mul3A_614 = arith.mulf %get3A_613, %broadcast_in_dim3A_597 : vector<16xf32>
        %swap3A_615 = arith.constant 2 : i32
        %swap3A_616 = arith.index_cast %swap3A_615 : i32 to index
        %swap3A_617 = arith.index_cast %add3A_594 : i32 to index
        %swap3A_618 = arith.constant 16 : index
        %swap3A_619 = tpu.vector_load %arg11[%swap3A_616, %swap3A_617, %swap3A_618] {strides = array<i32>} : memref<3x128x32xf32, #tpu.memory_space<vmem>>, vector<16xf32>,
        tpu.vector_store %arg11[%swap3A_616, %swap3A_617, %swap3A_618], %mul3A_614 {strides = array<i32>} : memref<3x128x32xf32, #tpu.memory_space<vmem>>, vector<16xf32>,
        %mul3A_620 = arith.constant 16 : i32
        %mul3A_621 = arith.muli %add3A_213, %mul3A_620 : i32
        %add3A_622 = arith.constant 14 : i32
        %add3A_623 = arith.addi %mul3A_621, %add3A_622 : i32
        %slice3A_624 = vector.extract_strided_slice %get3A_217 {offsets = [14], sizes = [1], strides = [1]} : vector<16xf32> to vector<1xf32>
        %squeeze3A_625 = vector.extract %slice3A_624[0] : f32 from vector<1xf32>
        %broadcast_in_dim3A_626 = vector.broadcast %squeeze3A_625 : f32 to vector<16xf32>
        %get3A_627 = arith.constant 2 : i32
        %get3A_628 = arith.index_cast %get3A_627 : i32 to index
        %get3A_629 = arith.index_cast %add3A_623 : i32 to index
        %get3A_630 = arith.constant 0 : index
        %get3A_631 = tpu.vector_load %arg11[%get3A_628, %get3A_629, %get3A_630] {strides = array<i32>} : memref<3x128x32xf32, #tpu.memory_space<vmem>>, vector<16xf32>,
        %mul3A_632 = arith.mulf %get3A_631, %broadcast_in_dim3A_626 : vector<16xf32>
        %swap3A_633 = arith.constant 2 : i32
        %swap3A_634 = arith.index_cast %swap3A_633 : i32 to index
        %swap3A_635 = arith.index_cast %add3A_623 : i32 to index
        %swap3A_636 = arith.constant 0 : index
        %swap3A_637 = tpu.vector_load %arg11[%swap3A_634, %swap3A_635, %swap3A_636] {strides = array<i32>} : memref<3x128x32xf32, #tpu.memory_space<vmem>>, vector<16xf32>,
        tpu.vector_store %arg11[%swap3A_634, %swap3A_635, %swap3A_636], %mul3A_632 {strides = array<i32>} : memref<3x128x32xf32, #tpu.memory_space<vmem>>, vector<16xf32>,
        %get3A_638 = arith.constant 2 : i32
        %get3A_639 = arith.index_cast %get3A_638 : i32 to index
        %get3A_640 = arith.index_cast %add3A_623 : i32 to index
        %get3A_641 = arith.constant 16 : index
        %get3A_642 = tpu.vector_load %arg11[%get3A_639, %get3A_640, %get3A_641] {strides = array<i32>} : memref<3x128x32xf32, #tpu.memory_space<vmem>>, vector<16xf32>,
        %mul3A_643 = arith.mulf %get3A_642, %broadcast_in_dim3A_626 : vector<16xf32>
        %swap3A_644 = arith.constant 2 : i32
        %swap3A_645 = arith.index_cast %swap3A_644 : i32 to index
        %swap3A_646 = arith.index_cast %add3A_623 : i32 to index
        %swap3A_647 = arith.constant 16 : index
        %swap3A_648 = tpu.vector_load %arg11[%swap3A_645, %swap3A_646, %swap3A_647] {strides = array<i32>} : memref<3x128x32xf32, #tpu.memory_space<vmem>>, vector<16xf32>,
        tpu.vector_store %arg11[%swap3A_645, %swap3A_646, %swap3A_647], %mul3A_643 {strides = array<i32>} : memref<3x128x32xf32, #tpu.memory_space<vmem>>, vector<16xf32>,
        %mul3A_649 = arith.constant 16 : i32
        %mul3A_650 = arith.muli %add3A_213, %mul3A_649 : i32
        %add3A_651 = arith.constant 15 : i32
        %add3A_652 = arith.addi %mul3A_650, %add3A_651 : i32
        %slice3A_653 = vector.extract_strided_slice %get3A_217 {offsets = [15], sizes = [1], strides = [1]} : vector<16xf32> to vector<1xf32>
        %squeeze3A_654 = vector.extract %slice3A_653[0] : f32 from vector<1xf32>
        %broadcast_in_dim3A_655 = vector.broadcast %squeeze3A_654 : f32 to vector<16xf32>
        %get3A_656 = arith.constant 2 : i32
        %get3A_657 = arith.index_cast %get3A_656 : i32 to index
        %get3A_658 = arith.index_cast %add3A_652 : i32 to index
        %get3A_659 = arith.constant 0 : index
        %get3A_660 = tpu.vector_load %arg11[%get3A_657, %get3A_658, %get3A_659] {strides = array<i32>} : memref<3x128x32xf32, #tpu.memory_space<vmem>>, vector<16xf32>,
        %mul3A_661 = arith.mulf %get3A_660, %broadcast_in_dim3A_655 : vector<16xf32>
        %swap3A_662 = arith.constant 2 : i32
        %swap3A_663 = arith.index_cast %swap3A_662 : i32 to index
        %swap3A_664 = arith.index_cast %add3A_652 : i32 to index
        %swap3A_665 = arith.constant 0 : index
        %swap3A_666 = tpu.vector_load %arg11[%swap3A_663, %swap3A_664, %swap3A_665] {strides = array<i32>} : memref<3x128x32xf32, #tpu.memory_space<vmem>>, vector<16xf32>,
        tpu.vector_store %arg11[%swap3A_663, %swap3A_664, %swap3A_665], %mul3A_661 {strides = array<i32>} : memref<3x128x32xf32, #tpu.memory_space<vmem>>, vector<16xf32>,
        %get3A_667 = arith.constant 2 : i32
        %get3A_668 = arith.index_cast %get3A_667 : i32 to index
        %get3A_669 = arith.index_cast %add3A_652 : i32 to index
        %get3A_670 = arith.constant 16 : index
        %get3A_671 = tpu.vector_load %arg11[%get3A_668, %get3A_669, %get3A_670] {strides = array<i32>} : memref<3x128x32xf32, #tpu.memory_space<vmem>>, vector<16xf32>,
        %mul3A_672 = arith.mulf %get3A_671, %broadcast_in_dim3A_655 : vector<16xf32>
        %swap3A_673 = arith.constant 2 : i32
        %swap3A_674 = arith.index_cast %swap3A_673 : i32 to index
        %swap3A_675 = arith.index_cast %add3A_652 : i32 to index
        %swap3A_676 = arith.constant 16 : index
        %swap3A_677 = tpu.vector_load %arg11[%swap3A_674, %swap3A_675, %swap3A_676] {strides = array<i32>} : memref<3x128x32xf32, #tpu.memory_space<vmem>>, vector<16xf32>,
        tpu.vector_store %arg11[%swap3A_674, %swap3A_675, %swap3A_676], %mul3A_672 {strides = array<i32>} : memref<3x128x32xf32, #tpu.memory_space<vmem>>, vector<16xf32>,
      }
      %scan3A_186 = arith.constant 8 : i32
      %gt3A_187 = arith.constant 0 : i32
      %gt3A_188 = arith.cmpi sgt, %add3A_170, %gt3A_187 : i32
      %convert_element_type3A_189 = arith.extui %gt3A_188 : i1 to i32
      %cond3A_190 = arith.constant 0 : i32
      %cond3A_191 = arith.cmpi ne, %convert_element_type3A_189, %cond3A_190 : i32
      scf.if %cond3A_191 {
        %sub3A = arith.constant 1 : i32
        %sub3A_209 = arith.subi %add3A_170, %sub3A : i32
        %dma_wait3A_210 = arith.constant 1 : i32
        %dma_wait3A_211 = arith.constant 0 : i32
        %dma_wait3A_212 = arith.constant 0 : i32
        %dma_wait3A_213 = tpu.memref_slice %arg11[%dma_wait3A_210, %dma_wait3A_211, %dma_wait3A_212] : memref<3x128x32xf32, #tpu.memory_space<vmem>> -> memref<1x128x32xf32, #tpu.memory_space<vmem>>
        %dma_wait3A_214 = tpu.memref_squeeze %dma_wait3A_213 : memref<1x128x32xf32, #tpu.memory_space<vmem>> -> memref<128x32xf32, #tpu.memory_space<vmem>>
        %dma_wait3A_215 = arith.constant 0 : i32
        %dma_wait3A_216 = tpu.memref_slice %arg8[%sub3A_209, %dma_wait3A_215] : memref<79x128xi32, #tpu.memory_space<vmem>> -> memref<1x128xi32, #tpu.memory_space<vmem>>
        %dma_wait3A_217 = tpu.memref_squeeze %dma_wait3A_216 : memref<1x128xi32, #tpu.memory_space<vmem>> -> memref<128xi32, #tpu.memory_space<vmem>>
        %dma_wait3A_218 = arith.constant 0 : i32
        %dma_wait3A_219 = arith.constant 0 : i32
        %dma_wait3A_220 = tpu.memref_slice %arg12[%dma_wait3A_218, %dma_wait3A_219] : memref<10000x32xf32, #tpu.memory_space<vmem_shared>> -> memref<10000x32xf32, #tpu.memory_space<vmem_shared>>
        tpu.wait_indirect_dma semaphore(%arg17 : memref<!tpu.dma_semaphore, #tpu.memory_space<semaphore_mem>>) src(%dma_wait3A_214 : memref<128x32xf32, #tpu.memory_space<vmem>>) dst(%dma_wait3A_220 : memref<10000x32xf32, #tpu.memory_space<vmem_shared>>)
      } else {
      }
      %add3A_192 = arith.constant 2 : i32
      %add3A_193 = arith.addi %add3A_170, %add3A_192 : i32
      %lt3A_194 = arith.cmpi slt, %add3A_193, %select_n3A : i32
      %convert_element_type3A_195 = arith.extui %lt3A_194 : i1 to i32
      %cond3A_196 = arith.constant 0 : i32
      %cond3A_197 = arith.cmpi ne, %convert_element_type3A_195, %cond3A_196 : i32
      scf.if %cond3A_197 {
        %add3A_209 = arith.constant 2 : i32
        %add3A_210 = arith.addi %add3A_170, %add3A_209 : i32
        %dma_start3A_211 = arith.constant 1 : i32
        %dma_start3A_212 = arith.constant 0 : i32
        %dma_start3A_213 = arith.constant 0 : i32
        %dma_start3A_214 = tpu.memref_slice %arg11[%dma_start3A_211, %dma_start3A_212, %dma_start3A_213] : memref<3x128x32xf32, #tpu.memory_space<vmem>> -> memref<1x128x32xf32, #tpu.memory_space<vmem>>
        %dma_start3A_215 = tpu.memref_squeeze %dma_start3A_214 : memref<1x128x32xf32, #tpu.memory_space<vmem>> -> memref<128x32xf32, #tpu.memory_space<vmem>>
        %dma_start3A_216 = arith.constant 0 : i32
        %dma_start3A_217 = tpu.memref_slice %arg9[%add3A_210, %dma_start3A_216] : memref<79x128xi32, #tpu.memory_space<vmem>> -> memref<1x128xi32, #tpu.memory_space<vmem>>
        %dma_start3A_218 = tpu.memref_squeeze %dma_start3A_217 : memref<1x128xi32, #tpu.memory_space<vmem>> -> memref<128xi32, #tpu.memory_space<vmem>>
        %dma_start3A_219 = arith.constant 0 : i32
        %dma_start3A_220 = arith.constant 0 : i32
        %dma_start3A_221 = tpu.memref_slice %arg5[%dma_start3A_219, %dma_start3A_220] : memref<10000x32xf32, #tpu.memory_space<hbm>> -> memref<10000x32xf32, #tpu.memory_space<hbm>>
        tpu.enqueue_indirect_dma source(%dma_start3A_221 : memref<10000x32xf32, #tpu.memory_space<hbm>>) target(%dma_start3A_215 : memref<128x32xf32, #tpu.memory_space<vmem>>) offsets(%dma_start3A_218 : memref<128xi32, #tpu.memory_space<vmem>>) semaphore(%arg14 : memref<!tpu.dma_semaphore, #tpu.memory_space<semaphore_mem>>)
      } else {
      }
      %dma_start3A_198 = arith.constant 2 : i32
      %dma_start3A_199 = arith.constant 0 : i32
      %dma_start3A_200 = arith.constant 0 : i32
      %dma_start3A_201 = tpu.memref_slice %arg11[%dma_start3A_198, %dma_start3A_199, %dma_start3A_200] : memref<3x128x32xf32, #tpu.memory_space<vmem>> -> memref<1x128x32xf32, #tpu.memory_space<vmem>>
      %dma_start3A_202 = tpu.memref_squeeze %dma_start3A_201 : memref<1x128x32xf32, #tpu.memory_space<vmem>> -> memref<128x32xf32, #tpu.memory_space<vmem>>
      %dma_start3A_203 = arith.constant 0 : i32
      %dma_start3A_204 = tpu.memref_slice %arg8[%add3A_170, %dma_start3A_203] : memref<79x128xi32, #tpu.memory_space<vmem>> -> memref<1x128xi32, #tpu.memory_space<vmem>>
      %dma_start3A_205 = tpu.memref_squeeze %dma_start3A_204 : memref<1x128xi32, #tpu.memory_space<vmem>> -> memref<128xi32, #tpu.memory_space<vmem>>
      %dma_start3A_206 = arith.constant 0 : i32
      %dma_start3A_207 = arith.constant 0 : i32
      %dma_start3A_208 = tpu.memref_slice %arg12[%dma_start3A_206, %dma_start3A_207] : memref<10000x32xf32, #tpu.memory_space<vmem_shared>> -> memref<10000x32xf32, #tpu.memory_space<vmem_shared>>
      tpu.enqueue_indirect_dma source(%dma_start3A_202 : memref<128x32xf32, #tpu.memory_space<vmem>>) target(%dma_start3A_208 : memref<10000x32xf32, #tpu.memory_space<vmem_shared>>) offsets(%dma_start3A_205 : memref<128xi32, #tpu.memory_space<vmem>>) semaphore(%arg18 : memref<!tpu.dma_semaphore, #tpu.memory_space<semaphore_mem>>) {add = true}
    }
    %scan3A_59 = arith.constant 26 : i32
    %dma_wait3A = arith.constant 2 : i32
    %dma_wait3A_60 = arith.constant 77 : i32
    %dma_wait3A_61 = arith.constant 0 : i32
    %dma_wait3A_62 = arith.constant 0 : i32
    %dma_wait3A_63 = tpu.memref_slice %arg11[%dma_wait3A, %dma_wait3A_61, %dma_wait3A_62] : memref<3x128x32xf32, #tpu.memory_space<vmem>> -> memref<1x128x32xf32, #tpu.memory_space<vmem>>
    %dma_wait3A_64 = tpu.memref_squeeze %dma_wait3A_63 : memref<1x128x32xf32, #tpu.memory_space<vmem>> -> memref<128x32xf32, #tpu.memory_space<vmem>>
    %dma_wait3A_65 = arith.constant 0 : i32
    %dma_wait3A_66 = tpu.memref_slice %arg8[%dma_wait3A_60, %dma_wait3A_65] : memref<79x128xi32, #tpu.memory_space<vmem>> -> memref<1x128xi32, #tpu.memory_space<vmem>>
    %dma_wait3A_67 = tpu.memref_squeeze %dma_wait3A_66 : memref<1x128xi32, #tpu.memory_space<vmem>> -> memref<128xi32, #tpu.memory_space<vmem>>
    %dma_wait3A_68 = arith.constant 0 : i32
    %dma_wait3A_69 = arith.constant 0 : i32
    %dma_wait3A_70 = tpu.memref_slice %arg12[%dma_wait3A_68, %dma_wait3A_69] : memref<10000x32xf32, #tpu.memory_space<vmem_shared>> -> memref<10000x32xf32, #tpu.memory_space<vmem_shared>>
    tpu.wait_indirect_dma semaphore(%arg18 : memref<!tpu.dma_semaphore, #tpu.memory_space<semaphore_mem>>) src(%dma_wait3A_64 : memref<128x32xf32, #tpu.memory_space<vmem>>) dst(%dma_wait3A_70 : memref<10000x32xf32, #tpu.memory_space<vmem_shared>>)
    %lt3A_71 = arith.constant 4 : i32
    %lt3A_72 = arith.cmpi slt, %add3A, %lt3A_71 : i32
    %convert_element_type3A_73 = arith.extui %lt3A_72 : i1 to i32
    %cond3A_74 = arith.constant 0 : i32
    %cond3A_75 = arith.cmpi ne, %convert_element_type3A_73, %cond3A_74 : i32
    scf.if %cond3A_75 {
      %dma_wait3A_87 = arith.constant 78 : i32
      %dma_wait3A_88 = arith.constant 0 : i32
      %dma_wait3A_89 = arith.constant 0 : i32
      %dma_wait3A_90 = arith.constant 0 : i32
      %dma_wait3A_91 = tpu.memref_slice %arg11[%dma_wait3A_88, %dma_wait3A_89, %dma_wait3A_90] : memref<3x128x32xf32, #tpu.memory_space<vmem>> -> memref<1x128x32xf32, #tpu.memory_space<vmem>>
      %dma_wait3A_92 = tpu.memref_squeeze %dma_wait3A_91 : memref<1x128x32xf32, #tpu.memory_space<vmem>> -> memref<128x32xf32, #tpu.memory_space<vmem>>
      %dma_wait3A_93 = arith.constant 0 : i32
      %dma_wait3A_94 = tpu.memref_slice %arg9[%dma_wait3A_87, %dma_wait3A_93] : memref<79x128xi32, #tpu.memory_space<vmem>> -> memref<1x128xi32, #tpu.memory_space<vmem>>
      %dma_wait3A_95 = tpu.memref_squeeze %dma_wait3A_94 : memref<1x128xi32, #tpu.memory_space<vmem>> -> memref<128xi32, #tpu.memory_space<vmem>>
      %dma_wait3A_96 = arith.constant 0 : i32
      %dma_wait3A_97 = arith.constant 0 : i32
      %dma_wait3A_98 = tpu.memref_slice %arg5[%dma_wait3A_96, %dma_wait3A_97] : memref<10000x32xf32, #tpu.memory_space<hbm>> -> memref<10000x32xf32, #tpu.memory_space<hbm>>
      tpu.wait_indirect_dma semaphore(%arg13 : memref<!tpu.dma_semaphore, #tpu.memory_space<semaphore_mem>>) src(%dma_wait3A_98 : memref<10000x32xf32, #tpu.memory_space<hbm>>) dst(%dma_wait3A_92 : memref<128x32xf32, #tpu.memory_space<vmem>>)
      %scan3A_99 = arith.constant 0 : i32
      %scan3A_100 = arith.constant 8 : i32
      %scan3A_101 = arith.addi %scan3A_99, %scan3A_100 : i32
      %scan3A_102 = arith.constant 1 : i32
      scf.for %scan3A_105 = %scan3A_99 to %scan3A_101 step %scan3A_102  : i32 {
        %mul3A_106 = arith.constant 1 : i32
        %mul3A_107 = arith.muli %scan3A_105, %mul3A_106 : i32
        %add3A_108 = arith.constant 0 : i32
        %add3A_109 = arith.addi %add3A_108, %mul3A_107 : i32
        %mul3A_110 = arith.constant 16 : i32
        %mul3A_111 = arith.muli %add3A_109, %mul3A_110 : i32
        %get3A = arith.constant 78 : i32
        %get3A_112 = arith.index_cast %get3A : i32 to index
        %get3A_113 = arith.index_cast %mul3A_111 : i32 to index
        %get3A_114 = tpu.vector_load %arg10[%get3A_112, %get3A_113] {strides = array<i32>} : memref<79x128xf32, #tpu.memory_space<vmem>>, vector<16xf32>,
        %mul3A_115 = arith.constant 16 : i32
        %mul3A_116 = arith.muli %add3A_109, %mul3A_115 : i32
        %add3A_117 = arith.constant 0 : i32
        %add3A_118 = arith.addi %mul3A_116, %add3A_117 : i32
        %slice3A = vector.extract_strided_slice %get3A_114 {offsets = [0], sizes = [1], strides = [1]} : vector<16xf32> to vector<1xf32>
        %squeeze3A = vector.extract %slice3A[0] : f32 from vector<1xf32>
        %broadcast_in_dim3A = vector.broadcast %squeeze3A : f32 to vector<16xf32>
        %get3A_119 = arith.constant 0 : i32
        %get3A_120 = arith.index_cast %get3A_119 : i32 to index
        %get3A_121 = arith.index_cast %add3A_118 : i32 to index
        %get3A_122 = arith.constant 0 : index
        %get3A_123 = tpu.vector_load %arg11[%get3A_120, %get3A_121, %get3A_122] {strides = array<i32>} : memref<3x128x32xf32, #tpu.memory_space<vmem>>, vector<16xf32>,
        %mul3A_124 = arith.mulf %get3A_123, %broadcast_in_dim3A : vector<16xf32>
        %swap3A = arith.constant 0 : i32
        %swap3A_125 = arith.index_cast %swap3A : i32 to index
        %swap3A_126 = arith.index_cast %add3A_118 : i32 to index
        %swap3A_127 = arith.constant 0 : index
        %swap3A_128 = tpu.vector_load %arg11[%swap3A_125, %swap3A_126, %swap3A_127] {strides = array<i32>} : memref<3x128x32xf32, #tpu.memory_space<vmem>>, vector<16xf32>,
        tpu.vector_store %arg11[%swap3A_125, %swap3A_126, %swap3A_127], %mul3A_124 {strides = array<i32>} : memref<3x128x32xf32, #tpu.memory_space<vmem>>, vector<16xf32>,
        %get3A_129 = arith.constant 0 : i32
        %get3A_130 = arith.index_cast %get3A_129 : i32 to index
        %get3A_131 = arith.index_cast %add3A_118 : i32 to index
        %get3A_132 = arith.constant 16 : index
        %get3A_133 = tpu.vector_load %arg11[%get3A_130, %get3A_131, %get3A_132] {strides = array<i32>} : memref<3x128x32xf32, #tpu.memory_space<vmem>>, vector<16xf32>,
        %mul3A_134 = arith.mulf %get3A_133, %broadcast_in_dim3A : vector<16xf32>
        %swap3A_135 = arith.constant 0 : i32
        %swap3A_136 = arith.index_cast %swap3A_135 : i32 to index
        %swap3A_137 = arith.index_cast %add3A_118 : i32 to index
        %swap3A_138 = arith.constant 16 : index
        %swap3A_139 = tpu.vector_load %arg11[%swap3A_136, %swap3A_137, %swap3A_138] {strides = array<i32>} : memref<3x128x32xf32, #tpu.memory_space<vmem>>, vector<16xf32>,
        tpu.vector_store %arg11[%swap3A_136, %swap3A_137, %swap3A_138], %mul3A_134 {strides = array<i32>} : memref<3x128x32xf32, #tpu.memory_space<vmem>>, vector<16xf32>,
        %mul3A_140 = arith.constant 16 : i32
        %mul3A_141 = arith.muli %add3A_109, %mul3A_140 : i32
        %add3A_142 = arith.constant 1 : i32
        %add3A_143 = arith.addi %mul3A_141, %add3A_142 : i32
        %slice3A_144 = vector.extract_strided_slice %get3A_114 {offsets = [1], sizes = [1], strides = [1]} : vector<16xf32> to vector<1xf32>
        %squeeze3A_145 = vector.extract %slice3A_144[0] : f32 from vector<1xf32>
        %broadcast_in_dim3A_146 = vector.broadcast %squeeze3A_145 : f32 to vector<16xf32>
        %get3A_147 = arith.constant 0 : i32
        %get3A_148 = arith.index_cast %get3A_147 : i32 to index
        %get3A_149 = arith.index_cast %add3A_143 : i32 to index
        %get3A_150 = arith.constant 0 : index
        %get3A_151 = tpu.vector_load %arg11[%get3A_148, %get3A_149, %get3A_150] {strides = array<i32>} : memref<3x128x32xf32, #tpu.memory_space<vmem>>, vector<16xf32>,
        %mul3A_152 = arith.mulf %get3A_151, %broadcast_in_dim3A_146 : vector<16xf32>
        %swap3A_153 = arith.constant 0 : i32
        %swap3A_154 = arith.index_cast %swap3A_153 : i32 to index
        %swap3A_155 = arith.index_cast %add3A_143 : i32 to index
        %swap3A_156 = arith.constant 0 : index
        %swap3A_157 = tpu.vector_load %arg11[%swap3A_154, %swap3A_155, %swap3A_156] {strides = array<i32>} : memref<3x128x32xf32, #tpu.memory_space<vmem>>, vector<16xf32>,
        tpu.vector_store %arg11[%swap3A_154, %swap3A_155, %swap3A_156], %mul3A_152 {strides = array<i32>} : memref<3x128x32xf32, #tpu.memory_space<vmem>>, vector<16xf32>,
        %get3A_158 = arith.constant 0 : i32
        %get3A_159 = arith.index_cast %get3A_158 : i32 to index
        %get3A_160 = arith.index_cast %add3A_143 : i32 to index
        %get3A_161 = arith.constant 16 : index
        %get3A_162 = tpu.vector_load %arg11[%get3A_159, %get3A_160, %get3A_161] {strides = array<i32>} : memref<3x128x32xf32, #tpu.memory_space<vmem>>, vector<16xf32>,
        %mul3A_163 = arith.mulf %get3A_162, %broadcast_in_dim3A_146 : vector<16xf32>
        %swap3A_164 = arith.constant 0 : i32
        %swap3A_165 = arith.index_cast %swap3A_164 : i32 to index
        %swap3A_166 = arith.index_cast %add3A_143 : i32 to index
        %swap3A_167 = arith.constant 16 : index
        %swap3A_168 = tpu.vector_load %arg11[%swap3A_165, %swap3A_166, %swap3A_167] {strides = array<i32>} : memref<3x128x32xf32, #tpu.memory_space<vmem>>, vector<16xf32>,
        tpu.vector_store %arg11[%swap3A_165, %swap3A_166, %swap3A_167], %mul3A_163 {strides = array<i32>} : memref<3x128x32xf32, #tpu.memory_space<vmem>>, vector<16xf32>,
        %mul3A_169 = arith.constant 16 : i32
        %mul3A_170 = arith.muli %add3A_109, %mul3A_169 : i32
        %add3A_171 = arith.constant 2 : i32
        %add3A_172 = arith.addi %mul3A_170, %add3A_171 : i32
        %slice3A_173 = vector.extract_strided_slice %get3A_114 {offsets = [2], sizes = [1], strides = [1]} : vector<16xf32> to vector<1xf32>
        %squeeze3A_174 = vector.extract %slice3A_173[0] : f32 from vector<1xf32>
        %broadcast_in_dim3A_175 = vector.broadcast %squeeze3A_174 : f32 to vector<16xf32>
        %get3A_176 = arith.constant 0 : i32
        %get3A_177 = arith.index_cast %get3A_176 : i32 to index
        %get3A_178 = arith.index_cast %add3A_172 : i32 to index
        %get3A_179 = arith.constant 0 : index
        %get3A_180 = tpu.vector_load %arg11[%get3A_177, %get3A_178, %get3A_179] {strides = array<i32>} : memref<3x128x32xf32, #tpu.memory_space<vmem>>, vector<16xf32>,
        %mul3A_181 = arith.mulf %get3A_180, %broadcast_in_dim3A_175 : vector<16xf32>
        %swap3A_182 = arith.constant 0 : i32
        %swap3A_183 = arith.index_cast %swap3A_182 : i32 to index
        %swap3A_184 = arith.index_cast %add3A_172 : i32 to index
        %swap3A_185 = arith.constant 0 : index
        %swap3A_186 = tpu.vector_load %arg11[%swap3A_183, %swap3A_184, %swap3A_185] {strides = array<i32>} : memref<3x128x32xf32, #tpu.memory_space<vmem>>, vector<16xf32>,
        tpu.vector_store %arg11[%swap3A_183, %swap3A_184, %swap3A_185], %mul3A_181 {strides = array<i32>} : memref<3x128x32xf32, #tpu.memory_space<vmem>>, vector<16xf32>,
        %get3A_187 = arith.constant 0 : i32
        %get3A_188 = arith.index_cast %get3A_187 : i32 to index
        %get3A_189 = arith.index_cast %add3A_172 : i32 to index
        %get3A_190 = arith.constant 16 : index
        %get3A_191 = tpu.vector_load %arg11[%get3A_188, %get3A_189, %get3A_190] {strides = array<i32>} : memref<3x128x32xf32, #tpu.memory_space<vmem>>, vector<16xf32>,
        %mul3A_192 = arith.mulf %get3A_191, %broadcast_in_dim3A_175 : vector<16xf32>
        %swap3A_193 = arith.constant 0 : i32
        %swap3A_194 = arith.index_cast %swap3A_193 : i32 to index
        %swap3A_195 = arith.index_cast %add3A_172 : i32 to index
        %swap3A_196 = arith.constant 16 : index
        %swap3A_197 = tpu.vector_load %arg11[%swap3A_194, %swap3A_195, %swap3A_196] {strides = array<i32>} : memref<3x128x32xf32, #tpu.memory_space<vmem>>, vector<16xf32>,
        tpu.vector_store %arg11[%swap3A_194, %swap3A_195, %swap3A_196], %mul3A_192 {strides = array<i32>} : memref<3x128x32xf32, #tpu.memory_space<vmem>>, vector<16xf32>,
        %mul3A_198 = arith.constant 16 : i32
        %mul3A_199 = arith.muli %add3A_109, %mul3A_198 : i32
        %add3A_200 = arith.constant 3 : i32
        %add3A_201 = arith.addi %mul3A_199, %add3A_200 : i32
        %slice3A_202 = vector.extract_strided_slice %get3A_114 {offsets = [3], sizes = [1], strides = [1]} : vector<16xf32> to vector<1xf32>
        %squeeze3A_203 = vector.extract %slice3A_202[0] : f32 from vector<1xf32>
        %broadcast_in_dim3A_204 = vector.broadcast %squeeze3A_203 : f32 to vector<16xf32>
        %get3A_205 = arith.constant 0 : i32
        %get3A_206 = arith.index_cast %get3A_205 : i32 to index
        %get3A_207 = arith.index_cast %add3A_201 : i32 to index
        %get3A_208 = arith.constant 0 : index
        %get3A_209 = tpu.vector_load %arg11[%get3A_206, %get3A_207, %get3A_208] {strides = array<i32>} : memref<3x128x32xf32, #tpu.memory_space<vmem>>, vector<16xf32>,
        %mul3A_210 = arith.mulf %get3A_209, %broadcast_in_dim3A_204 : vector<16xf32>
        %swap3A_211 = arith.constant 0 : i32
        %swap3A_212 = arith.index_cast %swap3A_211 : i32 to index
        %swap3A_213 = arith.index_cast %add3A_201 : i32 to index
        %swap3A_214 = arith.constant 0 : index
        %swap3A_215 = tpu.vector_load %arg11[%swap3A_212, %swap3A_213, %swap3A_214] {strides = array<i32>} : memref<3x128x32xf32, #tpu.memory_space<vmem>>, vector<16xf32>,
        tpu.vector_store %arg11[%swap3A_212, %swap3A_213, %swap3A_214], %mul3A_210 {strides = array<i32>} : memref<3x128x32xf32, #tpu.memory_space<vmem>>, vector<16xf32>,
        %get3A_216 = arith.constant 0 : i32
        %get3A_217 = arith.index_cast %get3A_216 : i32 to index
        %get3A_218 = arith.index_cast %add3A_201 : i32 to index
        %get3A_219 = arith.constant 16 : index
        %get3A_220 = tpu.vector_load %arg11[%get3A_217, %get3A_218, %get3A_219] {strides = array<i32>} : memref<3x128x32xf32, #tpu.memory_space<vmem>>, vector<16xf32>,
        %mul3A_221 = arith.mulf %get3A_220, %broadcast_in_dim3A_204 : vector<16xf32>
        %swap3A_222 = arith.constant 0 : i32
        %swap3A_223 = arith.index_cast %swap3A_222 : i32 to index
        %swap3A_224 = arith.index_cast %add3A_201 : i32 to index
        %swap3A_225 = arith.constant 16 : index
        %swap3A_226 = tpu.vector_load %arg11[%swap3A_223, %swap3A_224, %swap3A_225] {strides = array<i32>} : memref<3x128x32xf32, #tpu.memory_space<vmem>>, vector<16xf32>,
        tpu.vector_store %arg11[%swap3A_223, %swap3A_224, %swap3A_225], %mul3A_221 {strides = array<i32>} : memref<3x128x32xf32, #tpu.memory_space<vmem>>, vector<16xf32>,
        %mul3A_227 = arith.constant 16 : i32
        %mul3A_228 = arith.muli %add3A_109, %mul3A_227 : i32
        %add3A_229 = arith.constant 4 : i32
        %add3A_230 = arith.addi %mul3A_228, %add3A_229 : i32
        %slice3A_231 = vector.extract_strided_slice %get3A_114 {offsets = [4], sizes = [1], strides = [1]} : vector<16xf32> to vector<1xf32>
        %squeeze3A_232 = vector.extract %slice3A_231[0] : f32 from vector<1xf32>
        %broadcast_in_dim3A_233 = vector.broadcast %squeeze3A_232 : f32 to vector<16xf32>
        %get3A_234 = arith.constant 0 : i32
        %get3A_235 = arith.index_cast %get3A_234 : i32 to index
        %get3A_236 = arith.index_cast %add3A_230 : i32 to index
        %get3A_237 = arith.constant 0 : index
        %get3A_238 = tpu.vector_load %arg11[%get3A_235, %get3A_236, %get3A_237] {strides = array<i32>} : memref<3x128x32xf32, #tpu.memory_space<vmem>>, vector<16xf32>,
        %mul3A_239 = arith.mulf %get3A_238, %broadcast_in_dim3A_233 : vector<16xf32>
        %swap3A_240 = arith.constant 0 : i32
        %swap3A_241 = arith.index_cast %swap3A_240 : i32 to index
        %swap3A_242 = arith.index_cast %add3A_230 : i32 to index
        %swap3A_243 = arith.constant 0 : index
        %swap3A_244 = tpu.vector_load %arg11[%swap3A_241, %swap3A_242, %swap3A_243] {strides = array<i32>} : memref<3x128x32xf32, #tpu.memory_space<vmem>>, vector<16xf32>,
        tpu.vector_store %arg11[%swap3A_241, %swap3A_242, %swap3A_243], %mul3A_239 {strides = array<i32>} : memref<3x128x32xf32, #tpu.memory_space<vmem>>, vector<16xf32>,
        %get3A_245 = arith.constant 0 : i32
        %get3A_246 = arith.index_cast %get3A_245 : i32 to index
        %get3A_247 = arith.index_cast %add3A_230 : i32 to index
        %get3A_248 = arith.constant 16 : index
        %get3A_249 = tpu.vector_load %arg11[%get3A_246, %get3A_247, %get3A_248] {strides = array<i32>} : memref<3x128x32xf32, #tpu.memory_space<vmem>>, vector<16xf32>,
        %mul3A_250 = arith.mulf %get3A_249, %broadcast_in_dim3A_233 : vector<16xf32>
        %swap3A_251 = arith.constant 0 : i32
        %swap3A_252 = arith.index_cast %swap3A_251 : i32 to index
        %swap3A_253 = arith.index_cast %add3A_230 : i32 to index
        %swap3A_254 = arith.constant 16 : index
        %swap3A_255 = tpu.vector_load %arg11[%swap3A_252, %swap3A_253, %swap3A_254] {strides = array<i32>} : memref<3x128x32xf32, #tpu.memory_space<vmem>>, vector<16xf32>,
        tpu.vector_store %arg11[%swap3A_252, %swap3A_253, %swap3A_254], %mul3A_250 {strides = array<i32>} : memref<3x128x32xf32, #tpu.memory_space<vmem>>, vector<16xf32>,
        %mul3A_256 = arith.constant 16 : i32
        %mul3A_257 = arith.muli %add3A_109, %mul3A_256 : i32
        %add3A_258 = arith.constant 5 : i32
        %add3A_259 = arith.addi %mul3A_257, %add3A_258 : i32
        %slice3A_260 = vector.extract_strided_slice %get3A_114 {offsets = [5], sizes = [1], strides = [1]} : vector<16xf32> to vector<1xf32>
        %squeeze3A_261 = vector.extract %slice3A_260[0] : f32 from vector<1xf32>
        %broadcast_in_dim3A_262 = vector.broadcast %squeeze3A_261 : f32 to vector<16xf32>
        %get3A_263 = arith.constant 0 : i32
        %get3A_264 = arith.index_cast %get3A_263 : i32 to index
        %get3A_265 = arith.index_cast %add3A_259 : i32 to index
        %get3A_266 = arith.constant 0 : index
        %get3A_267 = tpu.vector_load %arg11[%get3A_264, %get3A_265, %get3A_266] {strides = array<i32>} : memref<3x128x32xf32, #tpu.memory_space<vmem>>, vector<16xf32>,
        %mul3A_268 = arith.mulf %get3A_267, %broadcast_in_dim3A_262 : vector<16xf32>
        %swap3A_269 = arith.constant 0 : i32
        %swap3A_270 = arith.index_cast %swap3A_269 : i32 to index
        %swap3A_271 = arith.index_cast %add3A_259 : i32 to index
        %swap3A_272 = arith.constant 0 : index
        %swap3A_273 = tpu.vector_load %arg11[%swap3A_270, %swap3A_271, %swap3A_272] {strides = array<i32>} : memref<3x128x32xf32, #tpu.memory_space<vmem>>, vector<16xf32>,
        tpu.vector_store %arg11[%swap3A_270, %swap3A_271, %swap3A_272], %mul3A_268 {strides = array<i32>} : memref<3x128x32xf32, #tpu.memory_space<vmem>>, vector<16xf32>,
        %get3A_274 = arith.constant 0 : i32
        %get3A_275 = arith.index_cast %get3A_274 : i32 to index
        %get3A_276 = arith.index_cast %add3A_259 : i32 to index
        %get3A_277 = arith.constant 16 : index
        %get3A_278 = tpu.vector_load %arg11[%get3A_275, %get3A_276, %get3A_277] {strides = array<i32>} : memref<3x128x32xf32, #tpu.memory_space<vmem>>, vector<16xf32>,
        %mul3A_279 = arith.mulf %get3A_278, %broadcast_in_dim3A_262 : vector<16xf32>
        %swap3A_280 = arith.constant 0 : i32
        %swap3A_281 = arith.index_cast %swap3A_280 : i32 to index
        %swap3A_282 = arith.index_cast %add3A_259 : i32 to index
        %swap3A_283 = arith.constant 16 : index
        %swap3A_284 = tpu.vector_load %arg11[%swap3A_281, %swap3A_282, %swap3A_283] {strides = array<i32>} : memref<3x128x32xf32, #tpu.memory_space<vmem>>, vector<16xf32>,
        tpu.vector_store %arg11[%swap3A_281, %swap3A_282, %swap3A_283], %mul3A_279 {strides = array<i32>} : memref<3x128x32xf32, #tpu.memory_space<vmem>>, vector<16xf32>,
        %mul3A_285 = arith.constant 16 : i32
        %mul3A_286 = arith.muli %add3A_109, %mul3A_285 : i32
        %add3A_287 = arith.constant 6 : i32
        %add3A_288 = arith.addi %mul3A_286, %add3A_287 : i32
        %slice3A_289 = vector.extract_strided_slice %get3A_114 {offsets = [6], sizes = [1], strides = [1]} : vector<16xf32> to vector<1xf32>
        %squeeze3A_290 = vector.extract %slice3A_289[0] : f32 from vector<1xf32>
        %broadcast_in_dim3A_291 = vector.broadcast %squeeze3A_290 : f32 to vector<16xf32>
        %get3A_292 = arith.constant 0 : i32
        %get3A_293 = arith.index_cast %get3A_292 : i32 to index
        %get3A_294 = arith.index_cast %add3A_288 : i32 to index
        %get3A_295 = arith.constant 0 : index
        %get3A_296 = tpu.vector_load %arg11[%get3A_293, %get3A_294, %get3A_295] {strides = array<i32>} : memref<3x128x32xf32, #tpu.memory_space<vmem>>, vector<16xf32>,
        %mul3A_297 = arith.mulf %get3A_296, %broadcast_in_dim3A_291 : vector<16xf32>
        %swap3A_298 = arith.constant 0 : i32
        %swap3A_299 = arith.index_cast %swap3A_298 : i32 to index
        %swap3A_300 = arith.index_cast %add3A_288 : i32 to index
        %swap3A_301 = arith.constant 0 : index
        %swap3A_302 = tpu.vector_load %arg11[%swap3A_299, %swap3A_300, %swap3A_301] {strides = array<i32>} : memref<3x128x32xf32, #tpu.memory_space<vmem>>, vector<16xf32>,
        tpu.vector_store %arg11[%swap3A_299, %swap3A_300, %swap3A_301], %mul3A_297 {strides = array<i32>} : memref<3x128x32xf32, #tpu.memory_space<vmem>>, vector<16xf32>,
        %get3A_303 = arith.constant 0 : i32
        %get3A_304 = arith.index_cast %get3A_303 : i32 to index
        %get3A_305 = arith.index_cast %add3A_288 : i32 to index
        %get3A_306 = arith.constant 16 : index
        %get3A_307 = tpu.vector_load %arg11[%get3A_304, %get3A_305, %get3A_306] {strides = array<i32>} : memref<3x128x32xf32, #tpu.memory_space<vmem>>, vector<16xf32>,
        %mul3A_308 = arith.mulf %get3A_307, %broadcast_in_dim3A_291 : vector<16xf32>
        %swap3A_309 = arith.constant 0 : i32
        %swap3A_310 = arith.index_cast %swap3A_309 : i32 to index
        %swap3A_311 = arith.index_cast %add3A_288 : i32 to index
        %swap3A_312 = arith.constant 16 : index
        %swap3A_313 = tpu.vector_load %arg11[%swap3A_310, %swap3A_311, %swap3A_312] {strides = array<i32>} : memref<3x128x32xf32, #tpu.memory_space<vmem>>, vector<16xf32>,
        tpu.vector_store %arg11[%swap3A_310, %swap3A_311, %swap3A_312], %mul3A_308 {strides = array<i32>} : memref<3x128x32xf32, #tpu.memory_space<vmem>>, vector<16xf32>,
        %mul3A_314 = arith.constant 16 : i32
        %mul3A_315 = arith.muli %add3A_109, %mul3A_314 : i32
        %add3A_316 = arith.constant 7 : i32
        %add3A_317 = arith.addi %mul3A_315, %add3A_316 : i32
        %slice3A_318 = vector.extract_strided_slice %get3A_114 {offsets = [7], sizes = [1], strides = [1]} : vector<16xf32> to vector<1xf32>
        %squeeze3A_319 = vector.extract %slice3A_318[0] : f32 from vector<1xf32>
        %broadcast_in_dim3A_320 = vector.broadcast %squeeze3A_319 : f32 to vector<16xf32>
        %get3A_321 = arith.constant 0 : i32
        %get3A_322 = arith.index_cast %get3A_321 : i32 to index
        %get3A_323 = arith.index_cast %add3A_317 : i32 to index
        %get3A_324 = arith.constant 0 : index
        %get3A_325 = tpu.vector_load %arg11[%get3A_322, %get3A_323, %get3A_324] {strides = array<i32>} : memref<3x128x32xf32, #tpu.memory_space<vmem>>, vector<16xf32>,
        %mul3A_326 = arith.mulf %get3A_325, %broadcast_in_dim3A_320 : vector<16xf32>
        %swap3A_327 = arith.constant 0 : i32
        %swap3A_328 = arith.index_cast %swap3A_327 : i32 to index
        %swap3A_329 = arith.index_cast %add3A_317 : i32 to index
        %swap3A_330 = arith.constant 0 : index
        %swap3A_331 = tpu.vector_load %arg11[%swap3A_328, %swap3A_329, %swap3A_330] {strides = array<i32>} : memref<3x128x32xf32, #tpu.memory_space<vmem>>, vector<16xf32>,
        tpu.vector_store %arg11[%swap3A_328, %swap3A_329, %swap3A_330], %mul3A_326 {strides = array<i32>} : memref<3x128x32xf32, #tpu.memory_space<vmem>>, vector<16xf32>,
        %get3A_332 = arith.constant 0 : i32
        %get3A_333 = arith.index_cast %get3A_332 : i32 to index
        %get3A_334 = arith.index_cast %add3A_317 : i32 to index
        %get3A_335 = arith.constant 16 : index
        %get3A_336 = tpu.vector_load %arg11[%get3A_333, %get3A_334, %get3A_335] {strides = array<i32>} : memref<3x128x32xf32, #tpu.memory_space<vmem>>, vector<16xf32>,
        %mul3A_337 = arith.mulf %get3A_336, %broadcast_in_dim3A_320 : vector<16xf32>
        %swap3A_338 = arith.constant 0 : i32
        %swap3A_339 = arith.index_cast %swap3A_338 : i32 to index
        %swap3A_340 = arith.index_cast %add3A_317 : i32 to index
        %swap3A_341 = arith.constant 16 : index
        %swap3A_342 = tpu.vector_load %arg11[%swap3A_339, %swap3A_340, %swap3A_341] {strides = array<i32>} : memref<3x128x32xf32, #tpu.memory_space<vmem>>, vector<16xf32>,
        tpu.vector_store %arg11[%swap3A_339, %swap3A_340, %swap3A_341], %mul3A_337 {strides = array<i32>} : memref<3x128x32xf32, #tpu.memory_space<vmem>>, vector<16xf32>,
        %mul3A_343 = arith.constant 16 : i32
        %mul3A_344 = arith.muli %add3A_109, %mul3A_343 : i32
        %add3A_345 = arith.constant 8 : i32
        %add3A_346 = arith.addi %mul3A_344, %add3A_345 : i32
        %slice3A_347 = vector.extract_strided_slice %get3A_114 {offsets = [8], sizes = [1], strides = [1]} : vector<16xf32> to vector<1xf32>
        %squeeze3A_348 = vector.extract %slice3A_347[0] : f32 from vector<1xf32>
        %broadcast_in_dim3A_349 = vector.broadcast %squeeze3A_348 : f32 to vector<16xf32>
        %get3A_350 = arith.constant 0 : i32
        %get3A_351 = arith.index_cast %get3A_350 : i32 to index
        %get3A_352 = arith.index_cast %add3A_346 : i32 to index
        %get3A_353 = arith.constant 0 : index
        %get3A_354 = tpu.vector_load %arg11[%get3A_351, %get3A_352, %get3A_353] {strides = array<i32>} : memref<3x128x32xf32, #tpu.memory_space<vmem>>, vector<16xf32>,
        %mul3A_355 = arith.mulf %get3A_354, %broadcast_in_dim3A_349 : vector<16xf32>
        %swap3A_356 = arith.constant 0 : i32
        %swap3A_357 = arith.index_cast %swap3A_356 : i32 to index
        %swap3A_358 = arith.index_cast %add3A_346 : i32 to index
        %swap3A_359 = arith.constant 0 : index
        %swap3A_360 = tpu.vector_load %arg11[%swap3A_357, %swap3A_358, %swap3A_359] {strides = array<i32>} : memref<3x128x32xf32, #tpu.memory_space<vmem>>, vector<16xf32>,
        tpu.vector_store %arg11[%swap3A_357, %swap3A_358, %swap3A_359], %mul3A_355 {strides = array<i32>} : memref<3x128x32xf32, #tpu.memory_space<vmem>>, vector<16xf32>,
        %get3A_361 = arith.constant 0 : i32
        %get3A_362 = arith.index_cast %get3A_361 : i32 to index
        %get3A_363 = arith.index_cast %add3A_346 : i32 to index
        %get3A_364 = arith.constant 16 : index
        %get3A_365 = tpu.vector_load %arg11[%get3A_362, %get3A_363, %get3A_364] {strides = array<i32>} : memref<3x128x32xf32, #tpu.memory_space<vmem>>, vector<16xf32>,
        %mul3A_366 = arith.mulf %get3A_365, %broadcast_in_dim3A_349 : vector<16xf32>
        %swap3A_367 = arith.constant 0 : i32
        %swap3A_368 = arith.index_cast %swap3A_367 : i32 to index
        %swap3A_369 = arith.index_cast %add3A_346 : i32 to index
        %swap3A_370 = arith.constant 16 : index
        %swap3A_371 = tpu.vector_load %arg11[%swap3A_368, %swap3A_369, %swap3A_370] {strides = array<i32>} : memref<3x128x32xf32, #tpu.memory_space<vmem>>, vector<16xf32>,
        tpu.vector_store %arg11[%swap3A_368, %swap3A_369, %swap3A_370], %mul3A_366 {strides = array<i32>} : memref<3x128x32xf32, #tpu.memory_space<vmem>>, vector<16xf32>,
        %mul3A_372 = arith.constant 16 : i32
        %mul3A_373 = arith.muli %add3A_109, %mul3A_372 : i32
        %add3A_374 = arith.constant 9 : i32
        %add3A_375 = arith.addi %mul3A_373, %add3A_374 : i32
        %slice3A_376 = vector.extract_strided_slice %get3A_114 {offsets = [9], sizes = [1], strides = [1]} : vector<16xf32> to vector<1xf32>
        %squeeze3A_377 = vector.extract %slice3A_376[0] : f32 from vector<1xf32>
        %broadcast_in_dim3A_378 = vector.broadcast %squeeze3A_377 : f32 to vector<16xf32>
        %get3A_379 = arith.constant 0 : i32
        %get3A_380 = arith.index_cast %get3A_379 : i32 to index
        %get3A_381 = arith.index_cast %add3A_375 : i32 to index
        %get3A_382 = arith.constant 0 : index
        %get3A_383 = tpu.vector_load %arg11[%get3A_380, %get3A_381, %get3A_382] {strides = array<i32>} : memref<3x128x32xf32, #tpu.memory_space<vmem>>, vector<16xf32>,
        %mul3A_384 = arith.mulf %get3A_383, %broadcast_in_dim3A_378 : vector<16xf32>
        %swap3A_385 = arith.constant 0 : i32
        %swap3A_386 = arith.index_cast %swap3A_385 : i32 to index
        %swap3A_387 = arith.index_cast %add3A_375 : i32 to index
        %swap3A_388 = arith.constant 0 : index
        %swap3A_389 = tpu.vector_load %arg11[%swap3A_386, %swap3A_387, %swap3A_388] {strides = array<i32>} : memref<3x128x32xf32, #tpu.memory_space<vmem>>, vector<16xf32>,
        tpu.vector_store %arg11[%swap3A_386, %swap3A_387, %swap3A_388], %mul3A_384 {strides = array<i32>} : memref<3x128x32xf32, #tpu.memory_space<vmem>>, vector<16xf32>,
        %get3A_390 = arith.constant 0 : i32
        %get3A_391 = arith.index_cast %get3A_390 : i32 to index
        %get3A_392 = arith.index_cast %add3A_375 : i32 to index
        %get3A_393 = arith.constant 16 : index
        %get3A_394 = tpu.vector_load %arg11[%get3A_391, %get3A_392, %get3A_393] {strides = array<i32>} : memref<3x128x32xf32, #tpu.memory_space<vmem>>, vector<16xf32>,
        %mul3A_395 = arith.mulf %get3A_394, %broadcast_in_dim3A_378 : vector<16xf32>
        %swap3A_396 = arith.constant 0 : i32
        %swap3A_397 = arith.index_cast %swap3A_396 : i32 to index
        %swap3A_398 = arith.index_cast %add3A_375 : i32 to index
        %swap3A_399 = arith.constant 16 : index
        %swap3A_400 = tpu.vector_load %arg11[%swap3A_397, %swap3A_398, %swap3A_399] {strides = array<i32>} : memref<3x128x32xf32, #tpu.memory_space<vmem>>, vector<16xf32>,
        tpu.vector_store %arg11[%swap3A_397, %swap3A_398, %swap3A_399], %mul3A_395 {strides = array<i32>} : memref<3x128x32xf32, #tpu.memory_space<vmem>>, vector<16xf32>,
        %mul3A_401 = arith.constant 16 : i32
        %mul3A_402 = arith.muli %add3A_109, %mul3A_401 : i32
        %add3A_403 = arith.constant 10 : i32
        %add3A_404 = arith.addi %mul3A_402, %add3A_403 : i32
        %slice3A_405 = vector.extract_strided_slice %get3A_114 {offsets = [10], sizes = [1], strides = [1]} : vector<16xf32> to vector<1xf32>
        %squeeze3A_406 = vector.extract %slice3A_405[0] : f32 from vector<1xf32>
        %broadcast_in_dim3A_407 = vector.broadcast %squeeze3A_406 : f32 to vector<16xf32>
        %get3A_408 = arith.constant 0 : i32
        %get3A_409 = arith.index_cast %get3A_408 : i32 to index
        %get3A_410 = arith.index_cast %add3A_404 : i32 to index
        %get3A_411 = arith.constant 0 : index
        %get3A_412 = tpu.vector_load %arg11[%get3A_409, %get3A_410, %get3A_411] {strides = array<i32>} : memref<3x128x32xf32, #tpu.memory_space<vmem>>, vector<16xf32>,
        %mul3A_413 = arith.mulf %get3A_412, %broadcast_in_dim3A_407 : vector<16xf32>
        %swap3A_414 = arith.constant 0 : i32
        %swap3A_415 = arith.index_cast %swap3A_414 : i32 to index
        %swap3A_416 = arith.index_cast %add3A_404 : i32 to index
        %swap3A_417 = arith.constant 0 : index
        %swap3A_418 = tpu.vector_load %arg11[%swap3A_415, %swap3A_416, %swap3A_417] {strides = array<i32>} : memref<3x128x32xf32, #tpu.memory_space<vmem>>, vector<16xf32>,
        tpu.vector_store %arg11[%swap3A_415, %swap3A_416, %swap3A_417], %mul3A_413 {strides = array<i32>} : memref<3x128x32xf32, #tpu.memory_space<vmem>>, vector<16xf32>,
        %get3A_419 = arith.constant 0 : i32
        %get3A_420 = arith.index_cast %get3A_419 : i32 to index
        %get3A_421 = arith.index_cast %add3A_404 : i32 to index
        %get3A_422 = arith.constant 16 : index
        %get3A_423 = tpu.vector_load %arg11[%get3A_420, %get3A_421, %get3A_422] {strides = array<i32>} : memref<3x128x32xf32, #tpu.memory_space<vmem>>, vector<16xf32>,
        %mul3A_424 = arith.mulf %get3A_423, %broadcast_in_dim3A_407 : vector<16xf32>
        %swap3A_425 = arith.constant 0 : i32
        %swap3A_426 = arith.index_cast %swap3A_425 : i32 to index
        %swap3A_427 = arith.index_cast %add3A_404 : i32 to index
        %swap3A_428 = arith.constant 16 : index
        %swap3A_429 = tpu.vector_load %arg11[%swap3A_426, %swap3A_427, %swap3A_428] {strides = array<i32>} : memref<3x128x32xf32, #tpu.memory_space<vmem>>, vector<16xf32>,
        tpu.vector_store %arg11[%swap3A_426, %swap3A_427, %swap3A_428], %mul3A_424 {strides = array<i32>} : memref<3x128x32xf32, #tpu.memory_space<vmem>>, vector<16xf32>,
        %mul3A_430 = arith.constant 16 : i32
        %mul3A_431 = arith.muli %add3A_109, %mul3A_430 : i32
        %add3A_432 = arith.constant 11 : i32
        %add3A_433 = arith.addi %mul3A_431, %add3A_432 : i32
        %slice3A_434 = vector.extract_strided_slice %get3A_114 {offsets = [11], sizes = [1], strides = [1]} : vector<16xf32> to vector<1xf32>
        %squeeze3A_435 = vector.extract %slice3A_434[0] : f32 from vector<1xf32>
        %broadcast_in_dim3A_436 = vector.broadcast %squeeze3A_435 : f32 to vector<16xf32>
        %get3A_437 = arith.constant 0 : i32
        %get3A_438 = arith.index_cast %get3A_437 : i32 to index
        %get3A_439 = arith.index_cast %add3A_433 : i32 to index
        %get3A_440 = arith.constant 0 : index
        %get3A_441 = tpu.vector_load %arg11[%get3A_438, %get3A_439, %get3A_440] {strides = array<i32>} : memref<3x128x32xf32, #tpu.memory_space<vmem>>, vector<16xf32>,
        %mul3A_442 = arith.mulf %get3A_441, %broadcast_in_dim3A_436 : vector<16xf32>
        %swap3A_443 = arith.constant 0 : i32
        %swap3A_444 = arith.index_cast %swap3A_443 : i32 to index
        %swap3A_445 = arith.index_cast %add3A_433 : i32 to index
        %swap3A_446 = arith.constant 0 : index
        %swap3A_447 = tpu.vector_load %arg11[%swap3A_444, %swap3A_445, %swap3A_446] {strides = array<i32>} : memref<3x128x32xf32, #tpu.memory_space<vmem>>, vector<16xf32>,
        tpu.vector_store %arg11[%swap3A_444, %swap3A_445, %swap3A_446], %mul3A_442 {strides = array<i32>} : memref<3x128x32xf32, #tpu.memory_space<vmem>>, vector<16xf32>,
        %get3A_448 = arith.constant 0 : i32
        %get3A_449 = arith.index_cast %get3A_448 : i32 to index
        %get3A_450 = arith.index_cast %add3A_433 : i32 to index
        %get3A_451 = arith.constant 16 : index
        %get3A_452 = tpu.vector_load %arg11[%get3A_449, %get3A_450, %get3A_451] {strides = array<i32>} : memref<3x128x32xf32, #tpu.memory_space<vmem>>, vector<16xf32>,
        %mul3A_453 = arith.mulf %get3A_452, %broadcast_in_dim3A_436 : vector<16xf32>
        %swap3A_454 = arith.constant 0 : i32
        %swap3A_455 = arith.index_cast %swap3A_454 : i32 to index
        %swap3A_456 = arith.index_cast %add3A_433 : i32 to index
        %swap3A_457 = arith.constant 16 : index
        %swap3A_458 = tpu.vector_load %arg11[%swap3A_455, %swap3A_456, %swap3A_457] {strides = array<i32>} : memref<3x128x32xf32, #tpu.memory_space<vmem>>, vector<16xf32>,
        tpu.vector_store %arg11[%swap3A_455, %swap3A_456, %swap3A_457], %mul3A_453 {strides = array<i32>} : memref<3x128x32xf32, #tpu.memory_space<vmem>>, vector<16xf32>,
        %mul3A_459 = arith.constant 16 : i32
        %mul3A_460 = arith.muli %add3A_109, %mul3A_459 : i32
        %add3A_461 = arith.constant 12 : i32
        %add3A_462 = arith.addi %mul3A_460, %add3A_461 : i32
        %slice3A_463 = vector.extract_strided_slice %get3A_114 {offsets = [12], sizes = [1], strides = [1]} : vector<16xf32> to vector<1xf32>
        %squeeze3A_464 = vector.extract %slice3A_463[0] : f32 from vector<1xf32>
        %broadcast_in_dim3A_465 = vector.broadcast %squeeze3A_464 : f32 to vector<16xf32>
        %get3A_466 = arith.constant 0 : i32
        %get3A_467 = arith.index_cast %get3A_466 : i32 to index
        %get3A_468 = arith.index_cast %add3A_462 : i32 to index
        %get3A_469 = arith.constant 0 : index
        %get3A_470 = tpu.vector_load %arg11[%get3A_467, %get3A_468, %get3A_469] {strides = array<i32>} : memref<3x128x32xf32, #tpu.memory_space<vmem>>, vector<16xf32>,
        %mul3A_471 = arith.mulf %get3A_470, %broadcast_in_dim3A_465 : vector<16xf32>
        %swap3A_472 = arith.constant 0 : i32
        %swap3A_473 = arith.index_cast %swap3A_472 : i32 to index
        %swap3A_474 = arith.index_cast %add3A_462 : i32 to index
        %swap3A_475 = arith.constant 0 : index
        %swap3A_476 = tpu.vector_load %arg11[%swap3A_473, %swap3A_474, %swap3A_475] {strides = array<i32>} : memref<3x128x32xf32, #tpu.memory_space<vmem>>, vector<16xf32>,
        tpu.vector_store %arg11[%swap3A_473, %swap3A_474, %swap3A_475], %mul3A_471 {strides = array<i32>} : memref<3x128x32xf32, #tpu.memory_space<vmem>>, vector<16xf32>,
        %get3A_477 = arith.constant 0 : i32
        %get3A_478 = arith.index_cast %get3A_477 : i32 to index
        %get3A_479 = arith.index_cast %add3A_462 : i32 to index
        %get3A_480 = arith.constant 16 : index
        %get3A_481 = tpu.vector_load %arg11[%get3A_478, %get3A_479, %get3A_480] {strides = array<i32>} : memref<3x128x32xf32, #tpu.memory_space<vmem>>, vector<16xf32>,
        %mul3A_482 = arith.mulf %get3A_481, %broadcast_in_dim3A_465 : vector<16xf32>
        %swap3A_483 = arith.constant 0 : i32
        %swap3A_484 = arith.index_cast %swap3A_483 : i32 to index
        %swap3A_485 = arith.index_cast %add3A_462 : i32 to index
        %swap3A_486 = arith.constant 16 : index
        %swap3A_487 = tpu.vector_load %arg11[%swap3A_484, %swap3A_485, %swap3A_486] {strides = array<i32>} : memref<3x128x32xf32, #tpu.memory_space<vmem>>, vector<16xf32>,
        tpu.vector_store %arg11[%swap3A_484, %swap3A_485, %swap3A_486], %mul3A_482 {strides = array<i32>} : memref<3x128x32xf32, #tpu.memory_space<vmem>>, vector<16xf32>,
        %mul3A_488 = arith.constant 16 : i32
        %mul3A_489 = arith.muli %add3A_109, %mul3A_488 : i32
        %add3A_490 = arith.constant 13 : i32
        %add3A_491 = arith.addi %mul3A_489, %add3A_490 : i32
        %slice3A_492 = vector.extract_strided_slice %get3A_114 {offsets = [13], sizes = [1], strides = [1]} : vector<16xf32> to vector<1xf32>
        %squeeze3A_493 = vector.extract %slice3A_492[0] : f32 from vector<1xf32>
        %broadcast_in_dim3A_494 = vector.broadcast %squeeze3A_493 : f32 to vector<16xf32>
        %get3A_495 = arith.constant 0 : i32
        %get3A_496 = arith.index_cast %get3A_495 : i32 to index
        %get3A_497 = arith.index_cast %add3A_491 : i32 to index
        %get3A_498 = arith.constant 0 : index
        %get3A_499 = tpu.vector_load %arg11[%get3A_496, %get3A_497, %get3A_498] {strides = array<i32>} : memref<3x128x32xf32, #tpu.memory_space<vmem>>, vector<16xf32>,
        %mul3A_500 = arith.mulf %get3A_499, %broadcast_in_dim3A_494 : vector<16xf32>
        %swap3A_501 = arith.constant 0 : i32
        %swap3A_502 = arith.index_cast %swap3A_501 : i32 to index
        %swap3A_503 = arith.index_cast %add3A_491 : i32 to index
        %swap3A_504 = arith.constant 0 : index
        %swap3A_505 = tpu.vector_load %arg11[%swap3A_502, %swap3A_503, %swap3A_504] {strides = array<i32>} : memref<3x128x32xf32, #tpu.memory_space<vmem>>, vector<16xf32>,
        tpu.vector_store %arg11[%swap3A_502, %swap3A_503, %swap3A_504], %mul3A_500 {strides = array<i32>} : memref<3x128x32xf32, #tpu.memory_space<vmem>>, vector<16xf32>,
        %get3A_506 = arith.constant 0 : i32
        %get3A_507 = arith.index_cast %get3A_506 : i32 to index
        %get3A_508 = arith.index_cast %add3A_491 : i32 to index
        %get3A_509 = arith.constant 16 : index
        %get3A_510 = tpu.vector_load %arg11[%get3A_507, %get3A_508, %get3A_509] {strides = array<i32>} : memref<3x128x32xf32, #tpu.memory_space<vmem>>, vector<16xf32>,
        %mul3A_511 = arith.mulf %get3A_510, %broadcast_in_dim3A_494 : vector<16xf32>
        %swap3A_512 = arith.constant 0 : i32
        %swap3A_513 = arith.index_cast %swap3A_512 : i32 to index
        %swap3A_514 = arith.index_cast %add3A_491 : i32 to index
        %swap3A_515 = arith.constant 16 : index
        %swap3A_516 = tpu.vector_load %arg11[%swap3A_513, %swap3A_514, %swap3A_515] {strides = array<i32>} : memref<3x128x32xf32, #tpu.memory_space<vmem>>, vector<16xf32>,
        tpu.vector_store %arg11[%swap3A_513, %swap3A_514, %swap3A_515], %mul3A_511 {strides = array<i32>} : memref<3x128x32xf32, #tpu.memory_space<vmem>>, vector<16xf32>,
        %mul3A_517 = arith.constant 16 : i32
        %mul3A_518 = arith.muli %add3A_109, %mul3A_517 : i32
        %add3A_519 = arith.constant 14 : i32
        %add3A_520 = arith.addi %mul3A_518, %add3A_519 : i32
        %slice3A_521 = vector.extract_strided_slice %get3A_114 {offsets = [14], sizes = [1], strides = [1]} : vector<16xf32> to vector<1xf32>
        %squeeze3A_522 = vector.extract %slice3A_521[0] : f32 from vector<1xf32>
        %broadcast_in_dim3A_523 = vector.broadcast %squeeze3A_522 : f32 to vector<16xf32>
        %get3A_524 = arith.constant 0 : i32
        %get3A_525 = arith.index_cast %get3A_524 : i32 to index
        %get3A_526 = arith.index_cast %add3A_520 : i32 to index
        %get3A_527 = arith.constant 0 : index
        %get3A_528 = tpu.vector_load %arg11[%get3A_525, %get3A_526, %get3A_527] {strides = array<i32>} : memref<3x128x32xf32, #tpu.memory_space<vmem>>, vector<16xf32>,
        %mul3A_529 = arith.mulf %get3A_528, %broadcast_in_dim3A_523 : vector<16xf32>
        %swap3A_530 = arith.constant 0 : i32
        %swap3A_531 = arith.index_cast %swap3A_530 : i32 to index
        %swap3A_532 = arith.index_cast %add3A_520 : i32 to index
        %swap3A_533 = arith.constant 0 : index
        %swap3A_534 = tpu.vector_load %arg11[%swap3A_531, %swap3A_532, %swap3A_533] {strides = array<i32>} : memref<3x128x32xf32, #tpu.memory_space<vmem>>, vector<16xf32>,
        tpu.vector_store %arg11[%swap3A_531, %swap3A_532, %swap3A_533], %mul3A_529 {strides = array<i32>} : memref<3x128x32xf32, #tpu.memory_space<vmem>>, vector<16xf32>,
        %get3A_535 = arith.constant 0 : i32
        %get3A_536 = arith.index_cast %get3A_535 : i32 to index
        %get3A_537 = arith.index_cast %add3A_520 : i32 to index
        %get3A_538 = arith.constant 16 : index
        %get3A_539 = tpu.vector_load %arg11[%get3A_536, %get3A_537, %get3A_538] {strides = array<i32>} : memref<3x128x32xf32, #tpu.memory_space<vmem>>, vector<16xf32>,
        %mul3A_540 = arith.mulf %get3A_539, %broadcast_in_dim3A_523 : vector<16xf32>
        %swap3A_541 = arith.constant 0 : i32
        %swap3A_542 = arith.index_cast %swap3A_541 : i32 to index
        %swap3A_543 = arith.index_cast %add3A_520 : i32 to index
        %swap3A_544 = arith.constant 16 : index
        %swap3A_545 = tpu.vector_load %arg11[%swap3A_542, %swap3A_543, %swap3A_544] {strides = array<i32>} : memref<3x128x32xf32, #tpu.memory_space<vmem>>, vector<16xf32>,
        tpu.vector_store %arg11[%swap3A_542, %swap3A_543, %swap3A_544], %mul3A_540 {strides = array<i32>} : memref<3x128x32xf32, #tpu.memory_space<vmem>>, vector<16xf32>,
        %mul3A_546 = arith.constant 16 : i32
        %mul3A_547 = arith.muli %add3A_109, %mul3A_546 : i32
        %add3A_548 = arith.constant 15 : i32
        %add3A_549 = arith.addi %mul3A_547, %add3A_548 : i32
        %slice3A_550 = vector.extract_strided_slice %get3A_114 {offsets = [15], sizes = [1], strides = [1]} : vector<16xf32> to vector<1xf32>
        %squeeze3A_551 = vector.extract %slice3A_550[0] : f32 from vector<1xf32>
        %broadcast_in_dim3A_552 = vector.broadcast %squeeze3A_551 : f32 to vector<16xf32>
        %get3A_553 = arith.constant 0 : i32
        %get3A_554 = arith.index_cast %get3A_553 : i32 to index
        %get3A_555 = arith.index_cast %add3A_549 : i32 to index
        %get3A_556 = arith.constant 0 : index
        %get3A_557 = tpu.vector_load %arg11[%get3A_554, %get3A_555, %get3A_556] {strides = array<i32>} : memref<3x128x32xf32, #tpu.memory_space<vmem>>, vector<16xf32>,
        %mul3A_558 = arith.mulf %get3A_557, %broadcast_in_dim3A_552 : vector<16xf32>
        %swap3A_559 = arith.constant 0 : i32
        %swap3A_560 = arith.index_cast %swap3A_559 : i32 to index
        %swap3A_561 = arith.index_cast %add3A_549 : i32 to index
        %swap3A_562 = arith.constant 0 : index
        %swap3A_563 = tpu.vector_load %arg11[%swap3A_560, %swap3A_561, %swap3A_562] {strides = array<i32>} : memref<3x128x32xf32, #tpu.memory_space<vmem>>, vector<16xf32>,
        tpu.vector_store %arg11[%swap3A_560, %swap3A_561, %swap3A_562], %mul3A_558 {strides = array<i32>} : memref<3x128x32xf32, #tpu.memory_space<vmem>>, vector<16xf32>,
        %get3A_564 = arith.constant 0 : i32
        %get3A_565 = arith.index_cast %get3A_564 : i32 to index
        %get3A_566 = arith.index_cast %add3A_549 : i32 to index
        %get3A_567 = arith.constant 16 : index
        %get3A_568 = tpu.vector_load %arg11[%get3A_565, %get3A_566, %get3A_567] {strides = array<i32>} : memref<3x128x32xf32, #tpu.memory_space<vmem>>, vector<16xf32>,
        %mul3A_569 = arith.mulf %get3A_568, %broadcast_in_dim3A_552 : vector<16xf32>
        %swap3A_570 = arith.constant 0 : i32
        %swap3A_571 = arith.index_cast %swap3A_570 : i32 to index
        %swap3A_572 = arith.index_cast %add3A_549 : i32 to index
        %swap3A_573 = arith.constant 16 : index
        %swap3A_574 = tpu.vector_load %arg11[%swap3A_571, %swap3A_572, %swap3A_573] {strides = array<i32>} : memref<3x128x32xf32, #tpu.memory_space<vmem>>, vector<16xf32>,
        tpu.vector_store %arg11[%swap3A_571, %swap3A_572, %swap3A_573], %mul3A_569 {strides = array<i32>} : memref<3x128x32xf32, #tpu.memory_space<vmem>>, vector<16xf32>,
      }
      %scan3A_103 = arith.constant 8 : i32
      %run_scoped3A = arith.constant 0 : i32
      %run_scoped3A_104 = arith.constant 78 : i32
      "tpu.region"() ({
        %run_scoped3A_105 = tpu.sem_alloc : memref<!tpu.dma_semaphore, #tpu.memory_space<semaphore_mem>>
        %dma_start3A_106 = arith.constant 0 : i32
        %dma_start3A_107 = arith.constant 0 : i32
        %dma_start3A_108 = tpu.memref_slice %arg11[%run_scoped3A, %dma_start3A_106, %dma_start3A_107] : memref<3x128x32xf32, #tpu.memory_space<vmem>> -> memref<1x128x32xf32, #tpu.memory_space<vmem>>
        %dma_start3A_109 = tpu.memref_squeeze %dma_start3A_108 : memref<1x128x32xf32, #tpu.memory_space<vmem>> -> memref<128x32xf32, #tpu.memory_space<vmem>>
        %dma_start3A_110 = arith.constant 0 : i32
        %dma_start3A_111 = tpu.memref_slice %arg8[%run_scoped3A_104, %dma_start3A_110] : memref<79x128xi32, #tpu.memory_space<vmem>> -> memref<1x128xi32, #tpu.memory_space<vmem>>
        %dma_start3A_112 = tpu.memref_squeeze %dma_start3A_111 : memref<1x128xi32, #tpu.memory_space<vmem>> -> memref<128xi32, #tpu.memory_space<vmem>>
        %dma_start3A_113 = arith.constant 0 : i32
        %dma_start3A_114 = arith.constant 0 : i32
        %dma_start3A_115 = tpu.memref_slice %arg12[%dma_start3A_113, %dma_start3A_114] : memref<10000x32xf32, #tpu.memory_space<vmem_shared>> -> memref<10000x32xf32, #tpu.memory_space<vmem_shared>>
        tpu.enqueue_indirect_dma source(%dma_start3A_109 : memref<128x32xf32, #tpu.memory_space<vmem>>) target(%dma_start3A_115 : memref<10000x32xf32, #tpu.memory_space<vmem_shared>>) offsets(%dma_start3A_112 : memref<128xi32, #tpu.memory_space<vmem>>) semaphore(%run_scoped3A_105 : memref<!tpu.dma_semaphore, #tpu.memory_space<semaphore_mem>>) {add = true}
        %dma_wait3A_116 = arith.constant 0 : i32
        %dma_wait3A_117 = arith.constant 0 : i32
        %dma_wait3A_118 = tpu.memref_slice %arg11[%run_scoped3A, %dma_wait3A_116, %dma_wait3A_117] : memref<3x128x32xf32, #tpu.memory_space<vmem>> -> memref<1x128x32xf32, #tpu.memory_space<vmem>>
        %dma_wait3A_119 = tpu.memref_squeeze %dma_wait3A_118 : memref<1x128x32xf32, #tpu.memory_space<vmem>> -> memref<128x32xf32, #tpu.memory_space<vmem>>
        %dma_wait3A_120 = arith.constant 0 : i32
        %dma_wait3A_121 = tpu.memref_slice %arg8[%run_scoped3A_104, %dma_wait3A_120] : memref<79x128xi32, #tpu.memory_space<vmem>> -> memref<1x128xi32, #tpu.memory_space<vmem>>
        %dma_wait3A_122 = tpu.memref_squeeze %dma_wait3A_121 : memref<1x128xi32, #tpu.memory_space<vmem>> -> memref<128xi32, #tpu.memory_space<vmem>>
        %dma_wait3A_123 = arith.constant 0 : i32
        %dma_wait3A_124 = arith.constant 0 : i32
        %dma_wait3A_125 = tpu.memref_slice %arg12[%dma_wait3A_123, %dma_wait3A_124] : memref<10000x32xf32, #tpu.memory_space<vmem_shared>> -> memref<10000x32xf32, #tpu.memory_space<vmem_shared>>
        tpu.wait_indirect_dma semaphore(%run_scoped3A_105 : memref<!tpu.dma_semaphore, #tpu.memory_space<semaphore_mem>>) src(%dma_wait3A_119 : memref<128x32xf32, #tpu.memory_space<vmem>>) dst(%dma_wait3A_125 : memref<10000x32xf32, #tpu.memory_space<vmem_shared>>)
        tpu.yield
      }) : () -> ()
    } else {
    }
    %barrier3A_76 = arith.constant 0 : index
    tpu.barrier barrier_id(%barrier3A_76)
    %lt3A_77 = arith.constant 15 : i32
    %lt3A_78 = arith.cmpi slt, %arg1, %lt3A_77 : i32
    %convert_element_type3A_79 = arith.extui %lt3A_78 : i1 to i32
    %cond3A_80 = arith.constant 0 : i32
    %cond3A_81 = arith.cmpi ne, %convert_element_type3A_79, %cond3A_80 : i32
    scf.if %cond3A_81 {
      %mul3A_87 = arith.constant 624 : i32
      %mul3A_88 = arith.muli %arg1, %mul3A_87 : i32
      %mul3A_89 = arith.constant 10000 : i32
      %mul3A_90 = arith.muli %arg0, %mul3A_89 : i32
      %mul3A_91 = arith.constant 624 : i32
      %mul3A_92 = arith.muli %arg1, %mul3A_91 : i32
      %add3A_93 = arith.addi %mul3A_90, %mul3A_92 : i32
      "tpu.region"() ({
        %run_scoped3A = tpu.sem_alloc : memref<!tpu.dma_semaphore, #tpu.memory_space<semaphore_mem>>
        %dma_start3A_94 = arith.constant 0 : i32
        %dma_start3A_95 = tpu.memref_slice %arg7[%add3A_93, %dma_start3A_94] : memref<20000x32xf32, #tpu.memory_space<hbm>> -> memref<624x32xf32, #tpu.memory_space<hbm>>
        %dma_start3A_96 = arith.constant 0 : i32
        %dma_start3A_97 = tpu.memref_slice %arg12[%mul3A_88, %dma_start3A_96] : memref<10000x32xf32, #tpu.memory_space<vmem_shared>> -> memref<624x32xf32, #tpu.memory_space<vmem_shared>>
        tpu.enqueue_dma source(%dma_start3A_97 : memref<624x32xf32, #tpu.memory_space<vmem_shared>>) target(%dma_start3A_95 : memref<624x32xf32, #tpu.memory_space<hbm>>) target_semaphore(%run_scoped3A : memref<!tpu.dma_semaphore, #tpu.memory_space<semaphore_mem>>)
        %dma_wait3A_98 = arith.constant 0 : i32
        %dma_wait3A_99 = tpu.memref_slice %arg7[%add3A_93, %dma_wait3A_98] : memref<20000x32xf32, #tpu.memory_space<hbm>> -> memref<624x32xf32, #tpu.memory_space<hbm>>
        %dma_wait3A_100 = arith.constant 0 : i32
        %dma_wait3A_101 = tpu.memref_slice %arg12[%mul3A_88, %dma_wait3A_100] : memref<10000x32xf32, #tpu.memory_space<vmem_shared>> -> memref<624x32xf32, #tpu.memory_space<vmem_shared>>
        tpu.wait_dma2 semaphore(%run_scoped3A : memref<!tpu.dma_semaphore, #tpu.memory_space<semaphore_mem>>) src(%dma_wait3A_101 : memref<624x32xf32, #tpu.memory_space<vmem_shared>>) dst(%dma_wait3A_99 : memref<624x32xf32, #tpu.memory_space<hbm>>)
        tpu.yield
      }) : () -> ()
    } else {
    }
    %eq3A_82 = arith.constant 15 : i32
    %eq3A_83 = arith.cmpi eq, %arg1, %eq3A_82 : i32
    %convert_element_type3A_84 = arith.extui %eq3A_83 : i1 to i32
    %cond3A_85 = arith.constant 0 : i32
    %cond3A_86 = arith.cmpi ne, %convert_element_type3A_84, %cond3A_85 : i32
    scf.if %cond3A_86 {
      %mul3A_87 = arith.constant 10000 : i32
      %mul3A_88 = arith.muli %arg0, %mul3A_87 : i32
      %add3A_89 = arith.constant 9360 : i32
      %add3A_90 = arith.addi %mul3A_88, %add3A_89 : i32
      "tpu.region"() ({
        %run_scoped3A = tpu.sem_alloc : memref<!tpu.dma_semaphore, #tpu.memory_space<semaphore_mem>>
        %dma_start3A_91 = arith.constant 0 : i32
        %dma_start3A_92 = tpu.memref_slice %arg7[%add3A_90, %dma_start3A_91] : memref<20000x32xf32, #tpu.memory_space<hbm>> -> memref<640x32xf32, #tpu.memory_space<hbm>>
        %dma_start3A_93 = arith.constant 9360 : i32
        %dma_start3A_94 = arith.constant 0 : i32
        %dma_start3A_95 = tpu.memref_slice %arg12[%dma_start3A_93, %dma_start3A_94] : memref<10000x32xf32, #tpu.memory_space<vmem_shared>> -> memref<640x32xf32, #tpu.memory_space<vmem_shared>>
        tpu.enqueue_dma source(%dma_start3A_95 : memref<640x32xf32, #tpu.memory_space<vmem_shared>>) target(%dma_start3A_92 : memref<640x32xf32, #tpu.memory_space<hbm>>) target_semaphore(%run_scoped3A : memref<!tpu.dma_semaphore, #tpu.memory_space<semaphore_mem>>)
        %dma_wait3A_96 = arith.constant 0 : i32
        %dma_wait3A_97 = tpu.memref_slice %arg7[%add3A_90, %dma_wait3A_96] : memref<20000x32xf32, #tpu.memory_space<hbm>> -> memref<640x32xf32, #tpu.memory_space<hbm>>
        %dma_wait3A_98 = arith.constant 9360 : i32
        %dma_wait3A_99 = arith.constant 0 : i32
        %dma_wait3A_100 = tpu.memref_slice %arg12[%dma_wait3A_98, %dma_wait3A_99] : memref<10000x32xf32, #tpu.memory_space<vmem_shared>> -> memref<640x32xf32, #tpu.memory_space<vmem_shared>>
        tpu.wait_dma2 semaphore(%run_scoped3A : memref<!tpu.dma_semaphore, #tpu.memory_space<semaphore_mem>>) src(%dma_wait3A_100 : memref<640x32xf32, #tpu.memory_space<vmem_shared>>) dst(%dma_wait3A_97 : memref<640x32xf32, #tpu.memory_space<hbm>>)
        tpu.yield
      }) : () -> ()
    } else {
    }
    return
  }
}

module attributes {stable_mosaic.version = 14 : i64} {
  func.func @_mm_body(%arg0: i32, %arg1: memref<256000xf32, #tpu.memory_space<vmem>>, %arg2: memref<256000xf32, #tpu.memory_space<vmem>>, %arg3: memref<128x32xf32, #tpu.memory_space<vmem>>, %arg4: memref<2000x32xf32, #tpu.memory_space<vmem>>) attributes {dimension_semantics = [#tpu.dimension_semantics<arbitrary>], iteration_bounds = array<i64: 5>, scalar_prefetch = 0 : i64, scratch_operands = 0 : i64, tpu.core_type = #tpu.core_type<tc>, window_params = [{transform_indices = @transform_0, window_bounds = array<i64: 256000>}, {transform_indices = @transform_1, window_bounds = array<i64: 256000>}, {pipeline_mode = #tpu.pipeline_mode<synchronous>, transform_indices = @transform_2, window_bounds = array<i64: 128, 32>}, {transform_indices = @transform_3, window_bounds = array<i64: 2000, 32>}]} {
    %get3A = arith.constant 0 : index
    %get3A_0 = vector.load %arg1[%get3A] : memref<256000xf32, #tpu.memory_space<vmem>>, vector<256000xf32>
    %get3A_1 = arith.constant 0 : index
    %get3A_2 = vector.load %arg2[%get3A_1] : memref<256000xf32, #tpu.memory_space<vmem>>, vector<256000xf32>
    %add3A = arith.addf %get3A_0, %get3A_2 : vector<256000xf32>
    %reshape3A = vector.shape_cast %add3A : vector<256000xf32> to vector<2000x128xf32>
    %get3A_3 = arith.constant 0 : index
    %get3A_4 = arith.constant 0 : index
    %get3A_5 = vector.load %arg3[%get3A_3, %get3A_4] : memref<128x32xf32, #tpu.memory_space<vmem>>, vector<128x32xf32>
    %dot_general3A = arith.constant dense<0.000000e+00> : vector<2000x32xf32>
    %dot_general3A_6 = tpu.matmul %reshape3A, %get3A_5, %dot_general3A {dimension_numbers = #tpu.dot_dimension_numbers<[1], [0], [0], [1], [0, 0, 1, 1], [], []>, transpose_lhs_hint = false} : vector<2000x128xf32>, vector<128x32xf32>, vector<2000x32xf32> -> vector<2000x32xf32>
    %swap3A = arith.constant 0 : index
    %swap3A_7 = arith.constant 0 : index
    %swap3A_8 = vector.load %arg4[%swap3A, %swap3A_7] : memref<2000x32xf32, #tpu.memory_space<vmem>>, vector<2000x32xf32>
    tpu.vector_store %arg4[%swap3A, %swap3A_7], %dot_general3A_6 {strides = array<i32>} : memref<2000x32xf32, #tpu.memory_space<vmem>>, vector<2000x32xf32>,
    return
  }
  func.func @transform_0(%arg0: i32) -> i32 {
    %c0_i32 = arith.constant 0 : i32
    return %arg0 : i32
  }
  func.func @transform_1(%arg0: i32) -> i32 {
    %add3A = arith.constant 5 : i32
    %add3A_0 = arith.addi %arg0, %add3A : i32
    %c0_i32 = arith.constant 0 : i32
    return %add3A_0 : i32
  }
  func.func @transform_2(%arg0: i32) -> (i32, i32) {
    %c0_i32 = arith.constant 0 : i32
    %c0_i32_0 = arith.constant 0 : i32
    %c0_i32_1 = arith.constant 0 : i32
    return %c0_i32, %c0_i32_0 : i32, i32
  }
  func.func @transform_3(%arg0: i32) -> (i32, i32) {
    %c0_i32 = arith.constant 0 : i32
    %c0_i32_0 = arith.constant 0 : i32
    return %arg0, %c0_i32 : i32, i32
  }
}

module attributes {stable_mosaic.version = 14 : i64} {
  func.func @_fin_body(%arg0: i32, %arg1: memref<2000x32xf32, #tpu.memory_space<vmem>>, %arg2: memref<2000x32xf32, #tpu.memory_space<vmem>>, %arg3: memref<2000x32xf32, #tpu.memory_space<vmem>>) attributes {dimension_semantics = [#tpu.dimension_semantics<arbitrary>], iteration_bounds = array<i64: 5>, scalar_prefetch = 0 : i64, scratch_operands = 0 : i64, tpu.core_type = #tpu.core_type<tc>, window_params = [{transform_indices = @transform_0, window_bounds = array<i64: 2000, 32>}, {transform_indices = @transform_1, window_bounds = array<i64: 2000, 32>}, {transform_indices = @transform_2, window_bounds = array<i64: 2000, 32>}]} {
    %get3A = arith.constant 0 : index
    %get3A_0 = arith.constant 0 : index
    %get3A_1 = vector.load %arg1[%get3A, %get3A_0] : memref<2000x32xf32, #tpu.memory_space<vmem>>, vector<2000x32xf32>
    %get3A_2 = arith.constant 0 : index
    %get3A_3 = arith.constant 0 : index
    %get3A_4 = vector.load %arg2[%get3A_2, %get3A_3] : memref<2000x32xf32, #tpu.memory_space<vmem>>, vector<2000x32xf32>
    %add3A = arith.addf %get3A_1, %get3A_4 : vector<2000x32xf32>
    %max3A = arith.constant 0.000000e+00 : f32
    %max3A_5 = vector.broadcast %max3A : f32 to vector<2000x32xf32>
    %max3A_6 = arith.maximumf %add3A, %max3A_5 : vector<2000x32xf32>
    %swap3A = arith.constant 0 : index
    %swap3A_7 = arith.constant 0 : index
    %swap3A_8 = vector.load %arg3[%swap3A, %swap3A_7] : memref<2000x32xf32, #tpu.memory_space<vmem>>, vector<2000x32xf32>
    tpu.vector_store %arg3[%swap3A, %swap3A_7], %max3A_6 {strides = array<i32>} : memref<2000x32xf32, #tpu.memory_space<vmem>>, vector<2000x32xf32>,
    return
  }
  func.func @transform_0(%arg0: i32) -> (i32, i32) {
    %c0_i32 = arith.constant 0 : i32
    %c0_i32_0 = arith.constant 0 : i32
    return %arg0, %c0_i32 : i32, i32
  }
  func.func @transform_1(%arg0: i32) -> (i32, i32) {
    %add3A = arith.constant 5 : i32
    %add3A_0 = arith.addi %arg0, %add3A : i32
    %c0_i32 = arith.constant 0 : i32
    %c0_i32_1 = arith.constant 0 : i32
    return %add3A_0, %c0_i32 : i32, i32
  }
  func.func @transform_2(%arg0: i32) -> (i32, i32) {
    %c0_i32 = arith.constant 0 : i32
    %c0_i32_0 = arith.constant 0 : i32
    return %arg0, %c0_i32 : i32, i32
  }
}

</mosaic_0001>

<sc_bundles>
// kernel: kernel.10.cloned.1.call-start
scs
__scs_entry_jumppad:
0x0: {  	(pc) =	sbr.rel $0x88, $3  }
0x1: {  	(tag) =	ssettag $0x0;
	lr =	simm.s32 $0x1  }
0x2: {  	[smem:$0x3F9A] =	sst lr;
	_ =	strace $0xD0000000  }
0x3: {  	_ = 	snop  }
0x4: {  	_ = 	snop  }
0x5: {  	_ = 	snop  }
0x6: {  	_ = 	snop  }
0x7: {  	_ = 	snop  }
__scs_overlays_trampoline_lowered:
0x8: {  	[smem:$0x3FA9] =	sst s0  }
0x9: {  	[smem:$0x3FAA] =	sst s1  }
0xa: {  	[smem:$0x3FAB] =	sst s2  }
0xb: {  	[smem:$0x3FAC] =	sst s3  }
0xc: {  	[smem:$0x3FAD] =	sst s4  }
0xd: {  	[smem:$0x3FAE] =	sst s5  }
0xe: {  	[smem:$0x3FAF] =	sst s6  }
0xf: {  	[smem:$0x3FB0] =	sst s7  }
0x10: {  	[smem:$0x3FB1] =	sst s8  }
0x11: {  	[smem:$0x3FB2] =	sst s9;
	s0 =	simm.s32 @!p0 $0x0  }
0x12: {  	s1 =	sld [smem:$0x3F98];
	s0 =	simm.s32 @p0 $0x1  }
0x13: {  	[smem:$0x3FB3] =	sst s0;
	s0 =	simm.s32 @!p1 $0x0  }
0x14: {  	s2 =	sld [smem:$0x3F97];
	s0 =	simm.s32 @p1 $0x1  }
0x15: {  	[smem:$0x3FB4] =	sst s0;
	s0 =	simm.s32 @!p2 $0x0  }
0x16: {  	s3 =	sld [smem:$0x3FDB];
	s0 =	simm.s32 @p2 $0x1  }
0x17: {  	s4 =	simm.s32 $0x1BF5;
	[smem:$0x3FB6] =	sst s0  }
0x18: {  	s0 =	sld [smem:$0x3F99];
	_ =	swait.ge [sflag:s4], $0x0  }
0x19: {  	s7 =	sld [smem:$0x3F9A]  }
0x1a: {  	s8 =	sadd.s32 $0xFFFFE003, lr  }
0x1b: {  	s9 =	sadd.s32 $0xFFFFFEF7, lr;
	s5 =	simm.s32 $0xFFFFFFFF;
	p2 =	slt.u32 s8, $0xFFFFF086  }
0x1c: {  	p1 =	slt.u32 s9, $0xF7A;
	s5 =	simm.s32 @!p2 $0x0  }
0x1d: {  	s5 =	simm.s32 @p1 $0x1;
	p0 =	seq.s32 s7, s2  }
0x1e: {  	s7 =	smul.u32 @!p0 $0xF7A, s2;
	p2 =	seq.s32 @!p0 s5, $0x0  }
0x1f: {  	s9 =	smul.u32 $0xF7A, s1;
	s8 =	simm.s32 @!p0 $0x1BF5;
	p2 =	por !p2, p0  }
0x20: {  	[sflag:s8] =	ssyncset.s32 @!p0 $0xFFFFF086;
	s6 =	sadd.s32 @!p0 s3, s7;
	s7 =	simm.s32 @!p0 $0x108  }
0x21: {  	s3 =	sadd.s32 s3, s9;
	s6 =	sadd.s32 @!p0 $0x88, s6;
	s7 =	simm.s32 @p2 $0x1082  }
0x22: {  	[simem:s7], [sflag:s8] =	dma.local @!p0 [hbm:s6], $0xF7A  }
0x23: {  	s9 =	sor.u32 $0xD0000000, s2;
	s6 =	simm.s32 $0x108;
	_ =	swait.ge @!p0 [sflag:s8], $0x0  }
0x24: {  	s3 =	sadd.s32 $0x88, s3;
	s6 =	simm.s32 @!p1 $0x1082;
	[sflag:s4] =	ssyncset.s32 $0xFFFFF086  }
0x25: {  	[simem:s6], [sflag:s4] =	dma.local [hbm:s3], $0xF7A  }
0x26: {  	[smem:$0x3F9A] =	sst s1;
	(tag) =	ssettag s2;
	_ =	strace s9  }
0x27: {  	s1 =	sld [smem:$0x3FAA]  }
0x28: {  	s2 =	sld [smem:$0x3FAB]  }
0x29: {  	s4 =	sld [smem:$0x3FAD]  }
0x2a: {  	p0 =	seq.s32 s5, $0x0;
	s5 =	sld [smem:$0x3FAE]  }
0x2b: {  	s6 =	sld [smem:$0x3FAF]  }
0x2c: {  	s7 =	sld [smem:$0x3FB0]  }
0x2d: {  	s3 =	simm.s32 $0x108;
	s8 =	sld [smem:$0x3FB1]  }
0x2e: {  	s3 =	simm.s32 @!p0 $0x1082;
	s9 =	sld [smem:$0x3FB2]  }
0x2f: {  	lr =	sadd.s32 s0, s3;
	s0 =	sld [smem:$0x3FA9]  }
0x30: {  	s3 =	sld [smem:$0x3FAC]  }
0x31: {  	[smem:$0x3FB5] =	sst s10  }
0x32: {  	s10 =	sld [smem:$0x3FB3];
	_ =	sdelay $0x3  }
0x33: {  	p0 =	seq.s32 s10, $0x1;
	s10 =	sld [smem:$0x3FB5];
	_ =	sdelay $0x3  }
0x34: {  	[smem:$0x3FB5] =	sst s10  }
0x35: {  	s10 =	sld [smem:$0x3FB4];
	_ =	sdelay $0x3  }
0x36: {  	p1 =	seq.s32 s10, $0x1;
	s10 =	sld [smem:$0x3FB5];
	_ =	sdelay $0x3  }
0x37: {  	[smem:$0x3FB5] =	sst s10  }
0x38: {  	s10 =	sld [smem:$0x3FB6]  }
0x39: {  	_ = 	snop;
	(pc) =	sbr.ind lr, $3  }
0x3a: {  	_ = 	snop  }
0x3b: {  	_ = 	snop  }
0x3c: {  	p2 =	seq.s32 s10, $0x1;
	s10 =	sld [smem:$0x3FB5]  }
0x3d: {  	_ =	shalt  }
0x3e: {  	_ =	shalt  }
0x3f: {  	_ =	shalt  }
0x40: {  	_ =	shalt  }
0x41: {  	_ =	shalt  }
0x42: {  	_ =	shalt  }
0x43: {  	_ =	shalt  }
0x44: {  	_ =	shalt  }
0x45: {  	_ =	shalt  }
0x46: {  	_ =	shalt  }
0x47: {  	_ =	shalt  }
0x48: {  	_ =	shalt  }
0x49: {  	_ =	shalt  }
0x4a: {  	_ =	shalt  }
0x4b: {  	_ =	shalt  }
0x4c: {  	_ =	shalt  }
0x4d: {  	_ =	shalt  }
0x4e: {  	_ =	shalt  }
0x4f: {  	_ =	shalt  }
0x50: {  	_ =	shalt  }
0x51: {  	_ =	shalt  }
0x52: {  	_ =	shalt  }
0x53: {  	_ =	shalt  }
0x54: {  	_ =	shalt  }
0x55: {  	_ =	shalt  }
0x56: {  	_ =	shalt  }
0x57: {  	_ =	shalt  }
0x58: {  	_ =	shalt  }
0x59: {  	_ =	shalt  }
0x5a: {  	_ =	shalt  }
0x5b: {  	_ =	shalt  }
0x5c: {  	_ =	shalt  }
0x5d: {  	_ =	shalt  }
0x5e: {  	_ =	shalt  }
0x5f: {  	_ =	shalt  }
0x60: {  	_ =	shalt  }
0x61: {  	_ =	shalt  }
0x62: {  	_ =	shalt  }
0x63: {  	_ =	shalt  }
0x64: {  	_ =	shalt  }
0x65: {  	_ =	shalt  }
0x66: {  	_ =	shalt  }
0x67: {  	_ =	shalt  }
0x68: {  	_ =	shalt  }
0x69: {  	_ =	shalt  }
0x6a: {  	_ =	shalt  }
0x6b: {  	_ =	shalt  }
0x6c: {  	_ =	shalt  }
0x6d: {  	_ =	shalt  }
0x6e: {  	_ =	shalt  }
0x6f: {  	_ =	shalt  }
0x70: {  	_ =	shalt  }
0x71: {  	_ =	shalt  }
0x72: {  	_ =	shalt  }
0x73: {  	_ =	shalt  }
0x74: {  	_ =	shalt  }
0x75: {  	_ =	shalt  }
0x76: {  	_ =	shalt  }
0x77: {  	_ =	shalt  }
0x78: {  	_ =	shalt  }
0x79: {  	_ =	shalt  }
0x7a: {  	_ =	shalt  }
0x7b: {  	_ =	shalt  }
0x7c: {  	_ =	shalt  }
0x7d: {  	_ =	shalt  }
0x7e: {  	_ =	shalt  }
0x7f: {  	_ =	shalt  }
0x80: {  	_ =	shalt  }
0x81: {  	_ =	shalt  }
0x82: {  	_ =	shalt  }
0x83: {  	_ =	shalt  }
0x84: {  	_ =	shalt  }
0x85: {  	_ =	shalt  }
0x86: {  	_ =	shalt  }
0x87: {  	_ =	shalt  }
.Lfunc_end0:
.L_simem_size_0:
called_computation.1_lowered:
.L_overlay_start_0:
0x88: {  	s2 =	sld [smem:$0x3FD9]  }
0x89: {  	s3 =	sld [smem:$0x3FFE];
	_ =	sdelay $0x1  }
0x8a: {  	s1 =	srdreg.scid  }
0x8b: {  	s0 =	sand.u32 $0x1, s1  }
0x8c: {  	s17 =	sshll.u32 s0, $0xA;
	s2 =	sadd.s32 s3, s2  }
0x8d: {  	s2 =	sadd.s32 s2, s17  }
0x8e: {  	[smem:$0x3FC1] =	sst s2  }
0x8f: {  	_ = 	snop  }
0x90: {  	s2 =	sld [smem:$0x3FC6]  }
0x91: {  	s18 =	sld [smem:$0x3FC5]  }
0x92: {  	s4 =	sld [smem:$0x3FC4]  }
0x93: {  	s5 =	sld [smem:$0x3FD0];
	(tm) =	ssettm $0x1  }
0x94: {  	s6 =	sld [smem:$0x3FFB];
	_ =	sdelay $0x3  }
0x95: {  	_ =	strace s6  }
0x96: {  	s6 =	sld [smem:$0x3FFC];
	_ =	sdelay $0x3  }
0x97: {  	_ =	strace s6  }
0x98: {  	s6 =	sld [smem:$0x3FFD];
	_ =	sdelay $0x3  }
0x99: {  	_ =	strace s6  }
0x9a: {  	_ =	strace $0x8FFFFFFF  }
0x9b: {  	s19 =	sld [smem:$0x3FDB];
	_ =	sdelay $0x1  }
0x9c: {  	s7 =	simm.s32 $_scs_section_size  }
0x9d: {  	s8 =	simm.s32 $_size__tile_overlayer_lowered;
	s9 =	simm.s32 $_tile_overlayer_lowered  }
0x9e: {  	s22 =	simm.s32 $0x1BFF;
	s21 =	sshll.u32 s9, $0x1;
	s6 =	sadd.s32 s7, s19  }
0x9f: {  	s10 =	simm.s32 $0x0;
	s20 =	sshll.u32 s8, $0x1;
	s8 =	sadd.s32 s21, s6  }
0xa0: {  	[timem:s10], [sflag:s22] =	dma.local [hbm:s8], s20  }
0xa1: {  	_ =	swait.ge [sflag:s22], s20  }
0xa2: {  	s7 =	ssub.s32 $0x0, s20;
	[sflag:s22] =	ssyncset.done $0x0  }
0xa3: {  	[sflag:s22] =	ssyncadd.s32 s7;
	_ =	sdelay $0x1  }
0xa4: {  	s23 =	simm.s32 $0x1B8B  }
0xa5: {  	_ =	swait.ge [sflag:s23], $0x1  }
0xa6: {  	[sflag:s23] =	ssyncset.done $0x0  }
0xa7: {  	s25 =	simm.s32 $0x1B8E;
	s24 =	sld [smem:$0x3FFE];
	[sflag:s23] =	ssyncadd.s32 $0xFFFFFFFF  }
0xa8: {  	s26 =	simm.s32 $execute0_lowered;
	[smem:$0x3FD2] =	sst s25  }
0xa9: {  	s8 =	sshll.u32 s26, $0x1;
	_ =	strace $0x80000049;
	[dreg:$0x1] =	wrdreg $0xFFFFFFFF  }
0xaa: {  	s28 =	simm.s32 $_size_execute0_lowered;
	s6 =	sadd.s32 s6, s8;
	[dreg:$0x0] =	wrdreg $0x0  }
0xab: {  	s8 =	sshll.u32 s28, $0x1;
	[dreg:$0x2] =	wrdreg s6  }
0xac: {  	[dreg:$0x3] =	wrdreg s8  }
0xad: {  	[dreg:$0x4] =	wrdreg $0xC0  }
0xae: {  	_ =	task [dreg:s10], $0x5FFFF  }
0xaf: {  	[dreg:$0x1] =	wrdreg $0xFFFFFFFF  }
0xb0: {  	[dreg:$0x0] =	wrdreg $0x60  }
0xb1: {  	[dreg:$0x2] =	wrdreg s2  }
0xb2: {  	[dreg:$0x3] =	wrdreg s18  }
0xb3: {  	[dreg:$0x4] =	wrdreg s4  }
0xb4: {  	[dreg:$0x5] =	wrdreg s5  }
0xb5: {  	[dreg:$0x6] =	wrdreg s24  }
0xb6: {  	[dreg:$0x7] =	wrdreg $0xA6800  }
0xb7: {  	[dreg:$0x8] =	wrdreg $0x9  }
0xb8: {  	_ =	task.clear_ibuf [dreg:s10], $0x9FFFF;
	_ =	strace $0x90000049  }
0xb9: {  	s29 =	simm.s32 $0x9;
	_ =	strace $0x8000004B  }
0xba: {  	_ =	swait.ge [sflag:s29], $0x1  }
0xbb: {  	[sflag:s29] =	ssyncadd.s32 $0xFFFFFFFF  }
0xbc: {  	_ =	strace $0x9000004B  }
0xbd: {  	_ =	sfence  }
0xbe: {  	s30 =	sld [smem:$0x0];
	_ =	sdelay $0x2  }
0xbf: {  	s31 =	sshll.u32 s1, $0xD;
	s1 =	sshrl.u32 s1, $0x2  }
0xc0: {  	s3 =	sand.u32 $0x4000, s31;
	s1 =	sadd.s32 s1, s30  }
0xc1: {  	s0 =	sor.u32 s3, s0;
	s1 =	sshll.u32 s1, $0x11  }
0xc2: {  	s0 =	sor.u32 s1, s0  }
0xc3: {  	s0 =	sadd.s32 $0x8F2B, s0  }
0xc4: {  	[sflag:s0] =	ssyncadd.remote.s32 $0x1  }
0xc5: {  	_ =	sfence.sel $0xFFFF  }
0xc6: {  	[dreg:$0x0] =	wrdreg $0xFFFFFFFF;
	(pc) =	sbr.abs _section_cstart, $3  }
0xc7: {  	[dreg:$0x1] =	wrdreg $0xFFFFFFFF  }
0xc8: {  	_ =	task.clear_ibuf [dreg:s10], $0x2FFFF;
	_ =	strace $0x9FFFFFFF  }
0xc9: {  	(tm) =	ssettm $0x7FFFFFFF  }
tec
execute0_lowered:
.L_overlay_start_1:
0x0: {  	(tag) =	ssettag $0x1  }
0x1: {  	s0 =	rddreg [dreg:$0x0]  }
0x2: {  	s2 =	rddreg [dreg:$0x1]  }
0x3: {  	s5 =	rddreg [dreg:$0x2]  }
0x4: {  	s1 =	rddreg [dreg:$0x3]  }
0x5: {  	s6 =	rddreg [dreg:$0x4]  }
0x6: {  	s3 =	rddreg [dreg:$0x5];
	s4 =	simm.s32 $0x0  }
0x7: {  	s7 =	srdreg.scid;
	s14 =	stileid.u32;
	s18 =	simm.s32 $0x1  }
0x8: {  	s28 =	simm.s32 $0x5;
	s29 =	simm.s32 $0x6;
	[smem:$0x7FF] =	sst s4  }
0x9: {  	s7 =	sand.u32 $0x1, s7;
	s8 =	sshll.u32 s14, $0x1;
	s12 =	smul.u32 $0x13800, s14  }
0xa: {  	s9 =	sadd.s32 $0xC00, s6;
	s19 =	sadd.s32 $0x1600, s6;
	s25 =	smul.u32 $0x9C0, s14  }
0xb: {  	p0 =	sne.s32 s14, $0xF;
	p1 =	seq.s32 s14, $0xF;
	p2 =	sgt.u32 s14, $0x1  }
0xc: {  	_ =	strace $0x8000004A;
	[dreg:$0x7] =	wrdreg s9;
	s22 =	smul.u32 $0x9C40, s7  }
0xd: {  	s8 =	sor.u32 s7, s8;
	s20 =	ssub.s32 $0x2, s7;
	s7 =	smul.u32 $0x4E200, s7  }
0xe: {  	s10 =	smul.u32 $0x4E, s8;
	s11 =	sshrl.u32 s20, $0x1;
	s23 =	sshrl.u32 s12, $0x2  }
0xf: {  	s8 =	smin.u32 s8, $0x4;
	s13 =	ssub.s32 s20, s11;
	s6 =	sadd.s32 s23, s3  }
0x10: {  	s30 =	sshrl.u32 s7, $0x3;
	s21 =	sadd.s32 s8, s10;
	s10 =	sadd.s32 $0x49200, s3  }
0x11: {  	s20 =	simm.s32 $0x3;
	s24 =	sshll.u32 s21, $0x4;
	s31 =	sshrl.u32 s10, $0x3  }
0x12: {  	s23 =	simm.s32 $0x7680;
	s0 =	sadd.s32 s0, s24;
	[dreg:$0xb] =	wrdreg s31  }
0x13: {  	s13 =	smax.u32 s13, $0x1;
	s2 =	sadd.s32 s2, s24;
	[dreg:$0x8] =	wrdreg s0  }
.Ltmp0:
0x14: {  	s26 =	sadd.s32 s5, s24;
	[dreg:$0x9] =	wrdreg s2;
	(pc) =	sbr.rel .LBB2_1-.Ltmp0, $4  }
0x15: {  	s8 =	simm.s32 $0x2780;
	s21 =	simm.s32 $0x4;
	[dreg:$0xa] =	wrdreg s26  }
0x16: {  	s0 =	sadd.s32 s25, s22;
	s2 =	sadd.s32 s19, s30;
	s22 =	simm.s32 $0x80  }
0x17: {  	s25 =	simm.s32 $0x8680;
	s26 =	simm.s32 $0x9680;
	s11 =	sadd.s32 s19, s0  }
0x18: {  	s12 =	sadd.s32 $0x9240, s2;
	s19 =	simm.s32 $0x2;
	s0 =	simm.s32 $0x0  }
.LBB2_20:
0x19: {  	[bflag:$0x0] =	sbarrier.arrive $0xFFFF;
	s2 =	sshrl.u32 @p1 s10, $0x3;
	s5 =	simm.s32 @p1 $0x1FC7  }
0x1a: {  	[hbm:s12], [sflag:s5] =	dma.local @p1 [spmem:s2], $0xA00  }
0x1b: {  	s2 =	simm.s32 @p1 $0x7  }
0x1c: {  	s0 =	sadd.s32 $0x1, s0;
	s5 =	stileid.u32;
	_ =	swait.ge @p1 [sflag:s2], $0xA00  }
0x1d: {  	p3 =	sne.s32 s0, s13;
	s5 =	sshll.u32 @!p1 s5, $0x6;
	[sflag:s2] =	ssyncset.done @p1 $0x0  }
0x1e: {  	[sflag:s2] =	ssyncadd.s32 @p1 $0xFFFFF600;
	s2 =	sor.u32 @!p1 $0x1C07, s5;
	s5 =	sshrl.u32 @!p1 s6, $0x3  }
0x1f: {  	[hbm:s11], [sflag:s2] =	dma.local @!p1 [spmem:s5], $0x9C0  }
.Ltmp1:
0x20: {  	_ = 	snop;
	(pc) =	sbr.rel @!p3 .LBB2_21-.Ltmp1, $4  }
0x21: {  	s2 =	simm.s32 @!p1 $0x7  }
0x22: {  	_ =	swait.ge @!p1 [sflag:s2], $0x9C0  }
0x23: {  	[sflag:s2] =	ssyncset.done @!p1 $0x0  }
0x24: {  	s8 =	simm.s32 $0x2780;
	[sflag:s2] =	ssyncadd.s32 @!p1 $0xFFFFF640  }
.LBB2_1:
.Ltmp2:
0x25: {  	(pc) =	sbr.rel @p0 .LBB2_5-.Ltmp2, $1  }
0x26: {  	_ =	sdelay $0x3  }
.Ltmp3:
0x27: {  	(pc) =	sbr.rel .LBB2_3-.Ltmp3, $4  }
0x28: {  	_ = 	snop  }
0x29: {  	s2 =	rddreg [dreg:$0x7]  }
0x2a: {  	s5 =	rddreg [dreg:$0xb];
	s7 =	simm.s32 $0x1FC4  }
0x2b: {  	[spmem:s5], [sflag:s7] =	dma.local [hbm:s2], $0xA00  }
.LBB2_5:
.Ltmp4:
0x2c: {  	(pc) =	sbr.rel @p2 .LBB2_3-.Ltmp4, $4  }
0x2d: {  	s2 =	stileid.u32  }
0x2e: {  	s2 =	sshll.u32 s2, $0x6  }
0x2f: {  	s5 =	sshrl.u32 s6, $0x3;
	s7 =	rddreg [dreg:$0x7];
	s2 =	sor.u32 $0x1C04, s2  }
0x30: {  	[spmem:s5], [sflag:s2] =	dma.local [hbm:s7], $0x9C0  }
0x31: {  	s2 =	rddreg [dreg:$0x8]  }
0x32: {  	[tilespmem:s4], [sflag:$0x1] =	stream.linear.gather [hbm4b:s2+s4], $0x2780, $0x38;
	[tilespmem:$0xF4A0] =	vst v63  }
0x33: {  	s30 =	rddreg [dreg:$0x9]  }
0x34: {  	[tilespmem:s8], [sflag:$0x2] =	stream.linear.gather [hbm4b:s30+s4], $0x2780, $0x38;
	[tilespmem:$0xF4A0] =	vst v63  }
0x35: {  	s31 =	rddreg [dreg:$0xa];
	s5 =	simm.s32 $0x4F00  }
0x36: {  	[tilespmem:s5], [sflag:$0x3] =	stream.linear.gather [hbm4b:s31+s4], $0x2780, $0x38;
	[tilespmem:$0xF4A0] =	vst v63  }
0x37: {  	_ =	swait.ge [sflag:s18], $0x2780  }
0x38: {  	[sflag:s18] =	ssyncset.done $0x0  }
0x39: {  	[sflag:s18] =	ssyncadd.s32 $0xFFFFD880  }
0x3a: {  	_ =	swait.ge [sflag:s19], $0x2780  }
.Ltmp5:
0x3b: {  	[sflag:s19] =	ssyncset.done $0x0;
	(pc) =	sbr.rel .LBB2_7-.Ltmp5, $4  }
0x3c: {  	[sflag:s19] =	ssyncadd.s32 $0xFFFFD880  }
0x3d: {  	_ =	swait.ge [sflag:s20], $0x2780  }
0x3e: {  	[sflag:s20] =	ssyncset.done $0x0  }
0x3f: {  	p3 =	por $0x1, $0x1;
	[sflag:s20] =	ssyncadd.s32 $0xFFFFD880  }
.LBB2_3:
0x40: {  	s2 =	rddreg [dreg:$0x8]  }
0x41: {  	[tilespmem:s4], [sflag:$0x1] =	stream.linear.gather [hbm4b:s2+s4], $0x2700, $0x38;
	[tilespmem:$0xF4A0] =	vst v63  }
0x42: {  	s30 =	rddreg [dreg:$0x9]  }
0x43: {  	[tilespmem:s8], [sflag:$0x2] =	stream.linear.gather [hbm4b:s30+s4], $0x2700, $0x38;
	[tilespmem:$0xF4A0] =	vst v63  }
0x44: {  	s31 =	rddreg [dreg:$0xa];
	s5 =	simm.s32 $0x4F00  }
0x45: {  	[tilespmem:s5], [sflag:$0x3] =	stream.linear.gather [hbm4b:s31+s4], $0x2700, $0x38;
	[tilespmem:$0xF4A0] =	vst v63  }
0x46: {  	_ =	swait.ge [sflag:s18], $0x2700  }
0x47: {  	[sflag:s18] =	ssyncset.done $0x0  }
0x48: {  	[sflag:s18] =	ssyncadd.s32 $0xFFFFD900  }
0x49: {  	_ =	swait.ge [sflag:s19], $0x2700  }
.Ltmp6:
0x4a: {  	[sflag:s19] =	ssyncset.done $0x0;
	(pc) =	sbr.rel @p0 .LBB2_7-.Ltmp6, $4  }
0x4b: {  	[sflag:s19] =	ssyncadd.s32 $0xFFFFD900  }
0x4c: {  	_ =	swait.ge [sflag:s20], $0x2700  }
0x4d: {  	[sflag:s20] =	ssyncset.done $0x0  }
0x4e: {  	p3 =	por $0x0, $0x0;
	[sflag:s20] =	ssyncadd.s32 $0xFFFFD900  }
.Ltmp7:
0x4f: {  	_ =	swait.ge [sflag:s21], $0xA00;
	(pc) =	sbr.rel .LBB2_8-.Ltmp7, $4  }
0x50: {  	[sflag:s21] =	ssyncset.done $0x0  }
0x51: {  	[sflag:s21] =	ssyncadd.s32 $0xFFFFF600  }
0x52: {  	[bflag:$0x0] =	sbarrier.arrive $0xFFFF  }
0x53: {  	s15 =	simm.s32 $0x4E;
	p3 =	por $0x0, $0x0  }
.LBB2_7:
0x54: {  	_ =	swait.ge [sflag:s21], $0x9C0  }
0x55: {  	[sflag:s21] =	ssyncset.done $0x0  }
0x56: {  	s15 =	simm.s32 $0x4F;
	[sflag:s21] =	ssyncadd.s32 $0xFFFFF640  }
0x57: {  	s15 =	simm.s32 @!p3 $0x4E;
	[bflag:$0x0] =	sbarrier.arrive $0xFFFF  }
.LBB2_8:
0x58: {  	[tilespmem:s23], [sflag:$0x1] =	stream.indirect.gather [hbm4b:s1+s22], $0x20, s8, s22, $0xb8;
	[tilespmem:$0xF4A0] =	vst v63  }
0x59: {  	s2 =	simm.s32 $0x2800;
	s30 =	simm.s32 $0x0  }
0x5a: {  	s17 =	simm.s32 $0x4F00;
	s24 =	simm.s32 $0x4F80;
	s14 =	simm.s32 $0x5000  }
0x5b: {  	[tilespmem:s25], [sflag:$0x2] =	stream.indirect.gather [hbm4b:s1+s22], $0x20, s2, s22, $0xb8;
	[tilespmem:$0xF4A0] =	vst v63  }
.LBB2_9:
0x5c: {  	_ =	swait.ge [sflag:s18], $0x1000  }
0x5d: {  	[sflag:s18] =	ssyncset.done $0x0  }
0x5e: {  	s2 =	simm.s32 $0x7780;
	[sflag:s18] =	ssyncadd.s32 $0xFFFFF000  }
0x5f: {  	v6 =	vld [tilespmem:s2+$0xFFFFFFA0]  }
0x60: {  	v3 =	vld [tilespmem:s2+$0xFFFFFFF0]  }
0x61: {  	v0 =	vld [tilespmem:s2+$0xFFFFFF60]  }
0x62: {  	v7 =	vld [tilespmem:s2+$0xFFFFFFD0]  }
0x63: {  	v4 =	vmov s17;
	v8 =	vld [tilespmem:s2+$0x80]  }
0x64: {  	v11 =	vld [tilespmem:s2+$0xFFFFFF10]  }
0x65: {  	v15 =	vld [tilespmem:s2+$0xE0]  }
0x66: {  	v10 =	vld [tilespmem:s2+$0xFFFFFF40]  }
0x67: {  	s5 =	simm.s32 $0x0;
	v2 =	vld [tilespmem:s2+$0xFFFFFF90]  }
0x68: {  	v1 =	vld.idx.msk [tilespmem:v4+s5+$0x0 ss:$0x1], $0xffff  }
0x69: {  	v9 =	vld [tilespmem:s2+$0xFFFFFFC0]  }
0x6a: {  	v12 =	vld [tilespmem:s2+$0xFFFFFF00]  }
0x6b: {  	v13 =	vld [tilespmem:s2+$0xD0]  }
0x6c: {  	v22 =	vld [tilespmem:s2+$0xC0]  }
0x6d: {  	v20 =	vld [tilespmem:s2+$0x90];
	v18 =	vbroadcast v1, $0x0;
	v5 =	vbroadcast v1, $0xF  }
0x6e: {  	v21 =	vld [tilespmem:s2+$0xFFFFFF50];
	v19 =	vbroadcast v1, $0x2;
	v17 =	vbroadcast v1, $0xE  }
0x6f: {  	v16 =	vld [tilespmem:s2+$0xB0];
	v14 =	vbroadcast v1, $0xC;
	v24 =	vmul.f32 v18, v12  }
0x70: {  	s16 =	simm.s32 $0x40;
	s7 =	simm.s32 $0x7780;
	s5 =	smul.u32 $0x600, s30;
	v12 =	vbroadcast v1, $0xD;
	v23 =	vmul.f32 v10, v19;
	v10 =	vld [tilespmem:s2+$0x60]  }
.LBB2_10:
0x71: {  	p4 =	sne.s32 s16, $0x1C0  }
0x72: {  	[tilespmem:s2+$0xFFFFFF00] =	vst v24;
	v24 =	vld [tilespmem:s2+$0xFFFFFFB0];
	v22 =	vmul.f32 v22, v17;
	v15 =	vmul.f32 v15, v5;
	s7 =	sadd.s32 $0x200, s7;
	s8 =	smov.u32 s16;
	s16 =	sadd.s32 $0x40, s16  }
0x73: {  	[tilespmem:s2+$0xFFFFFF40] =	vst v23;
	v23 =	vbroadcast v1, $0xA;
	v20 =	vmul.f32 v20, v14;
	v25 =	vld [tilespmem:s2+$0xA0]  }
0x74: {  	v11 =	vmul.f32 v11, v18;
	v18 =	vmul.f32 v21, v19;
	v19 =	vld [tilespmem:s2+$0x70];
	[tilespmem:s2+$0xE0] =	vst v15  }
0x75: {  	v15 =	vbroadcast v1, $0x5;
	v21 =	vld [tilespmem:s2+$0xFFFFFFE0];
	v16 =	vmul.f32 v16, v12;
	[tilespmem:s2+$0xC0] =	vst v22  }
0x76: {  	v13 =	vmul.f32 v13, v17;
	[tilespmem:s2+$0xFFFFFF10] =	vst v11;
	v11 =	vbroadcast v1, $0x6;
	v22 =	vld [tilespmem:s2+$0x40]  }
0x77: {  	v26 =	vbroadcast v1, $0xB;
	v6 =	vmul.f32 v6, v15;
	v17 =	vld [tilespmem:s2+$0xFFFFFF20];
	[tilespmem:s2+$0x90] =	vst v20  }
0x78: {  	[tilespmem:s2+$0xFFFFFF50] =	vst v18;
	v18 =	vbroadcast v1, $0x9;
	v20 =	vld [tilespmem:s2+$0x20];
	v12 =	vmul.f32 v25, v12  }
0x79: {  	v15 =	vmul.f32 v24, v15;
	v24 =	vld [tilespmem:s2+$0x50];
	v19 =	vmul.f32 v19, v26;
	[tilespmem:s2+$0xD0] =	vst v13  }
0x7a: {  	v8 =	vmul.f32 v8, v14;
	v13 =	vbroadcast v1, $0x7;
	v25 =	vld [tilespmem:s2+$0x30];
	[tilespmem:s2+$0xA0] =	vst v12  }
0x7b: {  	v9 =	vmul.f32 v9, v11;
	v12 =	vbroadcast v1, $0x3;
	v14 =	vld [tilespmem:s2+$0x0];
	[tilespmem:s2+$0x70] =	vst v19  }
0x7c: {  	v10 =	vmul.f32 v10, v26;
	v7 =	vmul.f32 v7, v11;
	v11 =	vld [tilespmem:s2+$0x10];
	[tilespmem:s2+$0x80] =	vst v8  }
0x7d: {  	v19 =	vbroadcast v1, $0x8;
	v22 =	vmul.f32 v22, v23;
	v8 =	vld [tilespmem:s2+$0xFFFFFF30];
	[tilespmem:s2+$0xB0] =	vst v16  }
0x7e: {  	v16 =	vbroadcast v1, $0x1;
	v26 =	vld [tilespmem:s2+$0xFFFFFF70];
	[tilespmem:s2+$0xFFFFFFD0] =	vst v7;
	v23 =	vmul.f32 v24, v23  }
0x7f: {  	v3 =	vmul.f32 v3, v13;
	v7 =	vmul.f32 v21, v13;
	[tilespmem:s2+$0xFFFFFFC0] =	vst v9;
	v9 =	vld [tilespmem:s2+$0xF0]  }
0x80: {  	v21 =	vmul.f32 v25, v18;
	v13 =	vld [tilespmem:s2+$0xFFFFFF80];
	[tilespmem:s2+$0xFFFFFFA0] =	vst v6;
	v14 =	vmul.f32 v14, v19  }
0x81: {  	v6 =	vld [tilespmem:s7+$0xFFFFFFA0];
	[tilespmem:s2+$0xFFFFFFF0] =	vst v3;
	v19 =	vmul.f32 v11, v19;
	v11 =	vmul.f32 v20, v18  }
0x82: {  	v3 =	vmul.f32 v17, v16;
	v16 =	vmul.f32 v8, v16;
	[tilespmem:s2+$0x60] =	vst v10  }
0x83: {  	v0 =	vmul.f32 v0, v12;
	v8 =	vmul.f32 v26, v12;
	[tilespmem:s2+$0xFFFFFFB0] =	vst v15  }
0x84: {  	v1 =	vbroadcast v1, $0x4;
	[tilespmem:s2+$0xFFFFFF20] =	vst v3;
	v3 =	vmul.f32 v9, v5  }
0x85: {  	[tilespmem:s2+$0xFFFFFF60] =	vst v0  }
0x86: {  	v5 =	vmul.f32 v13, v1;
	v0 =	vmul.f32 v2, v1;
	[tilespmem:s2+$0x40] =	vst v22  }
0x87: {  	[tilespmem:s2+$0xFFFFFFE0] =	vst v7  }
0x88: {  	[tilespmem:s2+$0xF0] =	vst v3  }
0x89: {  	[tilespmem:s2+$0xFFFFFF90] =	vst v0  }
0x8a: {  	[tilespmem:s2+$0xFFFFFF70] =	vst v8  }
0x8b: {  	v3 =	vld [tilespmem:s7+$0xFFFFFFF0];
	[tilespmem:s2+$0x20] =	vst v11  }
0x8c: {  	v0 =	vld [tilespmem:s7+$0xFFFFFF60];
	[tilespmem:s2+$0x30] =	vst v21  }
0x8d: {  	v7 =	vld [tilespmem:s7+$0xFFFFFFD0];
	[tilespmem:s2+$0xFFFFFF80] =	vst v5  }
0x8e: {  	v8 =	vld [tilespmem:s7+$0x80];
	[tilespmem:s2+$0x50] =	vst v23  }
0x8f: {  	v11 =	vld [tilespmem:s7+$0xFFFFFF10];
	[tilespmem:s2+$0x0] =	vst v14  }
0x90: {  	v15 =	vld [tilespmem:s7+$0xE0];
	[tilespmem:s2+$0xFFFFFF30] =	vst v16  }
0x91: {  	s8 =	sshra.s32 s8, $0x2;
	v10 =	vld [tilespmem:s7+$0xFFFFFF40];
	[tilespmem:s2+$0x10] =	vst v19;
	s2 =	smov.u32 s7  }
0x92: {  	v1 =	vld.idx.msk [tilespmem:v4+s8+$0x0 ss:$0x1], $0xffff  }
0x93: {  	v2 =	vld [tilespmem:s7+$0xFFFFFF90]  }
0x94: {  	v9 =	vld [tilespmem:s7+$0xFFFFFFC0]  }
0x95: {  	v12 =	vld [tilespmem:s7+$0xFFFFFF00]  }
0x96: {  	v13 =	vld [tilespmem:s7+$0xD0]  }
.Ltmp8:
0x97: {  	v22 =	vld [tilespmem:s7+$0xC0];
	(pc) =	sbr.rel @p4 .LBB2_10-.Ltmp8, $4  }
0x98: {  	v18 =	vbroadcast v1, $0x0;
	v5 =	vbroadcast v1, $0xF;
	v20 =	vld [tilespmem:s7+$0x90]  }
0x99: {  	v19 =	vbroadcast v1, $0x2;
	v17 =	vbroadcast v1, $0xE;
	v21 =	vld [tilespmem:s7+$0xFFFFFF50]  }
0x9a: {  	v24 =	vmul.f32 v18, v12;
	v12 =	vbroadcast v1, $0xD;
	v16 =	vld [tilespmem:s7+$0xB0]  }
0x9b: {  	v14 =	vbroadcast v1, $0xC;
	v23 =	vmul.f32 v10, v19;
	v10 =	vld [tilespmem:s7+$0x60]  }
0x9c: {  	[tilespmem:s2+$0xFFFFFF00] =	vst v24;
	v4 =	vmul.f32 v15, v5  }
0x9d: {  	v15 =	vmul.f32 v22, v17;
	[tilespmem:s2+$0xFFFFFF40] =	vst v23  }
0x9e: {  	v11 =	vmul.f32 v11, v18;
	[tilespmem:s2+$0xE0] =	vst v4  }
0x9f: {  	v22 =	vld [tilespmem:s2+$0xA0];
	v8 =	vmul.f32 v8, v14;
	[tilespmem:s2+$0xC0] =	vst v15  }
0xa0: {  	v18 =	vld [tilespmem:s2+$0x70];
	v4 =	vmul.f32 v20, v14;
	v19 =	vmul.f32 v21, v19;
	[tilespmem:s2+$0xFFFFFF10] =	vst v11  }
0xa1: {  	v11 =	vmul.f32 v13, v17;
	v17 =	vbroadcast v1, $0xB;
	[tilespmem:s2+$0x80] =	vst v8  }
0xa2: {  	[tilespmem:s2+$0x90] =	vst v4  }
0xa3: {  	[tilespmem:s2+$0xFFFFFF50] =	vst v19;
	v10 =	vmul.f32 v10, v17  }
0xa4: {  	[tilespmem:s2+$0xD0] =	vst v11;
	v19 =	vmul.f32 v22, v12  }
0xa5: {  	v8 =	vbroadcast v1, $0x7;
	v18 =	vmul.f32 v18, v17;
	[tilespmem:s2+$0x60] =	vst v10  }
0xa6: {  	v13 =	vld [tilespmem:s2+$0xFFFFFF20];
	v11 =	vbroadcast v1, $0x6;
	v12 =	vmul.f32 v16, v12;
	[tilespmem:s2+$0xA0] =	vst v19  }
0xa7: {  	v15 =	vld [tilespmem:s2+$0xFFFFFFB0];
	v3 =	vmul.f32 v3, v8;
	[tilespmem:s2+$0x70] =	vst v18  }
0xa8: {  	v4 =	vld [tilespmem:s2+$0xFFFFFFE0];
	v16 =	vbroadcast v1, $0x5;
	v7 =	vmul.f32 v7, v11;
	[tilespmem:s2+$0xB0] =	vst v12  }
0xa9: {  	v17 =	vbroadcast v1, $0x1;
	v9 =	vmul.f32 v9, v11;
	[tilespmem:s2+$0xFFFFFFF0] =	vst v3  }
0xaa: {  	v20 =	vld [tilespmem:s2+$0x40];
	v6 =	vmul.f32 v6, v16;
	[tilespmem:s2+$0xFFFFFFD0] =	vst v7  }
0xab: {  	v13 =	vmul.f32 v13, v17;
	[tilespmem:s2+$0xFFFFFFC0] =	vst v9  }
0xac: {  	v12 =	vld [tilespmem:s2+$0xFFFFFF70];
	[tilespmem:s2+$0xFFFFFFA0] =	vst v6;
	v6 =	vmul.f32 v15, v16;
	v15 =	vbroadcast v1, $0x3  }
0xad: {  	v3 =	vbroadcast v1, $0xA;
	v16 =	vld [tilespmem:s2+$0xF0];
	[tilespmem:s2+$0xFFFFFF20] =	vst v13;
	v4 =	vmul.f32 v4, v8  }
0xae: {  	v7 =	vld [tilespmem:s2+$0xFFFFFF80];
	v8 =	vbroadcast v1, $0x4;
	v0 =	vmul.f32 v0, v15;
	[tilespmem:s2+$0xFFFFFFB0] =	vst v6  }
0xaf: {  	v14 =	vld [tilespmem:s2+$0x20];
	v6 =	vmul.f32 v20, v3;
	[tilespmem:s2+$0xFFFFFFE0] =	vst v4  }
0xb0: {  	v18 =	vld [tilespmem:s2+$0x30];
	v2 =	vmul.f32 v2, v8;
	[tilespmem:s2+$0xFFFFFF60] =	vst v0  }
0xb1: {  	v21 =	vld [tilespmem:s2+$0x50];
	v4 =	vmul.f32 v12, v15;
	[tilespmem:s2+$0x40] =	vst v6  }
0xb2: {  	v11 =	vld [tilespmem:s2+$0x0];
	[tilespmem:s2+$0xFFFFFF90] =	vst v2;
	v0 =	vmul.f32 v16, v5;
	v5 =	vbroadcast v1, $0x9  }
0xb3: {  	v10 =	vld [tilespmem:s2+$0xFFFFFF30];
	[tilespmem:s2+$0xFFFFFF70] =	vst v4;
	v4 =	vmul.f32 v7, v8  }
0xb4: {  	v9 =	vld [tilespmem:s2+$0x10];
	[tilespmem:s2+$0xF0] =	vst v0;
	v0 =	vmul.f32 v14, v5  }
0xb5: {  	v1 =	vbroadcast v1, $0x8;
	v2 =	vmul.f32 v18, v5;
	[tilespmem:s2+$0xFFFFFF80] =	vst v4  }
0xb6: {  	[tilespmem:s2+$0x20] =	vst v0;
	v0 =	vmul.f32 v21, v3  }
0xb7: {  	[tilespmem:s2+$0x30] =	vst v2;
	v2 =	vmul.f32 v11, v1  }
0xb8: {  	v3 =	vmul.f32 v10, v17;
	[tilespmem:s2+$0x50] =	vst v0  }
0xb9: {  	v0 =	vmul.f32 v9, v1;
	[tilespmem:s2+$0x0] =	vst v2  }
0xba: {  	p4 =	seq.s32 s30, $0x0;
	[tilespmem:s2+$0xFFFFFF30] =	vst v3  }
0xbb: {  	[tilespmem:s2+$0x10] =	vst v0;
	s2 =	simm.s32 @!p4 $0x6  }
0xbc: {  	s7 =	sadd.s32 $0x400, s5;
	_ =	swait.ge @!p4 [sflag:s2], $0x1000  }
0xbd: {  	s31 =	sshra.s32 s7, $0x2;
	[sflag:s2] =	ssyncset.done @!p4 $0x0  }
0xbe: {  	s7 =	sadd.s32 $0x2780, s31;
	[sflag:s2] =	ssyncadd.s32 @!p4 $0xFFFFF000  }
0xbf: {  	[tilespmem:s26], [sflag:$0x3] =	stream.indirect.gather [hbm4b:s1+s22], $0x20, s7, s22, $0xb8;
	[tilespmem:$0xF4A0] =	vst v63  }
0xc0: {  	s8 =	sshra.s32 s5, $0x2  }
0xc1: {  	[spmem:s3] =	stream.indirect.scatter.add.f32 [tilespmem:s23], [sflag:$0x4], $0x20, s8, s22, $0xb8;
	[tilespmem:$0xF4A0] =	vst v63  }
0xc2: {  	_ =	swait.ge [sflag:s19], $0x1000  }
0xc3: {  	[sflag:s19] =	ssyncset.done $0x0  }
0xc4: {  	s16 =	simm.s32 $0x8870;
	[sflag:s19] =	ssyncadd.s32 $0xFFFFF000  }
0xc5: {  	v6 =	vld [tilespmem:s16+$0xFFFFFEB0]  }
0xc6: {  	v11 =	vld [tilespmem:s16+$0xFFFFFFF0]  }
0xc7: {  	v0 =	vld [tilespmem:s16+$0xFFFFFE70]  }
0xc8: {  	v3 =	vmov s24;
	v4 =	vld [tilespmem:s16+$0xFFFFFF00]  }
0xc9: {  	v7 =	vld [tilespmem:s16+$0xFFFFFEE0]  }
0xca: {  	v8 =	vld [tilespmem:s16+$0xFFFFFF90]  }
0xcb: {  	v12 =	vld [tilespmem:s16+$0xFFFFFE20]  }
0xcc: {  	s9 =	simm.s32 $0x0;
	v10 =	vld [tilespmem:s16+$0xFFFFFE50]  }
0xcd: {  	v1 =	vld.idx.msk [tilespmem:v3+s9+$0x0 ss:$0x1], $0xffff  }
0xce: {  	v2 =	vld [tilespmem:s16+$0xFFFFFEA0]  }
0xcf: {  	v9 =	vld [tilespmem:s16+$0xFFFFFED0]  }
0xd0: {  	v13 =	vld [tilespmem:s16+$0xFFFFFE10]  }
0xd1: {  	v14 =	vld [tilespmem:s16+$0xFFFFFFE0]  }
0xd2: {  	v22 =	vld [tilespmem:s16+$0xFFFFFFD0]  }
0xd3: {  	v20 =	vld [tilespmem:s16+$0xFFFFFFA0];
	v18 =	vbroadcast v1, $0x0;
	v5 =	vbroadcast v1, $0xF  }
0xd4: {  	v21 =	vld [tilespmem:s16+$0xFFFFFE60];
	v19 =	vbroadcast v1, $0x2;
	v16 =	vbroadcast v1, $0xE  }
0xd5: {  	s5 =	sadd.s32 $0x200, s5;
	v17 =	vld [tilespmem:s16+$0xFFFFFFC0];
	v15 =	vbroadcast v1, $0xC;
	v24 =	vmul.f32 v18, v13  }
0xd6: {  	s2 =	smul.u32 $0x3, s30;
	s7 =	simm.s32 $0x40;
	s8 =	simm.s32 $0x8870;
	v13 =	vbroadcast v1, $0xD;
	v23 =	vmul.f32 v10, v19;
	v10 =	vld [tilespmem:s16+$0xFFFFFF70]  }
.LBB2_12:
0xd7: {  	p4 =	sne.s32 s7, $0x1C0  }
0xd8: {  	[tilespmem:s16+$0xFFFFFE10] =	vst v24;
	v24 =	vld [tilespmem:s16+$0xFFFFFEC0];
	v22 =	vmul.f32 v22, v16;
	v11 =	vmul.f32 v11, v5;
	s8 =	sadd.s32 $0x200, s8;
	s9 =	smov.u32 s7;
	s7 =	sadd.s32 $0x40, s7  }
0xd9: {  	[tilespmem:s16+$0xFFFFFE50] =	vst v23;
	v23 =	vbroadcast v1, $0xA;
	v20 =	vmul.f32 v20, v15;
	v25 =	vld [tilespmem:s16+$0xFFFFFFB0]  }
0xda: {  	v12 =	vmul.f32 v12, v18;
	v18 =	vmul.f32 v21, v19;
	v19 =	vld [tilespmem:s16+$0xFFFFFF80];
	[tilespmem:s16+$0xFFFFFFF0] =	vst v11  }
0xdb: {  	v11 =	vbroadcast v1, $0x5;
	v21 =	vld [tilespmem:s16+$0xFFFFFEF0];
	v17 =	vmul.f32 v17, v13;
	[tilespmem:s16+$0xFFFFFFD0] =	vst v22  }
0xdc: {  	v14 =	vmul.f32 v14, v16;
	[tilespmem:s16+$0xFFFFFE20] =	vst v12;
	v12 =	vbroadcast v1, $0x6;
	v22 =	vld [tilespmem:s16+$0xFFFFFF50]  }
0xdd: {  	v26 =	vbroadcast v1, $0xB;
	v6 =	vmul.f32 v6, v11;
	v16 =	vld [tilespmem:s16+$0xFFFFFE30];
	[tilespmem:s16+$0xFFFFFFA0] =	vst v20  }
0xde: {  	[tilespmem:s16+$0xFFFFFE60] =	vst v18;
	v18 =	vbroadcast v1, $0x9;
	v20 =	vld [tilespmem:s16+$0xFFFFFF30];
	v13 =	vmul.f32 v25, v13  }
0xdf: {  	v11 =	vmul.f32 v24, v11;
	v24 =	vld [tilespmem:s16+$0xFFFFFF60];
	v19 =	vmul.f32 v19, v26;
	[tilespmem:s16+$0xFFFFFFE0] =	vst v14  }
0xe0: {  	v8 =	vmul.f32 v8, v15;
	v14 =	vbroadcast v1, $0x7;
	v25 =	vld [tilespmem:s16+$0xFFFFFF40];
	[tilespmem:s16+$0xFFFFFFB0] =	vst v13  }
0xe1: {  	v9 =	vmul.f32 v9, v12;
	v13 =	vbroadcast v1, $0x3;
	v15 =	vld [tilespmem:s16+$0xFFFFFF10];
	[tilespmem:s16+$0xFFFFFF80] =	vst v19  }
0xe2: {  	v10 =	vmul.f32 v10, v26;
	v7 =	vmul.f32 v7, v12;
	v12 =	vld [tilespmem:s16+$0xFFFFFF20];
	[tilespmem:s16+$0xFFFFFF90] =	vst v8  }
0xe3: {  	v19 =	vbroadcast v1, $0x8;
	v22 =	vmul.f32 v22, v23;
	v8 =	vld [tilespmem:s16+$0xFFFFFE40];
	[tilespmem:s16+$0xFFFFFFC0] =	vst v17  }
0xe4: {  	v17 =	vbroadcast v1, $0x1;
	v26 =	vld [tilespmem:s16+$0xFFFFFE80];
	[tilespmem:s16+$0xFFFFFEE0] =	vst v7;
	v23 =	vmul.f32 v24, v23  }
0xe5: {  	v4 =	vmul.f32 v4, v14;
	v7 =	vmul.f32 v21, v14;
	[tilespmem:s16+$0xFFFFFED0] =	vst v9;
	v9 =	vld [tilespmem:s16+$0x0]  }
0xe6: {  	v21 =	vmul.f32 v25, v18;
	v14 =	vld [tilespmem:s16+$0xFFFFFE90];
	[tilespmem:s16+$0xFFFFFEB0] =	vst v6;
	v15 =	vmul.f32 v15, v19  }
0xe7: {  	v6 =	vld [tilespmem:s8+$0xFFFFFEB0];
	[tilespmem:s16+$0xFFFFFF00] =	vst v4;
	v19 =	vmul.f32 v12, v19;
	v4 =	vmul.f32 v20, v18  }
0xe8: {  	v12 =	vmul.f32 v16, v17;
	v16 =	vmul.f32 v8, v17;
	[tilespmem:s16+$0xFFFFFF70] =	vst v10  }
0xe9: {  	v0 =	vmul.f32 v0, v13;
	v8 =	vmul.f32 v26, v13;
	[tilespmem:s16+$0xFFFFFEC0] =	vst v11  }
0xea: {  	v1 =	vbroadcast v1, $0x4;
	[tilespmem:s16+$0xFFFFFE30] =	vst v12;
	v5 =	vmul.f32 v9, v5  }
0xeb: {  	[tilespmem:s16+$0xFFFFFE70] =	vst v0  }
0xec: {  	v9 =	vmul.f32 v14, v1;
	v0 =	vmul.f32 v2, v1;
	[tilespmem:s16+$0xFFFFFF50] =	vst v22  }
0xed: {  	[tilespmem:s16+$0xFFFFFEF0] =	vst v7  }
0xee: {  	[tilespmem:s16+$0x0] =	vst v5  }
0xef: {  	[tilespmem:s16+$0xFFFFFEA0] =	vst v0  }
0xf0: {  	[tilespmem:s16+$0xFFFFFE80] =	vst v8  }
0xf1: {  	v11 =	vld [tilespmem:s8+$0xFFFFFFF0];
	[tilespmem:s16+$0xFFFFFF30] =	vst v4  }
0xf2: {  	v0 =	vld [tilespmem:s8+$0xFFFFFE70];
	[tilespmem:s16+$0xFFFFFF40] =	vst v21  }
0xf3: {  	v4 =	vld [tilespmem:s8+$0xFFFFFF00];
	[tilespmem:s16+$0xFFFFFE90] =	vst v9  }
0xf4: {  	v7 =	vld [tilespmem:s8+$0xFFFFFEE0];
	[tilespmem:s16+$0xFFFFFF60] =	vst v23  }
0xf5: {  	v8 =	vld [tilespmem:s8+$0xFFFFFF90];
	[tilespmem:s16+$0xFFFFFF10] =	vst v15  }
0xf6: {  	v12 =	vld [tilespmem:s8+$0xFFFFFE20];
	[tilespmem:s16+$0xFFFFFE40] =	vst v16  }
0xf7: {  	s9 =	sshra.s32 s9, $0x2;
	v10 =	vld [tilespmem:s8+$0xFFFFFE50];
	[tilespmem:s16+$0xFFFFFF20] =	vst v19;
	s16 =	smov.u32 s8  }
0xf8: {  	v1 =	vld.idx.msk [tilespmem:v3+s9+$0x0 ss:$0x1], $0xffff  }
0xf9: {  	v2 =	vld [tilespmem:s8+$0xFFFFFEA0]  }
0xfa: {  	v9 =	vld [tilespmem:s8+$0xFFFFFED0]  }
0xfb: {  	v13 =	vld [tilespmem:s8+$0xFFFFFE10]  }
0xfc: {  	v14 =	vld [tilespmem:s8+$0xFFFFFFE0]  }
.Ltmp9:
0xfd: {  	v22 =	vld [tilespmem:s8+$0xFFFFFFD0];
	(pc) =	sbr.rel @p4 .LBB2_12-.Ltmp9, $4  }
0xfe: {  	v18 =	vbroadcast v1, $0x0;
	v5 =	vbroadcast v1, $0xF;
	v20 =	vld [tilespmem:s8+$0xFFFFFFA0]  }
0xff: {  	v19 =	vbroadcast v1, $0x2;
	v16 =	vbroadcast v1, $0xE;
	v21 =	vld [tilespmem:s8+$0xFFFFFE60]  }
0x100: {  	v24 =	vmul.f32 v18, v13;
	v13 =	vbroadcast v1, $0xD;
	v17 =	vld [tilespmem:s8+$0xFFFFFFC0]  }
0x101: {  	v15 =	vbroadcast v1, $0xC;
	v23 =	vmul.f32 v10, v19;
	v10 =	vld [tilespmem:s8+$0xFFFFFF70]  }
0x102: {  	[tilespmem:s16+$0xFFFFFE10] =	vst v24;
	v3 =	vmul.f32 v11, v5  }
0x103: {  	v11 =	vmul.f32 v22, v16;
	[tilespmem:s16+$0xFFFFFE50] =	vst v23  }
0x104: {  	v12 =	vmul.f32 v12, v18;
	[tilespmem:s16+$0xFFFFFFF0] =	vst v3  }
0x105: {  	v22 =	vld [tilespmem:s16+$0xFFFFFFB0];
	v8 =	vmul.f32 v8, v15;
	[tilespmem:s16+$0xFFFFFFD0] =	vst v11  }
0x106: {  	v18 =	vld [tilespmem:s16+$0xFFFFFF80];
	v3 =	vmul.f32 v20, v15;
	v19 =	vmul.f32 v21, v19;
	[tilespmem:s16+$0xFFFFFE20] =	vst v12  }
0x107: {  	v12 =	vmul.f32 v14, v16;
	v16 =	vbroadcast v1, $0xB;
	[tilespmem:s16+$0xFFFFFF90] =	vst v8  }
0x108: {  	[tilespmem:s16+$0xFFFFFFA0] =	vst v3  }
0x109: {  	[tilespmem:s16+$0xFFFFFE60] =	vst v19;
	v10 =	vmul.f32 v10, v16  }
0x10a: {  	[tilespmem:s16+$0xFFFFFFE0] =	vst v12;
	v19 =	vmul.f32 v22, v13  }
0x10b: {  	v8 =	vbroadcast v1, $0x7;
	v18 =	vmul.f32 v18, v16;
	[tilespmem:s16+$0xFFFFFF70] =	vst v10  }
0x10c: {  	v14 =	vld [tilespmem:s16+$0xFFFFFE30];
	v12 =	vbroadcast v1, $0x6;
	v13 =	vmul.f32 v17, v13;
	[tilespmem:s16+$0xFFFFFFB0] =	vst v19  }
0x10d: {  	v11 =	vld [tilespmem:s16+$0xFFFFFEC0];
	v4 =	vmul.f32 v4, v8;
	[tilespmem:s16+$0xFFFFFF80] =	vst v18  }
0x10e: {  	v3 =	vld [tilespmem:s16+$0xFFFFFEF0];
	v17 =	vbroadcast v1, $0x5;
	v7 =	vmul.f32 v7, v12;
	[tilespmem:s16+$0xFFFFFFC0] =	vst v13  }
0x10f: {  	v16 =	vbroadcast v1, $0x1;
	v9 =	vmul.f32 v9, v12;
	[tilespmem:s16+$0xFFFFFF00] =	vst v4  }
0x110: {  	v20 =	vld [tilespmem:s16+$0xFFFFFF50];
	v6 =	vmul.f32 v6, v17;
	[tilespmem:s16+$0xFFFFFEE0] =	vst v7  }
0x111: {  	v14 =	vmul.f32 v14, v16;
	[tilespmem:s16+$0xFFFFFED0] =	vst v9  }
0x112: {  	v13 =	vld [tilespmem:s16+$0xFFFFFE80];
	[tilespmem:s16+$0xFFFFFEB0] =	vst v6;
	v6 =	vmul.f32 v11, v17;
	v11 =	vbroadcast v1, $0x3  }
0x113: {  	v4 =	vbroadcast v1, $0xA;
	v17 =	vld [tilespmem:s16+$0x0];
	[tilespmem:s16+$0xFFFFFE30] =	vst v14;
	v3 =	vmul.f32 v3, v8  }
0x114: {  	v7 =	vld [tilespmem:s16+$0xFFFFFE90];
	v8 =	vbroadcast v1, $0x4;
	v0 =	vmul.f32 v0, v11;
	[tilespmem:s16+$0xFFFFFEC0] =	vst v6  }
0x115: {  	v15 =	vld [tilespmem:s16+$0xFFFFFF30];
	v6 =	vmul.f32 v20, v4;
	[tilespmem:s16+$0xFFFFFEF0] =	vst v3  }
0x116: {  	v18 =	vld [tilespmem:s16+$0xFFFFFF40];
	v2 =	vmul.f32 v2, v8;
	[tilespmem:s16+$0xFFFFFE70] =	vst v0  }
0x117: {  	v10 =	vld [tilespmem:s16+$0xFFFFFE40];
	v3 =	vmul.f32 v13, v11;
	[tilespmem:s16+$0xFFFFFF50] =	vst v6  }
0x118: {  	v21 =	vld [tilespmem:s16+$0xFFFFFF60];
	[tilespmem:s16+$0xFFFFFEA0] =	vst v2;
	v0 =	vmul.f32 v17, v5;
	v5 =	vbroadcast v1, $0x9  }
0x119: {  	v12 =	vld [tilespmem:s16+$0xFFFFFF10];
	[tilespmem:s16+$0xFFFFFE80] =	vst v3;
	v3 =	vmul.f32 v7, v8  }
0x11a: {  	v9 =	vld [tilespmem:s16+$0xFFFFFF20];
	[tilespmem:s16+$0x0] =	vst v0;
	v0 =	vmul.f32 v15, v5  }
0x11b: {  	v2 =	vmul.f32 v18, v5;
	[tilespmem:s16+$0xFFFFFE90] =	vst v3  }
0x11c: {  	v1 =	vbroadcast v1, $0x8;
	v3 =	vmul.f32 v10, v16;
	[tilespmem:s16+$0xFFFFFF30] =	vst v0  }
0x11d: {  	v0 =	vmul.f32 v21, v4;
	[tilespmem:s16+$0xFFFFFF40] =	vst v2  }
0x11e: {  	v2 =	vmul.f32 v12, v1;
	[tilespmem:s16+$0xFFFFFE40] =	vst v3  }
0x11f: {  	[tilespmem:s16+$0xFFFFFF60] =	vst v0;
	v0 =	vmul.f32 v9, v1  }
0x120: {  	s7 =	sadd.s32 $0x3, s2;
	[tilespmem:s16+$0xFFFFFF10] =	vst v2  }
0x121: {  	p4 =	sge.u32 s7, s15;
	[tilespmem:s16+$0xFFFFFF20] =	vst v0  }
0x122: {  	s7 =	sshll.u32 @!p4 s7, $0x7;
	_ =	swait.ge [sflag:s21], $0x1000  }
0x123: {  	s8 =	simm.s32 @!p4 $0x80;
	s7 =	sand.u32 @!p4 $0x3FFFFF80, s7;
	[sflag:s21] =	ssyncset.done $0x0  }
0x124: {  	s9 =	simm.s32 @!p4 $0x7680;
	s7 =	sadd.s32 @!p4 $0x2780, s7;
	[sflag:s21] =	ssyncadd.s32 $0xFFFFF000  }
0x125: {  	[tilespmem:s9], [sflag:$0x1] =	stream.indirect.gather @!p4 [hbm4b:s1+s8], $0x20, s7, s8, $0xb8;
	[tilespmem:$0xF4A0] =	vst v63  }
0x126: {  	s5 =	sshra.s32 s5, $0x2  }
0x127: {  	[spmem:s3] =	stream.indirect.scatter.add.f32 [tilespmem:s25], [sflag:$0x5], $0x20, s5, s22, $0xb8;
	[tilespmem:$0xF4A0] =	vst v63  }
0x128: {  	_ =	swait.ge [sflag:s20], $0x1000  }
0x129: {  	[sflag:s20] =	ssyncset.done $0x0  }
0x12a: {  	s5 =	simm.s32 $0x9870;
	[sflag:s20] =	ssyncadd.s32 $0xFFFFF000  }
0x12b: {  	v6 =	vld [tilespmem:s5+$0xFFFFFEB0]  }
0x12c: {  	v11 =	vld [tilespmem:s5+$0xFFFFFFF0]  }
0x12d: {  	v0 =	vld [tilespmem:s5+$0xFFFFFE70]  }
0x12e: {  	v3 =	vmov s14;
	v4 =	vld [tilespmem:s5+$0xFFFFFF00]  }
0x12f: {  	v7 =	vld [tilespmem:s5+$0xFFFFFEE0]  }
0x130: {  	v8 =	vld [tilespmem:s5+$0xFFFFFF90]  }
0x131: {  	v12 =	vld [tilespmem:s5+$0xFFFFFE20]  }
0x132: {  	s16 =	simm.s32 $0x0;
	v10 =	vld [tilespmem:s5+$0xFFFFFE50]  }
0x133: {  	v1 =	vld.idx.msk [tilespmem:v3+s16+$0x0 ss:$0x1], $0xffff  }
0x134: {  	v2 =	vld [tilespmem:s5+$0xFFFFFEA0]  }
0x135: {  	v9 =	vld [tilespmem:s5+$0xFFFFFED0]  }
0x136: {  	v13 =	vld [tilespmem:s5+$0xFFFFFE10]  }
0x137: {  	v14 =	vld [tilespmem:s5+$0xFFFFFFE0]  }
0x138: {  	v22 =	vld [tilespmem:s5+$0xFFFFFFD0]  }
0x139: {  	v20 =	vld [tilespmem:s5+$0xFFFFFFA0];
	v18 =	vbroadcast v1, $0x0;
	v5 =	vbroadcast v1, $0xF  }
0x13a: {  	v21 =	vld [tilespmem:s5+$0xFFFFFE60];
	v19 =	vbroadcast v1, $0x2;
	v17 =	vbroadcast v1, $0xE  }
0x13b: {  	v16 =	vld [tilespmem:s5+$0xFFFFFFC0];
	v15 =	vbroadcast v1, $0xC;
	v24 =	vmul.f32 v18, v13  }
0x13c: {  	s7 =	simm.s32 $0x40;
	s8 =	simm.s32 $0x9870;
	v13 =	vbroadcast v1, $0xD;
	v23 =	vmul.f32 v10, v19;
	v10 =	vld [tilespmem:s5+$0xFFFFFF70]  }
.LBB2_14:
0x13d: {  	p4 =	sne.s32 s7, $0x1C0  }
0x13e: {  	[tilespmem:s5+$0xFFFFFE10] =	vst v24;
	v24 =	vld [tilespmem:s5+$0xFFFFFEC0];
	v22 =	vmul.f32 v22, v17;
	v11 =	vmul.f32 v11, v5;
	s8 =	sadd.s32 $0x200, s8;
	s9 =	smov.u32 s7;
	s7 =	sadd.s32 $0x40, s7  }
0x13f: {  	[tilespmem:s5+$0xFFFFFE50] =	vst v23;
	v23 =	vbroadcast v1, $0xA;
	v20 =	vmul.f32 v20, v15;
	v25 =	vld [tilespmem:s5+$0xFFFFFFB0]  }
0x140: {  	v12 =	vmul.f32 v12, v18;
	v18 =	vmul.f32 v21, v19;
	v19 =	vld [tilespmem:s5+$0xFFFFFF80];
	[tilespmem:s5+$0xFFFFFFF0] =	vst v11  }
0x141: {  	v11 =	vbroadcast v1, $0x5;
	v21 =	vld [tilespmem:s5+$0xFFFFFEF0];
	v16 =	vmul.f32 v16, v13;
	[tilespmem:s5+$0xFFFFFFD0] =	vst v22  }
0x142: {  	v14 =	vmul.f32 v14, v17;
	[tilespmem:s5+$0xFFFFFE20] =	vst v12;
	v12 =	vbroadcast v1, $0x6;
	v22 =	vld [tilespmem:s5+$0xFFFFFF50]  }
0x143: {  	v26 =	vbroadcast v1, $0xB;
	v6 =	vmul.f32 v6, v11;
	v17 =	vld [tilespmem:s5+$0xFFFFFE30];
	[tilespmem:s5+$0xFFFFFFA0] =	vst v20  }
0x144: {  	[tilespmem:s5+$0xFFFFFE60] =	vst v18;
	v18 =	vbroadcast v1, $0x9;
	v20 =	vld [tilespmem:s5+$0xFFFFFF30];
	v13 =	vmul.f32 v25, v13  }
0x145: {  	v11 =	vmul.f32 v24, v11;
	v24 =	vld [tilespmem:s5+$0xFFFFFF60];
	v19 =	vmul.f32 v19, v26;
	[tilespmem:s5+$0xFFFFFFE0] =	vst v14  }
0x146: {  	v8 =	vmul.f32 v8, v15;
	v14 =	vbroadcast v1, $0x7;
	v25 =	vld [tilespmem:s5+$0xFFFFFF40];
	[tilespmem:s5+$0xFFFFFFB0] =	vst v13  }
0x147: {  	v9 =	vmul.f32 v9, v12;
	v13 =	vbroadcast v1, $0x3;
	v15 =	vld [tilespmem:s5+$0xFFFFFF10];
	[tilespmem:s5+$0xFFFFFF80] =	vst v19  }
0x148: {  	v10 =	vmul.f32 v10, v26;
	v7 =	vmul.f32 v7, v12;
	v12 =	vld [tilespmem:s5+$0xFFFFFF20];
	[tilespmem:s5+$0xFFFFFF90] =	vst v8  }
0x149: {  	v19 =	vbroadcast v1, $0x8;
	v22 =	vmul.f32 v22, v23;
	v8 =	vld [tilespmem:s5+$0xFFFFFE40];
	[tilespmem:s5+$0xFFFFFFC0] =	vst v16  }
0x14a: {  	v16 =	vbroadcast v1, $0x1;
	v26 =	vld [tilespmem:s5+$0xFFFFFE80];
	[tilespmem:s5+$0xFFFFFEE0] =	vst v7;
	v23 =	vmul.f32 v24, v23  }
0x14b: {  	v4 =	vmul.f32 v4, v14;
	v7 =	vmul.f32 v21, v14;
	[tilespmem:s5+$0xFFFFFED0] =	vst v9;
	v9 =	vld [tilespmem:s5+$0x0]  }
0x14c: {  	v21 =	vmul.f32 v25, v18;
	v14 =	vld [tilespmem:s5+$0xFFFFFE90];
	[tilespmem:s5+$0xFFFFFEB0] =	vst v6;
	v15 =	vmul.f32 v15, v19  }
0x14d: {  	v6 =	vld [tilespmem:s8+$0xFFFFFEB0];
	[tilespmem:s5+$0xFFFFFF00] =	vst v4;
	v19 =	vmul.f32 v12, v19;
	v4 =	vmul.f32 v20, v18  }
0x14e: {  	v12 =	vmul.f32 v17, v16;
	v16 =	vmul.f32 v8, v16;
	[tilespmem:s5+$0xFFFFFF70] =	vst v10  }
0x14f: {  	v0 =	vmul.f32 v0, v13;
	v8 =	vmul.f32 v26, v13;
	[tilespmem:s5+$0xFFFFFEC0] =	vst v11  }
0x150: {  	v1 =	vbroadcast v1, $0x4;
	[tilespmem:s5+$0xFFFFFE30] =	vst v12;
	v5 =	vmul.f32 v9, v5  }
0x151: {  	[tilespmem:s5+$0xFFFFFE70] =	vst v0  }
0x152: {  	v9 =	vmul.f32 v14, v1;
	v0 =	vmul.f32 v2, v1;
	[tilespmem:s5+$0xFFFFFF50] =	vst v22  }
0x153: {  	[tilespmem:s5+$0xFFFFFEF0] =	vst v7  }
0x154: {  	[tilespmem:s5+$0x0] =	vst v5  }
0x155: {  	[tilespmem:s5+$0xFFFFFEA0] =	vst v0  }
0x156: {  	[tilespmem:s5+$0xFFFFFE80] =	vst v8  }
0x157: {  	v11 =	vld [tilespmem:s8+$0xFFFFFFF0];
	[tilespmem:s5+$0xFFFFFF30] =	vst v4  }
0x158: {  	v0 =	vld [tilespmem:s8+$0xFFFFFE70];
	[tilespmem:s5+$0xFFFFFF40] =	vst v21  }
0x159: {  	v4 =	vld [tilespmem:s8+$0xFFFFFF00];
	[tilespmem:s5+$0xFFFFFE90] =	vst v9  }
0x15a: {  	v7 =	vld [tilespmem:s8+$0xFFFFFEE0];
	[tilespmem:s5+$0xFFFFFF60] =	vst v23  }
0x15b: {  	v8 =	vld [tilespmem:s8+$0xFFFFFF90];
	[tilespmem:s5+$0xFFFFFF10] =	vst v15  }
0x15c: {  	v12 =	vld [tilespmem:s8+$0xFFFFFE20];
	[tilespmem:s5+$0xFFFFFE40] =	vst v16  }
0x15d: {  	s9 =	sshra.s32 s9, $0x2;
	v10 =	vld [tilespmem:s8+$0xFFFFFE50];
	[tilespmem:s5+$0xFFFFFF20] =	vst v19;
	s5 =	smov.u32 s8  }
0x15e: {  	v1 =	vld.idx.msk [tilespmem:v3+s9+$0x0 ss:$0x1], $0xffff  }
0x15f: {  	v2 =	vld [tilespmem:s8+$0xFFFFFEA0]  }
0x160: {  	v9 =	vld [tilespmem:s8+$0xFFFFFED0]  }
0x161: {  	v13 =	vld [tilespmem:s8+$0xFFFFFE10]  }
0x162: {  	v14 =	vld [tilespmem:s8+$0xFFFFFFE0]  }
.Ltmp10:
0x163: {  	v22 =	vld [tilespmem:s8+$0xFFFFFFD0];
	(pc) =	sbr.rel @p4 .LBB2_14-.Ltmp10, $4  }
0x164: {  	v18 =	vbroadcast v1, $0x0;
	v5 =	vbroadcast v1, $0xF;
	v20 =	vld [tilespmem:s8+$0xFFFFFFA0]  }
0x165: {  	v19 =	vbroadcast v1, $0x2;
	v17 =	vbroadcast v1, $0xE;
	v21 =	vld [tilespmem:s8+$0xFFFFFE60]  }
0x166: {  	v24 =	vmul.f32 v18, v13;
	v13 =	vbroadcast v1, $0xD;
	v16 =	vld [tilespmem:s8+$0xFFFFFFC0]  }
0x167: {  	v15 =	vbroadcast v1, $0xC;
	v23 =	vmul.f32 v10, v19;
	v10 =	vld [tilespmem:s8+$0xFFFFFF70]  }
0x168: {  	[tilespmem:s5+$0xFFFFFE10] =	vst v24;
	v3 =	vmul.f32 v11, v5  }
0x169: {  	v63 =	vmul.f32 v22, v17;
	[tilespmem:s5+$0xFFFFFE50] =	vst v23  }
0x16a: {  	v12 =	vmul.f32 v12, v18;
	[tilespmem:s5+$0xFFFFFFF0] =	vst v3  }
0x16b: {  	v28 =	vmul.f32 v14, v17;
	[tilespmem:s5+$0xFFFFFFD0] =	vst v63  }
0x16c: {  	v26 =	vmul.f32 v20, v15;
	[tilespmem:s5+$0xFFFFFE20] =	vst v12  }
0x16d: {  	v34 =	vbroadcast v1, $0x6;
	v8 =	vmul.f32 v8, v15;
	[tilespmem:s5+$0xFFFFFFE0] =	vst v28  }
0x16e: {  	v19 =	vmul.f32 v21, v19;
	[tilespmem:s5+$0xFFFFFFA0] =	vst v26  }
0x16f: {  	v38 =	vbroadcast v1, $0x5;
	v7 =	vmul.f32 v7, v34;
	[tilespmem:s5+$0xFFFFFF90] =	vst v8  }
0x170: {  	v40 =	vbroadcast v1, $0x7;
	v9 =	vmul.f32 v9, v34;
	[tilespmem:s5+$0xFFFFFE60] =	vst v19  }
0x171: {  	v47 =	vbroadcast v1, $0x3;
	v6 =	vmul.f32 v6, v38;
	[tilespmem:s5+$0xFFFFFEE0] =	vst v7  }
0x172: {  	v24 =	vld [tilespmem:s5+$0xFFFFFFB0];
	v52 =	vbroadcast v1, $0x4;
	v4 =	vmul.f32 v4, v40;
	[tilespmem:s5+$0xFFFFFED0] =	vst v9  }
0x173: {  	v25 =	vld [tilespmem:s5+$0xFFFFFF80];
	v0 =	vmul.f32 v0, v47;
	[tilespmem:s5+$0xFFFFFEB0] =	vst v6  }
0x174: {  	v27 =	vld [tilespmem:s5+$0xFFFFFEC0];
	v30 =	vbroadcast v1, $0xB;
	v2 =	vmul.f32 v2, v52;
	[tilespmem:s5+$0xFFFFFF00] =	vst v4  }
0x175: {  	v29 =	vld [tilespmem:s5+$0xFFFFFE30];
	v36 =	vmul.f32 v16, v13;
	[tilespmem:s5+$0xFFFFFE70] =	vst v0  }
0x176: {  	v33 =	vld [tilespmem:s5+$0xFFFFFF50];
	v10 =	vmul.f32 v10, v30;
	[tilespmem:s5+$0xFFFFFEA0] =	vst v2  }
0x177: {  	v31 =	vld [tilespmem:s5+$0xFFFFFEF0];
	v32 =	vmul.f32 v24, v13;
	[tilespmem:s5+$0xFFFFFFC0] =	vst v36  }
0x178: {  	v45 =	vbroadcast v1, $0x1;
	v48 =	vld [tilespmem:s5+$0x0];
	v18 =	vmul.f32 v25, v30;
	[tilespmem:s5+$0xFFFFFF70] =	vst v10  }
0x179: {  	v42 =	vld [tilespmem:s5+$0xFFFFFE80];
	v49 =	vbroadcast v1, $0xA;
	v46 =	vmul.f32 v27, v38;
	[tilespmem:s5+$0xFFFFFFB0] =	vst v32  }
0x17a: {  	v37 =	vld [tilespmem:s5+$0xFFFFFF30];
	v14 =	vmul.f32 v29, v45;
	[tilespmem:s5+$0xFFFFFF80] =	vst v18  }
0x17b: {  	v39 =	vld [tilespmem:s5+$0xFFFFFF40];
	v51 =	vmul.f32 v33, v49;
	[tilespmem:s5+$0xFFFFFEC0] =	vst v46  }
0x17c: {  	v43 =	vld [tilespmem:s5+$0xFFFFFE90];
	v3 =	vmul.f32 v31, v40;
	[tilespmem:s5+$0xFFFFFE30] =	vst v14  }
0x17d: {  	v35 =	vld [tilespmem:s5+$0xFFFFFF60];
	v54 =	vbroadcast v1, $0x9;
	v53 =	vmul.f32 v48, v5;
	[tilespmem:s5+$0xFFFFFF50] =	vst v51  }
0x17e: {  	v41 =	vld [tilespmem:s5+$0xFFFFFF10];
	v55 =	vmul.f32 v42, v47;
	[tilespmem:s5+$0xFFFFFEF0] =	vst v3  }
0x17f: {  	v50 =	vld [tilespmem:s5+$0xFFFFFE40];
	v56 =	vmul.f32 v37, v54;
	[tilespmem:s5+$0x0] =	vst v53  }
0x180: {  	v44 =	vld [tilespmem:s5+$0xFFFFFF20];
	v57 =	vmul.f32 v39, v54;
	[tilespmem:s5+$0xFFFFFE80] =	vst v55  }
0x181: {  	v58 =	vbroadcast v1, $0x8;
	v59 =	vmul.f32 v43, v52;
	[tilespmem:s5+$0xFFFFFF30] =	vst v56  }
0x182: {  	v60 =	vmul.f32 v35, v49;
	[tilespmem:s5+$0xFFFFFF40] =	vst v57  }
0x183: {  	v61 =	vmul.f32 v41, v58;
	[tilespmem:s5+$0xFFFFFE90] =	vst v59  }
0x184: {  	v62 =	vmul.f32 v50, v45;
	[tilespmem:s5+$0xFFFFFF60] =	vst v60  }
0x185: {  	v63 =	vmul.f32 v44, v58;
	[tilespmem:s5+$0xFFFFFF10] =	vst v61  }
0x186: {  	s2 =	sadd.s32 $0x4, s2;
	[tilespmem:s5+$0xFFFFFE40] =	vst v62  }
0x187: {  	p4 =	sge.u32 s2, s15;
	[tilespmem:s5+$0xFFFFFF20] =	vst v63  }
0x188: {  	s30 =	sadd.s32 $0x1, s30;
	s2 =	sshll.u32 @!p4 s2, $0x7;
	_ =	swait.ge [sflag:s28], $0x1000  }
0x189: {  	s7 =	simm.s32 @!p4 $0x8680;
	s2 =	sand.u32 @!p4 $0x3FFFFF80, s2;
	[sflag:s28] =	ssyncset.done $0x0  }
0x18a: {  	s2 =	sadd.s32 @!p4 $0x2780, s2;
	s5 =	simm.s32 @!p4 $0x80;
	[sflag:s28] =	ssyncadd.s32 $0xFFFFF000  }
0x18b: {  	[tilespmem:s7], [sflag:$0x2] =	stream.indirect.gather @!p4 [hbm4b:s1+s5], $0x20, s2, s5, $0xb8;
	[tilespmem:$0xF4A0] =	vst v63  }
0x18c: {  	p4 =	sne.s32 s30, $0x1A  }
.Ltmp11:
0x18d: {  	_ = 	snop;
	(pc) =	sbr.rel @p4 .LBB2_9-.Ltmp11, $3  }
0x18e: {  	_ =	sdelay $0x1  }
0x18f: {  	s17 =	sadd.s32 $0x180, s17;
	s24 =	sadd.s32 $0x180, s24;
	s14 =	sadd.s32 $0x180, s14  }
0x190: {  	[spmem:s3] =	stream.indirect.scatter.add.f32 [tilespmem:s26], [sflag:$0x6], $0x20, s31, s22, $0xb8;
	[tilespmem:$0xF4A0] =	vst v63  }
.Ltmp12:
0x191: {  	(pc) =	sbr.rel @!p3 .LBB2_20-.Ltmp12, $4  }
0x192: {  	_ = 	snop  }
0x193: {  	_ =	swait.ge [sflag:s29], $0x1000  }
0x194: {  	[sflag:s29] =	ssyncset.done $0x0  }
0x195: {  	[sflag:s29] =	ssyncadd.s32 $0xFFFFF000  }
0x196: {  	_ =	swait.ge [sflag:s18], $0x1000  }
0x197: {  	[sflag:s18] =	ssyncset.done $0x0  }
0x198: {  	s2 =	simm.s32 $0x7780;
	[sflag:s18] =	ssyncadd.s32 $0xFFFFF000  }
0x199: {  	v5 =	vld [tilespmem:s2+$0xFFFFFFA0]  }
0x19a: {  	v3 =	vld [tilespmem:s2+$0xFFFFFFF0]  }
0x19b: {  	v0 =	vld [tilespmem:s2+$0xFFFFFF60]  }
0x19c: {  	v6 =	vld [tilespmem:s2+$0xFFFFFFD0]  }
0x19d: {  	v7 =	vld [tilespmem:s2+$0x80]  }
0x19e: {  	v10 =	vld [tilespmem:s2+$0xFFFFFF10]  }
0x19f: {  	v14 =	vld [tilespmem:s2+$0xE0]  }
0x1a0: {  	v9 =	vld [tilespmem:s2+$0xFFFFFF40]  }
0x1a1: {  	s5 =	simm.s32 $0x0;
	v1 =	vld [tilespmem:s2+$0xFFFFFF90]  }
0x1a2: {  	v2 =	vld [tilespmem:s5+$0x7600]  }
0x1a3: {  	v8 =	vld [tilespmem:s2+$0xFFFFFFC0]  }
0x1a4: {  	v11 =	vld [tilespmem:s2+$0xFFFFFF00]  }
0x1a5: {  	v12 =	vld [tilespmem:s2+$0xD0]  }
0x1a6: {  	v21 =	vld [tilespmem:s2+$0xC0]  }
0x1a7: {  	v19 =	vld [tilespmem:s2+$0x90];
	v17 =	vbroadcast v2, $0x0;
	v4 =	vbroadcast v2, $0xF  }
0x1a8: {  	v20 =	vld [tilespmem:s2+$0xFFFFFF50];
	v18 =	vbroadcast v2, $0x2;
	v16 =	vbroadcast v2, $0xE  }
0x1a9: {  	v15 =	vld [tilespmem:s2+$0xB0];
	v13 =	vbroadcast v2, $0xC;
	v23 =	vmul.f32 v17, v11  }
0x1aa: {  	s7 =	simm.s32 $0x7780;
	s5 =	simm.s32 $0x40;
	v11 =	vbroadcast v2, $0xD;
	v22 =	vmul.f32 v9, v18;
	v9 =	vld [tilespmem:s2+$0x60]  }
.LBB2_18:
0x1ab: {  	p3 =	sne.s32 s5, $0x1C0  }
0x1ac: {  	[tilespmem:s2+$0xFFFFFF00] =	vst v23;
	v23 =	vld [tilespmem:s2+$0xFFFFFFB0];
	v21 =	vmul.f32 v21, v16;
	v14 =	vmul.f32 v14, v4;
	s7 =	sadd.s32 $0x200, s7;
	s8 =	smov.u32 s5;
	s5 =	sadd.s32 $0x40, s5  }
0x1ad: {  	[tilespmem:s2+$0xFFFFFF40] =	vst v22;
	v22 =	vbroadcast v2, $0xA;
	v19 =	vmul.f32 v19, v13;
	v24 =	vld [tilespmem:s2+$0xA0]  }
0x1ae: {  	v10 =	vmul.f32 v10, v17;
	v17 =	vmul.f32 v20, v18;
	v18 =	vld [tilespmem:s2+$0x70];
	[tilespmem:s2+$0xE0] =	vst v14  }
0x1af: {  	v14 =	vbroadcast v2, $0x5;
	v20 =	vld [tilespmem:s2+$0xFFFFFFE0];
	v15 =	vmul.f32 v15, v11;
	[tilespmem:s2+$0xC0] =	vst v21  }
0x1b0: {  	v12 =	vmul.f32 v12, v16;
	[tilespmem:s2+$0xFFFFFF10] =	vst v10;
	v10 =	vbroadcast v2, $0x6;
	v21 =	vld [tilespmem:s2+$0x40]  }
0x1b1: {  	v25 =	vbroadcast v2, $0xB;
	v5 =	vmul.f32 v5, v14;
	v16 =	vld [tilespmem:s2+$0xFFFFFF20];
	[tilespmem:s2+$0x90] =	vst v19  }
0x1b2: {  	[tilespmem:s2+$0xFFFFFF50] =	vst v17;
	v17 =	vbroadcast v2, $0x9;
	v19 =	vld [tilespmem:s2+$0x20];
	v11 =	vmul.f32 v24, v11  }
0x1b3: {  	v14 =	vmul.f32 v23, v14;
	v23 =	vld [tilespmem:s2+$0x50];
	v18 =	vmul.f32 v18, v25;
	[tilespmem:s2+$0xD0] =	vst v12  }
0x1b4: {  	v7 =	vmul.f32 v7, v13;
	v12 =	vbroadcast v2, $0x7;
	v24 =	vld [tilespmem:s2+$0x30];
	[tilespmem:s2+$0xA0] =	vst v11  }
0x1b5: {  	v8 =	vmul.f32 v8, v10;
	v11 =	vbroadcast v2, $0x3;
	v13 =	vld [tilespmem:s2+$0x0];
	[tilespmem:s2+$0x70] =	vst v18  }
0x1b6: {  	v9 =	vmul.f32 v9, v25;
	v6 =	vmul.f32 v6, v10;
	v10 =	vld [tilespmem:s2+$0x10];
	[tilespmem:s2+$0x80] =	vst v7  }
0x1b7: {  	v18 =	vbroadcast v2, $0x8;
	v21 =	vmul.f32 v21, v22;
	v7 =	vld [tilespmem:s2+$0xFFFFFF30];
	[tilespmem:s2+$0xB0] =	vst v15  }
0x1b8: {  	v15 =	vbroadcast v2, $0x1;
	v25 =	vld [tilespmem:s2+$0xFFFFFF70];
	[tilespmem:s2+$0xFFFFFFD0] =	vst v6;
	v22 =	vmul.f32 v23, v22  }
0x1b9: {  	v3 =	vmul.f32 v3, v12;
	v6 =	vmul.f32 v20, v12;
	[tilespmem:s2+$0xFFFFFFC0] =	vst v8;
	v8 =	vld [tilespmem:s2+$0xF0]  }
0x1ba: {  	v20 =	vmul.f32 v24, v17;
	v12 =	vld [tilespmem:s2+$0xFFFFFF80];
	[tilespmem:s2+$0xFFFFFFA0] =	vst v5;
	v13 =	vmul.f32 v13, v18  }
0x1bb: {  	v5 =	vld [tilespmem:s7+$0xFFFFFFA0];
	[tilespmem:s2+$0xFFFFFFF0] =	vst v3;
	v18 =	vmul.f32 v10, v18;
	v10 =	vmul.f32 v19, v17  }
0x1bc: {  	v3 =	vmul.f32 v16, v15;
	v15 =	vmul.f32 v7, v15;
	[tilespmem:s2+$0x60] =	vst v9  }
0x1bd: {  	v0 =	vmul.f32 v0, v11;
	v7 =	vmul.f32 v25, v11;
	[tilespmem:s2+$0xFFFFFFB0] =	vst v14  }
0x1be: {  	v2 =	vbroadcast v2, $0x4;
	[tilespmem:s2+$0xFFFFFF20] =	vst v3;
	v3 =	vmul.f32 v8, v4  }
0x1bf: {  	[tilespmem:s2+$0xFFFFFF60] =	vst v0  }
0x1c0: {  	v4 =	vmul.f32 v12, v2;
	v0 =	vmul.f32 v1, v2;
	[tilespmem:s2+$0x40] =	vst v21  }
0x1c1: {  	[tilespmem:s2+$0xFFFFFFE0] =	vst v6  }
0x1c2: {  	[tilespmem:s2+$0xF0] =	vst v3  }
0x1c3: {  	[tilespmem:s2+$0xFFFFFF90] =	vst v0  }
0x1c4: {  	v3 =	vld [tilespmem:s7+$0xFFFFFFF0];
	[tilespmem:s2+$0xFFFFFF70] =	vst v7  }
0x1c5: {  	v0 =	vld [tilespmem:s7+$0xFFFFFF60];
	[tilespmem:s2+$0x20] =	vst v10  }
0x1c6: {  	v6 =	vld [tilespmem:s7+$0xFFFFFFD0];
	[tilespmem:s2+$0x30] =	vst v20  }
0x1c7: {  	v7 =	vld [tilespmem:s7+$0x80];
	[tilespmem:s2+$0xFFFFFF80] =	vst v4  }
0x1c8: {  	v10 =	vld [tilespmem:s7+$0xFFFFFF10];
	[tilespmem:s2+$0x50] =	vst v22  }
0x1c9: {  	v14 =	vld [tilespmem:s7+$0xE0];
	[tilespmem:s2+$0x0] =	vst v13  }
0x1ca: {  	v9 =	vld [tilespmem:s7+$0xFFFFFF40];
	[tilespmem:s2+$0xFFFFFF30] =	vst v15  }
0x1cb: {  	s8 =	sshra.s32 s8, $0x2;
	v1 =	vld [tilespmem:s7+$0xFFFFFF90];
	[tilespmem:s2+$0x10] =	vst v18;
	s2 =	smov.u32 s7  }
0x1cc: {  	v2 =	vld [tilespmem:s8+$0x7600]  }
0x1cd: {  	v8 =	vld [tilespmem:s7+$0xFFFFFFC0]  }
0x1ce: {  	v11 =	vld [tilespmem:s7+$0xFFFFFF00]  }
0x1cf: {  	v12 =	vld [tilespmem:s7+$0xD0]  }
.Ltmp13:
0x1d0: {  	v21 =	vld [tilespmem:s7+$0xC0];
	(pc) =	sbr.rel @p3 .LBB2_18-.Ltmp13, $4  }
0x1d1: {  	v17 =	vbroadcast v2, $0x0;
	v19 =	vld [tilespmem:s7+$0x90];
	v4 =	vbroadcast v2, $0xF  }
0x1d2: {  	v18 =	vbroadcast v2, $0x2;
	v16 =	vbroadcast v2, $0xE;
	v20 =	vld [tilespmem:s7+$0xFFFFFF50]  }
0x1d3: {  	v23 =	vmul.f32 v17, v11;
	v11 =	vbroadcast v2, $0xD;
	v15 =	vld [tilespmem:s7+$0xB0]  }
0x1d4: {  	v13 =	vbroadcast v2, $0xC;
	v22 =	vmul.f32 v9, v18;
	v9 =	vld [tilespmem:s7+$0x60]  }
0x1d5: {  	[tilespmem:s2+$0xFFFFFF00] =	vst v23;
	v14 =	vmul.f32 v14, v4  }
0x1d6: {  	v21 =	vmul.f32 v21, v16;
	[tilespmem:s2+$0xFFFFFF40] =	vst v22  }
0x1d7: {  	v10 =	vmul.f32 v10, v17;
	[tilespmem:s2+$0xE0] =	vst v14  }
0x1d8: {  	v28 =	vmul.f32 v12, v16;
	[tilespmem:s2+$0xC0] =	vst v21  }
0x1d9: {  	v26 =	vmul.f32 v19, v13;
	[tilespmem:s2+$0xFFFFFF10] =	vst v10  }
0x1da: {  	v34 =	vbroadcast v2, $0x6;
	v7 =	vmul.f32 v7, v13;
	[tilespmem:s2+$0xD0] =	vst v28  }
0x1db: {  	v18 =	vmul.f32 v20, v18;
	[tilespmem:s2+$0x90] =	vst v26  }
0x1dc: {  	v38 =	vbroadcast v2, $0x5;
	v6 =	vmul.f32 v6, v34;
	[tilespmem:s2+$0x80] =	vst v7  }
0x1dd: {  	v40 =	vbroadcast v2, $0x7;
	v8 =	vmul.f32 v8, v34;
	[tilespmem:s2+$0xFFFFFF50] =	vst v18  }
0x1de: {  	v47 =	vbroadcast v2, $0x3;
	v5 =	vmul.f32 v5, v38;
	[tilespmem:s2+$0xFFFFFFD0] =	vst v6  }
0x1df: {  	v24 =	vld [tilespmem:s2+$0xA0];
	v52 =	vbroadcast v2, $0x4;
	v3 =	vmul.f32 v3, v40;
	[tilespmem:s2+$0xFFFFFFC0] =	vst v8  }
0x1e0: {  	v25 =	vld [tilespmem:s2+$0x70];
	v0 =	vmul.f32 v0, v47;
	[tilespmem:s2+$0xFFFFFFA0] =	vst v5  }
0x1e1: {  	v27 =	vld [tilespmem:s2+$0xFFFFFFB0];
	v30 =	vbroadcast v2, $0xB;
	v1 =	vmul.f32 v1, v52;
	[tilespmem:s2+$0xFFFFFFF0] =	vst v3  }
0x1e2: {  	v29 =	vld [tilespmem:s2+$0xFFFFFF20];
	v36 =	vmul.f32 v15, v11;
	[tilespmem:s2+$0xFFFFFF60] =	vst v0  }
0x1e3: {  	v33 =	vld [tilespmem:s2+$0x40];
	v9 =	vmul.f32 v9, v30;
	[tilespmem:s2+$0xFFFFFF90] =	vst v1  }
0x1e4: {  	v31 =	vld [tilespmem:s2+$0xFFFFFFE0];
	v32 =	vmul.f32 v24, v11;
	[tilespmem:s2+$0xB0] =	vst v36  }
0x1e5: {  	v45 =	vbroadcast v2, $0x1;
	v48 =	vld [tilespmem:s2+$0xF0];
	v17 =	vmul.f32 v25, v30;
	[tilespmem:s2+$0x60] =	vst v9  }
0x1e6: {  	v42 =	vld [tilespmem:s2+$0xFFFFFF70];
	v49 =	vbroadcast v2, $0xA;
	v46 =	vmul.f32 v27, v38;
	[tilespmem:s2+$0xA0] =	vst v32  }
0x1e7: {  	v37 =	vld [tilespmem:s2+$0x20];
	v12 =	vmul.f32 v29, v45;
	[tilespmem:s2+$0x70] =	vst v17  }
0x1e8: {  	v39 =	vld [tilespmem:s2+$0x30];
	v51 =	vmul.f32 v33, v49;
	[tilespmem:s2+$0xFFFFFFB0] =	vst v46  }
0x1e9: {  	v43 =	vld [tilespmem:s2+$0xFFFFFF80];
	v7 =	vmul.f32 v31, v40;
	[tilespmem:s2+$0xFFFFFF20] =	vst v12  }
0x1ea: {  	v35 =	vld [tilespmem:s2+$0x50];
	v54 =	vbroadcast v2, $0x9;
	v53 =	vmul.f32 v48, v4;
	[tilespmem:s2+$0x40] =	vst v51  }
0x1eb: {  	v41 =	vld [tilespmem:s2+$0x0];
	v55 =	vmul.f32 v42, v47;
	[tilespmem:s2+$0xFFFFFFE0] =	vst v7  }
0x1ec: {  	v50 =	vld [tilespmem:s2+$0xFFFFFF30];
	v56 =	vmul.f32 v37, v54;
	[tilespmem:s2+$0xF0] =	vst v53  }
0x1ed: {  	v44 =	vld [tilespmem:s2+$0x10];
	v57 =	vmul.f32 v39, v54;
	[tilespmem:s2+$0xFFFFFF70] =	vst v55  }
0x1ee: {  	v58 =	vbroadcast v2, $0x8;
	v59 =	vmul.f32 v43, v52;
	[tilespmem:s2+$0x20] =	vst v56  }
0x1ef: {  	v60 =	vmul.f32 v35, v49;
	[tilespmem:s2+$0x30] =	vst v57  }
0x1f0: {  	v61 =	vmul.f32 v41, v58;
	[tilespmem:s2+$0xFFFFFF80] =	vst v59  }
0x1f1: {  	v62 =	vmul.f32 v50, v45;
	[tilespmem:s2+$0x50] =	vst v60  }
0x1f2: {  	v63 =	vmul.f32 v44, v58;
	[tilespmem:s2+$0x0] =	vst v61  }
0x1f3: {  	[tilespmem:s2+$0xFFFFFF30] =	vst v62  }
.Ltmp14:
0x1f4: {  	s30 =	simm.s32 $0x2700;
	s31 =	simm.s32 $0x7;
	[tilespmem:s2+$0x10] =	vst v63;
	(pc) =	sbr.rel .LBB2_20-.Ltmp14, $4  }
0x1f5: {  	[spmem:s3] =	stream.indirect.scatter.add.f32 [tilespmem:s23], [sflag:$0x7], $0x20, s30, s22, $0xb8;
	[tilespmem:$0xF4A0] =	vst v63  }
0x1f6: {  	_ =	swait.ge [sflag:s31], $0x1000  }
0x1f7: {  	[sflag:s31] =	ssyncset.done $0x0  }
0x1f8: {  	[sflag:s31] =	ssyncadd.s32 $0xFFFFF000  }
.LBB2_21:
0x1f9: {  	_ =	sfence.sel $0x180000  }
0x1fa: {  	[bflag:$0x0] =	sbarrier.arrive $0xFFFF  }
0x1fb: {  	_ =	strace $0x9000004A  }
0x1fc: {  	s0 =	stileid.u32;
	[bflag:$0x2] =	sbarrier.arrive $0xFFFF  }
0x1fd: {  	p0 =	sne.s32 s0, $0x0;
	s0 =	rddreg [dreg:$0x6]  }
0x1fe: {  	s0 =	sadd.s32 @!p0 $0x100000, s0  }
0x1ff: {  	[sflag:s0] =	ssyncadd.tile.s32 @!p0 $0x1;
	_ =	shalt  }
.Lfunc_end2:
_tile_overlayer_lowered:
.L_overlay_start_2:
0x200: {  	(tag) =	ssettag $0x2  }
0x201: {  	s0 =	rddreg [dreg:$0x0];
	s2 =	stileid.u32  }
0x202: {  	s1 =	rddreg [dreg:$0x1];
	p0 =	sne.s32 s2, $0x0  }
0x203: {  	s3 =	rddreg [dreg:$0x2];
	[bflag:$0x3] =	sbarrier.arrive $0xFFFF;
	s2 =	simm.s32 @!p0 $0x1C07  }
0x204: {  	[timem:s3], [sflag:s2] =	dma.local @!p0 [hbm:s0], s1  }
0x205: {  	s0 =	simm.s32 @!p0 $0x7  }
0x206: {  	_ =	swait.ge @!p0 [sflag:s0], s1  }
0x207: {  	s1 =	ssub.s32 @!p0 $0x0, s1;
	[sflag:s0] =	ssyncset.done @!p0 $0x0  }
0x208: {  	[sflag:s0] =	ssyncadd.s32 @!p0 s1  }
0x209: {  	[bflag:$0x3] =	sbarrier.arrive $0xFFFF  }
0x20a: {  	_ =	shalt  }

// kernel: kernel.7.cloned.1.call-start
scs
__scs_entry_jumppad:
0x0: {  	(pc) =	sbr.rel $0x88, $3  }
0x1: {  	(tag) =	ssettag $0x0;
	lr =	simm.s32 $0x1  }
0x2: {  	[smem:$0x3F9A] =	sst lr;
	_ =	strace $0xD0000000  }
0x3: {  	_ = 	snop  }
0x4: {  	_ = 	snop  }
0x5: {  	_ = 	snop  }
0x6: {  	_ = 	snop  }
0x7: {  	_ = 	snop  }
__scs_overlays_trampoline_lowered:
0x8: {  	[smem:$0x3FA9] =	sst s0  }
0x9: {  	[smem:$0x3FAA] =	sst s1  }
0xa: {  	[smem:$0x3FAB] =	sst s2  }
0xb: {  	[smem:$0x3FAC] =	sst s3  }
0xc: {  	[smem:$0x3FAD] =	sst s4  }
0xd: {  	[smem:$0x3FAE] =	sst s5  }
0xe: {  	[smem:$0x3FAF] =	sst s6  }
0xf: {  	[smem:$0x3FB0] =	sst s7  }
0x10: {  	[smem:$0x3FB1] =	sst s8  }
0x11: {  	[smem:$0x3FB2] =	sst s9;
	s0 =	simm.s32 @!p0 $0x0  }
0x12: {  	s1 =	sld [smem:$0x3F98];
	s0 =	simm.s32 @p0 $0x1  }
0x13: {  	[smem:$0x3FB3] =	sst s0;
	s0 =	simm.s32 @!p1 $0x0  }
0x14: {  	s2 =	sld [smem:$0x3F97];
	s0 =	simm.s32 @p1 $0x1  }
0x15: {  	[smem:$0x3FB4] =	sst s0;
	s0 =	simm.s32 @!p2 $0x0  }
0x16: {  	s3 =	sld [smem:$0x3FDB];
	s0 =	simm.s32 @p2 $0x1  }
0x17: {  	s4 =	simm.s32 $0x1BF5;
	[smem:$0x3FB6] =	sst s0  }
0x18: {  	s0 =	sld [smem:$0x3F99];
	_ =	swait.ge [sflag:s4], $0x0  }
0x19: {  	s7 =	sld [smem:$0x3F9A]  }
0x1a: {  	s8 =	sadd.s32 $0xFFFFE003, lr  }
0x1b: {  	s9 =	sadd.s32 $0xFFFFFEF7, lr;
	s5 =	simm.s32 $0xFFFFFFFF;
	p2 =	slt.u32 s8, $0xFFFFF086  }
0x1c: {  	p1 =	slt.u32 s9, $0xF7A;
	s5 =	simm.s32 @!p2 $0x0  }
0x1d: {  	s5 =	simm.s32 @p1 $0x1;
	p0 =	seq.s32 s7, s2  }
0x1e: {  	s7 =	smul.u32 @!p0 $0xF7A, s2;
	p2 =	seq.s32 @!p0 s5, $0x0  }
0x1f: {  	s9 =	smul.u32 $0xF7A, s1;
	s8 =	simm.s32 @!p0 $0x1BF5;
	p2 =	por !p2, p0  }
0x20: {  	[sflag:s8] =	ssyncset.s32 @!p0 $0xFFFFF086;
	s6 =	sadd.s32 @!p0 s3, s7;
	s7 =	simm.s32 @!p0 $0x108  }
0x21: {  	s3 =	sadd.s32 s3, s9;
	s6 =	sadd.s32 @!p0 $0x88, s6;
	s7 =	simm.s32 @p2 $0x1082  }
0x22: {  	[simem:s7], [sflag:s8] =	dma.local @!p0 [hbm:s6], $0xF7A  }
0x23: {  	s9 =	sor.u32 $0xD0000000, s2;
	s6 =	simm.s32 $0x108;
	_ =	swait.ge @!p0 [sflag:s8], $0x0  }
0x24: {  	s3 =	sadd.s32 $0x88, s3;
	s6 =	simm.s32 @!p1 $0x1082;
	[sflag:s4] =	ssyncset.s32 $0xFFFFF086  }
0x25: {  	[simem:s6], [sflag:s4] =	dma.local [hbm:s3], $0xF7A  }
0x26: {  	[smem:$0x3F9A] =	sst s1;
	(tag) =	ssettag s2;
	_ =	strace s9  }
0x27: {  	s1 =	sld [smem:$0x3FAA]  }
0x28: {  	s2 =	sld [smem:$0x3FAB]  }
0x29: {  	s4 =	sld [smem:$0x3FAD]  }
0x2a: {  	p0 =	seq.s32 s5, $0x0;
	s5 =	sld [smem:$0x3FAE]  }
0x2b: {  	s6 =	sld [smem:$0x3FAF]  }
0x2c: {  	s7 =	sld [smem:$0x3FB0]  }
0x2d: {  	s3 =	simm.s32 $0x108;
	s8 =	sld [smem:$0x3FB1]  }
0x2e: {  	s3 =	simm.s32 @!p0 $0x1082;
	s9 =	sld [smem:$0x3FB2]  }
0x2f: {  	lr =	sadd.s32 s0, s3;
	s0 =	sld [smem:$0x3FA9]  }
0x30: {  	s3 =	sld [smem:$0x3FAC]  }
0x31: {  	[smem:$0x3FB5] =	sst s10  }
0x32: {  	s10 =	sld [smem:$0x3FB3];
	_ =	sdelay $0x3  }
0x33: {  	p0 =	seq.s32 s10, $0x1;
	s10 =	sld [smem:$0x3FB5];
	_ =	sdelay $0x3  }
0x34: {  	[smem:$0x3FB5] =	sst s10  }
0x35: {  	s10 =	sld [smem:$0x3FB4];
	_ =	sdelay $0x3  }
0x36: {  	p1 =	seq.s32 s10, $0x1;
	s10 =	sld [smem:$0x3FB5];
	_ =	sdelay $0x3  }
0x37: {  	[smem:$0x3FB5] =	sst s10  }
0x38: {  	s10 =	sld [smem:$0x3FB6]  }
0x39: {  	_ = 	snop;
	(pc) =	sbr.ind lr, $3  }
0x3a: {  	_ = 	snop  }
0x3b: {  	_ = 	snop  }
0x3c: {  	p2 =	seq.s32 s10, $0x1;
	s10 =	sld [smem:$0x3FB5]  }
0x3d: {  	_ =	shalt  }
0x3e: {  	_ =	shalt  }
0x3f: {  	_ =	shalt  }
0x40: {  	_ =	shalt  }
0x41: {  	_ =	shalt  }
0x42: {  	_ =	shalt  }
0x43: {  	_ =	shalt  }
0x44: {  	_ =	shalt  }
0x45: {  	_ =	shalt  }
0x46: {  	_ =	shalt  }
0x47: {  	_ =	shalt  }
0x48: {  	_ =	shalt  }
0x49: {  	_ =	shalt  }
0x4a: {  	_ =	shalt  }
0x4b: {  	_ =	shalt  }
0x4c: {  	_ =	shalt  }
0x4d: {  	_ =	shalt  }
0x4e: {  	_ =	shalt  }
0x4f: {  	_ =	shalt  }
0x50: {  	_ =	shalt  }
0x51: {  	_ =	shalt  }
0x52: {  	_ =	shalt  }
0x53: {  	_ =	shalt  }
0x54: {  	_ =	shalt  }
0x55: {  	_ =	shalt  }
0x56: {  	_ =	shalt  }
0x57: {  	_ =	shalt  }
0x58: {  	_ =	shalt  }
0x59: {  	_ =	shalt  }
0x5a: {  	_ =	shalt  }
0x5b: {  	_ =	shalt  }
0x5c: {  	_ =	shalt  }
0x5d: {  	_ =	shalt  }
0x5e: {  	_ =	shalt  }
0x5f: {  	_ =	shalt  }
0x60: {  	_ =	shalt  }
0x61: {  	_ =	shalt  }
0x62: {  	_ =	shalt  }
0x63: {  	_ =	shalt  }
0x64: {  	_ =	shalt  }
0x65: {  	_ =	shalt  }
0x66: {  	_ =	shalt  }
0x67: {  	_ =	shalt  }
0x68: {  	_ =	shalt  }
0x69: {  	_ =	shalt  }
0x6a: {  	_ =	shalt  }
0x6b: {  	_ =	shalt  }
0x6c: {  	_ =	shalt  }
0x6d: {  	_ =	shalt  }
0x6e: {  	_ =	shalt  }
0x6f: {  	_ =	shalt  }
0x70: {  	_ =	shalt  }
0x71: {  	_ =	shalt  }
0x72: {  	_ =	shalt  }
0x73: {  	_ =	shalt  }
0x74: {  	_ =	shalt  }
0x75: {  	_ =	shalt  }
0x76: {  	_ =	shalt  }
0x77: {  	_ =	shalt  }
0x78: {  	_ =	shalt  }
0x79: {  	_ =	shalt  }
0x7a: {  	_ =	shalt  }
0x7b: {  	_ =	shalt  }
0x7c: {  	_ =	shalt  }
0x7d: {  	_ =	shalt  }
0x7e: {  	_ =	shalt  }
0x7f: {  	_ =	shalt  }
0x80: {  	_ =	shalt  }
0x81: {  	_ =	shalt  }
0x82: {  	_ =	shalt  }
0x83: {  	_ =	shalt  }
0x84: {  	_ =	shalt  }
0x85: {  	_ =	shalt  }
0x86: {  	_ =	shalt  }
0x87: {  	_ =	shalt  }
.Lfunc_end0:
.L_simem_size_0:
called_computation_lowered:
.L_overlay_start_0:
0x88: {  	s2 =	sld [smem:$0x3FD9]  }
0x89: {  	s3 =	sld [smem:$0x3FFE];
	_ =	sdelay $0x1  }
0x8a: {  	s1 =	srdreg.scid  }
0x8b: {  	s0 =	sand.u32 $0x1, s1  }
0x8c: {  	s17 =	sshll.u32 s0, $0xA;
	s2 =	sadd.s32 s3, s2  }
0x8d: {  	s2 =	sadd.s32 s2, s17  }
0x8e: {  	[smem:$0x3FC1] =	sst s2  }
0x8f: {  	_ = 	snop  }
0x90: {  	s2 =	sld [smem:$0x3FC7]  }
0x91: {  	s18 =	sld [smem:$0x3FD0];
	(tm) =	ssettm $0x1  }
0x92: {  	s4 =	sld [smem:$0x3FFB];
	_ =	sdelay $0x3  }
0x93: {  	_ =	strace s4  }
0x94: {  	s4 =	sld [smem:$0x3FFC];
	_ =	sdelay $0x3  }
0x95: {  	_ =	strace s4  }
0x96: {  	s4 =	sld [smem:$0x3FFD];
	_ =	sdelay $0x3  }
0x97: {  	_ =	strace s4  }
0x98: {  	_ =	strace $0x8FFFFFFF  }
0x99: {  	s19 =	sld [smem:$0x3FDB];
	_ =	sdelay $0x1  }
0x9a: {  	s5 =	simm.s32 $_scs_section_size  }
0x9b: {  	s6 =	simm.s32 $_size__tile_overlayer_lowered;
	s7 =	simm.s32 $_tile_overlayer_lowered  }
0x9c: {  	s22 =	simm.s32 $0x1BFF;
	s21 =	sshll.u32 s7, $0x1;
	s4 =	sadd.s32 s5, s19  }
0x9d: {  	s8 =	simm.s32 $0x0;
	s20 =	sshll.u32 s6, $0x1;
	s6 =	sadd.s32 s21, s4  }
0x9e: {  	[timem:s8], [sflag:s22] =	dma.local [hbm:s6], s20  }
0x9f: {  	_ =	swait.ge [sflag:s22], s20  }
0xa0: {  	s5 =	ssub.s32 $0x0, s20;
	[sflag:s22] =	ssyncset.done $0x0  }
0xa1: {  	[sflag:s22] =	ssyncadd.s32 s5;
	_ =	sdelay $0x1  }
0xa2: {  	s23 =	simm.s32 $0x1B8B  }
0xa3: {  	_ =	swait.ge [sflag:s23], $0x1  }
0xa4: {  	[sflag:s23] =	ssyncset.done $0x0  }
0xa5: {  	s25 =	simm.s32 $0x1B8E;
	s24 =	sld [smem:$0x3FFE];
	[sflag:s23] =	ssyncadd.s32 $0xFFFFFFFF  }
0xa6: {  	s26 =	simm.s32 $execute0_lowered;
	[smem:$0x3FD2] =	sst s25  }
0xa7: {  	s6 =	sshll.u32 s26, $0x1;
	_ =	strace $0x80000046;
	[dreg:$0x1] =	wrdreg $0xFFFFFFFF  }
0xa8: {  	s28 =	simm.s32 $_size_execute0_lowered;
	s4 =	sadd.s32 s4, s6;
	[dreg:$0x0] =	wrdreg $0x0  }
0xa9: {  	s6 =	sshll.u32 s28, $0x1;
	[dreg:$0x2] =	wrdreg s4  }
0xaa: {  	[dreg:$0x3] =	wrdreg s6  }
0xab: {  	[dreg:$0x4] =	wrdreg $0xC0  }
0xac: {  	_ =	task [dreg:s8], $0x5FFFF  }
0xad: {  	[dreg:$0x1] =	wrdreg $0xFFFFFFFF  }
0xae: {  	[dreg:$0x0] =	wrdreg $0x60  }
0xaf: {  	[dreg:$0x2] =	wrdreg s18  }
0xb0: {  	[dreg:$0x3] =	wrdreg s2  }
0xb1: {  	[dreg:$0x4] =	wrdreg s24  }
0xb2: {  	[dreg:$0x5] =	wrdreg $0x50000  }
0xb3: {  	[dreg:$0x6] =	wrdreg $0x9  }
0xb4: {  	_ =	task.clear_ibuf [dreg:s8], $0x7FFFF;
	_ =	strace $0x90000046  }
0xb5: {  	s29 =	simm.s32 $0x9;
	_ =	strace $0x80000048  }
0xb6: {  	_ =	swait.ge [sflag:s29], $0x1  }
0xb7: {  	[sflag:s29] =	ssyncadd.s32 $0xFFFFFFFF  }
0xb8: {  	_ =	strace $0x90000048  }
0xb9: {  	_ =	sfence  }
0xba: {  	s30 =	sld [smem:$0x0];
	_ =	sdelay $0x2  }
0xbb: {  	s31 =	sshll.u32 s1, $0xD;
	s1 =	sshrl.u32 s1, $0x2  }
0xbc: {  	s3 =	sand.u32 $0x4000, s31;
	s1 =	sadd.s32 s1, s30  }
0xbd: {  	s0 =	sor.u32 s3, s0;
	s1 =	sshll.u32 s1, $0x11  }
0xbe: {  	s0 =	sor.u32 s1, s0  }
0xbf: {  	s0 =	sadd.s32 $0x8F2B, s0  }
0xc0: {  	[sflag:s0] =	ssyncadd.remote.s32 $0x1  }
0xc1: {  	_ =	sfence.sel $0xFFFF  }
0xc2: {  	[dreg:$0x0] =	wrdreg $0xFFFFFFFF;
	(pc) =	sbr.abs _section_cstart, $3  }
0xc3: {  	[dreg:$0x1] =	wrdreg $0xFFFFFFFF  }
0xc4: {  	_ =	task.clear_ibuf [dreg:s8], $0x2FFFF;
	_ =	strace $0x9FFFFFFF  }
0xc5: {  	(tm) =	ssettm $0x7FFFFFFF  }
tec
execute0_lowered:
.L_overlay_start_1:
0x0: {  	(tag) =	ssettag $0x1  }
0x1: {  	s6 =	rddreg [dreg:$0x0]  }
0x2: {  	s7 =	rddreg [dreg:$0x1]  }
0x3: {  	s5 =	rddreg [dreg:$0x2]  }
0x4: {  	s2 =	rddreg [dreg:$0x3]  }
0x5: {  	s0 =	rddreg [dreg:$0x4];
	s4 =	srdreg.scid  }
0x6: {  	s1 =	stileid.u32;
	s3 =	simm.s32 $0x0;
	s8 =	sand.u32 $0x1, s4  }
0x7: {  	s9 =	smul.u32 $0x13880, s1;
	[smem:$0x7FF] =	sst s3;
	s26 =	sshll.u32 s1, $0x1  }
0x8: {  	s4 =	sadd.s32 $0xC00, s5;
	s14 =	sshll.u32 s1, $0x6;
	s10 =	smul.u32 $0x138800, s8  }
0x9: {  	_ =	strace $0x80000047;
	s11 =	sor.u32 s8, s26;
	s8 =	ssub.s32 $0x2, s8  }
0xa: {  	s12 =	smul.u32 $0x13, s11;
	s13 =	smin.u32 s11, $0x11;
	s28 =	sshrl.u32 s8, $0x1  }
0xb: {  	s31 =	sadd.s32 s9, s2;
	p0 =	sgt.u32 s11, $0x10;
	s10 =	sadd.s32 s9, s10  }
0xc: {  	s11 =	simm.s32 $0x2;
	s29 =	ssub.s32 s8, s28;
	s10 =	sshrl.u32 s10, $0x3  }
0xd: {  	s12 =	sadd.s32 s13, s12;
	s9 =	smax.u32 s29, $0x1;
	s13 =	simm.s32 $0x4  }
0xe: {  	s10 =	sadd.s32 s10, s5;
	s30 =	sshll.u32 s12, $0x6;
	s5 =	sor.u32 $0x1C02, s14  }
0xf: {  	s12 =	simm.s32 $0x200;
	s14 =	sor.u32 $0x1C04, s14;
	s6 =	sadd.s32 s6, s30  }
0x10: {  	s7 =	sadd.s32 s7, s30;
	s8 =	sadd.s32 $0x3400, s10;
	s10 =	sshrl.u32 s31, $0x3  }
.LBB2_1:
0x11: {  	[spmem:s10], [sflag:s5] =	dma.local [hbm:s4], $0x2710  }
0x12: {  	s15 =	simm.s32 @p0 $0x0  }
0x13: {  	[tilespmem:s15], [sflag:$0x1] =	stream.linear.gather @p0 [hbm4b:s6+s15], $0x2600, $0x38;
	[tilespmem:$0x18880] =	vst v63  }
0x14: {  	s16 =	simm.s32 @p0 $0x2800  }
0x15: {  	[tilespmem:s16], [sflag:$0x3] =	stream.linear.gather @p0 [hbm4b:s7+s15], $0x2600, $0x38;
	[tilespmem:$0x18880] =	vst v63  }
0x16: {  	s15 =	simm.s32 @p0 $0x1  }
0x17: {  	_ =	swait.ge @p0 [sflag:s15], $0x2600  }
0x18: {  	[sflag:s15] =	ssyncset.done @p0 $0x0  }
0x19: {  	[sflag:s15] =	ssyncadd.s32 @p0 $0xFFFFDA00;
	s15 =	simm.s32 @p0 $0x3  }
0x1a: {  	_ =	swait.ge @p0 [sflag:s15], $0x2600  }
0x1b: {  	[sflag:s15] =	ssyncset.done @p0 $0x0  }
0x1c: {  	[sflag:s15] =	ssyncadd.s32 @p0 $0xFFFFDA00;
	s15 =	simm.s32 @!p0 $0x0  }
0x1d: {  	[tilespmem:s15], [sflag:$0x1] =	stream.linear.gather @!p0 [hbm4b:s6+s15], $0x2800, $0x38;
	[tilespmem:$0x18880] =	vst v63  }
0x1e: {  	s16 =	simm.s32 @!p0 $0x2800  }
0x1f: {  	[tilespmem:s16], [sflag:$0x3] =	stream.linear.gather @!p0 [hbm4b:s7+s15], $0x2800, $0x38;
	[tilespmem:$0x18880] =	vst v63  }
0x20: {  	s15 =	simm.s32 @!p0 $0x1  }
0x21: {  	_ =	swait.ge @!p0 [sflag:s15], $0x2800  }
0x22: {  	[sflag:s15] =	ssyncset.done @!p0 $0x0  }
0x23: {  	[sflag:s15] =	ssyncadd.s32 @!p0 $0xFFFFD800;
	s15 =	simm.s32 @!p0 $0x3  }
0x24: {  	_ =	swait.ge @!p0 [sflag:s15], $0x2800  }
0x25: {  	[sflag:s15] =	ssyncset.done @!p0 $0x0  }
0x26: {  	[sflag:s15] =	ssyncadd.s32 @!p0 $0xFFFFD800  }
0x27: {  	_ =	swait.ge [sflag:s11], $0x2710  }
0x28: {  	[sflag:s11] =	ssyncset.done $0x0  }
0x29: {  	[sflag:s11] =	ssyncadd.s32 $0xFFFFD8F0  }
0x2a: {  	s30 =	simm.s32 $0x0;
	s31 =	simm.s32 $0x2800;
	[bflag:$0x0] =	sbarrier.arrive $0xFFFF  }
0x2b: {  	[spmem:s2] =	stream.indirect.scatter.add.f32 [tilespmem:s31], [sflag:$0x4], $0x1, s30, s12, $0xb8;
	[tilespmem:$0x18880] =	vst v63  }
0x2c: {  	s15 =	simm.s32 $0x800;
	_ =	swait.ge [sflag:s13], $0x200  }
.LBB2_2:
0x2d: {  	s16 =	sshra.s32 s15, $0x2;
	[sflag:s13] =	ssyncset.done $0x0;
	p1 =	sne.s32 s15, $0x9000  }
.Ltmp0:
0x2e: {  	s17 =	sadd.s32 $0x2800, s16;
	[sflag:s13] =	ssyncadd.s32 $0xFFFFFE00;
	(pc) =	sbr.rel @p1 .LBB2_2-.Ltmp0, $3  }
0x2f: {  	[spmem:s2] =	stream.indirect.scatter.add.f32 [tilespmem:s17], [sflag:$0x4], $0x1, s16, s12, $0xb8;
	[tilespmem:$0x18880] =	vst v63  }
0x30: {  	s15 =	sadd.s32 $0x800, s15;
	_ =	sdelay $0x1  }
0x31: {  	_ =	swait.ge [sflag:s13], $0x200  }
0x32: {  	[sflag:s13] =	ssyncset.done $0x0;
	s15 =	simm.s32 @!p0 $0x200  }
0x33: {  	s16 =	simm.s32 @!p0 $0x2600;
	s17 =	simm.s32 @!p0 $0x4E00;
	[sflag:s13] =	ssyncadd.s32 $0xFFFFFE00  }
0x34: {  	[spmem:s2] =	stream.indirect.scatter.add.f32 @!p0 [tilespmem:s17], [sflag:$0x4], $0x1, s16, s15, $0xb8;
	[tilespmem:$0x18880] =	vst v63  }
0x35: {  	s15 =	simm.s32 @!p0 $0x4  }
0x36: {  	_ =	swait.ge @!p0 [sflag:s15], $0x200  }
0x37: {  	s3 =	sadd.s32 $0x1, s3;
	[sflag:s15] =	ssyncset.done @!p0 $0x0  }
0x38: {  	p1 =	sne.s32 s3, s9;
	[sflag:s15] =	ssyncadd.s32 @!p0 $0xFFFFFE00  }
.Ltmp1:
0x39: {  	[bflag:$0x0] =	sbarrier.arrive $0xFFFF;
	(pc) =	sbr.rel @p1 .LBB2_1-.Ltmp1, $4  }
0x3a: {  	[hbm:s8], [sflag:s14] =	dma.local [spmem:s10], $0x2710  }
0x3b: {  	_ =	swait.ge [sflag:s13], $0x2710  }
0x3c: {  	[sflag:s13] =	ssyncset.done $0x0  }
0x3d: {  	[sflag:s13] =	ssyncadd.s32 $0xFFFFD8F0  }
0x3e: {  	_ =	sfence.sel $0x180000  }
0x3f: {  	[bflag:$0x0] =	sbarrier.arrive $0xFFFF  }
0x40: {  	p0 =	sne.s32 s1, $0x0;
	_ =	strace $0x90000047  }
0x41: {  	s0 =	sadd.s32 @!p0 $0x100000, s0;
	[bflag:$0x2] =	sbarrier.arrive $0xFFFF  }
0x42: {  	[sflag:s0] =	ssyncadd.tile.s32 @!p0 $0x1;
	_ =	shalt  }
.Lfunc_end2:
_tile_overlayer_lowered:
.L_overlay_start_2:
0x43: {  	(tag) =	ssettag $0x2  }
0x44: {  	s0 =	rddreg [dreg:$0x0];
	s2 =	stileid.u32  }
0x45: {  	s1 =	rddreg [dreg:$0x1];
	p0 =	sne.s32 s2, $0x0  }
0x46: {  	s3 =	rddreg [dreg:$0x2];
	[bflag:$0x3] =	sbarrier.arrive $0xFFFF;
	s2 =	simm.s32 @!p0 $0x1C04  }
0x47: {  	[timem:s3], [sflag:s2] =	dma.local @!p0 [hbm:s0], s1  }
0x48: {  	s0 =	simm.s32 @!p0 $0x4  }
0x49: {  	_ =	swait.ge @!p0 [sflag:s0], s1  }
0x4a: {  	s1 =	ssub.s32 @!p0 $0x0, s1;
	[sflag:s0] =	ssyncset.done @!p0 $0x0  }
0x4b: {  	[sflag:s0] =	ssyncadd.s32 @!p0 s1  }
0x4c: {  	[bflag:$0x3] =	sbarrier.arrive $0xFFFF  }
0x4d: {  	_ =	shalt  }

</sc_bundles>
